<compile_context>
chip_gen: v7x
topology: tpu7x:2x2x1
jax: 0.10.2.dev20260603
libtpu: 0.0.44.dev20260713+nightly
codegen_flags: <defaults>
</compile_context>

<pallas_src>
import functools

import jax
import jax.numpy as jnp
from jax import lax
from jax.experimental import pallas as pl
from jax.experimental.pallas import tpu as pltpu
from jax.experimental.pallas import tpu_sc as plsc

N = 1000
C = 51
H = 256
NT = 16
RPT = 64
NG = RPT // 16
NP = NT * RPT
BIG = 2**30

RB = 6 * C + 2

_DNUMS = jax.lax.GatherDimensionNumbers(
    offset_dims=(), collapsed_slice_dims=(0,), start_index_map=(0,))


def _g16(v, idx):
    return jax.lax.gather(v, idx[:, None], _DNUMS, (1,),
                          mode=jax.lax.GatherScatterMode.PROMISE_IN_BOUNDS)


def _bmax(v, iota):
    for sh in (8, 4, 2, 1):
        v = jnp.maximum(v, _g16(v, jnp.bitwise_xor(iota, sh)))
    return v


def _bmin(v, iota):
    for sh in (8, 4, 2, 1):
        v = jnp.minimum(v, _g16(v, jnp.bitwise_xor(iota, sh)))
    return v


def _smax(v, iota):
    for sh in (8, 4, 2):
        v = jnp.maximum(v, _g16(v, jnp.bitwise_xor(iota, sh)))
    return jnp.maximum(v[0], v[1])


def _smin(v, iota):
    for sh in (8, 4, 2):
        v = jnp.minimum(v, _g16(v, jnp.bitwise_xor(iota, sh)))
    return jnp.minimum(v[0], v[1])


def _scal(v, iota):
    return jnp.where(iota == 0, v, jnp.zeros_like(v))[0]


def _prep_kernel(d1_ref, feats_ref, w_ref, b_ref,
                 x1_ref, y1_ref, x2_ref, y2_ref,
                 d2_ref, stk_ref):
    d2 = lax.dot_general(feats_ref[...], w_ref[...],
                         (((1,), (1,)), ((), ())),
                         preferred_element_type=jnp.float32)
    d2 = d2 + b_ref[...] + d1_ref[...]
    d2_ref[...] = d2
    d2t = jnp.transpose(d2)
    mx = jnp.max(d2t, axis=0, keepdims=True)
    e = jnp.exp(d2t - mx)
    s = jnp.sum(e, axis=0, keepdims=True)
    pt = e / s
    row = lax.broadcasted_iota(jnp.int32, (C, N), 0)
    pt = jnp.where(row == 0, 0.0, pt)
    x1t = jnp.transpose(x1_ref[...])
    y1t = jnp.transpose(y1_ref[...])
    x2t = jnp.transpose(x2_ref[...])
    y2t = jnp.transpose(y2_ref[...])
    areas = ((x2t - x1t) + 1.0) * ((y2t - y1t) + 1.0)
    cm = jnp.max(pt, axis=0, keepdims=True)
    cg = jnp.min(jnp.where(pt == cm, row, BIG),
                 axis=0, keepdims=True).astype(jnp.float32)
    pad = NP - N
    ptp = jnp.concatenate([pt, jnp.full((C, pad), -2.0, jnp.float32)], axis=1)
    onep = jnp.full((C, pad), 1.0, jnp.float32)
    x1p = jnp.concatenate([x1t, onep], axis=1)
    y1p = jnp.concatenate([y1t, onep], axis=1)
    x2p = jnp.concatenate([x2t, onep], axis=1)
    y2p = jnp.concatenate([y2t, onep], axis=1)
    arp = jnp.concatenate([areas, onep], axis=1)
    cmp_ = jnp.concatenate([cm, jnp.full((1, pad), -2.0, jnp.float32)],
                           axis=1)
    cgp = jnp.concatenate([cg, jnp.zeros((1, pad), jnp.float32)], axis=1)
    for t in range(NT):
        lo, hi = t * RPT, (t + 1) * RPT
        stk_ref[t, 0:C, :] = ptp[:, lo:hi]
        stk_ref[t, C:2 * C, :] = x1p[:, lo:hi]
        stk_ref[t, 2 * C:3 * C, :] = y1p[:, lo:hi]
        stk_ref[t, 3 * C:4 * C, :] = x2p[:, lo:hi]
        stk_ref[t, 4 * C:5 * C, :] = y2p[:, lo:hi]
        stk_ref[t, 5 * C:6 * C, :] = arp[:, lo:hi]
        stk_ref[t, 6 * C:6 * C + 1, :] = cmp_[:, lo:hi]
        stk_ref[t, 6 * C + 1:RB, :] = cgp[:, lo:hi]


def _sc_greedy(x_hbm, out_hbm, blk, cmax2, carg2, preds2, predsi, rec_v,
               tab_v, dirty, shared):
    tid = lax.axis_index("s")
    base = tid * RPT
    pltpu.sync_copy(x_hbm.at[tid], blk)
    iota = lax.iota(jnp.int32, 16)
    fiota = iota.astype(jnp.float32)

    for g in range(NG):
        cmax2[g, :] = blk[(RB - 2) * NG + g, :]
        carg2[g, :] = blk[(RB - 1) * NG + g, :]
        preds2[g, :] = jnp.zeros((16,), jnp.float32)
    dirty[0, :] = jnp.full((16,), 1.0, jnp.float32)

    def body(it, carry):
        sel = it & 1

        @pl.when(dirty[0, :][0] > 0.5)
        def _():
            cvs = [cmax2[g, :] for g in range(NG)]
            vm = jnp.maximum(jnp.maximum(cvs[0], cvs[1]),
                             jnp.maximum(cvs[2], cvs[3]))
            m16 = _bmax(vm, iota)
            cand = jnp.full((16,), 1024.0, jnp.float32)
            for g in range(NG):
                cand = jnp.minimum(cand, jnp.where(cvs[g] == m16,
                                                   fiota + (g * 16), 1024.0))
            j = _smin(cand, iota).astype(jnp.int32)
            gj = j >> 4
            lj = jnp.full((16,), j & 15, jnp.int32)
            cl16 = _g16(carg2[gj, :], lj)
            cloc = _scal(cl16, iota).astype(jnp.int32)
            x1c = _g16(blk[(C + cloc) * NG + gj, :], lj)
            y1c = _g16(blk[(2 * C + cloc) * NG + gj, :], lj)
            x2c = _g16(blk[(3 * C + cloc) * NG + gj, :], lj)
            y2c = _g16(blk[(4 * C + cloc) * NG + gj, :], lj)
            ac = _g16(blk[(5 * C + cloc) * NG + gj, :], lj)
            nf = (base + j).astype(jnp.float32)
            rec = jnp.where(iota == 0, m16, 0.0)
            rec = jnp.where(iota == 1, nf, rec)
            rec = jnp.where(iota == 2, cl16, rec)
            rec = jnp.where(iota == 3, x1c, rec)
            rec = jnp.where(iota == 4, y1c, rec)
            rec = jnp.where(iota == 5, x2c, rec)
            rec = jnp.where(iota == 6, y2c, rec)
            rec = jnp.where(iota == 7, ac, rec)
            rec_v[...] = rec
        pltpu.sync_copy(rec_v.at[pl.ds(0, 8)],
                        shared.at[sel, tid >> 1, pl.ds((tid & 1) * 8, 8)])
        plsc.subcore_barrier()
        pltpu.sync_copy(shared.at[sel], tab_v)

        zero16 = jnp.zeros((16,), jnp.int32)
        one16 = jnp.full((16,), 1, jnp.int32)
        eight16 = jnp.full((16,), 8, jnp.int32)
        vals = jnp.zeros((16,), jnp.float32)
        nvec = jnp.zeros((16,), jnp.float32)
        for r in range(NT // 2):
            rowt = tab_v[r, :]
            vals = jnp.where(iota == 2 * r, _g16(rowt, zero16), vals)
            vals = jnp.where(iota == 2 * r + 1, _g16(rowt, eight16), vals)
            nvec = jnp.where(iota == 2 * r, _g16(rowt, one16), nvec)
            nvec = jnp.where(iota == 2 * r + 1, _g16(rowt, eight16 + 1), nvec)
        gm16 = _bmax(vals, iota)
        nm = vals == gm16
        nstar16 = _bmin(jnp.where(nm, nvec, 1e9), iota)
        tcand = jnp.where(nm & (nvec == nstar16), fiota, 64.0)
        tstar = _smin(tcand, iota).astype(jnp.int32)
        wrec = tab_v[tstar >> 1, :]
        off16 = jnp.full((16,), (tstar & 1) * 8, jnp.int32)
        nstar16f = _g16(wrec, off16 + 1)
        cst16 = _g16(wrec, off16 + 2)
        cstar = _scal(cst16, iota).astype(jnp.int32)
        cstar_f = cst16
        X1 = _g16(wrec, off16 + 3)
        Y1 = _g16(wrec, off16 + 4)
        X2 = _g16(wrec, off16 + 5)
        Y2 = _g16(wrec, off16 + 6)
        A = _g16(wrec, off16 + 7)

        anyrs = []
        for g in range(NG):
            pv = blk[cstar * NG + g, :]
            x1v = blk[(C + cstar) * NG + g, :]
            y1v = blk[(2 * C + cstar) * NG + g, :]
            x2v = blk[(3 * C + cstar) * NG + g, :]
            y2v = blk[(4 * C + cstar) * NG + g, :]
            av = blk[(5 * C + cstar) * NG + g, :]
            iw = jnp.maximum(jnp.minimum(X2, x2v) - jnp.maximum(X1, x1v)
                             + 1.0, 0.0)
            ih = jnp.maximum(jnp.minimum(Y2, y2v) - jnp.maximum(Y1, y1v)
                             + 1.0, 0.0)
            inters = iw * ih
            union = (-inters + av) + A
            ovl = (inters / union) >= 0.5
            blk[cstar * NG + g, :] = jnp.where(ovl, 0.0, pv)
            cm = cmax2[g, :]
            cg = carg2[g, :]
            gidf = fiota + (base + g * 16).astype(jnp.float32)
            killm = gidf == nstar16f
            resc = ovl & (cg == cstar_f) & (cm > -0.5) & (gidf != nstar16f)
            anyr = _smax(jnp.where(resc, 1.0, 0.0), iota)
            anyrs.append(anyr)

            @pl.when(anyr > 0.5)
            def _(g=g, resc=resc, cm=cm, cg=cg):
                nmax = blk[g, :]
                narg = jnp.zeros((16,), jnp.float32)
                for c in range(1, C):
                    v = blk[c * NG + g, :]
                    upd = v > nmax
                    nmax = jnp.where(upd, v, nmax)
                    narg = jnp.where(upd, float(c), narg)
                cmax2[g, :] = jnp.where(resc, nmax, cm)
                carg2[g, :] = jnp.where(resc, narg, cg)

            cmk = cmax2[g, :]
            cmax2[g, :] = jnp.where(killm, -1.0, cmk)
            pdv = preds2[g, :]
            preds2[g, :] = jnp.where(killm, cstar_f, pdv)

        ns = _scal(nstar16f, iota)
        basef = base.astype(jnp.float32)
        kill_mine = (ns >= basef) & (ns < basef + float(RPT))
        dmax = jnp.maximum(jnp.maximum(anyrs[0], anyrs[1]),
                           jnp.maximum(anyrs[2], anyrs[3]))
        dflag = jnp.where(kill_mine, 1.0, dmax)
        dirty[0, :] = jnp.full((16,), dflag, jnp.float32)
        return carry

    lax.fori_loop(0, N, body, jnp.int32(0))
    for g in range(NG):
        predsi[g, :] = preds2[g, :].astype(jnp.int32)
    pltpu.sync_copy(predsi, out_hbm.at[tid])


_sc_call = functools.partial(
    pl.kernel,
    out_type=jax.ShapeDtypeStruct((NT, NG, 16), jnp.int32),
    mesh=plsc.VectorSubcoreMesh(core_axis_name="c", subcore_axis_name="s",
                                num_cores=1, num_subcores=NT),
    compiler_params=pltpu.CompilerParams(use_tc_tiling_on_sc=False),
    scratch_types=[
        pltpu.VMEM((RB * NG, 16), jnp.float32),
        pltpu.VMEM((NG, 16), jnp.float32),
        pltpu.VMEM((NG, 16), jnp.float32),
        pltpu.VMEM((NG, 16), jnp.float32),
        pltpu.VMEM((NG, 16), jnp.int32),
        pltpu.VMEM((16,), jnp.float32),
        pltpu.VMEM((NT // 2, 16), jnp.float32),
        pltpu.VMEM((1, 16), jnp.float32),
        pltpu.VMEM_SHARED((2, NT // 2, 16), jnp.float32),
    ],
)(_sc_greedy)


def kernel(obj_dists1, obj_feats, obj_labels, box_priors, boxes_per_cls, W, b):
    del obj_labels, box_priors
    b2 = b[None, :]
    x1 = boxes_per_cls[:, :, 0]
    y1 = boxes_per_cls[:, :, 1]
    x2 = boxes_per_cls[:, :, 2]
    y2 = boxes_per_cls[:, :, 3]
    d2, stk = pl.pallas_call(
        _prep_kernel,
        out_shape=(
            jax.ShapeDtypeStruct((N, C), jnp.float32),
            jax.ShapeDtypeStruct((NT, RB, RPT), jnp.float32),
        ),
    )(obj_dists1, obj_feats, W, b2, x1, y1, x2, y2)
    preds = _sc_call(stk.reshape(NT, RB * NG, 16))
    return d2, preds.reshape(NP)[:N]

# --- scband reference (transcript-rebuilt; emitter-appended) ---
"""Pipeline reference for scband-linearized-context-33131377721753 (READ-ONLY COPY).

The authoritative reference and input builder live on the scoring server;
editing this copy changes nothing except your own understanding.
"""

import jax, jax.numpy as jnp
import numpy as np

N = 1000
C = 51
H = 256

def setup_inputs(seed: int = 0) -> dict:
    key = jax.random.key(seed)
    k1, k2, k3, k4, k5, k6, k7 = jax.random.split(key, 7)
    obj_dists1 = jax.random.normal(k1, (N, C), dtype=jnp.float32)
    obj_feats = jax.random.normal(k2, (N, H), dtype=jnp.float32)
    obj_labels = jax.random.randint(k3, (N,), 0, C)
    box_priors = jax.random.uniform(k4, (N, 4), dtype=jnp.float32) * 1024.0
    xy1 = jax.random.uniform(k5, (N, C, 2), dtype=jnp.float32, minval=0.0, maxval=800.0)
    wh = jax.random.uniform(k6, (N, C, 2), dtype=jnp.float32, minval=16.0, maxval=224.0)
    boxes_per_cls = jnp.concatenate([xy1, xy1 + wh], axis=-1)
    W = jax.random.normal(k7, (C, H), dtype=jnp.float32) * 0.02
    b = jnp.zeros((C,), dtype=jnp.float32)
    return {"obj_dists1": obj_dists1, "obj_feats": obj_feats, "obj_labels": obj_labels,
            "box_priors": box_priors, "boxes_per_cls": boxes_per_cls, "W": W, "b": b}

def reference(obj_dists1, obj_feats, obj_labels, box_priors, boxes_per_cls, W, b):
    # mode == 'sgdet', eval (not training): decoder linear + greedy per-class NMS decode
    obj_dists2 = obj_feats @ W.T + b + obj_dists1
    boxes = boxes_per_cls  # [N, C, 4]
    # nms_overlaps: per-class pairwise IoU [N, N, C]
    max_xy = jnp.minimum(boxes[:, None, :, 2:], boxes[None, :, :, 2:])
    min_xy = jnp.maximum(boxes[:, None, :, :2], boxes[None, :, :, :2])
    inter = jnp.maximum(max_xy - min_xy + 1.0, 0.0)
    inters = inter[..., 0] * inter[..., 1]
    areas = (boxes[..., 2] - boxes[..., 0] + 1.0) * (boxes[..., 3] - boxes[..., 1] + 1.0)  # [N, C]
    union = -inters + areas[None, :, :] + areas[:, None, :]
    is_overlap = (inters / union) >= 0.5  # [N, N, C]
    probs = jax.nn.softmax(obj_dists2, axis=1)
    probs = probs.at[:, 0].set(0.0)
    preds0 = jnp.zeros((N,), dtype=jnp.int32)
    def body(i, carry):
        p, pr = carry
        flat = jnp.argmax(p)
        bi = flat // C
        ci = flat % C
        pr = pr.at[bi].set(ci.astype(jnp.int32))
        mask = is_overlap[bi, :, ci]  # [N]
        col = jnp.where(mask, 0.0, p[:, ci])
        p = p.at[:, ci].set(col)
        p = p.at[bi, :].set(-1.0)
        return (p, pr)
    _, obj_preds = jax.lax.fori_loop(0, N, body, (probs, preds0))
    return obj_dists2, obj_preds

if __name__ == "__main__":
    import jax
    _d = setup_inputs()
    print(jax.jit(kernel)(*tuple(_d.values())))

</pallas_src>

<mosaic_0001>
#map = affine_map<(d0, d1) -> (0, 0, 0)>
module attributes {stable_mosaic.version = 14 : i64} {
  func.func @_sc_greedy(%arg0: i32, %arg1: i32, %arg2: memref<16x1232x16xf32, #tpu.memory_space<hbm>>, %arg3: memref<16x4x16xi32, #tpu.memory_space<hbm>>, %arg4: memref<1232x16xf32, #tpu.memory_space<vmem>>, %arg5: memref<4x16xf32, #tpu.memory_space<vmem>>, %arg6: memref<4x16xf32, #tpu.memory_space<vmem>>, %arg7: memref<4x16xf32, #tpu.memory_space<vmem>>, %arg8: memref<4x16xi32, #tpu.memory_space<vmem>>, %arg9: memref<16xf32, #tpu.memory_space<vmem>>, %arg10: memref<8x16xf32, #tpu.memory_space<vmem>>, %arg11: memref<1x16xf32, #tpu.memory_space<vmem>>, %arg12: memref<2x8x16xf32, #tpu.memory_space<vmem_shared>>) attributes {dimension_semantics = [#tpu.dimension_semantics<core_parallel>, #tpu.dimension_semantics<subcore_parallel>], iteration_bounds = array<i64: 1, 16>, scalar_prefetch = 0 : i64, scratch_operands = 9 : i64, tpu.core_type = #tpu.core_type<sc_vector_subcore>, window_params = [{transform_indices = #map}, {transform_indices = #map}]} {
    %mul3A = arith.constant 64 : i32
    %mul3A_0 = arith.muli %arg1, %mul3A : i32
    "tpu.region"() ({
      %run_scoped3A = tpu.sem_alloc : memref<!tpu.dma_semaphore, #tpu.memory_space<semaphore_mem>>
      %dma_start3A = arith.constant 0 : i32
      %dma_start3A_179 = arith.constant 0 : i32
      %dma_start3A_180 = tpu.memref_slice %arg2[%arg1, %dma_start3A, %dma_start3A_179] : memref<16x1232x16xf32, #tpu.memory_space<hbm>> -> memref<1x1232x16xf32, #tpu.memory_space<hbm>>
      %dma_start3A_181 = tpu.memref_squeeze %dma_start3A_180 : memref<1x1232x16xf32, #tpu.memory_space<hbm>> -> memref<1232x16xf32, #tpu.memory_space<hbm>>
      %dma_start3A_182 = arith.constant 0 : i32
      %dma_start3A_183 = arith.constant 0 : i32
      %dma_start3A_184 = tpu.memref_slice %arg2[%arg1, %dma_start3A_182, %dma_start3A_183] : memref<16x1232x16xf32, #tpu.memory_space<hbm>> -> memref<1x1232x16xf32, #tpu.memory_space<hbm>>
      %dma_start3A_185 = tpu.memref_squeeze %dma_start3A_184 : memref<1x1232x16xf32, #tpu.memory_space<hbm>> -> memref<1232x16xf32, #tpu.memory_space<hbm>>
      tpu.enqueue_dma source(%dma_start3A_185 : memref<1232x16xf32, #tpu.memory_space<hbm>>) target(%arg4 : memref<1232x16xf32, #tpu.memory_space<vmem>>) target_semaphore(%run_scoped3A : memref<!tpu.dma_semaphore, #tpu.memory_space<semaphore_mem>>)
      %dma_wait3A = arith.constant 0 : i32
      %dma_wait3A_186 = arith.constant 0 : i32
      %dma_wait3A_187 = tpu.memref_slice %arg2[%arg1, %dma_wait3A, %dma_wait3A_186] : memref<16x1232x16xf32, #tpu.memory_space<hbm>> -> memref<1x1232x16xf32, #tpu.memory_space<hbm>>
      %dma_wait3A_188 = tpu.memref_squeeze %dma_wait3A_187 : memref<1x1232x16xf32, #tpu.memory_space<hbm>> -> memref<1232x16xf32, #tpu.memory_space<hbm>>
      %dma_wait3A_189 = arith.constant 0 : i32
      %dma_wait3A_190 = arith.constant 0 : i32
      %dma_wait3A_191 = tpu.memref_slice %arg2[%arg1, %dma_wait3A_189, %dma_wait3A_190] : memref<16x1232x16xf32, #tpu.memory_space<hbm>> -> memref<1x1232x16xf32, #tpu.memory_space<hbm>>
      %dma_wait3A_192 = tpu.memref_squeeze %dma_wait3A_191 : memref<1x1232x16xf32, #tpu.memory_space<hbm>> -> memref<1232x16xf32, #tpu.memory_space<hbm>>
      tpu.wait_dma2 semaphore(%run_scoped3A : memref<!tpu.dma_semaphore, #tpu.memory_space<semaphore_mem>>) src(%dma_wait3A_192 : memref<1232x16xf32, #tpu.memory_space<hbm>>) dst(%arg4 : memref<1232x16xf32, #tpu.memory_space<vmem>>)
      tpu.yield
    }) : () -> ()
    %iota3A = tpu.iota {dimensions = array<i32: 0>} : vector<16xi32>
    %convert_element_type3A = arith.sitofp %iota3A : vector<16xi32> to vector<16xf32>
    %get3A = arith.constant 1224 : i32
    %get3A_1 = arith.index_cast %get3A : i32 to index
    %get3A_2 = arith.constant 0 : index
    %get3A_3 = tpu.vector_load %arg4[%get3A_1, %get3A_2] {strides = array<i32>} : memref<1232x16xf32, #tpu.memory_space<vmem>>, vector<1x16xf32>,
    %get3A_4 = vector.shape_cast %get3A_3 : vector<1x16xf32> to vector<16xf32>
    %swap3A = arith.constant 0 : i32
    %swap3A_5 = arith.index_cast %swap3A : i32 to index
    %swap3A_6 = arith.constant 0 : index
    %swap3A_7 = tpu.vector_load %arg5[%swap3A_5, %swap3A_6] {strides = array<i32>} : memref<4x16xf32, #tpu.memory_space<vmem>>, vector<1x16xf32>,
    %swap3A_8 = vector.shape_cast %swap3A_7 : vector<1x16xf32> to vector<16xf32>
    %swap3A_9 = vector.shape_cast %get3A_4 : vector<16xf32> to vector<1x16xf32>
    tpu.vector_store %arg5[%swap3A_5, %swap3A_6], %swap3A_9 {strides = array<i32>} : memref<4x16xf32, #tpu.memory_space<vmem>>, vector<1x16xf32>,
    %get3A_10 = arith.constant 1228 : i32
    %get3A_11 = arith.index_cast %get3A_10 : i32 to index
    %get3A_12 = arith.constant 0 : index
    %get3A_13 = tpu.vector_load %arg4[%get3A_11, %get3A_12] {strides = array<i32>} : memref<1232x16xf32, #tpu.memory_space<vmem>>, vector<1x16xf32>,
    %get3A_14 = vector.shape_cast %get3A_13 : vector<1x16xf32> to vector<16xf32>
    %swap3A_15 = arith.constant 0 : i32
    %swap3A_16 = arith.index_cast %swap3A_15 : i32 to index
    %swap3A_17 = arith.constant 0 : index
    %swap3A_18 = tpu.vector_load %arg6[%swap3A_16, %swap3A_17] {strides = array<i32>} : memref<4x16xf32, #tpu.memory_space<vmem>>, vector<1x16xf32>,
    %swap3A_19 = vector.shape_cast %swap3A_18 : vector<1x16xf32> to vector<16xf32>
    %swap3A_20 = vector.shape_cast %get3A_14 : vector<16xf32> to vector<1x16xf32>
    tpu.vector_store %arg6[%swap3A_16, %swap3A_17], %swap3A_20 {strides = array<i32>} : memref<4x16xf32, #tpu.memory_space<vmem>>, vector<1x16xf32>,
    %broadcast_in_dim3A = arith.constant 0.000000e+00 : f32
    %broadcast_in_dim3A_21 = vector.broadcast %broadcast_in_dim3A : f32 to vector<16xf32>
    %swap3A_22 = arith.constant 0 : i32
    %swap3A_23 = arith.index_cast %swap3A_22 : i32 to index
    %swap3A_24 = arith.constant 0 : index
    %swap3A_25 = tpu.vector_load %arg7[%swap3A_23, %swap3A_24] {strides = array<i32>} : memref<4x16xf32, #tpu.memory_space<vmem>>, vector<1x16xf32>,
    %swap3A_26 = vector.shape_cast %swap3A_25 : vector<1x16xf32> to vector<16xf32>
    %swap3A_27 = vector.shape_cast %broadcast_in_dim3A_21 : vector<16xf32> to vector<1x16xf32>
    tpu.vector_store %arg7[%swap3A_23, %swap3A_24], %swap3A_27 {strides = array<i32>} : memref<4x16xf32, #tpu.memory_space<vmem>>, vector<1x16xf32>,
    %get3A_28 = arith.constant 1225 : i32
    %get3A_29 = arith.index_cast %get3A_28 : i32 to index
    %get3A_30 = arith.constant 0 : index
    %get3A_31 = tpu.vector_load %arg4[%get3A_29, %get3A_30] {strides = array<i32>} : memref<1232x16xf32, #tpu.memory_space<vmem>>, vector<1x16xf32>,
    %get3A_32 = vector.shape_cast %get3A_31 : vector<1x16xf32> to vector<16xf32>
    %swap3A_33 = arith.constant 1 : i32
    %swap3A_34 = arith.index_cast %swap3A_33 : i32 to index
    %swap3A_35 = arith.constant 0 : index
    %swap3A_36 = tpu.vector_load %arg5[%swap3A_34, %swap3A_35] {strides = array<i32>} : memref<4x16xf32, #tpu.memory_space<vmem>>, vector<1x16xf32>,
    %swap3A_37 = vector.shape_cast %swap3A_36 : vector<1x16xf32> to vector<16xf32>
    %swap3A_38 = vector.shape_cast %get3A_32 : vector<16xf32> to vector<1x16xf32>
    tpu.vector_store %arg5[%swap3A_34, %swap3A_35], %swap3A_38 {strides = array<i32>} : memref<4x16xf32, #tpu.memory_space<vmem>>, vector<1x16xf32>,
    %get3A_39 = arith.constant 1229 : i32
    %get3A_40 = arith.index_cast %get3A_39 : i32 to index
    %get3A_41 = arith.constant 0 : index
    %get3A_42 = tpu.vector_load %arg4[%get3A_40, %get3A_41] {strides = array<i32>} : memref<1232x16xf32, #tpu.memory_space<vmem>>, vector<1x16xf32>,
    %get3A_43 = vector.shape_cast %get3A_42 : vector<1x16xf32> to vector<16xf32>
    %swap3A_44 = arith.constant 1 : i32
    %swap3A_45 = arith.index_cast %swap3A_44 : i32 to index
    %swap3A_46 = arith.constant 0 : index
    %swap3A_47 = tpu.vector_load %arg6[%swap3A_45, %swap3A_46] {strides = array<i32>} : memref<4x16xf32, #tpu.memory_space<vmem>>, vector<1x16xf32>,
    %swap3A_48 = vector.shape_cast %swap3A_47 : vector<1x16xf32> to vector<16xf32>
    %swap3A_49 = vector.shape_cast %get3A_43 : vector<16xf32> to vector<1x16xf32>
    tpu.vector_store %arg6[%swap3A_45, %swap3A_46], %swap3A_49 {strides = array<i32>} : memref<4x16xf32, #tpu.memory_space<vmem>>, vector<1x16xf32>,
    %broadcast_in_dim3A_50 = arith.constant 0.000000e+00 : f32
    %broadcast_in_dim3A_51 = vector.broadcast %broadcast_in_dim3A_50 : f32 to vector<16xf32>
    %swap3A_52 = arith.constant 1 : i32
    %swap3A_53 = arith.index_cast %swap3A_52 : i32 to index
    %swap3A_54 = arith.constant 0 : index
    %swap3A_55 = tpu.vector_load %arg7[%swap3A_53, %swap3A_54] {strides = array<i32>} : memref<4x16xf32, #tpu.memory_space<vmem>>, vector<1x16xf32>,
    %swap3A_56 = vector.shape_cast %swap3A_55 : vector<1x16xf32> to vector<16xf32>
    %swap3A_57 = vector.shape_cast %broadcast_in_dim3A_51 : vector<16xf32> to vector<1x16xf32>
    tpu.vector_store %arg7[%swap3A_53, %swap3A_54], %swap3A_57 {strides = array<i32>} : memref<4x16xf32, #tpu.memory_space<vmem>>, vector<1x16xf32>,
    %get3A_58 = arith.constant 1226 : i32
    %get3A_59 = arith.index_cast %get3A_58 : i32 to index
    %get3A_60 = arith.constant 0 : index
    %get3A_61 = tpu.vector_load %arg4[%get3A_59, %get3A_60] {strides = array<i32>} : memref<1232x16xf32, #tpu.memory_space<vmem>>, vector<1x16xf32>,
    %get3A_62 = vector.shape_cast %get3A_61 : vector<1x16xf32> to vector<16xf32>
    %swap3A_63 = arith.constant 2 : i32
    %swap3A_64 = arith.index_cast %swap3A_63 : i32 to index
    %swap3A_65 = arith.constant 0 : index
    %swap3A_66 = tpu.vector_load %arg5[%swap3A_64, %swap3A_65] {strides = array<i32>} : memref<4x16xf32, #tpu.memory_space<vmem>>, vector<1x16xf32>,
    %swap3A_67 = vector.shape_cast %swap3A_66 : vector<1x16xf32> to vector<16xf32>
    %swap3A_68 = vector.shape_cast %get3A_62 : vector<16xf32> to vector<1x16xf32>
    tpu.vector_store %arg5[%swap3A_64, %swap3A_65], %swap3A_68 {strides = array<i32>} : memref<4x16xf32, #tpu.memory_space<vmem>>, vector<1x16xf32>,
    %get3A_69 = arith.constant 1230 : i32
    %get3A_70 = arith.index_cast %get3A_69 : i32 to index
    %get3A_71 = arith.constant 0 : index
    %get3A_72 = tpu.vector_load %arg4[%get3A_70, %get3A_71] {strides = array<i32>} : memref<1232x16xf32, #tpu.memory_space<vmem>>, vector<1x16xf32>,
    %get3A_73 = vector.shape_cast %get3A_72 : vector<1x16xf32> to vector<16xf32>
    %swap3A_74 = arith.constant 2 : i32
    %swap3A_75 = arith.index_cast %swap3A_74 : i32 to index
    %swap3A_76 = arith.constant 0 : index
    %swap3A_77 = tpu.vector_load %arg6[%swap3A_75, %swap3A_76] {strides = array<i32>} : memref<4x16xf32, #tpu.memory_space<vmem>>, vector<1x16xf32>,
    %swap3A_78 = vector.shape_cast %swap3A_77 : vector<1x16xf32> to vector<16xf32>
    %swap3A_79 = vector.shape_cast %get3A_73 : vector<16xf32> to vector<1x16xf32>
    tpu.vector_store %arg6[%swap3A_75, %swap3A_76], %swap3A_79 {strides = array<i32>} : memref<4x16xf32, #tpu.memory_space<vmem>>, vector<1x16xf32>,
    %broadcast_in_dim3A_80 = arith.constant 0.000000e+00 : f32
    %broadcast_in_dim3A_81 = vector.broadcast %broadcast_in_dim3A_80 : f32 to vector<16xf32>
    %swap3A_82 = arith.constant 2 : i32
    %swap3A_83 = arith.index_cast %swap3A_82 : i32 to index
    %swap3A_84 = arith.constant 0 : index
    %swap3A_85 = tpu.vector_load %arg7[%swap3A_83, %swap3A_84] {strides = array<i32>} : memref<4x16xf32, #tpu.memory_space<vmem>>, vector<1x16xf32>,
    %swap3A_86 = vector.shape_cast %swap3A_85 : vector<1x16xf32> to vector<16xf32>
    %swap3A_87 = vector.shape_cast %broadcast_in_dim3A_81 : vector<16xf32> to vector<1x16xf32>
    tpu.vector_store %arg7[%swap3A_83, %swap3A_84], %swap3A_87 {strides = array<i32>} : memref<4x16xf32, #tpu.memory_space<vmem>>, vector<1x16xf32>,
    %get3A_88 = arith.constant 1227 : i32
    %get3A_89 = arith.index_cast %get3A_88 : i32 to index
    %get3A_90 = arith.constant 0 : index
    %get3A_91 = tpu.vector_load %arg4[%get3A_89, %get3A_90] {strides = array<i32>} : memref<1232x16xf32, #tpu.memory_space<vmem>>, vector<1x16xf32>,
    %get3A_92 = vector.shape_cast %get3A_91 : vector<1x16xf32> to vector<16xf32>
    %swap3A_93 = arith.constant 3 : i32
    %swap3A_94 = arith.index_cast %swap3A_93 : i32 to index
    %swap3A_95 = arith.constant 0 : index
    %swap3A_96 = tpu.vector_load %arg5[%swap3A_94, %swap3A_95] {strides = array<i32>} : memref<4x16xf32, #tpu.memory_space<vmem>>, vector<1x16xf32>,
    %swap3A_97 = vector.shape_cast %swap3A_96 : vector<1x16xf32> to vector<16xf32>
    %swap3A_98 = vector.shape_cast %get3A_92 : vector<16xf32> to vector<1x16xf32>
    tpu.vector_store %arg5[%swap3A_94, %swap3A_95], %swap3A_98 {strides = array<i32>} : memref<4x16xf32, #tpu.memory_space<vmem>>, vector<1x16xf32>,
    %get3A_99 = arith.constant 1231 : i32
    %get3A_100 = arith.index_cast %get3A_99 : i32 to index
    %get3A_101 = arith.constant 0 : index
    %get3A_102 = tpu.vector_load %arg4[%get3A_100, %get3A_101] {strides = array<i32>} : memref<1232x16xf32, #tpu.memory_space<vmem>>, vector<1x16xf32>,
    %get3A_103 = vector.shape_cast %get3A_102 : vector<1x16xf32> to vector<16xf32>
    %swap3A_104 = arith.constant 3 : i32
    %swap3A_105 = arith.index_cast %swap3A_104 : i32 to index
    %swap3A_106 = arith.constant 0 : index
    %swap3A_107 = tpu.vector_load %arg6[%swap3A_105, %swap3A_106] {strides = array<i32>} : memref<4x16xf32, #tpu.memory_space<vmem>>, vector<1x16xf32>,
    %swap3A_108 = vector.shape_cast %swap3A_107 : vector<1x16xf32> to vector<16xf32>
    %swap3A_109 = vector.shape_cast %get3A_103 : vector<16xf32> to vector<1x16xf32>
    tpu.vector_store %arg6[%swap3A_105, %swap3A_106], %swap3A_109 {strides = array<i32>} : memref<4x16xf32, #tpu.memory_space<vmem>>, vector<1x16xf32>,
    %broadcast_in_dim3A_110 = arith.constant 0.000000e+00 : f32
    %broadcast_in_dim3A_111 = vector.broadcast %broadcast_in_dim3A_110 : f32 to vector<16xf32>
    %swap3A_112 = arith.constant 3 : i32
    %swap3A_113 = arith.index_cast %swap3A_112 : i32 to index
    %swap3A_114 = arith.constant 0 : index
    %swap3A_115 = tpu.vector_load %arg7[%swap3A_113, %swap3A_114] {strides = array<i32>} : memref<4x16xf32, #tpu.memory_space<vmem>>, vector<1x16xf32>,
    %swap3A_116 = vector.shape_cast %swap3A_115 : vector<1x16xf32> to vector<16xf32>
    %swap3A_117 = vector.shape_cast %broadcast_in_dim3A_111 : vector<16xf32> to vector<1x16xf32>
    tpu.vector_store %arg7[%swap3A_113, %swap3A_114], %swap3A_117 {strides = array<i32>} : memref<4x16xf32, #tpu.memory_space<vmem>>, vector<1x16xf32>,
    %broadcast_in_dim3A_118 = arith.constant 1.000000e+00 : f32
    %broadcast_in_dim3A_119 = vector.broadcast %broadcast_in_dim3A_118 : f32 to vector<16xf32>
    %swap3A_120 = arith.constant 0 : i32
    %swap3A_121 = arith.index_cast %swap3A_120 : i32 to index
    %swap3A_122 = arith.constant 0 : index
    %swap3A_123 = tpu.vector_load %arg11[%swap3A_121, %swap3A_122] {strides = array<i32>} : memref<1x16xf32, #tpu.memory_space<vmem>>, vector<1x16xf32>,
    %swap3A_124 = vector.shape_cast %swap3A_123 : vector<1x16xf32> to vector<16xf32>
    %swap3A_125 = vector.shape_cast %broadcast_in_dim3A_119 : vector<16xf32> to vector<1x16xf32>
    tpu.vector_store %arg11[%swap3A_121, %swap3A_122], %swap3A_125 {strides = array<i32>} : memref<1x16xf32, #tpu.memory_space<vmem>>, vector<1x16xf32>,
    %scan3A = arith.constant 0 : i32
    %scan3A_126 = arith.constant 0 : i32
    %scan3A_127 = arith.constant 1000 : i32
    %scan3A_128 = arith.addi %scan3A_126, %scan3A_127 : i32
    %scan3A_129 = arith.constant 1 : i32
    scf.for %scan3A_179 = %scan3A_126 to %scan3A_128 step %scan3A_129  : i32 {
      %and3A = arith.constant 1 : i32
      %and3A_180 = arith.andi %scan3A_179, %and3A : i32
      %get3A_181 = arith.constant 0 : i32
      %get3A_182 = arith.index_cast %get3A_181 : i32 to index
      %get3A_183 = arith.constant 0 : index
      %get3A_184 = tpu.vector_load %arg11[%get3A_182, %get3A_183] {strides = array<i32>} : memref<1x16xf32, #tpu.memory_space<vmem>>, vector<1x16xf32>,
      %get3A_185 = vector.shape_cast %get3A_184 : vector<1x16xf32> to vector<16xf32>
      %slice3A = vector.extract_strided_slice %get3A_185 {offsets = [0], sizes = [1], strides = [1]} : vector<16xf32> to vector<1xf32>
      %squeeze3A = vector.extract %slice3A[0] : f32 from vector<1xf32>
      %gt3A = arith.constant 5.000000e-01 : f32
      %gt3A_186 = arith.cmpf ogt, %squeeze3A, %gt3A : f32
      %convert_element_type3A_187 = arith.extui %gt3A_186 : i1 to i32
      %cond3A = arith.constant 0 : i32
      %cond3A_188 = arith.cmpi ne, %convert_element_type3A_187, %cond3A : i32
      scf.if %cond3A_188 {
        %get3A_1394 = arith.constant 0 : i32
        %get3A_1395 = arith.index_cast %get3A_1394 : i32 to index
        %get3A_1396 = arith.constant 0 : index
        %get3A_1397 = tpu.vector_load %arg5[%get3A_1395, %get3A_1396] {strides = array<i32>} : memref<4x16xf32, #tpu.memory_space<vmem>>, vector<1x16xf32>,
        %get3A_1398 = vector.shape_cast %get3A_1397 : vector<1x16xf32> to vector<16xf32>
        %get3A_1399 = arith.constant 1 : i32
        %get3A_1400 = arith.index_cast %get3A_1399 : i32 to index
        %get3A_1401 = arith.constant 0 : index
        %get3A_1402 = tpu.vector_load %arg5[%get3A_1400, %get3A_1401] {strides = array<i32>} : memref<4x16xf32, #tpu.memory_space<vmem>>, vector<1x16xf32>,
        %get3A_1403 = vector.shape_cast %get3A_1402 : vector<1x16xf32> to vector<16xf32>
        %get3A_1404 = arith.constant 2 : i32
        %get3A_1405 = arith.index_cast %get3A_1404 : i32 to index
        %get3A_1406 = arith.constant 0 : index
        %get3A_1407 = tpu.vector_load %arg5[%get3A_1405, %get3A_1406] {strides = array<i32>} : memref<4x16xf32, #tpu.memory_space<vmem>>, vector<1x16xf32>,
        %get3A_1408 = vector.shape_cast %get3A_1407 : vector<1x16xf32> to vector<16xf32>
        %get3A_1409 = arith.constant 3 : i32
        %get3A_1410 = arith.index_cast %get3A_1409 : i32 to index
        %get3A_1411 = arith.constant 0 : index
        %get3A_1412 = tpu.vector_load %arg5[%get3A_1410, %get3A_1411] {strides = array<i32>} : memref<4x16xf32, #tpu.memory_space<vmem>>, vector<1x16xf32>,
        %get3A_1413 = vector.shape_cast %get3A_1412 : vector<1x16xf32> to vector<16xf32>
        %max3A_1414 = arith.maximumf %get3A_1398, %get3A_1403 : vector<16xf32>
        %max3A_1415 = arith.maximumf %get3A_1408, %get3A_1413 : vector<16xf32>
        %max3A_1416 = arith.maximumf %max3A_1414, %max3A_1415 : vector<16xf32>
        %xor3A_1417 = arith.constant 8 : i32
        %xor3A_1418 = vector.broadcast %xor3A_1417 : i32 to vector<16xi32>
        %xor3A_1419 = arith.xori %iota3A, %xor3A_1418 : vector<16xi32>
        %broadcast_in_dim3A_1420 = vector.shape_cast %xor3A_1419 : vector<16xi32> to vector<16x1xi32>
        %gather3A_1421 = vector.shape_cast %broadcast_in_dim3A_1420 : vector<16x1xi32> to vector<16xi32>
        %gather3A_1422 = tpu.dynamic_gather %max3A_1416[%gather3A_1421] in [0] : vector<16xf32>, vector<16xi32> -> vector<16xf32>
        %max3A_1423 = arith.maximumf %max3A_1416, %gather3A_1422 : vector<16xf32>
        %xor3A_1424 = arith.constant 4 : i32
        %xor3A_1425 = vector.broadcast %xor3A_1424 : i32 to vector<16xi32>
        %xor3A_1426 = arith.xori %iota3A, %xor3A_1425 : vector<16xi32>
        %broadcast_in_dim3A_1427 = vector.shape_cast %xor3A_1426 : vector<16xi32> to vector<16x1xi32>
        %gather3A_1428 = vector.shape_cast %broadcast_in_dim3A_1427 : vector<16x1xi32> to vector<16xi32>
        %gather3A_1429 = tpu.dynamic_gather %max3A_1423[%gather3A_1428] in [0] : vector<16xf32>, vector<16xi32> -> vector<16xf32>
        %max3A_1430 = arith.maximumf %max3A_1423, %gather3A_1429 : vector<16xf32>
        %xor3A_1431 = arith.constant 2 : i32
        %xor3A_1432 = vector.broadcast %xor3A_1431 : i32 to vector<16xi32>
        %xor3A_1433 = arith.xori %iota3A, %xor3A_1432 : vector<16xi32>
        %broadcast_in_dim3A_1434 = vector.shape_cast %xor3A_1433 : vector<16xi32> to vector<16x1xi32>
        %gather3A_1435 = vector.shape_cast %broadcast_in_dim3A_1434 : vector<16x1xi32> to vector<16xi32>
        %gather3A_1436 = tpu.dynamic_gather %max3A_1430[%gather3A_1435] in [0] : vector<16xf32>, vector<16xi32> -> vector<16xf32>
        %max3A_1437 = arith.maximumf %max3A_1430, %gather3A_1436 : vector<16xf32>
        %xor3A_1438 = arith.constant 1 : i32
        %xor3A_1439 = vector.broadcast %xor3A_1438 : i32 to vector<16xi32>
        %xor3A_1440 = arith.xori %iota3A, %xor3A_1439 : vector<16xi32>
        %broadcast_in_dim3A_1441 = vector.shape_cast %xor3A_1440 : vector<16xi32> to vector<16x1xi32>
        %gather3A_1442 = vector.shape_cast %broadcast_in_dim3A_1441 : vector<16x1xi32> to vector<16xi32>
        %gather3A_1443 = tpu.dynamic_gather %max3A_1437[%gather3A_1442] in [0] : vector<16xf32>, vector<16xi32> -> vector<16xf32>
        %max3A_1444 = arith.maximumf %max3A_1437, %gather3A_1443 : vector<16xf32>
        %broadcast_in_dim3A_1445 = arith.constant 1.024000e+03 : f32
        %broadcast_in_dim3A_1446 = vector.broadcast %broadcast_in_dim3A_1445 : f32 to vector<16xf32>
        %eq3A_1447 = arith.cmpf oeq, %get3A_1398, %max3A_1444 : vector<16xf32>
        %add3A_1448 = arith.constant 0.000000e+00 : f32
        %add3A_1449 = vector.broadcast %add3A_1448 : f32 to vector<16xf32>
        %add3A_1450 = arith.addf %convert_element_type3A, %add3A_1449 : vector<16xf32>
        %jit3A_1451 = arith.constant 1.024000e+03 : f32
        %broadcast_in_dim3A_1452 = vector.broadcast %jit3A_1451 : f32 to vector<16xf32>
        %select_n3A_1453 = arith.select %eq3A_1447, %add3A_1450, %broadcast_in_dim3A_1452 : vector<16xi1>, vector<16xf32>
        %min3A_1454 = arith.minimumf %broadcast_in_dim3A_1446, %select_n3A_1453 : vector<16xf32>
        %eq3A_1455 = arith.cmpf oeq, %get3A_1403, %max3A_1444 : vector<16xf32>
        %add3A_1456 = arith.constant 1.600000e+01 : f32
        %add3A_1457 = vector.broadcast %add3A_1456 : f32 to vector<16xf32>
        %add3A_1458 = arith.addf %convert_element_type3A, %add3A_1457 : vector<16xf32>
        %jit3A_1459 = arith.constant 1.024000e+03 : f32
        %broadcast_in_dim3A_1460 = vector.broadcast %jit3A_1459 : f32 to vector<16xf32>
        %select_n3A_1461 = arith.select %eq3A_1455, %add3A_1458, %broadcast_in_dim3A_1460 : vector<16xi1>, vector<16xf32>
        %min3A_1462 = arith.minimumf %min3A_1454, %select_n3A_1461 : vector<16xf32>
        %eq3A_1463 = arith.cmpf oeq, %get3A_1408, %max3A_1444 : vector<16xf32>
        %add3A_1464 = arith.constant 3.200000e+01 : f32
        %add3A_1465 = vector.broadcast %add3A_1464 : f32 to vector<16xf32>
        %add3A_1466 = arith.addf %convert_element_type3A, %add3A_1465 : vector<16xf32>
        %jit3A_1467 = arith.constant 1.024000e+03 : f32
        %broadcast_in_dim3A_1468 = vector.broadcast %jit3A_1467 : f32 to vector<16xf32>
        %select_n3A_1469 = arith.select %eq3A_1463, %add3A_1466, %broadcast_in_dim3A_1468 : vector<16xi1>, vector<16xf32>
        %min3A_1470 = arith.minimumf %min3A_1462, %select_n3A_1469 : vector<16xf32>
        %eq3A_1471 = arith.cmpf oeq, %get3A_1413, %max3A_1444 : vector<16xf32>
        %add3A_1472 = arith.constant 4.800000e+01 : f32
        %add3A_1473 = vector.broadcast %add3A_1472 : f32 to vector<16xf32>
        %add3A_1474 = arith.addf %convert_element_type3A, %add3A_1473 : vector<16xf32>
        %jit3A_1475 = arith.constant 1.024000e+03 : f32
        %broadcast_in_dim3A_1476 = vector.broadcast %jit3A_1475 : f32 to vector<16xf32>
        %select_n3A_1477 = arith.select %eq3A_1471, %add3A_1474, %broadcast_in_dim3A_1476 : vector<16xi1>, vector<16xf32>
        %min3A_1478 = arith.minimumf %min3A_1470, %select_n3A_1477 : vector<16xf32>
        %xor3A_1479 = arith.constant 8 : i32
        %xor3A_1480 = vector.broadcast %xor3A_1479 : i32 to vector<16xi32>
        %xor3A_1481 = arith.xori %iota3A, %xor3A_1480 : vector<16xi32>
        %broadcast_in_dim3A_1482 = vector.shape_cast %xor3A_1481 : vector<16xi32> to vector<16x1xi32>
        %gather3A_1483 = vector.shape_cast %broadcast_in_dim3A_1482 : vector<16x1xi32> to vector<16xi32>
        %gather3A_1484 = tpu.dynamic_gather %min3A_1478[%gather3A_1483] in [0] : vector<16xf32>, vector<16xi32> -> vector<16xf32>
        %min3A_1485 = arith.minimumf %min3A_1478, %gather3A_1484 : vector<16xf32>
        %xor3A_1486 = arith.constant 4 : i32
        %xor3A_1487 = vector.broadcast %xor3A_1486 : i32 to vector<16xi32>
        %xor3A_1488 = arith.xori %iota3A, %xor3A_1487 : vector<16xi32>
        %broadcast_in_dim3A_1489 = vector.shape_cast %xor3A_1488 : vector<16xi32> to vector<16x1xi32>
        %gather3A_1490 = vector.shape_cast %broadcast_in_dim3A_1489 : vector<16x1xi32> to vector<16xi32>
        %gather3A_1491 = tpu.dynamic_gather %min3A_1485[%gather3A_1490] in [0] : vector<16xf32>, vector<16xi32> -> vector<16xf32>
        %min3A_1492 = arith.minimumf %min3A_1485, %gather3A_1491 : vector<16xf32>
        %xor3A_1493 = arith.constant 2 : i32
        %xor3A_1494 = vector.broadcast %xor3A_1493 : i32 to vector<16xi32>
        %xor3A_1495 = arith.xori %iota3A, %xor3A_1494 : vector<16xi32>
        %broadcast_in_dim3A_1496 = vector.shape_cast %xor3A_1495 : vector<16xi32> to vector<16x1xi32>
        %gather3A_1497 = vector.shape_cast %broadcast_in_dim3A_1496 : vector<16x1xi32> to vector<16xi32>
        %gather3A_1498 = tpu.dynamic_gather %min3A_1492[%gather3A_1497] in [0] : vector<16xf32>, vector<16xi32> -> vector<16xf32>
        %min3A_1499 = arith.minimumf %min3A_1492, %gather3A_1498 : vector<16xf32>
        %slice3A_1500 = vector.extract_strided_slice %min3A_1499 {offsets = [0], sizes = [1], strides = [1]} : vector<16xf32> to vector<1xf32>
        %squeeze3A_1501 = vector.extract %slice3A_1500[0] : f32 from vector<1xf32>
        %slice3A_1502 = vector.extract_strided_slice %min3A_1499 {offsets = [1], sizes = [1], strides = [1]} : vector<16xf32> to vector<1xf32>
        %squeeze3A_1503 = vector.extract %slice3A_1502[0] : f32 from vector<1xf32>
        %min3A_1504 = arith.minimumf %squeeze3A_1501, %squeeze3A_1503 : f32
        %convert_element_type3A_1505 = arith.fptosi %min3A_1504 : f32 to i32
        %shift_right_arithmetic3A_1506 = arith.constant 4 : i32
        %shift_right_arithmetic3A_1507 = arith.shrsi %convert_element_type3A_1505, %shift_right_arithmetic3A_1506 : i32
        %and3A_1508 = arith.constant 15 : i32
        %and3A_1509 = arith.andi %convert_element_type3A_1505, %and3A_1508 : i32
        %broadcast_in_dim3A_1510 = vector.broadcast %and3A_1509 : i32 to vector<16xi32>
        %get3A_1511 = arith.index_cast %shift_right_arithmetic3A_1507 : i32 to index
        %get3A_1512 = arith.constant 0 : index
        %get3A_1513 = tpu.vector_load %arg6[%get3A_1511, %get3A_1512] {strides = array<i32>} : memref<4x16xf32, #tpu.memory_space<vmem>>, vector<1x16xf32>,
        %get3A_1514 = vector.shape_cast %get3A_1513 : vector<1x16xf32> to vector<16xf32>
        %broadcast_in_dim3A_1515 = vector.shape_cast %broadcast_in_dim3A_1510 : vector<16xi32> to vector<16x1xi32>
        %gather3A_1516 = vector.shape_cast %broadcast_in_dim3A_1515 : vector<16x1xi32> to vector<16xi32>
        %gather3A_1517 = tpu.dynamic_gather %get3A_1514[%gather3A_1516] in [0] : vector<16xf32>, vector<16xi32> -> vector<16xf32>
        %eq3A_1518 = arith.constant 0 : i32
        %eq3A_1519 = vector.broadcast %eq3A_1518 : i32 to vector<16xi32>
        %eq3A_1520 = arith.cmpi eq, %iota3A, %eq3A_1519 : vector<16xi32>
        %broadcast_in_dim3A_1521 = arith.constant 0.000000e+00 : f32
        %broadcast_in_dim3A_1522 = vector.broadcast %broadcast_in_dim3A_1521 : f32 to vector<16xf32>
        %select_n3A_1523 = arith.select %eq3A_1520, %gather3A_1517, %broadcast_in_dim3A_1522 : vector<16xi1>, vector<16xf32>
        %slice3A_1524 = vector.extract_strided_slice %select_n3A_1523 {offsets = [0], sizes = [1], strides = [1]} : vector<16xf32> to vector<1xf32>
        %squeeze3A_1525 = vector.extract %slice3A_1524[0] : f32 from vector<1xf32>
        %convert_element_type3A_1526 = arith.fptosi %squeeze3A_1525 : f32 to i32
        %add3A_1527 = arith.constant 51 : i32
        %add3A_1528 = arith.addi %add3A_1527, %convert_element_type3A_1526 : i32
        %mul3A_1529 = arith.constant 4 : i32
        %mul3A_1530 = arith.muli %add3A_1528, %mul3A_1529 : i32
        %add3A_1531 = arith.addi %mul3A_1530, %shift_right_arithmetic3A_1507 : i32
        %get3A_1532 = arith.index_cast %add3A_1531 : i32 to index
        %get3A_1533 = arith.constant 0 : index
        %get3A_1534 = tpu.vector_load %arg4[%get3A_1532, %get3A_1533] {strides = array<i32>} : memref<1232x16xf32, #tpu.memory_space<vmem>>, vector<1x16xf32>,
        %get3A_1535 = vector.shape_cast %get3A_1534 : vector<1x16xf32> to vector<16xf32>
        %broadcast_in_dim3A_1536 = vector.shape_cast %broadcast_in_dim3A_1510 : vector<16xi32> to vector<16x1xi32>
        %gather3A_1537 = vector.shape_cast %broadcast_in_dim3A_1536 : vector<16x1xi32> to vector<16xi32>
        %gather3A_1538 = tpu.dynamic_gather %get3A_1535[%gather3A_1537] in [0] : vector<16xf32>, vector<16xi32> -> vector<16xf32>
        %add3A_1539 = arith.constant 102 : i32
        %add3A_1540 = arith.addi %add3A_1539, %convert_element_type3A_1526 : i32
        %mul3A_1541 = arith.constant 4 : i32
        %mul3A_1542 = arith.muli %add3A_1540, %mul3A_1541 : i32
        %add3A_1543 = arith.addi %mul3A_1542, %shift_right_arithmetic3A_1507 : i32
        %get3A_1544 = arith.index_cast %add3A_1543 : i32 to index
        %get3A_1545 = arith.constant 0 : index
        %get3A_1546 = tpu.vector_load %arg4[%get3A_1544, %get3A_1545] {strides = array<i32>} : memref<1232x16xf32, #tpu.memory_space<vmem>>, vector<1x16xf32>,
        %get3A_1547 = vector.shape_cast %get3A_1546 : vector<1x16xf32> to vector<16xf32>
        %broadcast_in_dim3A_1548 = vector.shape_cast %broadcast_in_dim3A_1510 : vector<16xi32> to vector<16x1xi32>
        %gather3A_1549 = vector.shape_cast %broadcast_in_dim3A_1548 : vector<16x1xi32> to vector<16xi32>
        %gather3A_1550 = tpu.dynamic_gather %get3A_1547[%gather3A_1549] in [0] : vector<16xf32>, vector<16xi32> -> vector<16xf32>
        %add3A_1551 = arith.constant 153 : i32
        %add3A_1552 = arith.addi %add3A_1551, %convert_element_type3A_1526 : i32
        %mul3A_1553 = arith.constant 4 : i32
        %mul3A_1554 = arith.muli %add3A_1552, %mul3A_1553 : i32
        %add3A_1555 = arith.addi %mul3A_1554, %shift_right_arithmetic3A_1507 : i32
        %get3A_1556 = arith.index_cast %add3A_1555 : i32 to index
        %get3A_1557 = arith.constant 0 : index
        %get3A_1558 = tpu.vector_load %arg4[%get3A_1556, %get3A_1557] {strides = array<i32>} : memref<1232x16xf32, #tpu.memory_space<vmem>>, vector<1x16xf32>,
        %get3A_1559 = vector.shape_cast %get3A_1558 : vector<1x16xf32> to vector<16xf32>
        %broadcast_in_dim3A_1560 = vector.shape_cast %broadcast_in_dim3A_1510 : vector<16xi32> to vector<16x1xi32>
        %gather3A_1561 = vector.shape_cast %broadcast_in_dim3A_1560 : vector<16x1xi32> to vector<16xi32>
        %gather3A_1562 = tpu.dynamic_gather %get3A_1559[%gather3A_1561] in [0] : vector<16xf32>, vector<16xi32> -> vector<16xf32>
        %add3A_1563 = arith.constant 204 : i32
        %add3A_1564 = arith.addi %add3A_1563, %convert_element_type3A_1526 : i32
        %mul3A_1565 = arith.constant 4 : i32
        %mul3A_1566 = arith.muli %add3A_1564, %mul3A_1565 : i32
        %add3A_1567 = arith.addi %mul3A_1566, %shift_right_arithmetic3A_1507 : i32
        %get3A_1568 = arith.index_cast %add3A_1567 : i32 to index
        %get3A_1569 = arith.constant 0 : index
        %get3A_1570 = tpu.vector_load %arg4[%get3A_1568, %get3A_1569] {strides = array<i32>} : memref<1232x16xf32, #tpu.memory_space<vmem>>, vector<1x16xf32>,
        %get3A_1571 = vector.shape_cast %get3A_1570 : vector<1x16xf32> to vector<16xf32>
        %broadcast_in_dim3A_1572 = vector.shape_cast %broadcast_in_dim3A_1510 : vector<16xi32> to vector<16x1xi32>
        %gather3A_1573 = vector.shape_cast %broadcast_in_dim3A_1572 : vector<16x1xi32> to vector<16xi32>
        %gather3A_1574 = tpu.dynamic_gather %get3A_1571[%gather3A_1573] in [0] : vector<16xf32>, vector<16xi32> -> vector<16xf32>
        %add3A_1575 = arith.constant 255 : i32
        %add3A_1576 = arith.addi %add3A_1575, %convert_element_type3A_1526 : i32
        %mul3A_1577 = arith.constant 4 : i32
        %mul3A_1578 = arith.muli %add3A_1576, %mul3A_1577 : i32
        %add3A_1579 = arith.addi %mul3A_1578, %shift_right_arithmetic3A_1507 : i32
        %get3A_1580 = arith.index_cast %add3A_1579 : i32 to index
        %get3A_1581 = arith.constant 0 : index
        %get3A_1582 = tpu.vector_load %arg4[%get3A_1580, %get3A_1581] {strides = array<i32>} : memref<1232x16xf32, #tpu.memory_space<vmem>>, vector<1x16xf32>,
        %get3A_1583 = vector.shape_cast %get3A_1582 : vector<1x16xf32> to vector<16xf32>
        %broadcast_in_dim3A_1584 = vector.shape_cast %broadcast_in_dim3A_1510 : vector<16xi32> to vector<16x1xi32>
        %gather3A_1585 = vector.shape_cast %broadcast_in_dim3A_1584 : vector<16x1xi32> to vector<16xi32>
        %gather3A_1586 = tpu.dynamic_gather %get3A_1583[%gather3A_1585] in [0] : vector<16xf32>, vector<16xi32> -> vector<16xf32>
        %add3A_1587 = arith.addi %mul3A_0, %convert_element_type3A_1505 : i32
        %convert_element_type3A_1588 = arith.sitofp %add3A_1587 : i32 to f32
        %eq3A_1589 = arith.constant 0 : i32
        %eq3A_1590 = vector.broadcast %eq3A_1589 : i32 to vector<16xi32>
        %eq3A_1591 = arith.cmpi eq, %iota3A, %eq3A_1590 : vector<16xi32>
        %jit3A_1592 = arith.constant 0.000000e+00 : f32
        %broadcast_in_dim3A_1593 = vector.broadcast %jit3A_1592 : f32 to vector<16xf32>
        %select_n3A_1594 = arith.select %eq3A_1591, %max3A_1444, %broadcast_in_dim3A_1593 : vector<16xi1>, vector<16xf32>
        %eq3A_1595 = arith.constant 1 : i32
        %eq3A_1596 = vector.broadcast %eq3A_1595 : i32 to vector<16xi32>
        %eq3A_1597 = arith.cmpi eq, %iota3A, %eq3A_1596 : vector<16xi32>
        %broadcast_in_dim3A_1598 = vector.broadcast %convert_element_type3A_1588 : f32 to vector<16xf32>
        %select_n3A_1599 = arith.select %eq3A_1597, %broadcast_in_dim3A_1598, %select_n3A_1594 : vector<16xi1>, vector<16xf32>
        %eq3A_1600 = arith.constant 2 : i32
        %eq3A_1601 = vector.broadcast %eq3A_1600 : i32 to vector<16xi32>
        %eq3A_1602 = arith.cmpi eq, %iota3A, %eq3A_1601 : vector<16xi32>
        %select_n3A_1603 = arith.select %eq3A_1602, %gather3A_1517, %select_n3A_1599 : vector<16xi1>, vector<16xf32>
        %eq3A_1604 = arith.constant 3 : i32
        %eq3A_1605 = vector.broadcast %eq3A_1604 : i32 to vector<16xi32>
        %eq3A_1606 = arith.cmpi eq, %iota3A, %eq3A_1605 : vector<16xi32>
        %select_n3A_1607 = arith.select %eq3A_1606, %gather3A_1538, %select_n3A_1603 : vector<16xi1>, vector<16xf32>
        %eq3A_1608 = arith.constant 4 : i32
        %eq3A_1609 = vector.broadcast %eq3A_1608 : i32 to vector<16xi32>
        %eq3A_1610 = arith.cmpi eq, %iota3A, %eq3A_1609 : vector<16xi32>
        %select_n3A_1611 = arith.select %eq3A_1610, %gather3A_1550, %select_n3A_1607 : vector<16xi1>, vector<16xf32>
        %eq3A_1612 = arith.constant 5 : i32
        %eq3A_1613 = vector.broadcast %eq3A_1612 : i32 to vector<16xi32>
        %eq3A_1614 = arith.cmpi eq, %iota3A, %eq3A_1613 : vector<16xi32>
        %select_n3A_1615 = arith.select %eq3A_1614, %gather3A_1562, %select_n3A_1611 : vector<16xi1>, vector<16xf32>
        %eq3A_1616 = arith.constant 6 : i32
        %eq3A_1617 = vector.broadcast %eq3A_1616 : i32 to vector<16xi32>
        %eq3A_1618 = arith.cmpi eq, %iota3A, %eq3A_1617 : vector<16xi32>
        %select_n3A_1619 = arith.select %eq3A_1618, %gather3A_1574, %select_n3A_1615 : vector<16xi1>, vector<16xf32>
        %eq3A_1620 = arith.constant 7 : i32
        %eq3A_1621 = vector.broadcast %eq3A_1620 : i32 to vector<16xi32>
        %eq3A_1622 = arith.cmpi eq, %iota3A, %eq3A_1621 : vector<16xi32>
        %select_n3A_1623 = arith.select %eq3A_1622, %gather3A_1586, %select_n3A_1619 : vector<16xi1>, vector<16xf32>
        %swap3A_1624 = arith.constant 0 : index
        %swap3A_1625 = tpu.vector_load %arg9[%swap3A_1624] {strides = array<i32>} : memref<16xf32, #tpu.memory_space<vmem>>, vector<16xf32>,
        %swap3A_1626 = vector.shape_cast %swap3A_1625 : vector<16xf32> to vector<16xf32>
        %swap3A_1627 = vector.shape_cast %select_n3A_1623 : vector<16xf32> to vector<16xf32>
        tpu.vector_store %arg9[%swap3A_1624], %swap3A_1627 {strides = array<i32>} : memref<16xf32, #tpu.memory_space<vmem>>, vector<16xf32>,
      } else {
      }
      %shift_right_arithmetic3A = arith.constant 1 : i32
      %shift_right_arithmetic3A_189 = arith.shrsi %arg1, %shift_right_arithmetic3A : i32
      %and3A_190 = arith.constant 1 : i32
      %and3A_191 = arith.andi %arg1, %and3A_190 : i32
      %mul3A_192 = arith.constant 8 : i32
      %mul3A_193 = arith.muli %and3A_191, %mul3A_192 : i32
      "tpu.region"() ({
        %run_scoped3A = tpu.sem_alloc : memref<!tpu.dma_semaphore, #tpu.memory_space<semaphore_mem>>
        %dma_start3A = arith.constant 0 : i32
        %dma_start3A_1394 = tpu.memref_slice %arg9[%dma_start3A] : memref<16xf32, #tpu.memory_space<vmem>> -> memref<8xf32, #tpu.memory_space<vmem>>
        %dma_start3A_1395 = tpu.memref_slice %arg12[%and3A_180, %shift_right_arithmetic3A_189, %mul3A_193] : memref<2x8x16xf32, #tpu.memory_space<vmem_shared>> -> memref<1x1x8xf32, #tpu.memory_space<vmem_shared>>
        %dma_start3A_1396 = tpu.memref_squeeze %dma_start3A_1395 : memref<1x1x8xf32, #tpu.memory_space<vmem_shared>> -> memref<8xf32, #tpu.memory_space<vmem_shared>>
        %dma_start3A_1397 = tpu.memref_slice %arg12[%and3A_180, %shift_right_arithmetic3A_189, %mul3A_193] : memref<2x8x16xf32, #tpu.memory_space<vmem_shared>> -> memref<1x1x8xf32, #tpu.memory_space<vmem_shared>>
        %dma_start3A_1398 = tpu.memref_squeeze %dma_start3A_1397 : memref<1x1x8xf32, #tpu.memory_space<vmem_shared>> -> memref<8xf32, #tpu.memory_space<vmem_shared>>
        %dma_start3A_1399 = arith.constant 0 : i32
        %dma_start3A_1400 = tpu.memref_slice %arg9[%dma_start3A_1399] : memref<16xf32, #tpu.memory_space<vmem>> -> memref<8xf32, #tpu.memory_space<vmem>>
        tpu.enqueue_dma source(%dma_start3A_1400 : memref<8xf32, #tpu.memory_space<vmem>>) target(%dma_start3A_1398 : memref<8xf32, #tpu.memory_space<vmem_shared>>) target_semaphore(%run_scoped3A : memref<!tpu.dma_semaphore, #tpu.memory_space<semaphore_mem>>)
        %dma_wait3A = arith.constant 0 : i32
        %dma_wait3A_1401 = tpu.memref_slice %arg9[%dma_wait3A] : memref<16xf32, #tpu.memory_space<vmem>> -> memref<8xf32, #tpu.memory_space<vmem>>
        %dma_wait3A_1402 = tpu.memref_slice %arg12[%and3A_180, %shift_right_arithmetic3A_189, %mul3A_193] : memref<2x8x16xf32, #tpu.memory_space<vmem_shared>> -> memref<1x1x8xf32, #tpu.memory_space<vmem_shared>>
        %dma_wait3A_1403 = tpu.memref_squeeze %dma_wait3A_1402 : memref<1x1x8xf32, #tpu.memory_space<vmem_shared>> -> memref<8xf32, #tpu.memory_space<vmem_shared>>
        %dma_wait3A_1404 = tpu.memref_slice %arg12[%and3A_180, %shift_right_arithmetic3A_189, %mul3A_193] : memref<2x8x16xf32, #tpu.memory_space<vmem_shared>> -> memref<1x1x8xf32, #tpu.memory_space<vmem_shared>>
        %dma_wait3A_1405 = tpu.memref_squeeze %dma_wait3A_1404 : memref<1x1x8xf32, #tpu.memory_space<vmem_shared>> -> memref<8xf32, #tpu.memory_space<vmem_shared>>
        %dma_wait3A_1406 = arith.constant 0 : i32
        %dma_wait3A_1407 = tpu.memref_slice %arg9[%dma_wait3A_1406] : memref<16xf32, #tpu.memory_space<vmem>> -> memref<8xf32, #tpu.memory_space<vmem>>
        tpu.wait_dma2 semaphore(%run_scoped3A : memref<!tpu.dma_semaphore, #tpu.memory_space<semaphore_mem>>) src(%dma_wait3A_1407 : memref<8xf32, #tpu.memory_space<vmem>>) dst(%dma_wait3A_1405 : memref<8xf32, #tpu.memory_space<vmem_shared>>)
        tpu.yield
      }) : () -> ()
      %barrier3A = arith.constant 0 : index
      tpu.barrier barrier_id(%barrier3A)
      "tpu.region"() ({
        %run_scoped3A = tpu.sem_alloc : memref<!tpu.dma_semaphore, #tpu.memory_space<semaphore_mem>>
        %dma_start3A = arith.constant 0 : i32
        %dma_start3A_1394 = arith.constant 0 : i32
        %dma_start3A_1395 = tpu.memref_slice %arg12[%and3A_180, %dma_start3A, %dma_start3A_1394] : memref<2x8x16xf32, #tpu.memory_space<vmem_shared>> -> memref<1x8x16xf32, #tpu.memory_space<vmem_shared>>
        %dma_start3A_1396 = tpu.memref_squeeze %dma_start3A_1395 : memref<1x8x16xf32, #tpu.memory_space<vmem_shared>> -> memref<8x16xf32, #tpu.memory_space<vmem_shared>>
        %dma_start3A_1397 = arith.constant 0 : i32
        %dma_start3A_1398 = arith.constant 0 : i32
        %dma_start3A_1399 = tpu.memref_slice %arg12[%and3A_180, %dma_start3A_1397, %dma_start3A_1398] : memref<2x8x16xf32, #tpu.memory_space<vmem_shared>> -> memref<1x8x16xf32, #tpu.memory_space<vmem_shared>>
        %dma_start3A_1400 = tpu.memref_squeeze %dma_start3A_1399 : memref<1x8x16xf32, #tpu.memory_space<vmem_shared>> -> memref<8x16xf32, #tpu.memory_space<vmem_shared>>
        tpu.enqueue_dma source(%dma_start3A_1400 : memref<8x16xf32, #tpu.memory_space<vmem_shared>>) target(%arg10 : memref<8x16xf32, #tpu.memory_space<vmem>>) target_semaphore(%run_scoped3A : memref<!tpu.dma_semaphore, #tpu.memory_space<semaphore_mem>>)
        %dma_wait3A = arith.constant 0 : i32
        %dma_wait3A_1401 = arith.constant 0 : i32
        %dma_wait3A_1402 = tpu.memref_slice %arg12[%and3A_180, %dma_wait3A, %dma_wait3A_1401] : memref<2x8x16xf32, #tpu.memory_space<vmem_shared>> -> memref<1x8x16xf32, #tpu.memory_space<vmem_shared>>
        %dma_wait3A_1403 = tpu.memref_squeeze %dma_wait3A_1402 : memref<1x8x16xf32, #tpu.memory_space<vmem_shared>> -> memref<8x16xf32, #tpu.memory_space<vmem_shared>>
        %dma_wait3A_1404 = arith.constant 0 : i32
        %dma_wait3A_1405 = arith.constant 0 : i32
        %dma_wait3A_1406 = tpu.memref_slice %arg12[%and3A_180, %dma_wait3A_1404, %dma_wait3A_1405] : memref<2x8x16xf32, #tpu.memory_space<vmem_shared>> -> memref<1x8x16xf32, #tpu.memory_space<vmem_shared>>
        %dma_wait3A_1407 = tpu.memref_squeeze %dma_wait3A_1406 : memref<1x8x16xf32, #tpu.memory_space<vmem_shared>> -> memref<8x16xf32, #tpu.memory_space<vmem_shared>>
        tpu.wait_dma2 semaphore(%run_scoped3A : memref<!tpu.dma_semaphore, #tpu.memory_space<semaphore_mem>>) src(%dma_wait3A_1407 : memref<8x16xf32, #tpu.memory_space<vmem_shared>>) dst(%arg10 : memref<8x16xf32, #tpu.memory_space<vmem>>)
        tpu.yield
      }) : () -> ()
      %broadcast_in_dim3A_194 = arith.constant 0 : i32
      %broadcast_in_dim3A_195 = vector.broadcast %broadcast_in_dim3A_194 : i32 to vector<16xi32>
      %broadcast_in_dim3A_196 = arith.constant 1 : i32
      %broadcast_in_dim3A_197 = vector.broadcast %broadcast_in_dim3A_196 : i32 to vector<16xi32>
      %broadcast_in_dim3A_198 = arith.constant 8 : i32
      %broadcast_in_dim3A_199 = vector.broadcast %broadcast_in_dim3A_198 : i32 to vector<16xi32>
      %broadcast_in_dim3A_200 = arith.constant 0.000000e+00 : f32
      %broadcast_in_dim3A_201 = vector.broadcast %broadcast_in_dim3A_200 : f32 to vector<16xf32>
      %broadcast_in_dim3A_202 = arith.constant 0.000000e+00 : f32
      %broadcast_in_dim3A_203 = vector.broadcast %broadcast_in_dim3A_202 : f32 to vector<16xf32>
      %get3A_204 = arith.constant 0 : i32
      %get3A_205 = arith.index_cast %get3A_204 : i32 to index
      %get3A_206 = arith.constant 0 : index
      %get3A_207 = tpu.vector_load %arg10[%get3A_205, %get3A_206] {strides = array<i32>} : memref<8x16xf32, #tpu.memory_space<vmem>>, vector<1x16xf32>,
      %get3A_208 = vector.shape_cast %get3A_207 : vector<1x16xf32> to vector<16xf32>
      %eq3A = arith.constant 0 : i32
      %eq3A_209 = vector.broadcast %eq3A : i32 to vector<16xi32>
      %eq3A_210 = arith.cmpi eq, %iota3A, %eq3A_209 : vector<16xi32>
      %broadcast_in_dim3A_211 = vector.shape_cast %broadcast_in_dim3A_195 : vector<16xi32> to vector<16x1xi32>
      %gather3A = vector.shape_cast %broadcast_in_dim3A_211 : vector<16x1xi32> to vector<16xi32>
      %gather3A_212 = tpu.dynamic_gather %get3A_208[%gather3A] in [0] : vector<16xf32>, vector<16xi32> -> vector<16xf32>
      %select_n3A = arith.select %eq3A_210, %gather3A_212, %broadcast_in_dim3A_201 : vector<16xi1>, vector<16xf32>
      %eq3A_213 = arith.constant 1 : i32
      %eq3A_214 = vector.broadcast %eq3A_213 : i32 to vector<16xi32>
      %eq3A_215 = arith.cmpi eq, %iota3A, %eq3A_214 : vector<16xi32>
      %broadcast_in_dim3A_216 = vector.shape_cast %broadcast_in_dim3A_199 : vector<16xi32> to vector<16x1xi32>
      %gather3A_217 = vector.shape_cast %broadcast_in_dim3A_216 : vector<16x1xi32> to vector<16xi32>
      %gather3A_218 = tpu.dynamic_gather %get3A_208[%gather3A_217] in [0] : vector<16xf32>, vector<16xi32> -> vector<16xf32>
      %select_n3A_219 = arith.select %eq3A_215, %gather3A_218, %select_n3A : vector<16xi1>, vector<16xf32>
      %eq3A_220 = arith.constant 0 : i32
      %eq3A_221 = vector.broadcast %eq3A_220 : i32 to vector<16xi32>
      %eq3A_222 = arith.cmpi eq, %iota3A, %eq3A_221 : vector<16xi32>
      %broadcast_in_dim3A_223 = vector.shape_cast %broadcast_in_dim3A_197 : vector<16xi32> to vector<16x1xi32>
      %gather3A_224 = vector.shape_cast %broadcast_in_dim3A_223 : vector<16x1xi32> to vector<16xi32>
      %gather3A_225 = tpu.dynamic_gather %get3A_208[%gather3A_224] in [0] : vector<16xf32>, vector<16xi32> -> vector<16xf32>
      %select_n3A_226 = arith.select %eq3A_222, %gather3A_225, %broadcast_in_dim3A_203 : vector<16xi1>, vector<16xf32>
      %eq3A_227 = arith.constant 1 : i32
      %eq3A_228 = vector.broadcast %eq3A_227 : i32 to vector<16xi32>
      %eq3A_229 = arith.cmpi eq, %iota3A, %eq3A_228 : vector<16xi32>
      %add3A = arith.constant 1 : i32
      %add3A_230 = vector.broadcast %add3A : i32 to vector<16xi32>
      %add3A_231 = arith.addi %broadcast_in_dim3A_199, %add3A_230 : vector<16xi32>
      %broadcast_in_dim3A_232 = vector.shape_cast %add3A_231 : vector<16xi32> to vector<16x1xi32>
      %gather3A_233 = vector.shape_cast %broadcast_in_dim3A_232 : vector<16x1xi32> to vector<16xi32>
      %gather3A_234 = tpu.dynamic_gather %get3A_208[%gather3A_233] in [0] : vector<16xf32>, vector<16xi32> -> vector<16xf32>
      %select_n3A_235 = arith.select %eq3A_229, %gather3A_234, %select_n3A_226 : vector<16xi1>, vector<16xf32>
      %get3A_236 = arith.constant 1 : i32
      %get3A_237 = arith.index_cast %get3A_236 : i32 to index
      %get3A_238 = arith.constant 0 : index
      %get3A_239 = tpu.vector_load %arg10[%get3A_237, %get3A_238] {strides = array<i32>} : memref<8x16xf32, #tpu.memory_space<vmem>>, vector<1x16xf32>,
      %get3A_240 = vector.shape_cast %get3A_239 : vector<1x16xf32> to vector<16xf32>
      %eq3A_241 = arith.constant 2 : i32
      %eq3A_242 = vector.broadcast %eq3A_241 : i32 to vector<16xi32>
      %eq3A_243 = arith.cmpi eq, %iota3A, %eq3A_242 : vector<16xi32>
      %broadcast_in_dim3A_244 = vector.shape_cast %broadcast_in_dim3A_195 : vector<16xi32> to vector<16x1xi32>
      %gather3A_245 = vector.shape_cast %broadcast_in_dim3A_244 : vector<16x1xi32> to vector<16xi32>
      %gather3A_246 = tpu.dynamic_gather %get3A_240[%gather3A_245] in [0] : vector<16xf32>, vector<16xi32> -> vector<16xf32>
      %select_n3A_247 = arith.select %eq3A_243, %gather3A_246, %select_n3A_219 : vector<16xi1>, vector<16xf32>
      %eq3A_248 = arith.constant 3 : i32
      %eq3A_249 = vector.broadcast %eq3A_248 : i32 to vector<16xi32>
      %eq3A_250 = arith.cmpi eq, %iota3A, %eq3A_249 : vector<16xi32>
      %broadcast_in_dim3A_251 = vector.shape_cast %broadcast_in_dim3A_199 : vector<16xi32> to vector<16x1xi32>
      %gather3A_252 = vector.shape_cast %broadcast_in_dim3A_251 : vector<16x1xi32> to vector<16xi32>
      %gather3A_253 = tpu.dynamic_gather %get3A_240[%gather3A_252] in [0] : vector<16xf32>, vector<16xi32> -> vector<16xf32>
      %select_n3A_254 = arith.select %eq3A_250, %gather3A_253, %select_n3A_247 : vector<16xi1>, vector<16xf32>
      %eq3A_255 = arith.constant 2 : i32
      %eq3A_256 = vector.broadcast %eq3A_255 : i32 to vector<16xi32>
      %eq3A_257 = arith.cmpi eq, %iota3A, %eq3A_256 : vector<16xi32>
      %broadcast_in_dim3A_258 = vector.shape_cast %broadcast_in_dim3A_197 : vector<16xi32> to vector<16x1xi32>
      %gather3A_259 = vector.shape_cast %broadcast_in_dim3A_258 : vector<16x1xi32> to vector<16xi32>
      %gather3A_260 = tpu.dynamic_gather %get3A_240[%gather3A_259] in [0] : vector<16xf32>, vector<16xi32> -> vector<16xf32>
      %select_n3A_261 = arith.select %eq3A_257, %gather3A_260, %select_n3A_235 : vector<16xi1>, vector<16xf32>
      %eq3A_262 = arith.constant 3 : i32
      %eq3A_263 = vector.broadcast %eq3A_262 : i32 to vector<16xi32>
      %eq3A_264 = arith.cmpi eq, %iota3A, %eq3A_263 : vector<16xi32>
      %add3A_265 = arith.constant 1 : i32
      %add3A_266 = vector.broadcast %add3A_265 : i32 to vector<16xi32>
      %add3A_267 = arith.addi %broadcast_in_dim3A_199, %add3A_266 : vector<16xi32>
      %broadcast_in_dim3A_268 = vector.shape_cast %add3A_267 : vector<16xi32> to vector<16x1xi32>
      %gather3A_269 = vector.shape_cast %broadcast_in_dim3A_268 : vector<16x1xi32> to vector<16xi32>
      %gather3A_270 = tpu.dynamic_gather %get3A_240[%gather3A_269] in [0] : vector<16xf32>, vector<16xi32> -> vector<16xf32>
      %select_n3A_271 = arith.select %eq3A_264, %gather3A_270, %select_n3A_261 : vector<16xi1>, vector<16xf32>
      %get3A_272 = arith.constant 2 : i32
      %get3A_273 = arith.index_cast %get3A_272 : i32 to index
      %get3A_274 = arith.constant 0 : index
      %get3A_275 = tpu.vector_load %arg10[%get3A_273, %get3A_274] {strides = array<i32>} : memref<8x16xf32, #tpu.memory_space<vmem>>, vector<1x16xf32>,
      %get3A_276 = vector.shape_cast %get3A_275 : vector<1x16xf32> to vector<16xf32>
      %eq3A_277 = arith.constant 4 : i32
      %eq3A_278 = vector.broadcast %eq3A_277 : i32 to vector<16xi32>
      %eq3A_279 = arith.cmpi eq, %iota3A, %eq3A_278 : vector<16xi32>
      %broadcast_in_dim3A_280 = vector.shape_cast %broadcast_in_dim3A_195 : vector<16xi32> to vector<16x1xi32>
      %gather3A_281 = vector.shape_cast %broadcast_in_dim3A_280 : vector<16x1xi32> to vector<16xi32>
      %gather3A_282 = tpu.dynamic_gather %get3A_276[%gather3A_281] in [0] : vector<16xf32>, vector<16xi32> -> vector<16xf32>
      %select_n3A_283 = arith.select %eq3A_279, %gather3A_282, %select_n3A_254 : vector<16xi1>, vector<16xf32>
      %eq3A_284 = arith.constant 5 : i32
      %eq3A_285 = vector.broadcast %eq3A_284 : i32 to vector<16xi32>
      %eq3A_286 = arith.cmpi eq, %iota3A, %eq3A_285 : vector<16xi32>
      %broadcast_in_dim3A_287 = vector.shape_cast %broadcast_in_dim3A_199 : vector<16xi32> to vector<16x1xi32>
      %gather3A_288 = vector.shape_cast %broadcast_in_dim3A_287 : vector<16x1xi32> to vector<16xi32>
      %gather3A_289 = tpu.dynamic_gather %get3A_276[%gather3A_288] in [0] : vector<16xf32>, vector<16xi32> -> vector<16xf32>
      %select_n3A_290 = arith.select %eq3A_286, %gather3A_289, %select_n3A_283 : vector<16xi1>, vector<16xf32>
      %eq3A_291 = arith.constant 4 : i32
      %eq3A_292 = vector.broadcast %eq3A_291 : i32 to vector<16xi32>
      %eq3A_293 = arith.cmpi eq, %iota3A, %eq3A_292 : vector<16xi32>
      %broadcast_in_dim3A_294 = vector.shape_cast %broadcast_in_dim3A_197 : vector<16xi32> to vector<16x1xi32>
      %gather3A_295 = vector.shape_cast %broadcast_in_dim3A_294 : vector<16x1xi32> to vector<16xi32>
      %gather3A_296 = tpu.dynamic_gather %get3A_276[%gather3A_295] in [0] : vector<16xf32>, vector<16xi32> -> vector<16xf32>
      %select_n3A_297 = arith.select %eq3A_293, %gather3A_296, %select_n3A_271 : vector<16xi1>, vector<16xf32>
      %eq3A_298 = arith.constant 5 : i32
      %eq3A_299 = vector.broadcast %eq3A_298 : i32 to vector<16xi32>
      %eq3A_300 = arith.cmpi eq, %iota3A, %eq3A_299 : vector<16xi32>
      %add3A_301 = arith.constant 1 : i32
      %add3A_302 = vector.broadcast %add3A_301 : i32 to vector<16xi32>
      %add3A_303 = arith.addi %broadcast_in_dim3A_199, %add3A_302 : vector<16xi32>
      %broadcast_in_dim3A_304 = vector.shape_cast %add3A_303 : vector<16xi32> to vector<16x1xi32>
      %gather3A_305 = vector.shape_cast %broadcast_in_dim3A_304 : vector<16x1xi32> to vector<16xi32>
      %gather3A_306 = tpu.dynamic_gather %get3A_276[%gather3A_305] in [0] : vector<16xf32>, vector<16xi32> -> vector<16xf32>
      %select_n3A_307 = arith.select %eq3A_300, %gather3A_306, %select_n3A_297 : vector<16xi1>, vector<16xf32>
      %get3A_308 = arith.constant 3 : i32
      %get3A_309 = arith.index_cast %get3A_308 : i32 to index
      %get3A_310 = arith.constant 0 : index
      %get3A_311 = tpu.vector_load %arg10[%get3A_309, %get3A_310] {strides = array<i32>} : memref<8x16xf32, #tpu.memory_space<vmem>>, vector<1x16xf32>,
      %get3A_312 = vector.shape_cast %get3A_311 : vector<1x16xf32> to vector<16xf32>
      %eq3A_313 = arith.constant 6 : i32
      %eq3A_314 = vector.broadcast %eq3A_313 : i32 to vector<16xi32>
      %eq3A_315 = arith.cmpi eq, %iota3A, %eq3A_314 : vector<16xi32>
      %broadcast_in_dim3A_316 = vector.shape_cast %broadcast_in_dim3A_195 : vector<16xi32> to vector<16x1xi32>
      %gather3A_317 = vector.shape_cast %broadcast_in_dim3A_316 : vector<16x1xi32> to vector<16xi32>
      %gather3A_318 = tpu.dynamic_gather %get3A_312[%gather3A_317] in [0] : vector<16xf32>, vector<16xi32> -> vector<16xf32>
      %select_n3A_319 = arith.select %eq3A_315, %gather3A_318, %select_n3A_290 : vector<16xi1>, vector<16xf32>
      %eq3A_320 = arith.constant 7 : i32
      %eq3A_321 = vector.broadcast %eq3A_320 : i32 to vector<16xi32>
      %eq3A_322 = arith.cmpi eq, %iota3A, %eq3A_321 : vector<16xi32>
      %broadcast_in_dim3A_323 = vector.shape_cast %broadcast_in_dim3A_199 : vector<16xi32> to vector<16x1xi32>
      %gather3A_324 = vector.shape_cast %broadcast_in_dim3A_323 : vector<16x1xi32> to vector<16xi32>
      %gather3A_325 = tpu.dynamic_gather %get3A_312[%gather3A_324] in [0] : vector<16xf32>, vector<16xi32> -> vector<16xf32>
      %select_n3A_326 = arith.select %eq3A_322, %gather3A_325, %select_n3A_319 : vector<16xi1>, vector<16xf32>
      %eq3A_327 = arith.constant 6 : i32
      %eq3A_328 = vector.broadcast %eq3A_327 : i32 to vector<16xi32>
      %eq3A_329 = arith.cmpi eq, %iota3A, %eq3A_328 : vector<16xi32>
      %broadcast_in_dim3A_330 = vector.shape_cast %broadcast_in_dim3A_197 : vector<16xi32> to vector<16x1xi32>
      %gather3A_331 = vector.shape_cast %broadcast_in_dim3A_330 : vector<16x1xi32> to vector<16xi32>
      %gather3A_332 = tpu.dynamic_gather %get3A_312[%gather3A_331] in [0] : vector<16xf32>, vector<16xi32> -> vector<16xf32>
      %select_n3A_333 = arith.select %eq3A_329, %gather3A_332, %select_n3A_307 : vector<16xi1>, vector<16xf32>
      %eq3A_334 = arith.constant 7 : i32
      %eq3A_335 = vector.broadcast %eq3A_334 : i32 to vector<16xi32>
      %eq3A_336 = arith.cmpi eq, %iota3A, %eq3A_335 : vector<16xi32>
      %add3A_337 = arith.constant 1 : i32
      %add3A_338 = vector.broadcast %add3A_337 : i32 to vector<16xi32>
      %add3A_339 = arith.addi %broadcast_in_dim3A_199, %add3A_338 : vector<16xi32>
      %broadcast_in_dim3A_340 = vector.shape_cast %add3A_339 : vector<16xi32> to vector<16x1xi32>
      %gather3A_341 = vector.shape_cast %broadcast_in_dim3A_340 : vector<16x1xi32> to vector<16xi32>
      %gather3A_342 = tpu.dynamic_gather %get3A_312[%gather3A_341] in [0] : vector<16xf32>, vector<16xi32> -> vector<16xf32>
      %select_n3A_343 = arith.select %eq3A_336, %gather3A_342, %select_n3A_333 : vector<16xi1>, vector<16xf32>
      %get3A_344 = arith.constant 4 : i32
      %get3A_345 = arith.index_cast %get3A_344 : i32 to index
      %get3A_346 = arith.constant 0 : index
      %get3A_347 = tpu.vector_load %arg10[%get3A_345, %get3A_346] {strides = array<i32>} : memref<8x16xf32, #tpu.memory_space<vmem>>, vector<1x16xf32>,
      %get3A_348 = vector.shape_cast %get3A_347 : vector<1x16xf32> to vector<16xf32>
      %eq3A_349 = arith.constant 8 : i32
      %eq3A_350 = vector.broadcast %eq3A_349 : i32 to vector<16xi32>
      %eq3A_351 = arith.cmpi eq, %iota3A, %eq3A_350 : vector<16xi32>
      %broadcast_in_dim3A_352 = vector.shape_cast %broadcast_in_dim3A_195 : vector<16xi32> to vector<16x1xi32>
      %gather3A_353 = vector.shape_cast %broadcast_in_dim3A_352 : vector<16x1xi32> to vector<16xi32>
      %gather3A_354 = tpu.dynamic_gather %get3A_348[%gather3A_353] in [0] : vector<16xf32>, vector<16xi32> -> vector<16xf32>
      %select_n3A_355 = arith.select %eq3A_351, %gather3A_354, %select_n3A_326 : vector<16xi1>, vector<16xf32>
      %eq3A_356 = arith.constant 9 : i32
      %eq3A_357 = vector.broadcast %eq3A_356 : i32 to vector<16xi32>
      %eq3A_358 = arith.cmpi eq, %iota3A, %eq3A_357 : vector<16xi32>
      %broadcast_in_dim3A_359 = vector.shape_cast %broadcast_in_dim3A_199 : vector<16xi32> to vector<16x1xi32>
      %gather3A_360 = vector.shape_cast %broadcast_in_dim3A_359 : vector<16x1xi32> to vector<16xi32>
      %gather3A_361 = tpu.dynamic_gather %get3A_348[%gather3A_360] in [0] : vector<16xf32>, vector<16xi32> -> vector<16xf32>
      %select_n3A_362 = arith.select %eq3A_358, %gather3A_361, %select_n3A_355 : vector<16xi1>, vector<16xf32>
      %eq3A_363 = arith.constant 8 : i32
      %eq3A_364 = vector.broadcast %eq3A_363 : i32 to vector<16xi32>
      %eq3A_365 = arith.cmpi eq, %iota3A, %eq3A_364 : vector<16xi32>
      %broadcast_in_dim3A_366 = vector.shape_cast %broadcast_in_dim3A_197 : vector<16xi32> to vector<16x1xi32>
      %gather3A_367 = vector.shape_cast %broadcast_in_dim3A_366 : vector<16x1xi32> to vector<16xi32>
      %gather3A_368 = tpu.dynamic_gather %get3A_348[%gather3A_367] in [0] : vector<16xf32>, vector<16xi32> -> vector<16xf32>
      %select_n3A_369 = arith.select %eq3A_365, %gather3A_368, %select_n3A_343 : vector<16xi1>, vector<16xf32>
      %eq3A_370 = arith.constant 9 : i32
      %eq3A_371 = vector.broadcast %eq3A_370 : i32 to vector<16xi32>
      %eq3A_372 = arith.cmpi eq, %iota3A, %eq3A_371 : vector<16xi32>
      %add3A_373 = arith.constant 1 : i32
      %add3A_374 = vector.broadcast %add3A_373 : i32 to vector<16xi32>
      %add3A_375 = arith.addi %broadcast_in_dim3A_199, %add3A_374 : vector<16xi32>
      %broadcast_in_dim3A_376 = vector.shape_cast %add3A_375 : vector<16xi32> to vector<16x1xi32>
      %gather3A_377 = vector.shape_cast %broadcast_in_dim3A_376 : vector<16x1xi32> to vector<16xi32>
      %gather3A_378 = tpu.dynamic_gather %get3A_348[%gather3A_377] in [0] : vector<16xf32>, vector<16xi32> -> vector<16xf32>
      %select_n3A_379 = arith.select %eq3A_372, %gather3A_378, %select_n3A_369 : vector<16xi1>, vector<16xf32>
      %get3A_380 = arith.constant 5 : i32
      %get3A_381 = arith.index_cast %get3A_380 : i32 to index
      %get3A_382 = arith.constant 0 : index
      %get3A_383 = tpu.vector_load %arg10[%get3A_381, %get3A_382] {strides = array<i32>} : memref<8x16xf32, #tpu.memory_space<vmem>>, vector<1x16xf32>,
      %get3A_384 = vector.shape_cast %get3A_383 : vector<1x16xf32> to vector<16xf32>
      %eq3A_385 = arith.constant 10 : i32
      %eq3A_386 = vector.broadcast %eq3A_385 : i32 to vector<16xi32>
      %eq3A_387 = arith.cmpi eq, %iota3A, %eq3A_386 : vector<16xi32>
      %broadcast_in_dim3A_388 = vector.shape_cast %broadcast_in_dim3A_195 : vector<16xi32> to vector<16x1xi32>
      %gather3A_389 = vector.shape_cast %broadcast_in_dim3A_388 : vector<16x1xi32> to vector<16xi32>
      %gather3A_390 = tpu.dynamic_gather %get3A_384[%gather3A_389] in [0] : vector<16xf32>, vector<16xi32> -> vector<16xf32>
      %select_n3A_391 = arith.select %eq3A_387, %gather3A_390, %select_n3A_362 : vector<16xi1>, vector<16xf32>
      %eq3A_392 = arith.constant 11 : i32
      %eq3A_393 = vector.broadcast %eq3A_392 : i32 to vector<16xi32>
      %eq3A_394 = arith.cmpi eq, %iota3A, %eq3A_393 : vector<16xi32>
      %broadcast_in_dim3A_395 = vector.shape_cast %broadcast_in_dim3A_199 : vector<16xi32> to vector<16x1xi32>
      %gather3A_396 = vector.shape_cast %broadcast_in_dim3A_395 : vector<16x1xi32> to vector<16xi32>
      %gather3A_397 = tpu.dynamic_gather %get3A_384[%gather3A_396] in [0] : vector<16xf32>, vector<16xi32> -> vector<16xf32>
      %select_n3A_398 = arith.select %eq3A_394, %gather3A_397, %select_n3A_391 : vector<16xi1>, vector<16xf32>
      %eq3A_399 = arith.constant 10 : i32
      %eq3A_400 = vector.broadcast %eq3A_399 : i32 to vector<16xi32>
      %eq3A_401 = arith.cmpi eq, %iota3A, %eq3A_400 : vector<16xi32>
      %broadcast_in_dim3A_402 = vector.shape_cast %broadcast_in_dim3A_197 : vector<16xi32> to vector<16x1xi32>
      %gather3A_403 = vector.shape_cast %broadcast_in_dim3A_402 : vector<16x1xi32> to vector<16xi32>
      %gather3A_404 = tpu.dynamic_gather %get3A_384[%gather3A_403] in [0] : vector<16xf32>, vector<16xi32> -> vector<16xf32>
      %select_n3A_405 = arith.select %eq3A_401, %gather3A_404, %select_n3A_379 : vector<16xi1>, vector<16xf32>
      %eq3A_406 = arith.constant 11 : i32
      %eq3A_407 = vector.broadcast %eq3A_406 : i32 to vector<16xi32>
      %eq3A_408 = arith.cmpi eq, %iota3A, %eq3A_407 : vector<16xi32>
      %add3A_409 = arith.constant 1 : i32
      %add3A_410 = vector.broadcast %add3A_409 : i32 to vector<16xi32>
      %add3A_411 = arith.addi %broadcast_in_dim3A_199, %add3A_410 : vector<16xi32>
      %broadcast_in_dim3A_412 = vector.shape_cast %add3A_411 : vector<16xi32> to vector<16x1xi32>
      %gather3A_413 = vector.shape_cast %broadcast_in_dim3A_412 : vector<16x1xi32> to vector<16xi32>
      %gather3A_414 = tpu.dynamic_gather %get3A_384[%gather3A_413] in [0] : vector<16xf32>, vector<16xi32> -> vector<16xf32>
      %select_n3A_415 = arith.select %eq3A_408, %gather3A_414, %select_n3A_405 : vector<16xi1>, vector<16xf32>
      %get3A_416 = arith.constant 6 : i32
      %get3A_417 = arith.index_cast %get3A_416 : i32 to index
      %get3A_418 = arith.constant 0 : index
      %get3A_419 = tpu.vector_load %arg10[%get3A_417, %get3A_418] {strides = array<i32>} : memref<8x16xf32, #tpu.memory_space<vmem>>, vector<1x16xf32>,
      %get3A_420 = vector.shape_cast %get3A_419 : vector<1x16xf32> to vector<16xf32>
      %eq3A_421 = arith.constant 12 : i32
      %eq3A_422 = vector.broadcast %eq3A_421 : i32 to vector<16xi32>
      %eq3A_423 = arith.cmpi eq, %iota3A, %eq3A_422 : vector<16xi32>
      %broadcast_in_dim3A_424 = vector.shape_cast %broadcast_in_dim3A_195 : vector<16xi32> to vector<16x1xi32>
      %gather3A_425 = vector.shape_cast %broadcast_in_dim3A_424 : vector<16x1xi32> to vector<16xi32>
      %gather3A_426 = tpu.dynamic_gather %get3A_420[%gather3A_425] in [0] : vector<16xf32>, vector<16xi32> -> vector<16xf32>
      %select_n3A_427 = arith.select %eq3A_423, %gather3A_426, %select_n3A_398 : vector<16xi1>, vector<16xf32>
      %eq3A_428 = arith.constant 13 : i32
      %eq3A_429 = vector.broadcast %eq3A_428 : i32 to vector<16xi32>
      %eq3A_430 = arith.cmpi eq, %iota3A, %eq3A_429 : vector<16xi32>
      %broadcast_in_dim3A_431 = vector.shape_cast %broadcast_in_dim3A_199 : vector<16xi32> to vector<16x1xi32>
      %gather3A_432 = vector.shape_cast %broadcast_in_dim3A_431 : vector<16x1xi32> to vector<16xi32>
      %gather3A_433 = tpu.dynamic_gather %get3A_420[%gather3A_432] in [0] : vector<16xf32>, vector<16xi32> -> vector<16xf32>
      %select_n3A_434 = arith.select %eq3A_430, %gather3A_433, %select_n3A_427 : vector<16xi1>, vector<16xf32>
      %eq3A_435 = arith.constant 12 : i32
      %eq3A_436 = vector.broadcast %eq3A_435 : i32 to vector<16xi32>
      %eq3A_437 = arith.cmpi eq, %iota3A, %eq3A_436 : vector<16xi32>
      %broadcast_in_dim3A_438 = vector.shape_cast %broadcast_in_dim3A_197 : vector<16xi32> to vector<16x1xi32>
      %gather3A_439 = vector.shape_cast %broadcast_in_dim3A_438 : vector<16x1xi32> to vector<16xi32>
      %gather3A_440 = tpu.dynamic_gather %get3A_420[%gather3A_439] in [0] : vector<16xf32>, vector<16xi32> -> vector<16xf32>
      %select_n3A_441 = arith.select %eq3A_437, %gather3A_440, %select_n3A_415 : vector<16xi1>, vector<16xf32>
      %eq3A_442 = arith.constant 13 : i32
      %eq3A_443 = vector.broadcast %eq3A_442 : i32 to vector<16xi32>
      %eq3A_444 = arith.cmpi eq, %iota3A, %eq3A_443 : vector<16xi32>
      %add3A_445 = arith.constant 1 : i32
      %add3A_446 = vector.broadcast %add3A_445 : i32 to vector<16xi32>
      %add3A_447 = arith.addi %broadcast_in_dim3A_199, %add3A_446 : vector<16xi32>
      %broadcast_in_dim3A_448 = vector.shape_cast %add3A_447 : vector<16xi32> to vector<16x1xi32>
      %gather3A_449 = vector.shape_cast %broadcast_in_dim3A_448 : vector<16x1xi32> to vector<16xi32>
      %gather3A_450 = tpu.dynamic_gather %get3A_420[%gather3A_449] in [0] : vector<16xf32>, vector<16xi32> -> vector<16xf32>
      %select_n3A_451 = arith.select %eq3A_444, %gather3A_450, %select_n3A_441 : vector<16xi1>, vector<16xf32>
      %get3A_452 = arith.constant 7 : i32
      %get3A_453 = arith.index_cast %get3A_452 : i32 to index
      %get3A_454 = arith.constant 0 : index
      %get3A_455 = tpu.vector_load %arg10[%get3A_453, %get3A_454] {strides = array<i32>} : memref<8x16xf32, #tpu.memory_space<vmem>>, vector<1x16xf32>,
      %get3A_456 = vector.shape_cast %get3A_455 : vector<1x16xf32> to vector<16xf32>
      %eq3A_457 = arith.constant 14 : i32
      %eq3A_458 = vector.broadcast %eq3A_457 : i32 to vector<16xi32>
      %eq3A_459 = arith.cmpi eq, %iota3A, %eq3A_458 : vector<16xi32>
      %broadcast_in_dim3A_460 = vector.shape_cast %broadcast_in_dim3A_195 : vector<16xi32> to vector<16x1xi32>
      %gather3A_461 = vector.shape_cast %broadcast_in_dim3A_460 : vector<16x1xi32> to vector<16xi32>
      %gather3A_462 = tpu.dynamic_gather %get3A_456[%gather3A_461] in [0] : vector<16xf32>, vector<16xi32> -> vector<16xf32>
      %select_n3A_463 = arith.select %eq3A_459, %gather3A_462, %select_n3A_434 : vector<16xi1>, vector<16xf32>
      %eq3A_464 = arith.constant 15 : i32
      %eq3A_465 = vector.broadcast %eq3A_464 : i32 to vector<16xi32>
      %eq3A_466 = arith.cmpi eq, %iota3A, %eq3A_465 : vector<16xi32>
      %broadcast_in_dim3A_467 = vector.shape_cast %broadcast_in_dim3A_199 : vector<16xi32> to vector<16x1xi32>
      %gather3A_468 = vector.shape_cast %broadcast_in_dim3A_467 : vector<16x1xi32> to vector<16xi32>
      %gather3A_469 = tpu.dynamic_gather %get3A_456[%gather3A_468] in [0] : vector<16xf32>, vector<16xi32> -> vector<16xf32>
      %select_n3A_470 = arith.select %eq3A_466, %gather3A_469, %select_n3A_463 : vector<16xi1>, vector<16xf32>
      %eq3A_471 = arith.constant 14 : i32
      %eq3A_472 = vector.broadcast %eq3A_471 : i32 to vector<16xi32>
      %eq3A_473 = arith.cmpi eq, %iota3A, %eq3A_472 : vector<16xi32>
      %broadcast_in_dim3A_474 = vector.shape_cast %broadcast_in_dim3A_197 : vector<16xi32> to vector<16x1xi32>
      %gather3A_475 = vector.shape_cast %broadcast_in_dim3A_474 : vector<16x1xi32> to vector<16xi32>
      %gather3A_476 = tpu.dynamic_gather %get3A_456[%gather3A_475] in [0] : vector<16xf32>, vector<16xi32> -> vector<16xf32>
      %select_n3A_477 = arith.select %eq3A_473, %gather3A_476, %select_n3A_451 : vector<16xi1>, vector<16xf32>
      %eq3A_478 = arith.constant 15 : i32
      %eq3A_479 = vector.broadcast %eq3A_478 : i32 to vector<16xi32>
      %eq3A_480 = arith.cmpi eq, %iota3A, %eq3A_479 : vector<16xi32>
      %add3A_481 = arith.constant 1 : i32
      %add3A_482 = vector.broadcast %add3A_481 : i32 to vector<16xi32>
      %add3A_483 = arith.addi %broadcast_in_dim3A_199, %add3A_482 : vector<16xi32>
      %broadcast_in_dim3A_484 = vector.shape_cast %add3A_483 : vector<16xi32> to vector<16x1xi32>
      %gather3A_485 = vector.shape_cast %broadcast_in_dim3A_484 : vector<16x1xi32> to vector<16xi32>
      %gather3A_486 = tpu.dynamic_gather %get3A_456[%gather3A_485] in [0] : vector<16xf32>, vector<16xi32> -> vector<16xf32>
      %select_n3A_487 = arith.select %eq3A_480, %gather3A_486, %select_n3A_477 : vector<16xi1>, vector<16xf32>
      %xor3A = arith.constant 8 : i32
      %xor3A_488 = vector.broadcast %xor3A : i32 to vector<16xi32>
      %xor3A_489 = arith.xori %iota3A, %xor3A_488 : vector<16xi32>
      %broadcast_in_dim3A_490 = vector.shape_cast %xor3A_489 : vector<16xi32> to vector<16x1xi32>
      %gather3A_491 = vector.shape_cast %broadcast_in_dim3A_490 : vector<16x1xi32> to vector<16xi32>
      %gather3A_492 = tpu.dynamic_gather %select_n3A_470[%gather3A_491] in [0] : vector<16xf32>, vector<16xi32> -> vector<16xf32>
      %max3A = arith.maximumf %select_n3A_470, %gather3A_492 : vector<16xf32>
      %xor3A_493 = arith.constant 4 : i32
      %xor3A_494 = vector.broadcast %xor3A_493 : i32 to vector<16xi32>
      %xor3A_495 = arith.xori %iota3A, %xor3A_494 : vector<16xi32>
      %broadcast_in_dim3A_496 = vector.shape_cast %xor3A_495 : vector<16xi32> to vector<16x1xi32>
      %gather3A_497 = vector.shape_cast %broadcast_in_dim3A_496 : vector<16x1xi32> to vector<16xi32>
      %gather3A_498 = tpu.dynamic_gather %max3A[%gather3A_497] in [0] : vector<16xf32>, vector<16xi32> -> vector<16xf32>
      %max3A_499 = arith.maximumf %max3A, %gather3A_498 : vector<16xf32>
      %xor3A_500 = arith.constant 2 : i32
      %xor3A_501 = vector.broadcast %xor3A_500 : i32 to vector<16xi32>
      %xor3A_502 = arith.xori %iota3A, %xor3A_501 : vector<16xi32>
      %broadcast_in_dim3A_503 = vector.shape_cast %xor3A_502 : vector<16xi32> to vector<16x1xi32>
      %gather3A_504 = vector.shape_cast %broadcast_in_dim3A_503 : vector<16x1xi32> to vector<16xi32>
      %gather3A_505 = tpu.dynamic_gather %max3A_499[%gather3A_504] in [0] : vector<16xf32>, vector<16xi32> -> vector<16xf32>
      %max3A_506 = arith.maximumf %max3A_499, %gather3A_505 : vector<16xf32>
      %xor3A_507 = arith.constant 1 : i32
      %xor3A_508 = vector.broadcast %xor3A_507 : i32 to vector<16xi32>
      %xor3A_509 = arith.xori %iota3A, %xor3A_508 : vector<16xi32>
      %broadcast_in_dim3A_510 = vector.shape_cast %xor3A_509 : vector<16xi32> to vector<16x1xi32>
      %gather3A_511 = vector.shape_cast %broadcast_in_dim3A_510 : vector<16x1xi32> to vector<16xi32>
      %gather3A_512 = tpu.dynamic_gather %max3A_506[%gather3A_511] in [0] : vector<16xf32>, vector<16xi32> -> vector<16xf32>
      %max3A_513 = arith.maximumf %max3A_506, %gather3A_512 : vector<16xf32>
      %eq3A_514 = arith.cmpf oeq, %select_n3A_470, %max3A_513 : vector<16xf32>
      %jit3A = arith.constant 1.000000e+09 : f32
      %broadcast_in_dim3A_515 = vector.broadcast %jit3A : f32 to vector<16xf32>
      %select_n3A_516 = arith.select %eq3A_514, %select_n3A_487, %broadcast_in_dim3A_515 : vector<16xi1>, vector<16xf32>
      %xor3A_517 = arith.constant 8 : i32
      %xor3A_518 = vector.broadcast %xor3A_517 : i32 to vector<16xi32>
      %xor3A_519 = arith.xori %iota3A, %xor3A_518 : vector<16xi32>
      %broadcast_in_dim3A_520 = vector.shape_cast %xor3A_519 : vector<16xi32> to vector<16x1xi32>
      %gather3A_521 = vector.shape_cast %broadcast_in_dim3A_520 : vector<16x1xi32> to vector<16xi32>
      %gather3A_522 = tpu.dynamic_gather %select_n3A_516[%gather3A_521] in [0] : vector<16xf32>, vector<16xi32> -> vector<16xf32>
      %min3A = arith.minimumf %select_n3A_516, %gather3A_522 : vector<16xf32>
      %xor3A_523 = arith.constant 4 : i32
      %xor3A_524 = vector.broadcast %xor3A_523 : i32 to vector<16xi32>
      %xor3A_525 = arith.xori %iota3A, %xor3A_524 : vector<16xi32>
      %broadcast_in_dim3A_526 = vector.shape_cast %xor3A_525 : vector<16xi32> to vector<16x1xi32>
      %gather3A_527 = vector.shape_cast %broadcast_in_dim3A_526 : vector<16x1xi32> to vector<16xi32>
      %gather3A_528 = tpu.dynamic_gather %min3A[%gather3A_527] in [0] : vector<16xf32>, vector<16xi32> -> vector<16xf32>
      %min3A_529 = arith.minimumf %min3A, %gather3A_528 : vector<16xf32>
      %xor3A_530 = arith.constant 2 : i32
      %xor3A_531 = vector.broadcast %xor3A_530 : i32 to vector<16xi32>
      %xor3A_532 = arith.xori %iota3A, %xor3A_531 : vector<16xi32>
      %broadcast_in_dim3A_533 = vector.shape_cast %xor3A_532 : vector<16xi32> to vector<16x1xi32>
      %gather3A_534 = vector.shape_cast %broadcast_in_dim3A_533 : vector<16x1xi32> to vector<16xi32>
      %gather3A_535 = tpu.dynamic_gather %min3A_529[%gather3A_534] in [0] : vector<16xf32>, vector<16xi32> -> vector<16xf32>
      %min3A_536 = arith.minimumf %min3A_529, %gather3A_535 : vector<16xf32>
      %xor3A_537 = arith.constant 1 : i32
      %xor3A_538 = vector.broadcast %xor3A_537 : i32 to vector<16xi32>
      %xor3A_539 = arith.xori %iota3A, %xor3A_538 : vector<16xi32>
      %broadcast_in_dim3A_540 = vector.shape_cast %xor3A_539 : vector<16xi32> to vector<16x1xi32>
      %gather3A_541 = vector.shape_cast %broadcast_in_dim3A_540 : vector<16x1xi32> to vector<16xi32>
      %gather3A_542 = tpu.dynamic_gather %min3A_536[%gather3A_541] in [0] : vector<16xf32>, vector<16xi32> -> vector<16xf32>
      %min3A_543 = arith.minimumf %min3A_536, %gather3A_542 : vector<16xf32>
      %eq3A_544 = arith.cmpf oeq, %select_n3A_487, %min3A_543 : vector<16xf32>
      %and3A_545 = arith.andi %eq3A_514, %eq3A_544 : vector<16xi1>
      %jit3A_546 = arith.constant 6.400000e+01 : f32
      %broadcast_in_dim3A_547 = vector.broadcast %jit3A_546 : f32 to vector<16xf32>
      %select_n3A_548 = arith.select %and3A_545, %convert_element_type3A, %broadcast_in_dim3A_547 : vector<16xi1>, vector<16xf32>
      %xor3A_549 = arith.constant 8 : i32
      %xor3A_550 = vector.broadcast %xor3A_549 : i32 to vector<16xi32>
      %xor3A_551 = arith.xori %iota3A, %xor3A_550 : vector<16xi32>
      %broadcast_in_dim3A_552 = vector.shape_cast %xor3A_551 : vector<16xi32> to vector<16x1xi32>
      %gather3A_553 = vector.shape_cast %broadcast_in_dim3A_552 : vector<16x1xi32> to vector<16xi32>
      %gather3A_554 = tpu.dynamic_gather %select_n3A_548[%gather3A_553] in [0] : vector<16xf32>, vector<16xi32> -> vector<16xf32>
      %min3A_555 = arith.minimumf %select_n3A_548, %gather3A_554 : vector<16xf32>
      %xor3A_556 = arith.constant 4 : i32
      %xor3A_557 = vector.broadcast %xor3A_556 : i32 to vector<16xi32>
      %xor3A_558 = arith.xori %iota3A, %xor3A_557 : vector<16xi32>
      %broadcast_in_dim3A_559 = vector.shape_cast %xor3A_558 : vector<16xi32> to vector<16x1xi32>
      %gather3A_560 = vector.shape_cast %broadcast_in_dim3A_559 : vector<16x1xi32> to vector<16xi32>
      %gather3A_561 = tpu.dynamic_gather %min3A_555[%gather3A_560] in [0] : vector<16xf32>, vector<16xi32> -> vector<16xf32>
      %min3A_562 = arith.minimumf %min3A_555, %gather3A_561 : vector<16xf32>
      %xor3A_563 = arith.constant 2 : i32
      %xor3A_564 = vector.broadcast %xor3A_563 : i32 to vector<16xi32>
      %xor3A_565 = arith.xori %iota3A, %xor3A_564 : vector<16xi32>
      %broadcast_in_dim3A_566 = vector.shape_cast %xor3A_565 : vector<16xi32> to vector<16x1xi32>
      %gather3A_567 = vector.shape_cast %broadcast_in_dim3A_566 : vector<16x1xi32> to vector<16xi32>
      %gather3A_568 = tpu.dynamic_gather %min3A_562[%gather3A_567] in [0] : vector<16xf32>, vector<16xi32> -> vector<16xf32>
      %min3A_569 = arith.minimumf %min3A_562, %gather3A_568 : vector<16xf32>
      %slice3A_570 = vector.extract_strided_slice %min3A_569 {offsets = [0], sizes = [1], strides = [1]} : vector<16xf32> to vector<1xf32>
      %squeeze3A_571 = vector.extract %slice3A_570[0] : f32 from vector<1xf32>
      %slice3A_572 = vector.extract_strided_slice %min3A_569 {offsets = [1], sizes = [1], strides = [1]} : vector<16xf32> to vector<1xf32>
      %squeeze3A_573 = vector.extract %slice3A_572[0] : f32 from vector<1xf32>
      %min3A_574 = arith.minimumf %squeeze3A_571, %squeeze3A_573 : f32
      %convert_element_type3A_575 = arith.fptosi %min3A_574 : f32 to i32
      %shift_right_arithmetic3A_576 = arith.constant 1 : i32
      %shift_right_arithmetic3A_577 = arith.shrsi %convert_element_type3A_575, %shift_right_arithmetic3A_576 : i32
      %get3A_578 = arith.index_cast %shift_right_arithmetic3A_577 : i32 to index
      %get3A_579 = arith.constant 0 : index
      %get3A_580 = tpu.vector_load %arg10[%get3A_578, %get3A_579] {strides = array<i32>} : memref<8x16xf32, #tpu.memory_space<vmem>>, vector<1x16xf32>,
      %get3A_581 = vector.shape_cast %get3A_580 : vector<1x16xf32> to vector<16xf32>
      %and3A_582 = arith.constant 1 : i32
      %and3A_583 = arith.andi %convert_element_type3A_575, %and3A_582 : i32
      %mul3A_584 = arith.constant 8 : i32
      %mul3A_585 = arith.muli %and3A_583, %mul3A_584 : i32
      %broadcast_in_dim3A_586 = vector.broadcast %mul3A_585 : i32 to vector<16xi32>
      %add3A_587 = arith.constant 1 : i32
      %add3A_588 = vector.broadcast %add3A_587 : i32 to vector<16xi32>
      %add3A_589 = arith.addi %broadcast_in_dim3A_586, %add3A_588 : vector<16xi32>
      %broadcast_in_dim3A_590 = vector.shape_cast %add3A_589 : vector<16xi32> to vector<16x1xi32>
      %gather3A_591 = vector.shape_cast %broadcast_in_dim3A_590 : vector<16x1xi32> to vector<16xi32>
      %gather3A_592 = tpu.dynamic_gather %get3A_581[%gather3A_591] in [0] : vector<16xf32>, vector<16xi32> -> vector<16xf32>
      %add3A_593 = arith.constant 2 : i32
      %add3A_594 = vector.broadcast %add3A_593 : i32 to vector<16xi32>
      %add3A_595 = arith.addi %broadcast_in_dim3A_586, %add3A_594 : vector<16xi32>
      %broadcast_in_dim3A_596 = vector.shape_cast %add3A_595 : vector<16xi32> to vector<16x1xi32>
      %gather3A_597 = vector.shape_cast %broadcast_in_dim3A_596 : vector<16x1xi32> to vector<16xi32>
      %gather3A_598 = tpu.dynamic_gather %get3A_581[%gather3A_597] in [0] : vector<16xf32>, vector<16xi32> -> vector<16xf32>
      %eq3A_599 = arith.constant 0 : i32
      %eq3A_600 = vector.broadcast %eq3A_599 : i32 to vector<16xi32>
      %eq3A_601 = arith.cmpi eq, %iota3A, %eq3A_600 : vector<16xi32>
      %broadcast_in_dim3A_602 = arith.constant 0.000000e+00 : f32
      %broadcast_in_dim3A_603 = vector.broadcast %broadcast_in_dim3A_602 : f32 to vector<16xf32>
      %select_n3A_604 = arith.select %eq3A_601, %gather3A_598, %broadcast_in_dim3A_603 : vector<16xi1>, vector<16xf32>
      %slice3A_605 = vector.extract_strided_slice %select_n3A_604 {offsets = [0], sizes = [1], strides = [1]} : vector<16xf32> to vector<1xf32>
      %squeeze3A_606 = vector.extract %slice3A_605[0] : f32 from vector<1xf32>
      %convert_element_type3A_607 = arith.fptosi %squeeze3A_606 : f32 to i32
      %add3A_608 = arith.constant 3 : i32
      %add3A_609 = vector.broadcast %add3A_608 : i32 to vector<16xi32>
      %add3A_610 = arith.addi %broadcast_in_dim3A_586, %add3A_609 : vector<16xi32>
      %broadcast_in_dim3A_611 = vector.shape_cast %add3A_610 : vector<16xi32> to vector<16x1xi32>
      %gather3A_612 = vector.shape_cast %broadcast_in_dim3A_611 : vector<16x1xi32> to vector<16xi32>
      %gather3A_613 = tpu.dynamic_gather %get3A_581[%gather3A_612] in [0] : vector<16xf32>, vector<16xi32> -> vector<16xf32>
      %add3A_614 = arith.constant 4 : i32
      %add3A_615 = vector.broadcast %add3A_614 : i32 to vector<16xi32>
      %add3A_616 = arith.addi %broadcast_in_dim3A_586, %add3A_615 : vector<16xi32>
      %broadcast_in_dim3A_617 = vector.shape_cast %add3A_616 : vector<16xi32> to vector<16x1xi32>
      %gather3A_618 = vector.shape_cast %broadcast_in_dim3A_617 : vector<16x1xi32> to vector<16xi32>
      %gather3A_619 = tpu.dynamic_gather %get3A_581[%gather3A_618] in [0] : vector<16xf32>, vector<16xi32> -> vector<16xf32>
      %add3A_620 = arith.constant 5 : i32
      %add3A_621 = vector.broadcast %add3A_620 : i32 to vector<16xi32>
      %add3A_622 = arith.addi %broadcast_in_dim3A_586, %add3A_621 : vector<16xi32>
      %broadcast_in_dim3A_623 = vector.shape_cast %add3A_622 : vector<16xi32> to vector<16x1xi32>
      %gather3A_624 = vector.shape_cast %broadcast_in_dim3A_623 : vector<16x1xi32> to vector<16xi32>
      %gather3A_625 = tpu.dynamic_gather %get3A_581[%gather3A_624] in [0] : vector<16xf32>, vector<16xi32> -> vector<16xf32>
      %add3A_626 = arith.constant 6 : i32
      %add3A_627 = vector.broadcast %add3A_626 : i32 to vector<16xi32>
      %add3A_628 = arith.addi %broadcast_in_dim3A_586, %add3A_627 : vector<16xi32>
      %broadcast_in_dim3A_629 = vector.shape_cast %add3A_628 : vector<16xi32> to vector<16x1xi32>
      %gather3A_630 = vector.shape_cast %broadcast_in_dim3A_629 : vector<16x1xi32> to vector<16xi32>
      %gather3A_631 = tpu.dynamic_gather %get3A_581[%gather3A_630] in [0] : vector<16xf32>, vector<16xi32> -> vector<16xf32>
      %add3A_632 = arith.constant 7 : i32
      %add3A_633 = vector.broadcast %add3A_632 : i32 to vector<16xi32>
      %add3A_634 = arith.addi %broadcast_in_dim3A_586, %add3A_633 : vector<16xi32>
      %broadcast_in_dim3A_635 = vector.shape_cast %add3A_634 : vector<16xi32> to vector<16x1xi32>
      %gather3A_636 = vector.shape_cast %broadcast_in_dim3A_635 : vector<16x1xi32> to vector<16xi32>
      %gather3A_637 = tpu.dynamic_gather %get3A_581[%gather3A_636] in [0] : vector<16xf32>, vector<16xi32> -> vector<16xf32>
      %mul3A_638 = arith.constant 4 : i32
      %mul3A_639 = arith.muli %convert_element_type3A_607, %mul3A_638 : i32
      %add3A_640 = arith.constant 0 : i32
      %add3A_641 = arith.addi %mul3A_639, %add3A_640 : i32
      %get3A_642 = arith.index_cast %add3A_641 : i32 to index
      %get3A_643 = arith.constant 0 : index
      %get3A_644 = tpu.vector_load %arg4[%get3A_642, %get3A_643] {strides = array<i32>} : memref<1232x16xf32, #tpu.memory_space<vmem>>, vector<1x16xf32>,
      %get3A_645 = vector.shape_cast %get3A_644 : vector<1x16xf32> to vector<16xf32>
      %add3A_646 = arith.constant 51 : i32
      %add3A_647 = arith.addi %add3A_646, %convert_element_type3A_607 : i32
      %mul3A_648 = arith.constant 4 : i32
      %mul3A_649 = arith.muli %add3A_647, %mul3A_648 : i32
      %add3A_650 = arith.constant 0 : i32
      %add3A_651 = arith.addi %mul3A_649, %add3A_650 : i32
      %get3A_652 = arith.index_cast %add3A_651 : i32 to index
      %get3A_653 = arith.constant 0 : index
      %get3A_654 = tpu.vector_load %arg4[%get3A_652, %get3A_653] {strides = array<i32>} : memref<1232x16xf32, #tpu.memory_space<vmem>>, vector<1x16xf32>,
      %get3A_655 = vector.shape_cast %get3A_654 : vector<1x16xf32> to vector<16xf32>
      %add3A_656 = arith.constant 102 : i32
      %add3A_657 = arith.addi %add3A_656, %convert_element_type3A_607 : i32
      %mul3A_658 = arith.constant 4 : i32
      %mul3A_659 = arith.muli %add3A_657, %mul3A_658 : i32
      %add3A_660 = arith.constant 0 : i32
      %add3A_661 = arith.addi %mul3A_659, %add3A_660 : i32
      %get3A_662 = arith.index_cast %add3A_661 : i32 to index
      %get3A_663 = arith.constant 0 : index
      %get3A_664 = tpu.vector_load %arg4[%get3A_662, %get3A_663] {strides = array<i32>} : memref<1232x16xf32, #tpu.memory_space<vmem>>, vector<1x16xf32>,
      %get3A_665 = vector.shape_cast %get3A_664 : vector<1x16xf32> to vector<16xf32>
      %add3A_666 = arith.constant 153 : i32
      %add3A_667 = arith.addi %add3A_666, %convert_element_type3A_607 : i32
      %mul3A_668 = arith.constant 4 : i32
      %mul3A_669 = arith.muli %add3A_667, %mul3A_668 : i32
      %add3A_670 = arith.constant 0 : i32
      %add3A_671 = arith.addi %mul3A_669, %add3A_670 : i32
      %get3A_672 = arith.index_cast %add3A_671 : i32 to index
      %get3A_673 = arith.constant 0 : index
      %get3A_674 = tpu.vector_load %arg4[%get3A_672, %get3A_673] {strides = array<i32>} : memref<1232x16xf32, #tpu.memory_space<vmem>>, vector<1x16xf32>,
      %get3A_675 = vector.shape_cast %get3A_674 : vector<1x16xf32> to vector<16xf32>
      %add3A_676 = arith.constant 204 : i32
      %add3A_677 = arith.addi %add3A_676, %convert_element_type3A_607 : i32
      %mul3A_678 = arith.constant 4 : i32
      %mul3A_679 = arith.muli %add3A_677, %mul3A_678 : i32
      %add3A_680 = arith.constant 0 : i32
      %add3A_681 = arith.addi %mul3A_679, %add3A_680 : i32
      %get3A_682 = arith.index_cast %add3A_681 : i32 to index
      %get3A_683 = arith.constant 0 : index
      %get3A_684 = tpu.vector_load %arg4[%get3A_682, %get3A_683] {strides = array<i32>} : memref<1232x16xf32, #tpu.memory_space<vmem>>, vector<1x16xf32>,
      %get3A_685 = vector.shape_cast %get3A_684 : vector<1x16xf32> to vector<16xf32>
      %add3A_686 = arith.constant 255 : i32
      %add3A_687 = arith.addi %add3A_686, %convert_element_type3A_607 : i32
      %mul3A_688 = arith.constant 4 : i32
      %mul3A_689 = arith.muli %add3A_687, %mul3A_688 : i32
      %add3A_690 = arith.constant 0 : i32
      %add3A_691 = arith.addi %mul3A_689, %add3A_690 : i32
      %get3A_692 = arith.index_cast %add3A_691 : i32 to index
      %get3A_693 = arith.constant 0 : index
      %get3A_694 = tpu.vector_load %arg4[%get3A_692, %get3A_693] {strides = array<i32>} : memref<1232x16xf32, #tpu.memory_space<vmem>>, vector<1x16xf32>,
      %get3A_695 = vector.shape_cast %get3A_694 : vector<1x16xf32> to vector<16xf32>
      %min3A_696 = arith.minimumf %gather3A_625, %get3A_675 : vector<16xf32>
      %max3A_697 = arith.maximumf %gather3A_613, %get3A_655 : vector<16xf32>
      %sub3A = arith.subf %min3A_696, %max3A_697 : vector<16xf32>
      %add3A_698 = arith.constant 1.000000e+00 : f32
      %add3A_699 = vector.broadcast %add3A_698 : f32 to vector<16xf32>
      %add3A_700 = arith.addf %sub3A, %add3A_699 : vector<16xf32>
      %max3A_701 = arith.constant 0.000000e+00 : f32
      %max3A_702 = vector.broadcast %max3A_701 : f32 to vector<16xf32>
      %max3A_703 = arith.maximumf %add3A_700, %max3A_702 : vector<16xf32>
      %min3A_704 = arith.minimumf %gather3A_631, %get3A_685 : vector<16xf32>
      %max3A_705 = arith.maximumf %gather3A_619, %get3A_665 : vector<16xf32>
      %sub3A_706 = arith.subf %min3A_704, %max3A_705 : vector<16xf32>
      %add3A_707 = arith.constant 1.000000e+00 : f32
      %add3A_708 = vector.broadcast %add3A_707 : f32 to vector<16xf32>
      %add3A_709 = arith.addf %sub3A_706, %add3A_708 : vector<16xf32>
      %max3A_710 = arith.constant 0.000000e+00 : f32
      %max3A_711 = vector.broadcast %max3A_710 : f32 to vector<16xf32>
      %max3A_712 = arith.maximumf %add3A_709, %max3A_711 : vector<16xf32>
      %mul3A_713 = arith.mulf %max3A_703, %max3A_712 : vector<16xf32>
      %neg3A = arith.constant 0.000000e+00 : f32
      %neg3A_714 = vector.broadcast %neg3A : f32 to vector<16xf32>
      %neg3A_715 = arith.subf %neg3A_714, %mul3A_713 : vector<16xf32>
      %add3A_716 = arith.addf %neg3A_715, %get3A_695 : vector<16xf32>
      %add3A_717 = arith.addf %add3A_716, %gather3A_637 : vector<16xf32>
      %div3A = arith.divf %mul3A_713, %add3A_717 : vector<16xf32>
      %ge3A = arith.constant 5.000000e-01 : f32
      %ge3A_718 = vector.broadcast %ge3A : f32 to vector<16xf32>
      %ge3A_719 = arith.cmpf oge, %div3A, %ge3A_718 : vector<16xf32>
      %jit3A_720 = arith.constant 0.000000e+00 : f32
      %broadcast_in_dim3A_721 = vector.broadcast %jit3A_720 : f32 to vector<16xf32>
      %select_n3A_722 = arith.select %ge3A_719, %broadcast_in_dim3A_721, %get3A_645 : vector<16xi1>, vector<16xf32>
      %mul3A_723 = arith.constant 4 : i32
      %mul3A_724 = arith.muli %convert_element_type3A_607, %mul3A_723 : i32
      %add3A_725 = arith.constant 0 : i32
      %add3A_726 = arith.addi %mul3A_724, %add3A_725 : i32
      %swap3A_727 = arith.index_cast %add3A_726 : i32 to index
      %swap3A_728 = arith.constant 0 : index
      %swap3A_729 = tpu.vector_load %arg4[%swap3A_727, %swap3A_728] {strides = array<i32>} : memref<1232x16xf32, #tpu.memory_space<vmem>>, vector<1x16xf32>,
      %swap3A_730 = vector.shape_cast %swap3A_729 : vector<1x16xf32> to vector<16xf32>
      %swap3A_731 = vector.shape_cast %select_n3A_722 : vector<16xf32> to vector<1x16xf32>
      tpu.vector_store %arg4[%swap3A_727, %swap3A_728], %swap3A_731 {strides = array<i32>} : memref<1232x16xf32, #tpu.memory_space<vmem>>, vector<1x16xf32>,
      %get3A_732 = arith.constant 0 : i32
      %get3A_733 = arith.index_cast %get3A_732 : i32 to index
      %get3A_734 = arith.constant 0 : index
      %get3A_735 = tpu.vector_load %arg5[%get3A_733, %get3A_734] {strides = array<i32>} : memref<4x16xf32, #tpu.memory_space<vmem>>, vector<1x16xf32>,
      %get3A_736 = vector.shape_cast %get3A_735 : vector<1x16xf32> to vector<16xf32>
      %get3A_737 = arith.constant 0 : i32
      %get3A_738 = arith.index_cast %get3A_737 : i32 to index
      %get3A_739 = arith.constant 0 : index
      %get3A_740 = tpu.vector_load %arg6[%get3A_738, %get3A_739] {strides = array<i32>} : memref<4x16xf32, #tpu.memory_space<vmem>>, vector<1x16xf32>,
      %get3A_741 = vector.shape_cast %get3A_740 : vector<1x16xf32> to vector<16xf32>
      %add3A_742 = arith.constant 0 : i32
      %add3A_743 = arith.addi %mul3A_0, %add3A_742 : i32
      %convert_element_type3A_744 = arith.sitofp %add3A_743 : i32 to f32
      %add3A_745 = vector.broadcast %convert_element_type3A_744 : f32 to vector<16xf32>
      %add3A_746 = arith.addf %convert_element_type3A, %add3A_745 : vector<16xf32>
      %eq3A_747 = arith.cmpf oeq, %add3A_746, %gather3A_592 : vector<16xf32>
      %eq3A_748 = arith.cmpf oeq, %get3A_741, %gather3A_598 : vector<16xf32>
      %and3A_749 = arith.andi %ge3A_719, %eq3A_748 : vector<16xi1>
      %gt3A_750 = arith.constant -5.000000e-01 : f32
      %gt3A_751 = vector.broadcast %gt3A_750 : f32 to vector<16xf32>
      %gt3A_752 = arith.cmpf ogt, %get3A_736, %gt3A_751 : vector<16xf32>
      %and3A_753 = arith.andi %and3A_749, %gt3A_752 : vector<16xi1>
      %ne3A = arith.cmpf one, %add3A_746, %gather3A_592 : vector<16xf32>
      %and3A_754 = arith.andi %and3A_753, %ne3A : vector<16xi1>
      %jit3A_755 = arith.constant 1.000000e+00 : f32
      %jit3A_756 = arith.constant 0.000000e+00 : f32
      %broadcast_in_dim3A_757 = vector.broadcast %jit3A_755 : f32 to vector<16xf32>
      %broadcast_in_dim3A_758 = vector.broadcast %jit3A_756 : f32 to vector<16xf32>
      %select_n3A_759 = arith.select %and3A_754, %broadcast_in_dim3A_757, %broadcast_in_dim3A_758 : vector<16xi1>, vector<16xf32>
      %xor3A_760 = arith.constant 8 : i32
      %xor3A_761 = vector.broadcast %xor3A_760 : i32 to vector<16xi32>
      %xor3A_762 = arith.xori %iota3A, %xor3A_761 : vector<16xi32>
      %broadcast_in_dim3A_763 = vector.shape_cast %xor3A_762 : vector<16xi32> to vector<16x1xi32>
      %gather3A_764 = vector.shape_cast %broadcast_in_dim3A_763 : vector<16x1xi32> to vector<16xi32>
      %gather3A_765 = tpu.dynamic_gather %select_n3A_759[%gather3A_764] in [0] : vector<16xf32>, vector<16xi32> -> vector<16xf32>
      %max3A_766 = arith.maximumf %select_n3A_759, %gather3A_765 : vector<16xf32>
      %xor3A_767 = arith.constant 4 : i32
      %xor3A_768 = vector.broadcast %xor3A_767 : i32 to vector<16xi32>
      %xor3A_769 = arith.xori %iota3A, %xor3A_768 : vector<16xi32>
      %broadcast_in_dim3A_770 = vector.shape_cast %xor3A_769 : vector<16xi32> to vector<16x1xi32>
      %gather3A_771 = vector.shape_cast %broadcast_in_dim3A_770 : vector<16x1xi32> to vector<16xi32>
      %gather3A_772 = tpu.dynamic_gather %max3A_766[%gather3A_771] in [0] : vector<16xf32>, vector<16xi32> -> vector<16xf32>
      %max3A_773 = arith.maximumf %max3A_766, %gather3A_772 : vector<16xf32>
      %xor3A_774 = arith.constant 2 : i32
      %xor3A_775 = vector.broadcast %xor3A_774 : i32 to vector<16xi32>
      %xor3A_776 = arith.xori %iota3A, %xor3A_775 : vector<16xi32>
      %broadcast_in_dim3A_777 = vector.shape_cast %xor3A_776 : vector<16xi32> to vector<16x1xi32>
      %gather3A_778 = vector.shape_cast %broadcast_in_dim3A_777 : vector<16x1xi32> to vector<16xi32>
      %gather3A_779 = tpu.dynamic_gather %max3A_773[%gather3A_778] in [0] : vector<16xf32>, vector<16xi32> -> vector<16xf32>
      %max3A_780 = arith.maximumf %max3A_773, %gather3A_779 : vector<16xf32>
      %slice3A_781 = vector.extract_strided_slice %max3A_780 {offsets = [0], sizes = [1], strides = [1]} : vector<16xf32> to vector<1xf32>
      %squeeze3A_782 = vector.extract %slice3A_781[0] : f32 from vector<1xf32>
      %slice3A_783 = vector.extract_strided_slice %max3A_780 {offsets = [1], sizes = [1], strides = [1]} : vector<16xf32> to vector<1xf32>
      %squeeze3A_784 = vector.extract %slice3A_783[0] : f32 from vector<1xf32>
      %max3A_785 = arith.maximumf %squeeze3A_782, %squeeze3A_784 : f32
      %gt3A_786 = arith.constant 5.000000e-01 : f32
      %gt3A_787 = arith.cmpf ogt, %max3A_785, %gt3A_786 : f32
      %convert_element_type3A_788 = arith.extui %gt3A_787 : i1 to i32
      %cond3A_789 = arith.constant 0 : i32
      %cond3A_790 = arith.cmpi ne, %convert_element_type3A_788, %cond3A_789 : i32
      scf.if %cond3A_790 {
        %get3A_1394 = arith.constant 0 : i32
        %get3A_1395 = arith.index_cast %get3A_1394 : i32 to index
        %get3A_1396 = arith.constant 0 : index
        %get3A_1397 = tpu.vector_load %arg4[%get3A_1395, %get3A_1396] {strides = array<i32>} : memref<1232x16xf32, #tpu.memory_space<vmem>>, vector<1x16xf32>,
        %get3A_1398 = vector.shape_cast %get3A_1397 : vector<1x16xf32> to vector<16xf32>
        %broadcast_in_dim3A_1399 = arith.constant 0.000000e+00 : f32
        %broadcast_in_dim3A_1400 = vector.broadcast %broadcast_in_dim3A_1399 : f32 to vector<16xf32>
        %get3A_1401 = arith.constant 4 : i32
        %get3A_1402 = arith.index_cast %get3A_1401 : i32 to index
        %get3A_1403 = arith.constant 0 : index
        %get3A_1404 = tpu.vector_load %arg4[%get3A_1402, %get3A_1403] {strides = array<i32>} : memref<1232x16xf32, #tpu.memory_space<vmem>>, vector<1x16xf32>,
        %get3A_1405 = vector.shape_cast %get3A_1404 : vector<1x16xf32> to vector<16xf32>
        %gt3A_1406 = arith.cmpf ogt, %get3A_1405, %get3A_1398 : vector<16xf32>
        %select_n3A_1407 = arith.select %gt3A_1406, %get3A_1405, %get3A_1398 : vector<16xi1>, vector<16xf32>
        %jit3A_1408 = arith.constant 1.000000e+00 : f32
        %broadcast_in_dim3A_1409 = vector.broadcast %jit3A_1408 : f32 to vector<16xf32>
        %select_n3A_1410 = arith.select %gt3A_1406, %broadcast_in_dim3A_1409, %broadcast_in_dim3A_1400 : vector<16xi1>, vector<16xf32>
        %get3A_1411 = arith.constant 8 : i32
        %get3A_1412 = arith.index_cast %get3A_1411 : i32 to index
        %get3A_1413 = arith.constant 0 : index
        %get3A_1414 = tpu.vector_load %arg4[%get3A_1412, %get3A_1413] {strides = array<i32>} : memref<1232x16xf32, #tpu.memory_space<vmem>>, vector<1x16xf32>,
        %get3A_1415 = vector.shape_cast %get3A_1414 : vector<1x16xf32> to vector<16xf32>
        %gt3A_1416 = arith.cmpf ogt, %get3A_1415, %select_n3A_1407 : vector<16xf32>
        %select_n3A_1417 = arith.select %gt3A_1416, %get3A_1415, %select_n3A_1407 : vector<16xi1>, vector<16xf32>
        %jit3A_1418 = arith.constant 2.000000e+00 : f32
        %broadcast_in_dim3A_1419 = vector.broadcast %jit3A_1418 : f32 to vector<16xf32>
        %select_n3A_1420 = arith.select %gt3A_1416, %broadcast_in_dim3A_1419, %select_n3A_1410 : vector<16xi1>, vector<16xf32>
        %get3A_1421 = arith.constant 12 : i32
        %get3A_1422 = arith.index_cast %get3A_1421 : i32 to index
        %get3A_1423 = arith.constant 0 : index
        %get3A_1424 = tpu.vector_load %arg4[%get3A_1422, %get3A_1423] {strides = array<i32>} : memref<1232x16xf32, #tpu.memory_space<vmem>>, vector<1x16xf32>,
        %get3A_1425 = vector.shape_cast %get3A_1424 : vector<1x16xf32> to vector<16xf32>
        %gt3A_1426 = arith.cmpf ogt, %get3A_1425, %select_n3A_1417 : vector<16xf32>
        %select_n3A_1427 = arith.select %gt3A_1426, %get3A_1425, %select_n3A_1417 : vector<16xi1>, vector<16xf32>
        %jit3A_1428 = arith.constant 3.000000e+00 : f32
        %broadcast_in_dim3A_1429 = vector.broadcast %jit3A_1428 : f32 to vector<16xf32>
        %select_n3A_1430 = arith.select %gt3A_1426, %broadcast_in_dim3A_1429, %select_n3A_1420 : vector<16xi1>, vector<16xf32>
        %get3A_1431 = arith.constant 16 : i32
        %get3A_1432 = arith.index_cast %get3A_1431 : i32 to index
        %get3A_1433 = arith.constant 0 : index
        %get3A_1434 = tpu.vector_load %arg4[%get3A_1432, %get3A_1433] {strides = array<i32>} : memref<1232x16xf32, #tpu.memory_space<vmem>>, vector<1x16xf32>,
        %get3A_1435 = vector.shape_cast %get3A_1434 : vector<1x16xf32> to vector<16xf32>
        %gt3A_1436 = arith.cmpf ogt, %get3A_1435, %select_n3A_1427 : vector<16xf32>
        %select_n3A_1437 = arith.select %gt3A_1436, %get3A_1435, %select_n3A_1427 : vector<16xi1>, vector<16xf32>
        %jit3A_1438 = arith.constant 4.000000e+00 : f32
        %broadcast_in_dim3A_1439 = vector.broadcast %jit3A_1438 : f32 to vector<16xf32>
        %select_n3A_1440 = arith.select %gt3A_1436, %broadcast_in_dim3A_1439, %select_n3A_1430 : vector<16xi1>, vector<16xf32>
        %get3A_1441 = arith.constant 20 : i32
        %get3A_1442 = arith.index_cast %get3A_1441 : i32 to index
        %get3A_1443 = arith.constant 0 : index
        %get3A_1444 = tpu.vector_load %arg4[%get3A_1442, %get3A_1443] {strides = array<i32>} : memref<1232x16xf32, #tpu.memory_space<vmem>>, vector<1x16xf32>,
        %get3A_1445 = vector.shape_cast %get3A_1444 : vector<1x16xf32> to vector<16xf32>
        %gt3A_1446 = arith.cmpf ogt, %get3A_1445, %select_n3A_1437 : vector<16xf32>
        %select_n3A_1447 = arith.select %gt3A_1446, %get3A_1445, %select_n3A_1437 : vector<16xi1>, vector<16xf32>
        %jit3A_1448 = arith.constant 5.000000e+00 : f32
        %broadcast_in_dim3A_1449 = vector.broadcast %jit3A_1448 : f32 to vector<16xf32>
        %select_n3A_1450 = arith.select %gt3A_1446, %broadcast_in_dim3A_1449, %select_n3A_1440 : vector<16xi1>, vector<16xf32>
        %get3A_1451 = arith.constant 24 : i32
        %get3A_1452 = arith.index_cast %get3A_1451 : i32 to index
        %get3A_1453 = arith.constant 0 : index
        %get3A_1454 = tpu.vector_load %arg4[%get3A_1452, %get3A_1453] {strides = array<i32>} : memref<1232x16xf32, #tpu.memory_space<vmem>>, vector<1x16xf32>,
        %get3A_1455 = vector.shape_cast %get3A_1454 : vector<1x16xf32> to vector<16xf32>
        %gt3A_1456 = arith.cmpf ogt, %get3A_1455, %select_n3A_1447 : vector<16xf32>
        %select_n3A_1457 = arith.select %gt3A_1456, %get3A_1455, %select_n3A_1447 : vector<16xi1>, vector<16xf32>
        %jit3A_1458 = arith.constant 6.000000e+00 : f32
        %broadcast_in_dim3A_1459 = vector.broadcast %jit3A_1458 : f32 to vector<16xf32>
        %select_n3A_1460 = arith.select %gt3A_1456, %broadcast_in_dim3A_1459, %select_n3A_1450 : vector<16xi1>, vector<16xf32>
        %get3A_1461 = arith.constant 28 : i32
        %get3A_1462 = arith.index_cast %get3A_1461 : i32 to index
        %get3A_1463 = arith.constant 0 : index
        %get3A_1464 = tpu.vector_load %arg4[%get3A_1462, %get3A_1463] {strides = array<i32>} : memref<1232x16xf32, #tpu.memory_space<vmem>>, vector<1x16xf32>,
        %get3A_1465 = vector.shape_cast %get3A_1464 : vector<1x16xf32> to vector<16xf32>
        %gt3A_1466 = arith.cmpf ogt, %get3A_1465, %select_n3A_1457 : vector<16xf32>
        %select_n3A_1467 = arith.select %gt3A_1466, %get3A_1465, %select_n3A_1457 : vector<16xi1>, vector<16xf32>
        %jit3A_1468 = arith.constant 7.000000e+00 : f32
        %broadcast_in_dim3A_1469 = vector.broadcast %jit3A_1468 : f32 to vector<16xf32>
        %select_n3A_1470 = arith.select %gt3A_1466, %broadcast_in_dim3A_1469, %select_n3A_1460 : vector<16xi1>, vector<16xf32>
        %get3A_1471 = arith.constant 32 : i32
        %get3A_1472 = arith.index_cast %get3A_1471 : i32 to index
        %get3A_1473 = arith.constant 0 : index
        %get3A_1474 = tpu.vector_load %arg4[%get3A_1472, %get3A_1473] {strides = array<i32>} : memref<1232x16xf32, #tpu.memory_space<vmem>>, vector<1x16xf32>,
        %get3A_1475 = vector.shape_cast %get3A_1474 : vector<1x16xf32> to vector<16xf32>
        %gt3A_1476 = arith.cmpf ogt, %get3A_1475, %select_n3A_1467 : vector<16xf32>
        %select_n3A_1477 = arith.select %gt3A_1476, %get3A_1475, %select_n3A_1467 : vector<16xi1>, vector<16xf32>
        %jit3A_1478 = arith.constant 8.000000e+00 : f32
        %broadcast_in_dim3A_1479 = vector.broadcast %jit3A_1478 : f32 to vector<16xf32>
        %select_n3A_1480 = arith.select %gt3A_1476, %broadcast_in_dim3A_1479, %select_n3A_1470 : vector<16xi1>, vector<16xf32>
        %get3A_1481 = arith.constant 36 : i32
        %get3A_1482 = arith.index_cast %get3A_1481 : i32 to index
        %get3A_1483 = arith.constant 0 : index
        %get3A_1484 = tpu.vector_load %arg4[%get3A_1482, %get3A_1483] {strides = array<i32>} : memref<1232x16xf32, #tpu.memory_space<vmem>>, vector<1x16xf32>,
        %get3A_1485 = vector.shape_cast %get3A_1484 : vector<1x16xf32> to vector<16xf32>
        %gt3A_1486 = arith.cmpf ogt, %get3A_1485, %select_n3A_1477 : vector<16xf32>
        %select_n3A_1487 = arith.select %gt3A_1486, %get3A_1485, %select_n3A_1477 : vector<16xi1>, vector<16xf32>
        %jit3A_1488 = arith.constant 9.000000e+00 : f32
        %broadcast_in_dim3A_1489 = vector.broadcast %jit3A_1488 : f32 to vector<16xf32>
        %select_n3A_1490 = arith.select %gt3A_1486, %broadcast_in_dim3A_1489, %select_n3A_1480 : vector<16xi1>, vector<16xf32>
        %get3A_1491 = arith.constant 40 : i32
        %get3A_1492 = arith.index_cast %get3A_1491 : i32 to index
        %get3A_1493 = arith.constant 0 : index
        %get3A_1494 = tpu.vector_load %arg4[%get3A_1492, %get3A_1493] {strides = array<i32>} : memref<1232x16xf32, #tpu.memory_space<vmem>>, vector<1x16xf32>,
        %get3A_1495 = vector.shape_cast %get3A_1494 : vector<1x16xf32> to vector<16xf32>
        %gt3A_1496 = arith.cmpf ogt, %get3A_1495, %select_n3A_1487 : vector<16xf32>
        %select_n3A_1497 = arith.select %gt3A_1496, %get3A_1495, %select_n3A_1487 : vector<16xi1>, vector<16xf32>
        %jit3A_1498 = arith.constant 1.000000e+01 : f32
        %broadcast_in_dim3A_1499 = vector.broadcast %jit3A_1498 : f32 to vector<16xf32>
        %select_n3A_1500 = arith.select %gt3A_1496, %broadcast_in_dim3A_1499, %select_n3A_1490 : vector<16xi1>, vector<16xf32>
        %get3A_1501 = arith.constant 44 : i32
        %get3A_1502 = arith.index_cast %get3A_1501 : i32 to index
        %get3A_1503 = arith.constant 0 : index
        %get3A_1504 = tpu.vector_load %arg4[%get3A_1502, %get3A_1503] {strides = array<i32>} : memref<1232x16xf32, #tpu.memory_space<vmem>>, vector<1x16xf32>,
        %get3A_1505 = vector.shape_cast %get3A_1504 : vector<1x16xf32> to vector<16xf32>
        %gt3A_1506 = arith.cmpf ogt, %get3A_1505, %select_n3A_1497 : vector<16xf32>
        %select_n3A_1507 = arith.select %gt3A_1506, %get3A_1505, %select_n3A_1497 : vector<16xi1>, vector<16xf32>
        %jit3A_1508 = arith.constant 1.100000e+01 : f32
        %broadcast_in_dim3A_1509 = vector.broadcast %jit3A_1508 : f32 to vector<16xf32>
        %select_n3A_1510 = arith.select %gt3A_1506, %broadcast_in_dim3A_1509, %select_n3A_1500 : vector<16xi1>, vector<16xf32>
        %get3A_1511 = arith.constant 48 : i32
        %get3A_1512 = arith.index_cast %get3A_1511 : i32 to index
        %get3A_1513 = arith.constant 0 : index
        %get3A_1514 = tpu.vector_load %arg4[%get3A_1512, %get3A_1513] {strides = array<i32>} : memref<1232x16xf32, #tpu.memory_space<vmem>>, vector<1x16xf32>,
        %get3A_1515 = vector.shape_cast %get3A_1514 : vector<1x16xf32> to vector<16xf32>
        %gt3A_1516 = arith.cmpf ogt, %get3A_1515, %select_n3A_1507 : vector<16xf32>
        %select_n3A_1517 = arith.select %gt3A_1516, %get3A_1515, %select_n3A_1507 : vector<16xi1>, vector<16xf32>
        %jit3A_1518 = arith.constant 1.200000e+01 : f32
        %broadcast_in_dim3A_1519 = vector.broadcast %jit3A_1518 : f32 to vector<16xf32>
        %select_n3A_1520 = arith.select %gt3A_1516, %broadcast_in_dim3A_1519, %select_n3A_1510 : vector<16xi1>, vector<16xf32>
        %get3A_1521 = arith.constant 52 : i32
        %get3A_1522 = arith.index_cast %get3A_1521 : i32 to index
        %get3A_1523 = arith.constant 0 : index
        %get3A_1524 = tpu.vector_load %arg4[%get3A_1522, %get3A_1523] {strides = array<i32>} : memref<1232x16xf32, #tpu.memory_space<vmem>>, vector<1x16xf32>,
        %get3A_1525 = vector.shape_cast %get3A_1524 : vector<1x16xf32> to vector<16xf32>
        %gt3A_1526 = arith.cmpf ogt, %get3A_1525, %select_n3A_1517 : vector<16xf32>
        %select_n3A_1527 = arith.select %gt3A_1526, %get3A_1525, %select_n3A_1517 : vector<16xi1>, vector<16xf32>
        %jit3A_1528 = arith.constant 1.300000e+01 : f32
        %broadcast_in_dim3A_1529 = vector.broadcast %jit3A_1528 : f32 to vector<16xf32>
        %select_n3A_1530 = arith.select %gt3A_1526, %broadcast_in_dim3A_1529, %select_n3A_1520 : vector<16xi1>, vector<16xf32>
        %get3A_1531 = arith.constant 56 : i32
        %get3A_1532 = arith.index_cast %get3A_1531 : i32 to index
        %get3A_1533 = arith.constant 0 : index
        %get3A_1534 = tpu.vector_load %arg4[%get3A_1532, %get3A_1533] {strides = array<i32>} : memref<1232x16xf32, #tpu.memory_space<vmem>>, vector<1x16xf32>,
        %get3A_1535 = vector.shape_cast %get3A_1534 : vector<1x16xf32> to vector<16xf32>
        %gt3A_1536 = arith.cmpf ogt, %get3A_1535, %select_n3A_1527 : vector<16xf32>
        %select_n3A_1537 = arith.select %gt3A_1536, %get3A_1535, %select_n3A_1527 : vector<16xi1>, vector<16xf32>
        %jit3A_1538 = arith.constant 1.400000e+01 : f32
        %broadcast_in_dim3A_1539 = vector.broadcast %jit3A_1538 : f32 to vector<16xf32>
        %select_n3A_1540 = arith.select %gt3A_1536, %broadcast_in_dim3A_1539, %select_n3A_1530 : vector<16xi1>, vector<16xf32>
        %get3A_1541 = arith.constant 60 : i32
        %get3A_1542 = arith.index_cast %get3A_1541 : i32 to index
        %get3A_1543 = arith.constant 0 : index
        %get3A_1544 = tpu.vector_load %arg4[%get3A_1542, %get3A_1543] {strides = array<i32>} : memref<1232x16xf32, #tpu.memory_space<vmem>>, vector<1x16xf32>,
        %get3A_1545 = vector.shape_cast %get3A_1544 : vector<1x16xf32> to vector<16xf32>
        %gt3A_1546 = arith.cmpf ogt, %get3A_1545, %select_n3A_1537 : vector<16xf32>
        %select_n3A_1547 = arith.select %gt3A_1546, %get3A_1545, %select_n3A_1537 : vector<16xi1>, vector<16xf32>
        %jit3A_1548 = arith.constant 1.500000e+01 : f32
        %broadcast_in_dim3A_1549 = vector.broadcast %jit3A_1548 : f32 to vector<16xf32>
        %select_n3A_1550 = arith.select %gt3A_1546, %broadcast_in_dim3A_1549, %select_n3A_1540 : vector<16xi1>, vector<16xf32>
        %get3A_1551 = arith.constant 64 : i32
        %get3A_1552 = arith.index_cast %get3A_1551 : i32 to index
        %get3A_1553 = arith.constant 0 : index
        %get3A_1554 = tpu.vector_load %arg4[%get3A_1552, %get3A_1553] {strides = array<i32>} : memref<1232x16xf32, #tpu.memory_space<vmem>>, vector<1x16xf32>,
        %get3A_1555 = vector.shape_cast %get3A_1554 : vector<1x16xf32> to vector<16xf32>
        %gt3A_1556 = arith.cmpf ogt, %get3A_1555, %select_n3A_1547 : vector<16xf32>
        %select_n3A_1557 = arith.select %gt3A_1556, %get3A_1555, %select_n3A_1547 : vector<16xi1>, vector<16xf32>
        %jit3A_1558 = arith.constant 1.600000e+01 : f32
        %broadcast_in_dim3A_1559 = vector.broadcast %jit3A_1558 : f32 to vector<16xf32>
        %select_n3A_1560 = arith.select %gt3A_1556, %broadcast_in_dim3A_1559, %select_n3A_1550 : vector<16xi1>, vector<16xf32>
        %get3A_1561 = arith.constant 68 : i32
        %get3A_1562 = arith.index_cast %get3A_1561 : i32 to index
        %get3A_1563 = arith.constant 0 : index
        %get3A_1564 = tpu.vector_load %arg4[%get3A_1562, %get3A_1563] {strides = array<i32>} : memref<1232x16xf32, #tpu.memory_space<vmem>>, vector<1x16xf32>,
        %get3A_1565 = vector.shape_cast %get3A_1564 : vector<1x16xf32> to vector<16xf32>
        %gt3A_1566 = arith.cmpf ogt, %get3A_1565, %select_n3A_1557 : vector<16xf32>
        %select_n3A_1567 = arith.select %gt3A_1566, %get3A_1565, %select_n3A_1557 : vector<16xi1>, vector<16xf32>
        %jit3A_1568 = arith.constant 1.700000e+01 : f32
        %broadcast_in_dim3A_1569 = vector.broadcast %jit3A_1568 : f32 to vector<16xf32>
        %select_n3A_1570 = arith.select %gt3A_1566, %broadcast_in_dim3A_1569, %select_n3A_1560 : vector<16xi1>, vector<16xf32>
        %get3A_1571 = arith.constant 72 : i32
        %get3A_1572 = arith.index_cast %get3A_1571 : i32 to index
        %get3A_1573 = arith.constant 0 : index
        %get3A_1574 = tpu.vector_load %arg4[%get3A_1572, %get3A_1573] {strides = array<i32>} : memref<1232x16xf32, #tpu.memory_space<vmem>>, vector<1x16xf32>,
        %get3A_1575 = vector.shape_cast %get3A_1574 : vector<1x16xf32> to vector<16xf32>
        %gt3A_1576 = arith.cmpf ogt, %get3A_1575, %select_n3A_1567 : vector<16xf32>
        %select_n3A_1577 = arith.select %gt3A_1576, %get3A_1575, %select_n3A_1567 : vector<16xi1>, vector<16xf32>
        %jit3A_1578 = arith.constant 1.800000e+01 : f32
        %broadcast_in_dim3A_1579 = vector.broadcast %jit3A_1578 : f32 to vector<16xf32>
        %select_n3A_1580 = arith.select %gt3A_1576, %broadcast_in_dim3A_1579, %select_n3A_1570 : vector<16xi1>, vector<16xf32>
        %get3A_1581 = arith.constant 76 : i32
        %get3A_1582 = arith.index_cast %get3A_1581 : i32 to index
        %get3A_1583 = arith.constant 0 : index
        %get3A_1584 = tpu.vector_load %arg4[%get3A_1582, %get3A_1583] {strides = array<i32>} : memref<1232x16xf32, #tpu.memory_space<vmem>>, vector<1x16xf32>,
        %get3A_1585 = vector.shape_cast %get3A_1584 : vector<1x16xf32> to vector<16xf32>
        %gt3A_1586 = arith.cmpf ogt, %get3A_1585, %select_n3A_1577 : vector<16xf32>
        %select_n3A_1587 = arith.select %gt3A_1586, %get3A_1585, %select_n3A_1577 : vector<16xi1>, vector<16xf32>
        %jit3A_1588 = arith.constant 1.900000e+01 : f32
        %broadcast_in_dim3A_1589 = vector.broadcast %jit3A_1588 : f32 to vector<16xf32>
        %select_n3A_1590 = arith.select %gt3A_1586, %broadcast_in_dim3A_1589, %select_n3A_1580 : vector<16xi1>, vector<16xf32>
        %get3A_1591 = arith.constant 80 : i32
        %get3A_1592 = arith.index_cast %get3A_1591 : i32 to index
        %get3A_1593 = arith.constant 0 : index
        %get3A_1594 = tpu.vector_load %arg4[%get3A_1592, %get3A_1593] {strides = array<i32>} : memref<1232x16xf32, #tpu.memory_space<vmem>>, vector<1x16xf32>,
        %get3A_1595 = vector.shape_cast %get3A_1594 : vector<1x16xf32> to vector<16xf32>
        %gt3A_1596 = arith.cmpf ogt, %get3A_1595, %select_n3A_1587 : vector<16xf32>
        %select_n3A_1597 = arith.select %gt3A_1596, %get3A_1595, %select_n3A_1587 : vector<16xi1>, vector<16xf32>
        %jit3A_1598 = arith.constant 2.000000e+01 : f32
        %broadcast_in_dim3A_1599 = vector.broadcast %jit3A_1598 : f32 to vector<16xf32>
        %select_n3A_1600 = arith.select %gt3A_1596, %broadcast_in_dim3A_1599, %select_n3A_1590 : vector<16xi1>, vector<16xf32>
        %get3A_1601 = arith.constant 84 : i32
        %get3A_1602 = arith.index_cast %get3A_1601 : i32 to index
        %get3A_1603 = arith.constant 0 : index
        %get3A_1604 = tpu.vector_load %arg4[%get3A_1602, %get3A_1603] {strides = array<i32>} : memref<1232x16xf32, #tpu.memory_space<vmem>>, vector<1x16xf32>,
        %get3A_1605 = vector.shape_cast %get3A_1604 : vector<1x16xf32> to vector<16xf32>
        %gt3A_1606 = arith.cmpf ogt, %get3A_1605, %select_n3A_1597 : vector<16xf32>
        %select_n3A_1607 = arith.select %gt3A_1606, %get3A_1605, %select_n3A_1597 : vector<16xi1>, vector<16xf32>
        %jit3A_1608 = arith.constant 2.100000e+01 : f32
        %broadcast_in_dim3A_1609 = vector.broadcast %jit3A_1608 : f32 to vector<16xf32>
        %select_n3A_1610 = arith.select %gt3A_1606, %broadcast_in_dim3A_1609, %select_n3A_1600 : vector<16xi1>, vector<16xf32>
        %get3A_1611 = arith.constant 88 : i32
        %get3A_1612 = arith.index_cast %get3A_1611 : i32 to index
        %get3A_1613 = arith.constant 0 : index
        %get3A_1614 = tpu.vector_load %arg4[%get3A_1612, %get3A_1613] {strides = array<i32>} : memref<1232x16xf32, #tpu.memory_space<vmem>>, vector<1x16xf32>,
        %get3A_1615 = vector.shape_cast %get3A_1614 : vector<1x16xf32> to vector<16xf32>
        %gt3A_1616 = arith.cmpf ogt, %get3A_1615, %select_n3A_1607 : vector<16xf32>
        %select_n3A_1617 = arith.select %gt3A_1616, %get3A_1615, %select_n3A_1607 : vector<16xi1>, vector<16xf32>
        %jit3A_1618 = arith.constant 2.200000e+01 : f32
        %broadcast_in_dim3A_1619 = vector.broadcast %jit3A_1618 : f32 to vector<16xf32>
        %select_n3A_1620 = arith.select %gt3A_1616, %broadcast_in_dim3A_1619, %select_n3A_1610 : vector<16xi1>, vector<16xf32>
        %get3A_1621 = arith.constant 92 : i32
        %get3A_1622 = arith.index_cast %get3A_1621 : i32 to index
        %get3A_1623 = arith.constant 0 : index
        %get3A_1624 = tpu.vector_load %arg4[%get3A_1622, %get3A_1623] {strides = array<i32>} : memref<1232x16xf32, #tpu.memory_space<vmem>>, vector<1x16xf32>,
        %get3A_1625 = vector.shape_cast %get3A_1624 : vector<1x16xf32> to vector<16xf32>
        %gt3A_1626 = arith.cmpf ogt, %get3A_1625, %select_n3A_1617 : vector<16xf32>
        %select_n3A_1627 = arith.select %gt3A_1626, %get3A_1625, %select_n3A_1617 : vector<16xi1>, vector<16xf32>
        %jit3A_1628 = arith.constant 2.300000e+01 : f32
        %broadcast_in_dim3A_1629 = vector.broadcast %jit3A_1628 : f32 to vector<16xf32>
        %select_n3A_1630 = arith.select %gt3A_1626, %broadcast_in_dim3A_1629, %select_n3A_1620 : vector<16xi1>, vector<16xf32>
        %get3A_1631 = arith.constant 96 : i32
        %get3A_1632 = arith.index_cast %get3A_1631 : i32 to index
        %get3A_1633 = arith.constant 0 : index
        %get3A_1634 = tpu.vector_load %arg4[%get3A_1632, %get3A_1633] {strides = array<i32>} : memref<1232x16xf32, #tpu.memory_space<vmem>>, vector<1x16xf32>,
        %get3A_1635 = vector.shape_cast %get3A_1634 : vector<1x16xf32> to vector<16xf32>
        %gt3A_1636 = arith.cmpf ogt, %get3A_1635, %select_n3A_1627 : vector<16xf32>
        %select_n3A_1637 = arith.select %gt3A_1636, %get3A_1635, %select_n3A_1627 : vector<16xi1>, vector<16xf32>
        %jit3A_1638 = arith.constant 2.400000e+01 : f32
        %broadcast_in_dim3A_1639 = vector.broadcast %jit3A_1638 : f32 to vector<16xf32>
        %select_n3A_1640 = arith.select %gt3A_1636, %broadcast_in_dim3A_1639, %select_n3A_1630 : vector<16xi1>, vector<16xf32>
        %get3A_1641 = arith.constant 100 : i32
        %get3A_1642 = arith.index_cast %get3A_1641 : i32 to index
        %get3A_1643 = arith.constant 0 : index
        %get3A_1644 = tpu.vector_load %arg4[%get3A_1642, %get3A_1643] {strides = array<i32>} : memref<1232x16xf32, #tpu.memory_space<vmem>>, vector<1x16xf32>,
        %get3A_1645 = vector.shape_cast %get3A_1644 : vector<1x16xf32> to vector<16xf32>
        %gt3A_1646 = arith.cmpf ogt, %get3A_1645, %select_n3A_1637 : vector<16xf32>
        %select_n3A_1647 = arith.select %gt3A_1646, %get3A_1645, %select_n3A_1637 : vector<16xi1>, vector<16xf32>
        %jit3A_1648 = arith.constant 2.500000e+01 : f32
        %broadcast_in_dim3A_1649 = vector.broadcast %jit3A_1648 : f32 to vector<16xf32>
        %select_n3A_1650 = arith.select %gt3A_1646, %broadcast_in_dim3A_1649, %select_n3A_1640 : vector<16xi1>, vector<16xf32>
        %get3A_1651 = arith.constant 104 : i32
        %get3A_1652 = arith.index_cast %get3A_1651 : i32 to index
        %get3A_1653 = arith.constant 0 : index
        %get3A_1654 = tpu.vector_load %arg4[%get3A_1652, %get3A_1653] {strides = array<i32>} : memref<1232x16xf32, #tpu.memory_space<vmem>>, vector<1x16xf32>,
        %get3A_1655 = vector.shape_cast %get3A_1654 : vector<1x16xf32> to vector<16xf32>
        %gt3A_1656 = arith.cmpf ogt, %get3A_1655, %select_n3A_1647 : vector<16xf32>
        %select_n3A_1657 = arith.select %gt3A_1656, %get3A_1655, %select_n3A_1647 : vector<16xi1>, vector<16xf32>
        %jit3A_1658 = arith.constant 2.600000e+01 : f32
        %broadcast_in_dim3A_1659 = vector.broadcast %jit3A_1658 : f32 to vector<16xf32>
        %select_n3A_1660 = arith.select %gt3A_1656, %broadcast_in_dim3A_1659, %select_n3A_1650 : vector<16xi1>, vector<16xf32>
        %get3A_1661 = arith.constant 108 : i32
        %get3A_1662 = arith.index_cast %get3A_1661 : i32 to index
        %get3A_1663 = arith.constant 0 : index
        %get3A_1664 = tpu.vector_load %arg4[%get3A_1662, %get3A_1663] {strides = array<i32>} : memref<1232x16xf32, #tpu.memory_space<vmem>>, vector<1x16xf32>,
        %get3A_1665 = vector.shape_cast %get3A_1664 : vector<1x16xf32> to vector<16xf32>
        %gt3A_1666 = arith.cmpf ogt, %get3A_1665, %select_n3A_1657 : vector<16xf32>
        %select_n3A_1667 = arith.select %gt3A_1666, %get3A_1665, %select_n3A_1657 : vector<16xi1>, vector<16xf32>
        %jit3A_1668 = arith.constant 2.700000e+01 : f32
        %broadcast_in_dim3A_1669 = vector.broadcast %jit3A_1668 : f32 to vector<16xf32>
        %select_n3A_1670 = arith.select %gt3A_1666, %broadcast_in_dim3A_1669, %select_n3A_1660 : vector<16xi1>, vector<16xf32>
        %get3A_1671 = arith.constant 112 : i32
        %get3A_1672 = arith.index_cast %get3A_1671 : i32 to index
        %get3A_1673 = arith.constant 0 : index
        %get3A_1674 = tpu.vector_load %arg4[%get3A_1672, %get3A_1673] {strides = array<i32>} : memref<1232x16xf32, #tpu.memory_space<vmem>>, vector<1x16xf32>,
        %get3A_1675 = vector.shape_cast %get3A_1674 : vector<1x16xf32> to vector<16xf32>
        %gt3A_1676 = arith.cmpf ogt, %get3A_1675, %select_n3A_1667 : vector<16xf32>
        %select_n3A_1677 = arith.select %gt3A_1676, %get3A_1675, %select_n3A_1667 : vector<16xi1>, vector<16xf32>
        %jit3A_1678 = arith.constant 2.800000e+01 : f32
        %broadcast_in_dim3A_1679 = vector.broadcast %jit3A_1678 : f32 to vector<16xf32>
        %select_n3A_1680 = arith.select %gt3A_1676, %broadcast_in_dim3A_1679, %select_n3A_1670 : vector<16xi1>, vector<16xf32>
        %get3A_1681 = arith.constant 116 : i32
        %get3A_1682 = arith.index_cast %get3A_1681 : i32 to index
        %get3A_1683 = arith.constant 0 : index
        %get3A_1684 = tpu.vector_load %arg4[%get3A_1682, %get3A_1683] {strides = array<i32>} : memref<1232x16xf32, #tpu.memory_space<vmem>>, vector<1x16xf32>,
        %get3A_1685 = vector.shape_cast %get3A_1684 : vector<1x16xf32> to vector<16xf32>
        %gt3A_1686 = arith.cmpf ogt, %get3A_1685, %select_n3A_1677 : vector<16xf32>
        %select_n3A_1687 = arith.select %gt3A_1686, %get3A_1685, %select_n3A_1677 : vector<16xi1>, vector<16xf32>
        %jit3A_1688 = arith.constant 2.900000e+01 : f32
        %broadcast_in_dim3A_1689 = vector.broadcast %jit3A_1688 : f32 to vector<16xf32>
        %select_n3A_1690 = arith.select %gt3A_1686, %broadcast_in_dim3A_1689, %select_n3A_1680 : vector<16xi1>, vector<16xf32>
        %get3A_1691 = arith.constant 120 : i32
        %get3A_1692 = arith.index_cast %get3A_1691 : i32 to index
        %get3A_1693 = arith.constant 0 : index
        %get3A_1694 = tpu.vector_load %arg4[%get3A_1692, %get3A_1693] {strides = array<i32>} : memref<1232x16xf32, #tpu.memory_space<vmem>>, vector<1x16xf32>,
        %get3A_1695 = vector.shape_cast %get3A_1694 : vector<1x16xf32> to vector<16xf32>
        %gt3A_1696 = arith.cmpf ogt, %get3A_1695, %select_n3A_1687 : vector<16xf32>
        %select_n3A_1697 = arith.select %gt3A_1696, %get3A_1695, %select_n3A_1687 : vector<16xi1>, vector<16xf32>
        %jit3A_1698 = arith.constant 3.000000e+01 : f32
        %broadcast_in_dim3A_1699 = vector.broadcast %jit3A_1698 : f32 to vector<16xf32>
        %select_n3A_1700 = arith.select %gt3A_1696, %broadcast_in_dim3A_1699, %select_n3A_1690 : vector<16xi1>, vector<16xf32>
        %get3A_1701 = arith.constant 124 : i32
        %get3A_1702 = arith.index_cast %get3A_1701 : i32 to index
        %get3A_1703 = arith.constant 0 : index
        %get3A_1704 = tpu.vector_load %arg4[%get3A_1702, %get3A_1703] {strides = array<i32>} : memref<1232x16xf32, #tpu.memory_space<vmem>>, vector<1x16xf32>,
        %get3A_1705 = vector.shape_cast %get3A_1704 : vector<1x16xf32> to vector<16xf32>
        %gt3A_1706 = arith.cmpf ogt, %get3A_1705, %select_n3A_1697 : vector<16xf32>
        %select_n3A_1707 = arith.select %gt3A_1706, %get3A_1705, %select_n3A_1697 : vector<16xi1>, vector<16xf32>
        %jit3A_1708 = arith.constant 3.100000e+01 : f32
        %broadcast_in_dim3A_1709 = vector.broadcast %jit3A_1708 : f32 to vector<16xf32>
        %select_n3A_1710 = arith.select %gt3A_1706, %broadcast_in_dim3A_1709, %select_n3A_1700 : vector<16xi1>, vector<16xf32>
        %get3A_1711 = arith.constant 128 : i32
        %get3A_1712 = arith.index_cast %get3A_1711 : i32 to index
        %get3A_1713 = arith.constant 0 : index
        %get3A_1714 = tpu.vector_load %arg4[%get3A_1712, %get3A_1713] {strides = array<i32>} : memref<1232x16xf32, #tpu.memory_space<vmem>>, vector<1x16xf32>,
        %get3A_1715 = vector.shape_cast %get3A_1714 : vector<1x16xf32> to vector<16xf32>
        %gt3A_1716 = arith.cmpf ogt, %get3A_1715, %select_n3A_1707 : vector<16xf32>
        %select_n3A_1717 = arith.select %gt3A_1716, %get3A_1715, %select_n3A_1707 : vector<16xi1>, vector<16xf32>
        %jit3A_1718 = arith.constant 3.200000e+01 : f32
        %broadcast_in_dim3A_1719 = vector.broadcast %jit3A_1718 : f32 to vector<16xf32>
        %select_n3A_1720 = arith.select %gt3A_1716, %broadcast_in_dim3A_1719, %select_n3A_1710 : vector<16xi1>, vector<16xf32>
        %get3A_1721 = arith.constant 132 : i32
        %get3A_1722 = arith.index_cast %get3A_1721 : i32 to index
        %get3A_1723 = arith.constant 0 : index
        %get3A_1724 = tpu.vector_load %arg4[%get3A_1722, %get3A_1723] {strides = array<i32>} : memref<1232x16xf32, #tpu.memory_space<vmem>>, vector<1x16xf32>,
        %get3A_1725 = vector.shape_cast %get3A_1724 : vector<1x16xf32> to vector<16xf32>
        %gt3A_1726 = arith.cmpf ogt, %get3A_1725, %select_n3A_1717 : vector<16xf32>
        %select_n3A_1727 = arith.select %gt3A_1726, %get3A_1725, %select_n3A_1717 : vector<16xi1>, vector<16xf32>
        %jit3A_1728 = arith.constant 3.300000e+01 : f32
        %broadcast_in_dim3A_1729 = vector.broadcast %jit3A_1728 : f32 to vector<16xf32>
        %select_n3A_1730 = arith.select %gt3A_1726, %broadcast_in_dim3A_1729, %select_n3A_1720 : vector<16xi1>, vector<16xf32>
        %get3A_1731 = arith.constant 136 : i32
        %get3A_1732 = arith.index_cast %get3A_1731 : i32 to index
        %get3A_1733 = arith.constant 0 : index
        %get3A_1734 = tpu.vector_load %arg4[%get3A_1732, %get3A_1733] {strides = array<i32>} : memref<1232x16xf32, #tpu.memory_space<vmem>>, vector<1x16xf32>,
        %get3A_1735 = vector.shape_cast %get3A_1734 : vector<1x16xf32> to vector<16xf32>
        %gt3A_1736 = arith.cmpf ogt, %get3A_1735, %select_n3A_1727 : vector<16xf32>
        %select_n3A_1737 = arith.select %gt3A_1736, %get3A_1735, %select_n3A_1727 : vector<16xi1>, vector<16xf32>
        %jit3A_1738 = arith.constant 3.400000e+01 : f32
        %broadcast_in_dim3A_1739 = vector.broadcast %jit3A_1738 : f32 to vector<16xf32>
        %select_n3A_1740 = arith.select %gt3A_1736, %broadcast_in_dim3A_1739, %select_n3A_1730 : vector<16xi1>, vector<16xf32>
        %get3A_1741 = arith.constant 140 : i32
        %get3A_1742 = arith.index_cast %get3A_1741 : i32 to index
        %get3A_1743 = arith.constant 0 : index
        %get3A_1744 = tpu.vector_load %arg4[%get3A_1742, %get3A_1743] {strides = array<i32>} : memref<1232x16xf32, #tpu.memory_space<vmem>>, vector<1x16xf32>,
        %get3A_1745 = vector.shape_cast %get3A_1744 : vector<1x16xf32> to vector<16xf32>
        %gt3A_1746 = arith.cmpf ogt, %get3A_1745, %select_n3A_1737 : vector<16xf32>
        %select_n3A_1747 = arith.select %gt3A_1746, %get3A_1745, %select_n3A_1737 : vector<16xi1>, vector<16xf32>
        %jit3A_1748 = arith.constant 3.500000e+01 : f32
        %broadcast_in_dim3A_1749 = vector.broadcast %jit3A_1748 : f32 to vector<16xf32>
        %select_n3A_1750 = arith.select %gt3A_1746, %broadcast_in_dim3A_1749, %select_n3A_1740 : vector<16xi1>, vector<16xf32>
        %get3A_1751 = arith.constant 144 : i32
        %get3A_1752 = arith.index_cast %get3A_1751 : i32 to index
        %get3A_1753 = arith.constant 0 : index
        %get3A_1754 = tpu.vector_load %arg4[%get3A_1752, %get3A_1753] {strides = array<i32>} : memref<1232x16xf32, #tpu.memory_space<vmem>>, vector<1x16xf32>,
        %get3A_1755 = vector.shape_cast %get3A_1754 : vector<1x16xf32> to vector<16xf32>
        %gt3A_1756 = arith.cmpf ogt, %get3A_1755, %select_n3A_1747 : vector<16xf32>
        %select_n3A_1757 = arith.select %gt3A_1756, %get3A_1755, %select_n3A_1747 : vector<16xi1>, vector<16xf32>
        %jit3A_1758 = arith.constant 3.600000e+01 : f32
        %broadcast_in_dim3A_1759 = vector.broadcast %jit3A_1758 : f32 to vector<16xf32>
        %select_n3A_1760 = arith.select %gt3A_1756, %broadcast_in_dim3A_1759, %select_n3A_1750 : vector<16xi1>, vector<16xf32>
        %get3A_1761 = arith.constant 148 : i32
        %get3A_1762 = arith.index_cast %get3A_1761 : i32 to index
        %get3A_1763 = arith.constant 0 : index
        %get3A_1764 = tpu.vector_load %arg4[%get3A_1762, %get3A_1763] {strides = array<i32>} : memref<1232x16xf32, #tpu.memory_space<vmem>>, vector<1x16xf32>,
        %get3A_1765 = vector.shape_cast %get3A_1764 : vector<1x16xf32> to vector<16xf32>
        %gt3A_1766 = arith.cmpf ogt, %get3A_1765, %select_n3A_1757 : vector<16xf32>
        %select_n3A_1767 = arith.select %gt3A_1766, %get3A_1765, %select_n3A_1757 : vector<16xi1>, vector<16xf32>
        %jit3A_1768 = arith.constant 3.700000e+01 : f32
        %broadcast_in_dim3A_1769 = vector.broadcast %jit3A_1768 : f32 to vector<16xf32>
        %select_n3A_1770 = arith.select %gt3A_1766, %broadcast_in_dim3A_1769, %select_n3A_1760 : vector<16xi1>, vector<16xf32>
        %get3A_1771 = arith.constant 152 : i32
        %get3A_1772 = arith.index_cast %get3A_1771 : i32 to index
        %get3A_1773 = arith.constant 0 : index
        %get3A_1774 = tpu.vector_load %arg4[%get3A_1772, %get3A_1773] {strides = array<i32>} : memref<1232x16xf32, #tpu.memory_space<vmem>>, vector<1x16xf32>,
        %get3A_1775 = vector.shape_cast %get3A_1774 : vector<1x16xf32> to vector<16xf32>
        %gt3A_1776 = arith.cmpf ogt, %get3A_1775, %select_n3A_1767 : vector<16xf32>
        %select_n3A_1777 = arith.select %gt3A_1776, %get3A_1775, %select_n3A_1767 : vector<16xi1>, vector<16xf32>
        %jit3A_1778 = arith.constant 3.800000e+01 : f32
        %broadcast_in_dim3A_1779 = vector.broadcast %jit3A_1778 : f32 to vector<16xf32>
        %select_n3A_1780 = arith.select %gt3A_1776, %broadcast_in_dim3A_1779, %select_n3A_1770 : vector<16xi1>, vector<16xf32>
        %get3A_1781 = arith.constant 156 : i32
        %get3A_1782 = arith.index_cast %get3A_1781 : i32 to index
        %get3A_1783 = arith.constant 0 : index
        %get3A_1784 = tpu.vector_load %arg4[%get3A_1782, %get3A_1783] {strides = array<i32>} : memref<1232x16xf32, #tpu.memory_space<vmem>>, vector<1x16xf32>,
        %get3A_1785 = vector.shape_cast %get3A_1784 : vector<1x16xf32> to vector<16xf32>
        %gt3A_1786 = arith.cmpf ogt, %get3A_1785, %select_n3A_1777 : vector<16xf32>
        %select_n3A_1787 = arith.select %gt3A_1786, %get3A_1785, %select_n3A_1777 : vector<16xi1>, vector<16xf32>
        %jit3A_1788 = arith.constant 3.900000e+01 : f32
        %broadcast_in_dim3A_1789 = vector.broadcast %jit3A_1788 : f32 to vector<16xf32>
        %select_n3A_1790 = arith.select %gt3A_1786, %broadcast_in_dim3A_1789, %select_n3A_1780 : vector<16xi1>, vector<16xf32>
        %get3A_1791 = arith.constant 160 : i32
        %get3A_1792 = arith.index_cast %get3A_1791 : i32 to index
        %get3A_1793 = arith.constant 0 : index
        %get3A_1794 = tpu.vector_load %arg4[%get3A_1792, %get3A_1793] {strides = array<i32>} : memref<1232x16xf32, #tpu.memory_space<vmem>>, vector<1x16xf32>,
        %get3A_1795 = vector.shape_cast %get3A_1794 : vector<1x16xf32> to vector<16xf32>
        %gt3A_1796 = arith.cmpf ogt, %get3A_1795, %select_n3A_1787 : vector<16xf32>
        %select_n3A_1797 = arith.select %gt3A_1796, %get3A_1795, %select_n3A_1787 : vector<16xi1>, vector<16xf32>
        %jit3A_1798 = arith.constant 4.000000e+01 : f32
        %broadcast_in_dim3A_1799 = vector.broadcast %jit3A_1798 : f32 to vector<16xf32>
        %select_n3A_1800 = arith.select %gt3A_1796, %broadcast_in_dim3A_1799, %select_n3A_1790 : vector<16xi1>, vector<16xf32>
        %get3A_1801 = arith.constant 164 : i32
        %get3A_1802 = arith.index_cast %get3A_1801 : i32 to index
        %get3A_1803 = arith.constant 0 : index
        %get3A_1804 = tpu.vector_load %arg4[%get3A_1802, %get3A_1803] {strides = array<i32>} : memref<1232x16xf32, #tpu.memory_space<vmem>>, vector<1x16xf32>,
        %get3A_1805 = vector.shape_cast %get3A_1804 : vector<1x16xf32> to vector<16xf32>
        %gt3A_1806 = arith.cmpf ogt, %get3A_1805, %select_n3A_1797 : vector<16xf32>
        %select_n3A_1807 = arith.select %gt3A_1806, %get3A_1805, %select_n3A_1797 : vector<16xi1>, vector<16xf32>
        %jit3A_1808 = arith.constant 4.100000e+01 : f32
        %broadcast_in_dim3A_1809 = vector.broadcast %jit3A_1808 : f32 to vector<16xf32>
        %select_n3A_1810 = arith.select %gt3A_1806, %broadcast_in_dim3A_1809, %select_n3A_1800 : vector<16xi1>, vector<16xf32>
        %get3A_1811 = arith.constant 168 : i32
        %get3A_1812 = arith.index_cast %get3A_1811 : i32 to index
        %get3A_1813 = arith.constant 0 : index
        %get3A_1814 = tpu.vector_load %arg4[%get3A_1812, %get3A_1813] {strides = array<i32>} : memref<1232x16xf32, #tpu.memory_space<vmem>>, vector<1x16xf32>,
        %get3A_1815 = vector.shape_cast %get3A_1814 : vector<1x16xf32> to vector<16xf32>
        %gt3A_1816 = arith.cmpf ogt, %get3A_1815, %select_n3A_1807 : vector<16xf32>
        %select_n3A_1817 = arith.select %gt3A_1816, %get3A_1815, %select_n3A_1807 : vector<16xi1>, vector<16xf32>
        %jit3A_1818 = arith.constant 4.200000e+01 : f32
        %broadcast_in_dim3A_1819 = vector.broadcast %jit3A_1818 : f32 to vector<16xf32>
        %select_n3A_1820 = arith.select %gt3A_1816, %broadcast_in_dim3A_1819, %select_n3A_1810 : vector<16xi1>, vector<16xf32>
        %get3A_1821 = arith.constant 172 : i32
        %get3A_1822 = arith.index_cast %get3A_1821 : i32 to index
        %get3A_1823 = arith.constant 0 : index
        %get3A_1824 = tpu.vector_load %arg4[%get3A_1822, %get3A_1823] {strides = array<i32>} : memref<1232x16xf32, #tpu.memory_space<vmem>>, vector<1x16xf32>,
        %get3A_1825 = vector.shape_cast %get3A_1824 : vector<1x16xf32> to vector<16xf32>
        %gt3A_1826 = arith.cmpf ogt, %get3A_1825, %select_n3A_1817 : vector<16xf32>
        %select_n3A_1827 = arith.select %gt3A_1826, %get3A_1825, %select_n3A_1817 : vector<16xi1>, vector<16xf32>
        %jit3A_1828 = arith.constant 4.300000e+01 : f32
        %broadcast_in_dim3A_1829 = vector.broadcast %jit3A_1828 : f32 to vector<16xf32>
        %select_n3A_1830 = arith.select %gt3A_1826, %broadcast_in_dim3A_1829, %select_n3A_1820 : vector<16xi1>, vector<16xf32>
        %get3A_1831 = arith.constant 176 : i32
        %get3A_1832 = arith.index_cast %get3A_1831 : i32 to index
        %get3A_1833 = arith.constant 0 : index
        %get3A_1834 = tpu.vector_load %arg4[%get3A_1832, %get3A_1833] {strides = array<i32>} : memref<1232x16xf32, #tpu.memory_space<vmem>>, vector<1x16xf32>,
        %get3A_1835 = vector.shape_cast %get3A_1834 : vector<1x16xf32> to vector<16xf32>
        %gt3A_1836 = arith.cmpf ogt, %get3A_1835, %select_n3A_1827 : vector<16xf32>
        %select_n3A_1837 = arith.select %gt3A_1836, %get3A_1835, %select_n3A_1827 : vector<16xi1>, vector<16xf32>
        %jit3A_1838 = arith.constant 4.400000e+01 : f32
        %broadcast_in_dim3A_1839 = vector.broadcast %jit3A_1838 : f32 to vector<16xf32>
        %select_n3A_1840 = arith.select %gt3A_1836, %broadcast_in_dim3A_1839, %select_n3A_1830 : vector<16xi1>, vector<16xf32>
        %get3A_1841 = arith.constant 180 : i32
        %get3A_1842 = arith.index_cast %get3A_1841 : i32 to index
        %get3A_1843 = arith.constant 0 : index
        %get3A_1844 = tpu.vector_load %arg4[%get3A_1842, %get3A_1843] {strides = array<i32>} : memref<1232x16xf32, #tpu.memory_space<vmem>>, vector<1x16xf32>,
        %get3A_1845 = vector.shape_cast %get3A_1844 : vector<1x16xf32> to vector<16xf32>
        %gt3A_1846 = arith.cmpf ogt, %get3A_1845, %select_n3A_1837 : vector<16xf32>
        %select_n3A_1847 = arith.select %gt3A_1846, %get3A_1845, %select_n3A_1837 : vector<16xi1>, vector<16xf32>
        %jit3A_1848 = arith.constant 4.500000e+01 : f32
        %broadcast_in_dim3A_1849 = vector.broadcast %jit3A_1848 : f32 to vector<16xf32>
        %select_n3A_1850 = arith.select %gt3A_1846, %broadcast_in_dim3A_1849, %select_n3A_1840 : vector<16xi1>, vector<16xf32>
        %get3A_1851 = arith.constant 184 : i32
        %get3A_1852 = arith.index_cast %get3A_1851 : i32 to index
        %get3A_1853 = arith.constant 0 : index
        %get3A_1854 = tpu.vector_load %arg4[%get3A_1852, %get3A_1853] {strides = array<i32>} : memref<1232x16xf32, #tpu.memory_space<vmem>>, vector<1x16xf32>,
        %get3A_1855 = vector.shape_cast %get3A_1854 : vector<1x16xf32> to vector<16xf32>
        %gt3A_1856 = arith.cmpf ogt, %get3A_1855, %select_n3A_1847 : vector<16xf32>
        %select_n3A_1857 = arith.select %gt3A_1856, %get3A_1855, %select_n3A_1847 : vector<16xi1>, vector<16xf32>
        %jit3A_1858 = arith.constant 4.600000e+01 : f32
        %broadcast_in_dim3A_1859 = vector.broadcast %jit3A_1858 : f32 to vector<16xf32>
        %select_n3A_1860 = arith.select %gt3A_1856, %broadcast_in_dim3A_1859, %select_n3A_1850 : vector<16xi1>, vector<16xf32>
        %get3A_1861 = arith.constant 188 : i32
        %get3A_1862 = arith.index_cast %get3A_1861 : i32 to index
        %get3A_1863 = arith.constant 0 : index
        %get3A_1864 = tpu.vector_load %arg4[%get3A_1862, %get3A_1863] {strides = array<i32>} : memref<1232x16xf32, #tpu.memory_space<vmem>>, vector<1x16xf32>,
        %get3A_1865 = vector.shape_cast %get3A_1864 : vector<1x16xf32> to vector<16xf32>
        %gt3A_1866 = arith.cmpf ogt, %get3A_1865, %select_n3A_1857 : vector<16xf32>
        %select_n3A_1867 = arith.select %gt3A_1866, %get3A_1865, %select_n3A_1857 : vector<16xi1>, vector<16xf32>
        %jit3A_1868 = arith.constant 4.700000e+01 : f32
        %broadcast_in_dim3A_1869 = vector.broadcast %jit3A_1868 : f32 to vector<16xf32>
        %select_n3A_1870 = arith.select %gt3A_1866, %broadcast_in_dim3A_1869, %select_n3A_1860 : vector<16xi1>, vector<16xf32>
        %get3A_1871 = arith.constant 192 : i32
        %get3A_1872 = arith.index_cast %get3A_1871 : i32 to index
        %get3A_1873 = arith.constant 0 : index
        %get3A_1874 = tpu.vector_load %arg4[%get3A_1872, %get3A_1873] {strides = array<i32>} : memref<1232x16xf32, #tpu.memory_space<vmem>>, vector<1x16xf32>,
        %get3A_1875 = vector.shape_cast %get3A_1874 : vector<1x16xf32> to vector<16xf32>
        %gt3A_1876 = arith.cmpf ogt, %get3A_1875, %select_n3A_1867 : vector<16xf32>
        %select_n3A_1877 = arith.select %gt3A_1876, %get3A_1875, %select_n3A_1867 : vector<16xi1>, vector<16xf32>
        %jit3A_1878 = arith.constant 4.800000e+01 : f32
        %broadcast_in_dim3A_1879 = vector.broadcast %jit3A_1878 : f32 to vector<16xf32>
        %select_n3A_1880 = arith.select %gt3A_1876, %broadcast_in_dim3A_1879, %select_n3A_1870 : vector<16xi1>, vector<16xf32>
        %get3A_1881 = arith.constant 196 : i32
        %get3A_1882 = arith.index_cast %get3A_1881 : i32 to index
        %get3A_1883 = arith.constant 0 : index
        %get3A_1884 = tpu.vector_load %arg4[%get3A_1882, %get3A_1883] {strides = array<i32>} : memref<1232x16xf32, #tpu.memory_space<vmem>>, vector<1x16xf32>,
        %get3A_1885 = vector.shape_cast %get3A_1884 : vector<1x16xf32> to vector<16xf32>
        %gt3A_1886 = arith.cmpf ogt, %get3A_1885, %select_n3A_1877 : vector<16xf32>
        %select_n3A_1887 = arith.select %gt3A_1886, %get3A_1885, %select_n3A_1877 : vector<16xi1>, vector<16xf32>
        %jit3A_1888 = arith.constant 4.900000e+01 : f32
        %broadcast_in_dim3A_1889 = vector.broadcast %jit3A_1888 : f32 to vector<16xf32>
        %select_n3A_1890 = arith.select %gt3A_1886, %broadcast_in_dim3A_1889, %select_n3A_1880 : vector<16xi1>, vector<16xf32>
        %get3A_1891 = arith.constant 200 : i32
        %get3A_1892 = arith.index_cast %get3A_1891 : i32 to index
        %get3A_1893 = arith.constant 0 : index
        %get3A_1894 = tpu.vector_load %arg4[%get3A_1892, %get3A_1893] {strides = array<i32>} : memref<1232x16xf32, #tpu.memory_space<vmem>>, vector<1x16xf32>,
        %get3A_1895 = vector.shape_cast %get3A_1894 : vector<1x16xf32> to vector<16xf32>
        %gt3A_1896 = arith.cmpf ogt, %get3A_1895, %select_n3A_1887 : vector<16xf32>
        %select_n3A_1897 = arith.select %gt3A_1896, %get3A_1895, %select_n3A_1887 : vector<16xi1>, vector<16xf32>
        %jit3A_1898 = arith.constant 5.000000e+01 : f32
        %broadcast_in_dim3A_1899 = vector.broadcast %jit3A_1898 : f32 to vector<16xf32>
        %select_n3A_1900 = arith.select %gt3A_1896, %broadcast_in_dim3A_1899, %select_n3A_1890 : vector<16xi1>, vector<16xf32>
        %select_n3A_1901 = arith.select %and3A_754, %select_n3A_1897, %get3A_736 : vector<16xi1>, vector<16xf32>
        %swap3A_1902 = arith.constant 0 : i32
        %swap3A_1903 = arith.index_cast %swap3A_1902 : i32 to index
        %swap3A_1904 = arith.constant 0 : index
        %swap3A_1905 = tpu.vector_load %arg5[%swap3A_1903, %swap3A_1904] {strides = array<i32>} : memref<4x16xf32, #tpu.memory_space<vmem>>, vector<1x16xf32>,
        %swap3A_1906 = vector.shape_cast %swap3A_1905 : vector<1x16xf32> to vector<16xf32>
        %swap3A_1907 = vector.shape_cast %select_n3A_1901 : vector<16xf32> to vector<1x16xf32>
        tpu.vector_store %arg5[%swap3A_1903, %swap3A_1904], %swap3A_1907 {strides = array<i32>} : memref<4x16xf32, #tpu.memory_space<vmem>>, vector<1x16xf32>,
        %select_n3A_1908 = arith.select %and3A_754, %select_n3A_1900, %get3A_741 : vector<16xi1>, vector<16xf32>
        %swap3A_1909 = arith.constant 0 : i32
        %swap3A_1910 = arith.index_cast %swap3A_1909 : i32 to index
        %swap3A_1911 = arith.constant 0 : index
        %swap3A_1912 = tpu.vector_load %arg6[%swap3A_1910, %swap3A_1911] {strides = array<i32>} : memref<4x16xf32, #tpu.memory_space<vmem>>, vector<1x16xf32>,
        %swap3A_1913 = vector.shape_cast %swap3A_1912 : vector<1x16xf32> to vector<16xf32>
        %swap3A_1914 = vector.shape_cast %select_n3A_1908 : vector<16xf32> to vector<1x16xf32>
        tpu.vector_store %arg6[%swap3A_1910, %swap3A_1911], %swap3A_1914 {strides = array<i32>} : memref<4x16xf32, #tpu.memory_space<vmem>>, vector<1x16xf32>,
      } else {
      }
      %get3A_791 = arith.constant 0 : i32
      %get3A_792 = arith.index_cast %get3A_791 : i32 to index
      %get3A_793 = arith.constant 0 : index
      %get3A_794 = tpu.vector_load %arg5[%get3A_792, %get3A_793] {strides = array<i32>} : memref<4x16xf32, #tpu.memory_space<vmem>>, vector<1x16xf32>,
      %get3A_795 = vector.shape_cast %get3A_794 : vector<1x16xf32> to vector<16xf32>
      %jit3A_796 = arith.constant -1.000000e+00 : f32
      %broadcast_in_dim3A_797 = vector.broadcast %jit3A_796 : f32 to vector<16xf32>
      %select_n3A_798 = arith.select %eq3A_747, %broadcast_in_dim3A_797, %get3A_795 : vector<16xi1>, vector<16xf32>
      %swap3A_799 = arith.constant 0 : i32
      %swap3A_800 = arith.index_cast %swap3A_799 : i32 to index
      %swap3A_801 = arith.constant 0 : index
      %swap3A_802 = tpu.vector_load %arg5[%swap3A_800, %swap3A_801] {strides = array<i32>} : memref<4x16xf32, #tpu.memory_space<vmem>>, vector<1x16xf32>,
      %swap3A_803 = vector.shape_cast %swap3A_802 : vector<1x16xf32> to vector<16xf32>
      %swap3A_804 = vector.shape_cast %select_n3A_798 : vector<16xf32> to vector<1x16xf32>
      tpu.vector_store %arg5[%swap3A_800, %swap3A_801], %swap3A_804 {strides = array<i32>} : memref<4x16xf32, #tpu.memory_space<vmem>>, vector<1x16xf32>,
      %get3A_805 = arith.constant 0 : i32
      %get3A_806 = arith.index_cast %get3A_805 : i32 to index
      %get3A_807 = arith.constant 0 : index
      %get3A_808 = tpu.vector_load %arg7[%get3A_806, %get3A_807] {strides = array<i32>} : memref<4x16xf32, #tpu.memory_space<vmem>>, vector<1x16xf32>,
      %get3A_809 = vector.shape_cast %get3A_808 : vector<1x16xf32> to vector<16xf32>
      %select_n3A_810 = arith.select %eq3A_747, %gather3A_598, %get3A_809 : vector<16xi1>, vector<16xf32>
      %swap3A_811 = arith.constant 0 : i32
      %swap3A_812 = arith.index_cast %swap3A_811 : i32 to index
      %swap3A_813 = arith.constant 0 : index
      %swap3A_814 = tpu.vector_load %arg7[%swap3A_812, %swap3A_813] {strides = array<i32>} : memref<4x16xf32, #tpu.memory_space<vmem>>, vector<1x16xf32>,
      %swap3A_815 = vector.shape_cast %swap3A_814 : vector<1x16xf32> to vector<16xf32>
      %swap3A_816 = vector.shape_cast %select_n3A_810 : vector<16xf32> to vector<1x16xf32>
      tpu.vector_store %arg7[%swap3A_812, %swap3A_813], %swap3A_816 {strides = array<i32>} : memref<4x16xf32, #tpu.memory_space<vmem>>, vector<1x16xf32>,
      %mul3A_817 = arith.constant 4 : i32
      %mul3A_818 = arith.muli %convert_element_type3A_607, %mul3A_817 : i32
      %add3A_819 = arith.constant 1 : i32
      %add3A_820 = arith.addi %mul3A_818, %add3A_819 : i32
      %get3A_821 = arith.index_cast %add3A_820 : i32 to index
      %get3A_822 = arith.constant 0 : index
      %get3A_823 = tpu.vector_load %arg4[%get3A_821, %get3A_822] {strides = array<i32>} : memref<1232x16xf32, #tpu.memory_space<vmem>>, vector<1x16xf32>,
      %get3A_824 = vector.shape_cast %get3A_823 : vector<1x16xf32> to vector<16xf32>
      %add3A_825 = arith.constant 51 : i32
      %add3A_826 = arith.addi %add3A_825, %convert_element_type3A_607 : i32
      %mul3A_827 = arith.constant 4 : i32
      %mul3A_828 = arith.muli %add3A_826, %mul3A_827 : i32
      %add3A_829 = arith.constant 1 : i32
      %add3A_830 = arith.addi %mul3A_828, %add3A_829 : i32
      %get3A_831 = arith.index_cast %add3A_830 : i32 to index
      %get3A_832 = arith.constant 0 : index
      %get3A_833 = tpu.vector_load %arg4[%get3A_831, %get3A_832] {strides = array<i32>} : memref<1232x16xf32, #tpu.memory_space<vmem>>, vector<1x16xf32>,
      %get3A_834 = vector.shape_cast %get3A_833 : vector<1x16xf32> to vector<16xf32>
      %add3A_835 = arith.constant 102 : i32
      %add3A_836 = arith.addi %add3A_835, %convert_element_type3A_607 : i32
      %mul3A_837 = arith.constant 4 : i32
      %mul3A_838 = arith.muli %add3A_836, %mul3A_837 : i32
      %add3A_839 = arith.constant 1 : i32
      %add3A_840 = arith.addi %mul3A_838, %add3A_839 : i32
      %get3A_841 = arith.index_cast %add3A_840 : i32 to index
      %get3A_842 = arith.constant 0 : index
      %get3A_843 = tpu.vector_load %arg4[%get3A_841, %get3A_842] {strides = array<i32>} : memref<1232x16xf32, #tpu.memory_space<vmem>>, vector<1x16xf32>,
      %get3A_844 = vector.shape_cast %get3A_843 : vector<1x16xf32> to vector<16xf32>
      %add3A_845 = arith.constant 153 : i32
      %add3A_846 = arith.addi %add3A_845, %convert_element_type3A_607 : i32
      %mul3A_847 = arith.constant 4 : i32
      %mul3A_848 = arith.muli %add3A_846, %mul3A_847 : i32
      %add3A_849 = arith.constant 1 : i32
      %add3A_850 = arith.addi %mul3A_848, %add3A_849 : i32
      %get3A_851 = arith.index_cast %add3A_850 : i32 to index
      %get3A_852 = arith.constant 0 : index
      %get3A_853 = tpu.vector_load %arg4[%get3A_851, %get3A_852] {strides = array<i32>} : memref<1232x16xf32, #tpu.memory_space<vmem>>, vector<1x16xf32>,
      %get3A_854 = vector.shape_cast %get3A_853 : vector<1x16xf32> to vector<16xf32>
      %add3A_855 = arith.constant 204 : i32
      %add3A_856 = arith.addi %add3A_855, %convert_element_type3A_607 : i32
      %mul3A_857 = arith.constant 4 : i32
      %mul3A_858 = arith.muli %add3A_856, %mul3A_857 : i32
      %add3A_859 = arith.constant 1 : i32
      %add3A_860 = arith.addi %mul3A_858, %add3A_859 : i32
      %get3A_861 = arith.index_cast %add3A_860 : i32 to index
      %get3A_862 = arith.constant 0 : index
      %get3A_863 = tpu.vector_load %arg4[%get3A_861, %get3A_862] {strides = array<i32>} : memref<1232x16xf32, #tpu.memory_space<vmem>>, vector<1x16xf32>,
      %get3A_864 = vector.shape_cast %get3A_863 : vector<1x16xf32> to vector<16xf32>
      %add3A_865 = arith.constant 255 : i32
      %add3A_866 = arith.addi %add3A_865, %convert_element_type3A_607 : i32
      %mul3A_867 = arith.constant 4 : i32
      %mul3A_868 = arith.muli %add3A_866, %mul3A_867 : i32
      %add3A_869 = arith.constant 1 : i32
      %add3A_870 = arith.addi %mul3A_868, %add3A_869 : i32
      %get3A_871 = arith.index_cast %add3A_870 : i32 to index
      %get3A_872 = arith.constant 0 : index
      %get3A_873 = tpu.vector_load %arg4[%get3A_871, %get3A_872] {strides = array<i32>} : memref<1232x16xf32, #tpu.memory_space<vmem>>, vector<1x16xf32>,
      %get3A_874 = vector.shape_cast %get3A_873 : vector<1x16xf32> to vector<16xf32>
      %min3A_875 = arith.minimumf %gather3A_625, %get3A_854 : vector<16xf32>
      %max3A_876 = arith.maximumf %gather3A_613, %get3A_834 : vector<16xf32>
      %sub3A_877 = arith.subf %min3A_875, %max3A_876 : vector<16xf32>
      %add3A_878 = arith.constant 1.000000e+00 : f32
      %add3A_879 = vector.broadcast %add3A_878 : f32 to vector<16xf32>
      %add3A_880 = arith.addf %sub3A_877, %add3A_879 : vector<16xf32>
      %max3A_881 = arith.constant 0.000000e+00 : f32
      %max3A_882 = vector.broadcast %max3A_881 : f32 to vector<16xf32>
      %max3A_883 = arith.maximumf %add3A_880, %max3A_882 : vector<16xf32>
      %min3A_884 = arith.minimumf %gather3A_631, %get3A_864 : vector<16xf32>
      %max3A_885 = arith.maximumf %gather3A_619, %get3A_844 : vector<16xf32>
      %sub3A_886 = arith.subf %min3A_884, %max3A_885 : vector<16xf32>
      %add3A_887 = arith.constant 1.000000e+00 : f32
      %add3A_888 = vector.broadcast %add3A_887 : f32 to vector<16xf32>
      %add3A_889 = arith.addf %sub3A_886, %add3A_888 : vector<16xf32>
      %max3A_890 = arith.constant 0.000000e+00 : f32
      %max3A_891 = vector.broadcast %max3A_890 : f32 to vector<16xf32>
      %max3A_892 = arith.maximumf %add3A_889, %max3A_891 : vector<16xf32>
      %mul3A_893 = arith.mulf %max3A_883, %max3A_892 : vector<16xf32>
      %neg3A_894 = arith.constant 0.000000e+00 : f32
      %neg3A_895 = vector.broadcast %neg3A_894 : f32 to vector<16xf32>
      %neg3A_896 = arith.subf %neg3A_895, %mul3A_893 : vector<16xf32>
      %add3A_897 = arith.addf %neg3A_896, %get3A_874 : vector<16xf32>
      %add3A_898 = arith.addf %add3A_897, %gather3A_637 : vector<16xf32>
      %div3A_899 = arith.divf %mul3A_893, %add3A_898 : vector<16xf32>
      %ge3A_900 = arith.constant 5.000000e-01 : f32
      %ge3A_901 = vector.broadcast %ge3A_900 : f32 to vector<16xf32>
      %ge3A_902 = arith.cmpf oge, %div3A_899, %ge3A_901 : vector<16xf32>
      %jit3A_903 = arith.constant 0.000000e+00 : f32
      %broadcast_in_dim3A_904 = vector.broadcast %jit3A_903 : f32 to vector<16xf32>
      %select_n3A_905 = arith.select %ge3A_902, %broadcast_in_dim3A_904, %get3A_824 : vector<16xi1>, vector<16xf32>
      %mul3A_906 = arith.constant 4 : i32
      %mul3A_907 = arith.muli %convert_element_type3A_607, %mul3A_906 : i32
      %add3A_908 = arith.constant 1 : i32
      %add3A_909 = arith.addi %mul3A_907, %add3A_908 : i32
      %swap3A_910 = arith.index_cast %add3A_909 : i32 to index
      %swap3A_911 = arith.constant 0 : index
      %swap3A_912 = tpu.vector_load %arg4[%swap3A_910, %swap3A_911] {strides = array<i32>} : memref<1232x16xf32, #tpu.memory_space<vmem>>, vector<1x16xf32>,
      %swap3A_913 = vector.shape_cast %swap3A_912 : vector<1x16xf32> to vector<16xf32>
      %swap3A_914 = vector.shape_cast %select_n3A_905 : vector<16xf32> to vector<1x16xf32>
      tpu.vector_store %arg4[%swap3A_910, %swap3A_911], %swap3A_914 {strides = array<i32>} : memref<1232x16xf32, #tpu.memory_space<vmem>>, vector<1x16xf32>,
      %get3A_915 = arith.constant 1 : i32
      %get3A_916 = arith.index_cast %get3A_915 : i32 to index
      %get3A_917 = arith.constant 0 : index
      %get3A_918 = tpu.vector_load %arg5[%get3A_916, %get3A_917] {strides = array<i32>} : memref<4x16xf32, #tpu.memory_space<vmem>>, vector<1x16xf32>,
      %get3A_919 = vector.shape_cast %get3A_918 : vector<1x16xf32> to vector<16xf32>
      %get3A_920 = arith.constant 1 : i32
      %get3A_921 = arith.index_cast %get3A_920 : i32 to index
      %get3A_922 = arith.constant 0 : index
      %get3A_923 = tpu.vector_load %arg6[%get3A_921, %get3A_922] {strides = array<i32>} : memref<4x16xf32, #tpu.memory_space<vmem>>, vector<1x16xf32>,
      %get3A_924 = vector.shape_cast %get3A_923 : vector<1x16xf32> to vector<16xf32>
      %add3A_925 = arith.constant 16 : i32
      %add3A_926 = arith.addi %mul3A_0, %add3A_925 : i32
      %convert_element_type3A_927 = arith.sitofp %add3A_926 : i32 to f32
      %add3A_928 = vector.broadcast %convert_element_type3A_927 : f32 to vector<16xf32>
      %add3A_929 = arith.addf %convert_element_type3A, %add3A_928 : vector<16xf32>
      %eq3A_930 = arith.cmpf oeq, %add3A_929, %gather3A_592 : vector<16xf32>
      %eq3A_931 = arith.cmpf oeq, %get3A_924, %gather3A_598 : vector<16xf32>
      %and3A_932 = arith.andi %ge3A_902, %eq3A_931 : vector<16xi1>
      %gt3A_933 = arith.constant -5.000000e-01 : f32
      %gt3A_934 = vector.broadcast %gt3A_933 : f32 to vector<16xf32>
      %gt3A_935 = arith.cmpf ogt, %get3A_919, %gt3A_934 : vector<16xf32>
      %and3A_936 = arith.andi %and3A_932, %gt3A_935 : vector<16xi1>
      %ne3A_937 = arith.cmpf one, %add3A_929, %gather3A_592 : vector<16xf32>
      %and3A_938 = arith.andi %and3A_936, %ne3A_937 : vector<16xi1>
      %jit3A_939 = arith.constant 1.000000e+00 : f32
      %jit3A_940 = arith.constant 0.000000e+00 : f32
      %broadcast_in_dim3A_941 = vector.broadcast %jit3A_939 : f32 to vector<16xf32>
      %broadcast_in_dim3A_942 = vector.broadcast %jit3A_940 : f32 to vector<16xf32>
      %select_n3A_943 = arith.select %and3A_938, %broadcast_in_dim3A_941, %broadcast_in_dim3A_942 : vector<16xi1>, vector<16xf32>
      %xor3A_944 = arith.constant 8 : i32
      %xor3A_945 = vector.broadcast %xor3A_944 : i32 to vector<16xi32>
      %xor3A_946 = arith.xori %iota3A, %xor3A_945 : vector<16xi32>
      %broadcast_in_dim3A_947 = vector.shape_cast %xor3A_946 : vector<16xi32> to vector<16x1xi32>
      %gather3A_948 = vector.shape_cast %broadcast_in_dim3A_947 : vector<16x1xi32> to vector<16xi32>
      %gather3A_949 = tpu.dynamic_gather %select_n3A_943[%gather3A_948] in [0] : vector<16xf32>, vector<16xi32> -> vector<16xf32>
      %max3A_950 = arith.maximumf %select_n3A_943, %gather3A_949 : vector<16xf32>
      %xor3A_951 = arith.constant 4 : i32
      %xor3A_952 = vector.broadcast %xor3A_951 : i32 to vector<16xi32>
      %xor3A_953 = arith.xori %iota3A, %xor3A_952 : vector<16xi32>
      %broadcast_in_dim3A_954 = vector.shape_cast %xor3A_953 : vector<16xi32> to vector<16x1xi32>
      %gather3A_955 = vector.shape_cast %broadcast_in_dim3A_954 : vector<16x1xi32> to vector<16xi32>
      %gather3A_956 = tpu.dynamic_gather %max3A_950[%gather3A_955] in [0] : vector<16xf32>, vector<16xi32> -> vector<16xf32>
      %max3A_957 = arith.maximumf %max3A_950, %gather3A_956 : vector<16xf32>
      %xor3A_958 = arith.constant 2 : i32
      %xor3A_959 = vector.broadcast %xor3A_958 : i32 to vector<16xi32>
      %xor3A_960 = arith.xori %iota3A, %xor3A_959 : vector<16xi32>
      %broadcast_in_dim3A_961 = vector.shape_cast %xor3A_960 : vector<16xi32> to vector<16x1xi32>
      %gather3A_962 = vector.shape_cast %broadcast_in_dim3A_961 : vector<16x1xi32> to vector<16xi32>
      %gather3A_963 = tpu.dynamic_gather %max3A_957[%gather3A_962] in [0] : vector<16xf32>, vector<16xi32> -> vector<16xf32>
      %max3A_964 = arith.maximumf %max3A_957, %gather3A_963 : vector<16xf32>
      %slice3A_965 = vector.extract_strided_slice %max3A_964 {offsets = [0], sizes = [1], strides = [1]} : vector<16xf32> to vector<1xf32>
      %squeeze3A_966 = vector.extract %slice3A_965[0] : f32 from vector<1xf32>
      %slice3A_967 = vector.extract_strided_slice %max3A_964 {offsets = [1], sizes = [1], strides = [1]} : vector<16xf32> to vector<1xf32>
      %squeeze3A_968 = vector.extract %slice3A_967[0] : f32 from vector<1xf32>
      %max3A_969 = arith.maximumf %squeeze3A_966, %squeeze3A_968 : f32
      %gt3A_970 = arith.constant 5.000000e-01 : f32
      %gt3A_971 = arith.cmpf ogt, %max3A_969, %gt3A_970 : f32
      %convert_element_type3A_972 = arith.extui %gt3A_971 : i1 to i32
      %cond3A_973 = arith.constant 0 : i32
      %cond3A_974 = arith.cmpi ne, %convert_element_type3A_972, %cond3A_973 : i32
      scf.if %cond3A_974 {
        %get3A_1394 = arith.constant 1 : i32
        %get3A_1395 = arith.index_cast %get3A_1394 : i32 to index
        %get3A_1396 = arith.constant 0 : index
        %get3A_1397 = tpu.vector_load %arg4[%get3A_1395, %get3A_1396] {strides = array<i32>} : memref<1232x16xf32, #tpu.memory_space<vmem>>, vector<1x16xf32>,
        %get3A_1398 = vector.shape_cast %get3A_1397 : vector<1x16xf32> to vector<16xf32>
        %broadcast_in_dim3A_1399 = arith.constant 0.000000e+00 : f32
        %broadcast_in_dim3A_1400 = vector.broadcast %broadcast_in_dim3A_1399 : f32 to vector<16xf32>
        %get3A_1401 = arith.constant 5 : i32
        %get3A_1402 = arith.index_cast %get3A_1401 : i32 to index
        %get3A_1403 = arith.constant 0 : index
        %get3A_1404 = tpu.vector_load %arg4[%get3A_1402, %get3A_1403] {strides = array<i32>} : memref<1232x16xf32, #tpu.memory_space<vmem>>, vector<1x16xf32>,
        %get3A_1405 = vector.shape_cast %get3A_1404 : vector<1x16xf32> to vector<16xf32>
        %gt3A_1406 = arith.cmpf ogt, %get3A_1405, %get3A_1398 : vector<16xf32>
        %select_n3A_1407 = arith.select %gt3A_1406, %get3A_1405, %get3A_1398 : vector<16xi1>, vector<16xf32>
        %jit3A_1408 = arith.constant 1.000000e+00 : f32
        %broadcast_in_dim3A_1409 = vector.broadcast %jit3A_1408 : f32 to vector<16xf32>
        %select_n3A_1410 = arith.select %gt3A_1406, %broadcast_in_dim3A_1409, %broadcast_in_dim3A_1400 : vector<16xi1>, vector<16xf32>
        %get3A_1411 = arith.constant 9 : i32
        %get3A_1412 = arith.index_cast %get3A_1411 : i32 to index
        %get3A_1413 = arith.constant 0 : index
        %get3A_1414 = tpu.vector_load %arg4[%get3A_1412, %get3A_1413] {strides = array<i32>} : memref<1232x16xf32, #tpu.memory_space<vmem>>, vector<1x16xf32>,
        %get3A_1415 = vector.shape_cast %get3A_1414 : vector<1x16xf32> to vector<16xf32>
        %gt3A_1416 = arith.cmpf ogt, %get3A_1415, %select_n3A_1407 : vector<16xf32>
        %select_n3A_1417 = arith.select %gt3A_1416, %get3A_1415, %select_n3A_1407 : vector<16xi1>, vector<16xf32>
        %jit3A_1418 = arith.constant 2.000000e+00 : f32
        %broadcast_in_dim3A_1419 = vector.broadcast %jit3A_1418 : f32 to vector<16xf32>
        %select_n3A_1420 = arith.select %gt3A_1416, %broadcast_in_dim3A_1419, %select_n3A_1410 : vector<16xi1>, vector<16xf32>
        %get3A_1421 = arith.constant 13 : i32
        %get3A_1422 = arith.index_cast %get3A_1421 : i32 to index
        %get3A_1423 = arith.constant 0 : index
        %get3A_1424 = tpu.vector_load %arg4[%get3A_1422, %get3A_1423] {strides = array<i32>} : memref<1232x16xf32, #tpu.memory_space<vmem>>, vector<1x16xf32>,
        %get3A_1425 = vector.shape_cast %get3A_1424 : vector<1x16xf32> to vector<16xf32>
        %gt3A_1426 = arith.cmpf ogt, %get3A_1425, %select_n3A_1417 : vector<16xf32>
        %select_n3A_1427 = arith.select %gt3A_1426, %get3A_1425, %select_n3A_1417 : vector<16xi1>, vector<16xf32>
        %jit3A_1428 = arith.constant 3.000000e+00 : f32
        %broadcast_in_dim3A_1429 = vector.broadcast %jit3A_1428 : f32 to vector<16xf32>
        %select_n3A_1430 = arith.select %gt3A_1426, %broadcast_in_dim3A_1429, %select_n3A_1420 : vector<16xi1>, vector<16xf32>
        %get3A_1431 = arith.constant 17 : i32
        %get3A_1432 = arith.index_cast %get3A_1431 : i32 to index
        %get3A_1433 = arith.constant 0 : index
        %get3A_1434 = tpu.vector_load %arg4[%get3A_1432, %get3A_1433] {strides = array<i32>} : memref<1232x16xf32, #tpu.memory_space<vmem>>, vector<1x16xf32>,
        %get3A_1435 = vector.shape_cast %get3A_1434 : vector<1x16xf32> to vector<16xf32>
        %gt3A_1436 = arith.cmpf ogt, %get3A_1435, %select_n3A_1427 : vector<16xf32>
        %select_n3A_1437 = arith.select %gt3A_1436, %get3A_1435, %select_n3A_1427 : vector<16xi1>, vector<16xf32>
        %jit3A_1438 = arith.constant 4.000000e+00 : f32
        %broadcast_in_dim3A_1439 = vector.broadcast %jit3A_1438 : f32 to vector<16xf32>
        %select_n3A_1440 = arith.select %gt3A_1436, %broadcast_in_dim3A_1439, %select_n3A_1430 : vector<16xi1>, vector<16xf32>
        %get3A_1441 = arith.constant 21 : i32
        %get3A_1442 = arith.index_cast %get3A_1441 : i32 to index
        %get3A_1443 = arith.constant 0 : index
        %get3A_1444 = tpu.vector_load %arg4[%get3A_1442, %get3A_1443] {strides = array<i32>} : memref<1232x16xf32, #tpu.memory_space<vmem>>, vector<1x16xf32>,
        %get3A_1445 = vector.shape_cast %get3A_1444 : vector<1x16xf32> to vector<16xf32>
        %gt3A_1446 = arith.cmpf ogt, %get3A_1445, %select_n3A_1437 : vector<16xf32>
        %select_n3A_1447 = arith.select %gt3A_1446, %get3A_1445, %select_n3A_1437 : vector<16xi1>, vector<16xf32>
        %jit3A_1448 = arith.constant 5.000000e+00 : f32
        %broadcast_in_dim3A_1449 = vector.broadcast %jit3A_1448 : f32 to vector<16xf32>
        %select_n3A_1450 = arith.select %gt3A_1446, %broadcast_in_dim3A_1449, %select_n3A_1440 : vector<16xi1>, vector<16xf32>
        %get3A_1451 = arith.constant 25 : i32
        %get3A_1452 = arith.index_cast %get3A_1451 : i32 to index
        %get3A_1453 = arith.constant 0 : index
        %get3A_1454 = tpu.vector_load %arg4[%get3A_1452, %get3A_1453] {strides = array<i32>} : memref<1232x16xf32, #tpu.memory_space<vmem>>, vector<1x16xf32>,
        %get3A_1455 = vector.shape_cast %get3A_1454 : vector<1x16xf32> to vector<16xf32>
        %gt3A_1456 = arith.cmpf ogt, %get3A_1455, %select_n3A_1447 : vector<16xf32>
        %select_n3A_1457 = arith.select %gt3A_1456, %get3A_1455, %select_n3A_1447 : vector<16xi1>, vector<16xf32>
        %jit3A_1458 = arith.constant 6.000000e+00 : f32
        %broadcast_in_dim3A_1459 = vector.broadcast %jit3A_1458 : f32 to vector<16xf32>
        %select_n3A_1460 = arith.select %gt3A_1456, %broadcast_in_dim3A_1459, %select_n3A_1450 : vector<16xi1>, vector<16xf32>
        %get3A_1461 = arith.constant 29 : i32
        %get3A_1462 = arith.index_cast %get3A_1461 : i32 to index
        %get3A_1463 = arith.constant 0 : index
        %get3A_1464 = tpu.vector_load %arg4[%get3A_1462, %get3A_1463] {strides = array<i32>} : memref<1232x16xf32, #tpu.memory_space<vmem>>, vector<1x16xf32>,
        %get3A_1465 = vector.shape_cast %get3A_1464 : vector<1x16xf32> to vector<16xf32>
        %gt3A_1466 = arith.cmpf ogt, %get3A_1465, %select_n3A_1457 : vector<16xf32>
        %select_n3A_1467 = arith.select %gt3A_1466, %get3A_1465, %select_n3A_1457 : vector<16xi1>, vector<16xf32>
        %jit3A_1468 = arith.constant 7.000000e+00 : f32
        %broadcast_in_dim3A_1469 = vector.broadcast %jit3A_1468 : f32 to vector<16xf32>
        %select_n3A_1470 = arith.select %gt3A_1466, %broadcast_in_dim3A_1469, %select_n3A_1460 : vector<16xi1>, vector<16xf32>
        %get3A_1471 = arith.constant 33 : i32
        %get3A_1472 = arith.index_cast %get3A_1471 : i32 to index
        %get3A_1473 = arith.constant 0 : index
        %get3A_1474 = tpu.vector_load %arg4[%get3A_1472, %get3A_1473] {strides = array<i32>} : memref<1232x16xf32, #tpu.memory_space<vmem>>, vector<1x16xf32>,
        %get3A_1475 = vector.shape_cast %get3A_1474 : vector<1x16xf32> to vector<16xf32>
        %gt3A_1476 = arith.cmpf ogt, %get3A_1475, %select_n3A_1467 : vector<16xf32>
        %select_n3A_1477 = arith.select %gt3A_1476, %get3A_1475, %select_n3A_1467 : vector<16xi1>, vector<16xf32>
        %jit3A_1478 = arith.constant 8.000000e+00 : f32
        %broadcast_in_dim3A_1479 = vector.broadcast %jit3A_1478 : f32 to vector<16xf32>
        %select_n3A_1480 = arith.select %gt3A_1476, %broadcast_in_dim3A_1479, %select_n3A_1470 : vector<16xi1>, vector<16xf32>
        %get3A_1481 = arith.constant 37 : i32
        %get3A_1482 = arith.index_cast %get3A_1481 : i32 to index
        %get3A_1483 = arith.constant 0 : index
        %get3A_1484 = tpu.vector_load %arg4[%get3A_1482, %get3A_1483] {strides = array<i32>} : memref<1232x16xf32, #tpu.memory_space<vmem>>, vector<1x16xf32>,
        %get3A_1485 = vector.shape_cast %get3A_1484 : vector<1x16xf32> to vector<16xf32>
        %gt3A_1486 = arith.cmpf ogt, %get3A_1485, %select_n3A_1477 : vector<16xf32>
        %select_n3A_1487 = arith.select %gt3A_1486, %get3A_1485, %select_n3A_1477 : vector<16xi1>, vector<16xf32>
        %jit3A_1488 = arith.constant 9.000000e+00 : f32
        %broadcast_in_dim3A_1489 = vector.broadcast %jit3A_1488 : f32 to vector<16xf32>
        %select_n3A_1490 = arith.select %gt3A_1486, %broadcast_in_dim3A_1489, %select_n3A_1480 : vector<16xi1>, vector<16xf32>
        %get3A_1491 = arith.constant 41 : i32
        %get3A_1492 = arith.index_cast %get3A_1491 : i32 to index
        %get3A_1493 = arith.constant 0 : index
        %get3A_1494 = tpu.vector_load %arg4[%get3A_1492, %get3A_1493] {strides = array<i32>} : memref<1232x16xf32, #tpu.memory_space<vmem>>, vector<1x16xf32>,
        %get3A_1495 = vector.shape_cast %get3A_1494 : vector<1x16xf32> to vector<16xf32>
        %gt3A_1496 = arith.cmpf ogt, %get3A_1495, %select_n3A_1487 : vector<16xf32>
        %select_n3A_1497 = arith.select %gt3A_1496, %get3A_1495, %select_n3A_1487 : vector<16xi1>, vector<16xf32>
        %jit3A_1498 = arith.constant 1.000000e+01 : f32
        %broadcast_in_dim3A_1499 = vector.broadcast %jit3A_1498 : f32 to vector<16xf32>
        %select_n3A_1500 = arith.select %gt3A_1496, %broadcast_in_dim3A_1499, %select_n3A_1490 : vector<16xi1>, vector<16xf32>
        %get3A_1501 = arith.constant 45 : i32
        %get3A_1502 = arith.index_cast %get3A_1501 : i32 to index
        %get3A_1503 = arith.constant 0 : index
        %get3A_1504 = tpu.vector_load %arg4[%get3A_1502, %get3A_1503] {strides = array<i32>} : memref<1232x16xf32, #tpu.memory_space<vmem>>, vector<1x16xf32>,
        %get3A_1505 = vector.shape_cast %get3A_1504 : vector<1x16xf32> to vector<16xf32>
        %gt3A_1506 = arith.cmpf ogt, %get3A_1505, %select_n3A_1497 : vector<16xf32>
        %select_n3A_1507 = arith.select %gt3A_1506, %get3A_1505, %select_n3A_1497 : vector<16xi1>, vector<16xf32>
        %jit3A_1508 = arith.constant 1.100000e+01 : f32
        %broadcast_in_dim3A_1509 = vector.broadcast %jit3A_1508 : f32 to vector<16xf32>
        %select_n3A_1510 = arith.select %gt3A_1506, %broadcast_in_dim3A_1509, %select_n3A_1500 : vector<16xi1>, vector<16xf32>
        %get3A_1511 = arith.constant 49 : i32
        %get3A_1512 = arith.index_cast %get3A_1511 : i32 to index
        %get3A_1513 = arith.constant 0 : index
        %get3A_1514 = tpu.vector_load %arg4[%get3A_1512, %get3A_1513] {strides = array<i32>} : memref<1232x16xf32, #tpu.memory_space<vmem>>, vector<1x16xf32>,
        %get3A_1515 = vector.shape_cast %get3A_1514 : vector<1x16xf32> to vector<16xf32>
        %gt3A_1516 = arith.cmpf ogt, %get3A_1515, %select_n3A_1507 : vector<16xf32>
        %select_n3A_1517 = arith.select %gt3A_1516, %get3A_1515, %select_n3A_1507 : vector<16xi1>, vector<16xf32>
        %jit3A_1518 = arith.constant 1.200000e+01 : f32
        %broadcast_in_dim3A_1519 = vector.broadcast %jit3A_1518 : f32 to vector<16xf32>
        %select_n3A_1520 = arith.select %gt3A_1516, %broadcast_in_dim3A_1519, %select_n3A_1510 : vector<16xi1>, vector<16xf32>
        %get3A_1521 = arith.constant 53 : i32
        %get3A_1522 = arith.index_cast %get3A_1521 : i32 to index
        %get3A_1523 = arith.constant 0 : index
        %get3A_1524 = tpu.vector_load %arg4[%get3A_1522, %get3A_1523] {strides = array<i32>} : memref<1232x16xf32, #tpu.memory_space<vmem>>, vector<1x16xf32>,
        %get3A_1525 = vector.shape_cast %get3A_1524 : vector<1x16xf32> to vector<16xf32>
        %gt3A_1526 = arith.cmpf ogt, %get3A_1525, %select_n3A_1517 : vector<16xf32>
        %select_n3A_1527 = arith.select %gt3A_1526, %get3A_1525, %select_n3A_1517 : vector<16xi1>, vector<16xf32>
        %jit3A_1528 = arith.constant 1.300000e+01 : f32
        %broadcast_in_dim3A_1529 = vector.broadcast %jit3A_1528 : f32 to vector<16xf32>
        %select_n3A_1530 = arith.select %gt3A_1526, %broadcast_in_dim3A_1529, %select_n3A_1520 : vector<16xi1>, vector<16xf32>
        %get3A_1531 = arith.constant 57 : i32
        %get3A_1532 = arith.index_cast %get3A_1531 : i32 to index
        %get3A_1533 = arith.constant 0 : index
        %get3A_1534 = tpu.vector_load %arg4[%get3A_1532, %get3A_1533] {strides = array<i32>} : memref<1232x16xf32, #tpu.memory_space<vmem>>, vector<1x16xf32>,
        %get3A_1535 = vector.shape_cast %get3A_1534 : vector<1x16xf32> to vector<16xf32>
        %gt3A_1536 = arith.cmpf ogt, %get3A_1535, %select_n3A_1527 : vector<16xf32>
        %select_n3A_1537 = arith.select %gt3A_1536, %get3A_1535, %select_n3A_1527 : vector<16xi1>, vector<16xf32>
        %jit3A_1538 = arith.constant 1.400000e+01 : f32
        %broadcast_in_dim3A_1539 = vector.broadcast %jit3A_1538 : f32 to vector<16xf32>
        %select_n3A_1540 = arith.select %gt3A_1536, %broadcast_in_dim3A_1539, %select_n3A_1530 : vector<16xi1>, vector<16xf32>
        %get3A_1541 = arith.constant 61 : i32
        %get3A_1542 = arith.index_cast %get3A_1541 : i32 to index
        %get3A_1543 = arith.constant 0 : index
        %get3A_1544 = tpu.vector_load %arg4[%get3A_1542, %get3A_1543] {strides = array<i32>} : memref<1232x16xf32, #tpu.memory_space<vmem>>, vector<1x16xf32>,
        %get3A_1545 = vector.shape_cast %get3A_1544 : vector<1x16xf32> to vector<16xf32>
        %gt3A_1546 = arith.cmpf ogt, %get3A_1545, %select_n3A_1537 : vector<16xf32>
        %select_n3A_1547 = arith.select %gt3A_1546, %get3A_1545, %select_n3A_1537 : vector<16xi1>, vector<16xf32>
        %jit3A_1548 = arith.constant 1.500000e+01 : f32
        %broadcast_in_dim3A_1549 = vector.broadcast %jit3A_1548 : f32 to vector<16xf32>
        %select_n3A_1550 = arith.select %gt3A_1546, %broadcast_in_dim3A_1549, %select_n3A_1540 : vector<16xi1>, vector<16xf32>
        %get3A_1551 = arith.constant 65 : i32
        %get3A_1552 = arith.index_cast %get3A_1551 : i32 to index
        %get3A_1553 = arith.constant 0 : index
        %get3A_1554 = tpu.vector_load %arg4[%get3A_1552, %get3A_1553] {strides = array<i32>} : memref<1232x16xf32, #tpu.memory_space<vmem>>, vector<1x16xf32>,
        %get3A_1555 = vector.shape_cast %get3A_1554 : vector<1x16xf32> to vector<16xf32>
        %gt3A_1556 = arith.cmpf ogt, %get3A_1555, %select_n3A_1547 : vector<16xf32>
        %select_n3A_1557 = arith.select %gt3A_1556, %get3A_1555, %select_n3A_1547 : vector<16xi1>, vector<16xf32>
        %jit3A_1558 = arith.constant 1.600000e+01 : f32
        %broadcast_in_dim3A_1559 = vector.broadcast %jit3A_1558 : f32 to vector<16xf32>
        %select_n3A_1560 = arith.select %gt3A_1556, %broadcast_in_dim3A_1559, %select_n3A_1550 : vector<16xi1>, vector<16xf32>
        %get3A_1561 = arith.constant 69 : i32
        %get3A_1562 = arith.index_cast %get3A_1561 : i32 to index
        %get3A_1563 = arith.constant 0 : index
        %get3A_1564 = tpu.vector_load %arg4[%get3A_1562, %get3A_1563] {strides = array<i32>} : memref<1232x16xf32, #tpu.memory_space<vmem>>, vector<1x16xf32>,
        %get3A_1565 = vector.shape_cast %get3A_1564 : vector<1x16xf32> to vector<16xf32>
        %gt3A_1566 = arith.cmpf ogt, %get3A_1565, %select_n3A_1557 : vector<16xf32>
        %select_n3A_1567 = arith.select %gt3A_1566, %get3A_1565, %select_n3A_1557 : vector<16xi1>, vector<16xf32>
        %jit3A_1568 = arith.constant 1.700000e+01 : f32
        %broadcast_in_dim3A_1569 = vector.broadcast %jit3A_1568 : f32 to vector<16xf32>
        %select_n3A_1570 = arith.select %gt3A_1566, %broadcast_in_dim3A_1569, %select_n3A_1560 : vector<16xi1>, vector<16xf32>
        %get3A_1571 = arith.constant 73 : i32
        %get3A_1572 = arith.index_cast %get3A_1571 : i32 to index
        %get3A_1573 = arith.constant 0 : index
        %get3A_1574 = tpu.vector_load %arg4[%get3A_1572, %get3A_1573] {strides = array<i32>} : memref<1232x16xf32, #tpu.memory_space<vmem>>, vector<1x16xf32>,
        %get3A_1575 = vector.shape_cast %get3A_1574 : vector<1x16xf32> to vector<16xf32>
        %gt3A_1576 = arith.cmpf ogt, %get3A_1575, %select_n3A_1567 : vector<16xf32>
        %select_n3A_1577 = arith.select %gt3A_1576, %get3A_1575, %select_n3A_1567 : vector<16xi1>, vector<16xf32>
        %jit3A_1578 = arith.constant 1.800000e+01 : f32
        %broadcast_in_dim3A_1579 = vector.broadcast %jit3A_1578 : f32 to vector<16xf32>
        %select_n3A_1580 = arith.select %gt3A_1576, %broadcast_in_dim3A_1579, %select_n3A_1570 : vector<16xi1>, vector<16xf32>
        %get3A_1581 = arith.constant 77 : i32
        %get3A_1582 = arith.index_cast %get3A_1581 : i32 to index
        %get3A_1583 = arith.constant 0 : index
        %get3A_1584 = tpu.vector_load %arg4[%get3A_1582, %get3A_1583] {strides = array<i32>} : memref<1232x16xf32, #tpu.memory_space<vmem>>, vector<1x16xf32>,
        %get3A_1585 = vector.shape_cast %get3A_1584 : vector<1x16xf32> to vector<16xf32>
        %gt3A_1586 = arith.cmpf ogt, %get3A_1585, %select_n3A_1577 : vector<16xf32>
        %select_n3A_1587 = arith.select %gt3A_1586, %get3A_1585, %select_n3A_1577 : vector<16xi1>, vector<16xf32>
        %jit3A_1588 = arith.constant 1.900000e+01 : f32
        %broadcast_in_dim3A_1589 = vector.broadcast %jit3A_1588 : f32 to vector<16xf32>
        %select_n3A_1590 = arith.select %gt3A_1586, %broadcast_in_dim3A_1589, %select_n3A_1580 : vector<16xi1>, vector<16xf32>
        %get3A_1591 = arith.constant 81 : i32
        %get3A_1592 = arith.index_cast %get3A_1591 : i32 to index
        %get3A_1593 = arith.constant 0 : index
        %get3A_1594 = tpu.vector_load %arg4[%get3A_1592, %get3A_1593] {strides = array<i32>} : memref<1232x16xf32, #tpu.memory_space<vmem>>, vector<1x16xf32>,
        %get3A_1595 = vector.shape_cast %get3A_1594 : vector<1x16xf32> to vector<16xf32>
        %gt3A_1596 = arith.cmpf ogt, %get3A_1595, %select_n3A_1587 : vector<16xf32>
        %select_n3A_1597 = arith.select %gt3A_1596, %get3A_1595, %select_n3A_1587 : vector<16xi1>, vector<16xf32>
        %jit3A_1598 = arith.constant 2.000000e+01 : f32
        %broadcast_in_dim3A_1599 = vector.broadcast %jit3A_1598 : f32 to vector<16xf32>
        %select_n3A_1600 = arith.select %gt3A_1596, %broadcast_in_dim3A_1599, %select_n3A_1590 : vector<16xi1>, vector<16xf32>
        %get3A_1601 = arith.constant 85 : i32
        %get3A_1602 = arith.index_cast %get3A_1601 : i32 to index
        %get3A_1603 = arith.constant 0 : index
        %get3A_1604 = tpu.vector_load %arg4[%get3A_1602, %get3A_1603] {strides = array<i32>} : memref<1232x16xf32, #tpu.memory_space<vmem>>, vector<1x16xf32>,
        %get3A_1605 = vector.shape_cast %get3A_1604 : vector<1x16xf32> to vector<16xf32>
        %gt3A_1606 = arith.cmpf ogt, %get3A_1605, %select_n3A_1597 : vector<16xf32>
        %select_n3A_1607 = arith.select %gt3A_1606, %get3A_1605, %select_n3A_1597 : vector<16xi1>, vector<16xf32>
        %jit3A_1608 = arith.constant 2.100000e+01 : f32
        %broadcast_in_dim3A_1609 = vector.broadcast %jit3A_1608 : f32 to vector<16xf32>
        %select_n3A_1610 = arith.select %gt3A_1606, %broadcast_in_dim3A_1609, %select_n3A_1600 : vector<16xi1>, vector<16xf32>
        %get3A_1611 = arith.constant 89 : i32
        %get3A_1612 = arith.index_cast %get3A_1611 : i32 to index
        %get3A_1613 = arith.constant 0 : index
        %get3A_1614 = tpu.vector_load %arg4[%get3A_1612, %get3A_1613] {strides = array<i32>} : memref<1232x16xf32, #tpu.memory_space<vmem>>, vector<1x16xf32>,
        %get3A_1615 = vector.shape_cast %get3A_1614 : vector<1x16xf32> to vector<16xf32>
        %gt3A_1616 = arith.cmpf ogt, %get3A_1615, %select_n3A_1607 : vector<16xf32>
        %select_n3A_1617 = arith.select %gt3A_1616, %get3A_1615, %select_n3A_1607 : vector<16xi1>, vector<16xf32>
        %jit3A_1618 = arith.constant 2.200000e+01 : f32
        %broadcast_in_dim3A_1619 = vector.broadcast %jit3A_1618 : f32 to vector<16xf32>
        %select_n3A_1620 = arith.select %gt3A_1616, %broadcast_in_dim3A_1619, %select_n3A_1610 : vector<16xi1>, vector<16xf32>
        %get3A_1621 = arith.constant 93 : i32
        %get3A_1622 = arith.index_cast %get3A_1621 : i32 to index
        %get3A_1623 = arith.constant 0 : index
        %get3A_1624 = tpu.vector_load %arg4[%get3A_1622, %get3A_1623] {strides = array<i32>} : memref<1232x16xf32, #tpu.memory_space<vmem>>, vector<1x16xf32>,
        %get3A_1625 = vector.shape_cast %get3A_1624 : vector<1x16xf32> to vector<16xf32>
        %gt3A_1626 = arith.cmpf ogt, %get3A_1625, %select_n3A_1617 : vector<16xf32>
        %select_n3A_1627 = arith.select %gt3A_1626, %get3A_1625, %select_n3A_1617 : vector<16xi1>, vector<16xf32>
        %jit3A_1628 = arith.constant 2.300000e+01 : f32
        %broadcast_in_dim3A_1629 = vector.broadcast %jit3A_1628 : f32 to vector<16xf32>
        %select_n3A_1630 = arith.select %gt3A_1626, %broadcast_in_dim3A_1629, %select_n3A_1620 : vector<16xi1>, vector<16xf32>
        %get3A_1631 = arith.constant 97 : i32
        %get3A_1632 = arith.index_cast %get3A_1631 : i32 to index
        %get3A_1633 = arith.constant 0 : index
        %get3A_1634 = tpu.vector_load %arg4[%get3A_1632, %get3A_1633] {strides = array<i32>} : memref<1232x16xf32, #tpu.memory_space<vmem>>, vector<1x16xf32>,
        %get3A_1635 = vector.shape_cast %get3A_1634 : vector<1x16xf32> to vector<16xf32>
        %gt3A_1636 = arith.cmpf ogt, %get3A_1635, %select_n3A_1627 : vector<16xf32>
        %select_n3A_1637 = arith.select %gt3A_1636, %get3A_1635, %select_n3A_1627 : vector<16xi1>, vector<16xf32>
        %jit3A_1638 = arith.constant 2.400000e+01 : f32
        %broadcast_in_dim3A_1639 = vector.broadcast %jit3A_1638 : f32 to vector<16xf32>
        %select_n3A_1640 = arith.select %gt3A_1636, %broadcast_in_dim3A_1639, %select_n3A_1630 : vector<16xi1>, vector<16xf32>
        %get3A_1641 = arith.constant 101 : i32
        %get3A_1642 = arith.index_cast %get3A_1641 : i32 to index
        %get3A_1643 = arith.constant 0 : index
        %get3A_1644 = tpu.vector_load %arg4[%get3A_1642, %get3A_1643] {strides = array<i32>} : memref<1232x16xf32, #tpu.memory_space<vmem>>, vector<1x16xf32>,
        %get3A_1645 = vector.shape_cast %get3A_1644 : vector<1x16xf32> to vector<16xf32>
        %gt3A_1646 = arith.cmpf ogt, %get3A_1645, %select_n3A_1637 : vector<16xf32>
        %select_n3A_1647 = arith.select %gt3A_1646, %get3A_1645, %select_n3A_1637 : vector<16xi1>, vector<16xf32>
        %jit3A_1648 = arith.constant 2.500000e+01 : f32
        %broadcast_in_dim3A_1649 = vector.broadcast %jit3A_1648 : f32 to vector<16xf32>
        %select_n3A_1650 = arith.select %gt3A_1646, %broadcast_in_dim3A_1649, %select_n3A_1640 : vector<16xi1>, vector<16xf32>
        %get3A_1651 = arith.constant 105 : i32
        %get3A_1652 = arith.index_cast %get3A_1651 : i32 to index
        %get3A_1653 = arith.constant 0 : index
        %get3A_1654 = tpu.vector_load %arg4[%get3A_1652, %get3A_1653] {strides = array<i32>} : memref<1232x16xf32, #tpu.memory_space<vmem>>, vector<1x16xf32>,
        %get3A_1655 = vector.shape_cast %get3A_1654 : vector<1x16xf32> to vector<16xf32>
        %gt3A_1656 = arith.cmpf ogt, %get3A_1655, %select_n3A_1647 : vector<16xf32>
        %select_n3A_1657 = arith.select %gt3A_1656, %get3A_1655, %select_n3A_1647 : vector<16xi1>, vector<16xf32>
        %jit3A_1658 = arith.constant 2.600000e+01 : f32
        %broadcast_in_dim3A_1659 = vector.broadcast %jit3A_1658 : f32 to vector<16xf32>
        %select_n3A_1660 = arith.select %gt3A_1656, %broadcast_in_dim3A_1659, %select_n3A_1650 : vector<16xi1>, vector<16xf32>
        %get3A_1661 = arith.constant 109 : i32
        %get3A_1662 = arith.index_cast %get3A_1661 : i32 to index
        %get3A_1663 = arith.constant 0 : index
        %get3A_1664 = tpu.vector_load %arg4[%get3A_1662, %get3A_1663] {strides = array<i32>} : memref<1232x16xf32, #tpu.memory_space<vmem>>, vector<1x16xf32>,
        %get3A_1665 = vector.shape_cast %get3A_1664 : vector<1x16xf32> to vector<16xf32>
        %gt3A_1666 = arith.cmpf ogt, %get3A_1665, %select_n3A_1657 : vector<16xf32>
        %select_n3A_1667 = arith.select %gt3A_1666, %get3A_1665, %select_n3A_1657 : vector<16xi1>, vector<16xf32>
        %jit3A_1668 = arith.constant 2.700000e+01 : f32
        %broadcast_in_dim3A_1669 = vector.broadcast %jit3A_1668 : f32 to vector<16xf32>
        %select_n3A_1670 = arith.select %gt3A_1666, %broadcast_in_dim3A_1669, %select_n3A_1660 : vector<16xi1>, vector<16xf32>
        %get3A_1671 = arith.constant 113 : i32
        %get3A_1672 = arith.index_cast %get3A_1671 : i32 to index
        %get3A_1673 = arith.constant 0 : index
        %get3A_1674 = tpu.vector_load %arg4[%get3A_1672, %get3A_1673] {strides = array<i32>} : memref<1232x16xf32, #tpu.memory_space<vmem>>, vector<1x16xf32>,
        %get3A_1675 = vector.shape_cast %get3A_1674 : vector<1x16xf32> to vector<16xf32>
        %gt3A_1676 = arith.cmpf ogt, %get3A_1675, %select_n3A_1667 : vector<16xf32>
        %select_n3A_1677 = arith.select %gt3A_1676, %get3A_1675, %select_n3A_1667 : vector<16xi1>, vector<16xf32>
        %jit3A_1678 = arith.constant 2.800000e+01 : f32
        %broadcast_in_dim3A_1679 = vector.broadcast %jit3A_1678 : f32 to vector<16xf32>
        %select_n3A_1680 = arith.select %gt3A_1676, %broadcast_in_dim3A_1679, %select_n3A_1670 : vector<16xi1>, vector<16xf32>
        %get3A_1681 = arith.constant 117 : i32
        %get3A_1682 = arith.index_cast %get3A_1681 : i32 to index
        %get3A_1683 = arith.constant 0 : index
        %get3A_1684 = tpu.vector_load %arg4[%get3A_1682, %get3A_1683] {strides = array<i32>} : memref<1232x16xf32, #tpu.memory_space<vmem>>, vector<1x16xf32>,
        %get3A_1685 = vector.shape_cast %get3A_1684 : vector<1x16xf32> to vector<16xf32>
        %gt3A_1686 = arith.cmpf ogt, %get3A_1685, %select_n3A_1677 : vector<16xf32>
        %select_n3A_1687 = arith.select %gt3A_1686, %get3A_1685, %select_n3A_1677 : vector<16xi1>, vector<16xf32>
        %jit3A_1688 = arith.constant 2.900000e+01 : f32
        %broadcast_in_dim3A_1689 = vector.broadcast %jit3A_1688 : f32 to vector<16xf32>
        %select_n3A_1690 = arith.select %gt3A_1686, %broadcast_in_dim3A_1689, %select_n3A_1680 : vector<16xi1>, vector<16xf32>
        %get3A_1691 = arith.constant 121 : i32
        %get3A_1692 = arith.index_cast %get3A_1691 : i32 to index
        %get3A_1693 = arith.constant 0 : index
        %get3A_1694 = tpu.vector_load %arg4[%get3A_1692, %get3A_1693] {strides = array<i32>} : memref<1232x16xf32, #tpu.memory_space<vmem>>, vector<1x16xf32>,
        %get3A_1695 = vector.shape_cast %get3A_1694 : vector<1x16xf32> to vector<16xf32>
        %gt3A_1696 = arith.cmpf ogt, %get3A_1695, %select_n3A_1687 : vector<16xf32>
        %select_n3A_1697 = arith.select %gt3A_1696, %get3A_1695, %select_n3A_1687 : vector<16xi1>, vector<16xf32>
        %jit3A_1698 = arith.constant 3.000000e+01 : f32
        %broadcast_in_dim3A_1699 = vector.broadcast %jit3A_1698 : f32 to vector<16xf32>
        %select_n3A_1700 = arith.select %gt3A_1696, %broadcast_in_dim3A_1699, %select_n3A_1690 : vector<16xi1>, vector<16xf32>
        %get3A_1701 = arith.constant 125 : i32
        %get3A_1702 = arith.index_cast %get3A_1701 : i32 to index
        %get3A_1703 = arith.constant 0 : index
        %get3A_1704 = tpu.vector_load %arg4[%get3A_1702, %get3A_1703] {strides = array<i32>} : memref<1232x16xf32, #tpu.memory_space<vmem>>, vector<1x16xf32>,
        %get3A_1705 = vector.shape_cast %get3A_1704 : vector<1x16xf32> to vector<16xf32>
        %gt3A_1706 = arith.cmpf ogt, %get3A_1705, %select_n3A_1697 : vector<16xf32>
        %select_n3A_1707 = arith.select %gt3A_1706, %get3A_1705, %select_n3A_1697 : vector<16xi1>, vector<16xf32>
        %jit3A_1708 = arith.constant 3.100000e+01 : f32
        %broadcast_in_dim3A_1709 = vector.broadcast %jit3A_1708 : f32 to vector<16xf32>
        %select_n3A_1710 = arith.select %gt3A_1706, %broadcast_in_dim3A_1709, %select_n3A_1700 : vector<16xi1>, vector<16xf32>
        %get3A_1711 = arith.constant 129 : i32
        %get3A_1712 = arith.index_cast %get3A_1711 : i32 to index
        %get3A_1713 = arith.constant 0 : index
        %get3A_1714 = tpu.vector_load %arg4[%get3A_1712, %get3A_1713] {strides = array<i32>} : memref<1232x16xf32, #tpu.memory_space<vmem>>, vector<1x16xf32>,
        %get3A_1715 = vector.shape_cast %get3A_1714 : vector<1x16xf32> to vector<16xf32>
        %gt3A_1716 = arith.cmpf ogt, %get3A_1715, %select_n3A_1707 : vector<16xf32>
        %select_n3A_1717 = arith.select %gt3A_1716, %get3A_1715, %select_n3A_1707 : vector<16xi1>, vector<16xf32>
        %jit3A_1718 = arith.constant 3.200000e+01 : f32
        %broadcast_in_dim3A_1719 = vector.broadcast %jit3A_1718 : f32 to vector<16xf32>
        %select_n3A_1720 = arith.select %gt3A_1716, %broadcast_in_dim3A_1719, %select_n3A_1710 : vector<16xi1>, vector<16xf32>
        %get3A_1721 = arith.constant 133 : i32
        %get3A_1722 = arith.index_cast %get3A_1721 : i32 to index
        %get3A_1723 = arith.constant 0 : index
        %get3A_1724 = tpu.vector_load %arg4[%get3A_1722, %get3A_1723] {strides = array<i32>} : memref<1232x16xf32, #tpu.memory_space<vmem>>, vector<1x16xf32>,
        %get3A_1725 = vector.shape_cast %get3A_1724 : vector<1x16xf32> to vector<16xf32>
        %gt3A_1726 = arith.cmpf ogt, %get3A_1725, %select_n3A_1717 : vector<16xf32>
        %select_n3A_1727 = arith.select %gt3A_1726, %get3A_1725, %select_n3A_1717 : vector<16xi1>, vector<16xf32>
        %jit3A_1728 = arith.constant 3.300000e+01 : f32
        %broadcast_in_dim3A_1729 = vector.broadcast %jit3A_1728 : f32 to vector<16xf32>
        %select_n3A_1730 = arith.select %gt3A_1726, %broadcast_in_dim3A_1729, %select_n3A_1720 : vector<16xi1>, vector<16xf32>
        %get3A_1731 = arith.constant 137 : i32
        %get3A_1732 = arith.index_cast %get3A_1731 : i32 to index
        %get3A_1733 = arith.constant 0 : index
        %get3A_1734 = tpu.vector_load %arg4[%get3A_1732, %get3A_1733] {strides = array<i32>} : memref<1232x16xf32, #tpu.memory_space<vmem>>, vector<1x16xf32>,
        %get3A_1735 = vector.shape_cast %get3A_1734 : vector<1x16xf32> to vector<16xf32>
        %gt3A_1736 = arith.cmpf ogt, %get3A_1735, %select_n3A_1727 : vector<16xf32>
        %select_n3A_1737 = arith.select %gt3A_1736, %get3A_1735, %select_n3A_1727 : vector<16xi1>, vector<16xf32>
        %jit3A_1738 = arith.constant 3.400000e+01 : f32
        %broadcast_in_dim3A_1739 = vector.broadcast %jit3A_1738 : f32 to vector<16xf32>
        %select_n3A_1740 = arith.select %gt3A_1736, %broadcast_in_dim3A_1739, %select_n3A_1730 : vector<16xi1>, vector<16xf32>
        %get3A_1741 = arith.constant 141 : i32
        %get3A_1742 = arith.index_cast %get3A_1741 : i32 to index
        %get3A_1743 = arith.constant 0 : index
        %get3A_1744 = tpu.vector_load %arg4[%get3A_1742, %get3A_1743] {strides = array<i32>} : memref<1232x16xf32, #tpu.memory_space<vmem>>, vector<1x16xf32>,
        %get3A_1745 = vector.shape_cast %get3A_1744 : vector<1x16xf32> to vector<16xf32>
        %gt3A_1746 = arith.cmpf ogt, %get3A_1745, %select_n3A_1737 : vector<16xf32>
        %select_n3A_1747 = arith.select %gt3A_1746, %get3A_1745, %select_n3A_1737 : vector<16xi1>, vector<16xf32>
        %jit3A_1748 = arith.constant 3.500000e+01 : f32
        %broadcast_in_dim3A_1749 = vector.broadcast %jit3A_1748 : f32 to vector<16xf32>
        %select_n3A_1750 = arith.select %gt3A_1746, %broadcast_in_dim3A_1749, %select_n3A_1740 : vector<16xi1>, vector<16xf32>
        %get3A_1751 = arith.constant 145 : i32
        %get3A_1752 = arith.index_cast %get3A_1751 : i32 to index
        %get3A_1753 = arith.constant 0 : index
        %get3A_1754 = tpu.vector_load %arg4[%get3A_1752, %get3A_1753] {strides = array<i32>} : memref<1232x16xf32, #tpu.memory_space<vmem>>, vector<1x16xf32>,
        %get3A_1755 = vector.shape_cast %get3A_1754 : vector<1x16xf32> to vector<16xf32>
        %gt3A_1756 = arith.cmpf ogt, %get3A_1755, %select_n3A_1747 : vector<16xf32>
        %select_n3A_1757 = arith.select %gt3A_1756, %get3A_1755, %select_n3A_1747 : vector<16xi1>, vector<16xf32>
        %jit3A_1758 = arith.constant 3.600000e+01 : f32
        %broadcast_in_dim3A_1759 = vector.broadcast %jit3A_1758 : f32 to vector<16xf32>
        %select_n3A_1760 = arith.select %gt3A_1756, %broadcast_in_dim3A_1759, %select_n3A_1750 : vector<16xi1>, vector<16xf32>
        %get3A_1761 = arith.constant 149 : i32
        %get3A_1762 = arith.index_cast %get3A_1761 : i32 to index
        %get3A_1763 = arith.constant 0 : index
        %get3A_1764 = tpu.vector_load %arg4[%get3A_1762, %get3A_1763] {strides = array<i32>} : memref<1232x16xf32, #tpu.memory_space<vmem>>, vector<1x16xf32>,
        %get3A_1765 = vector.shape_cast %get3A_1764 : vector<1x16xf32> to vector<16xf32>
        %gt3A_1766 = arith.cmpf ogt, %get3A_1765, %select_n3A_1757 : vector<16xf32>
        %select_n3A_1767 = arith.select %gt3A_1766, %get3A_1765, %select_n3A_1757 : vector<16xi1>, vector<16xf32>
        %jit3A_1768 = arith.constant 3.700000e+01 : f32
        %broadcast_in_dim3A_1769 = vector.broadcast %jit3A_1768 : f32 to vector<16xf32>
        %select_n3A_1770 = arith.select %gt3A_1766, %broadcast_in_dim3A_1769, %select_n3A_1760 : vector<16xi1>, vector<16xf32>
        %get3A_1771 = arith.constant 153 : i32
        %get3A_1772 = arith.index_cast %get3A_1771 : i32 to index
        %get3A_1773 = arith.constant 0 : index
        %get3A_1774 = tpu.vector_load %arg4[%get3A_1772, %get3A_1773] {strides = array<i32>} : memref<1232x16xf32, #tpu.memory_space<vmem>>, vector<1x16xf32>,
        %get3A_1775 = vector.shape_cast %get3A_1774 : vector<1x16xf32> to vector<16xf32>
        %gt3A_1776 = arith.cmpf ogt, %get3A_1775, %select_n3A_1767 : vector<16xf32>
        %select_n3A_1777 = arith.select %gt3A_1776, %get3A_1775, %select_n3A_1767 : vector<16xi1>, vector<16xf32>
        %jit3A_1778 = arith.constant 3.800000e+01 : f32
        %broadcast_in_dim3A_1779 = vector.broadcast %jit3A_1778 : f32 to vector<16xf32>
        %select_n3A_1780 = arith.select %gt3A_1776, %broadcast_in_dim3A_1779, %select_n3A_1770 : vector<16xi1>, vector<16xf32>
        %get3A_1781 = arith.constant 157 : i32
        %get3A_1782 = arith.index_cast %get3A_1781 : i32 to index
        %get3A_1783 = arith.constant 0 : index
        %get3A_1784 = tpu.vector_load %arg4[%get3A_1782, %get3A_1783] {strides = array<i32>} : memref<1232x16xf32, #tpu.memory_space<vmem>>, vector<1x16xf32>,
        %get3A_1785 = vector.shape_cast %get3A_1784 : vector<1x16xf32> to vector<16xf32>
        %gt3A_1786 = arith.cmpf ogt, %get3A_1785, %select_n3A_1777 : vector<16xf32>
        %select_n3A_1787 = arith.select %gt3A_1786, %get3A_1785, %select_n3A_1777 : vector<16xi1>, vector<16xf32>
        %jit3A_1788 = arith.constant 3.900000e+01 : f32
        %broadcast_in_dim3A_1789 = vector.broadcast %jit3A_1788 : f32 to vector<16xf32>
        %select_n3A_1790 = arith.select %gt3A_1786, %broadcast_in_dim3A_1789, %select_n3A_1780 : vector<16xi1>, vector<16xf32>
        %get3A_1791 = arith.constant 161 : i32
        %get3A_1792 = arith.index_cast %get3A_1791 : i32 to index
        %get3A_1793 = arith.constant 0 : index
        %get3A_1794 = tpu.vector_load %arg4[%get3A_1792, %get3A_1793] {strides = array<i32>} : memref<1232x16xf32, #tpu.memory_space<vmem>>, vector<1x16xf32>,
        %get3A_1795 = vector.shape_cast %get3A_1794 : vector<1x16xf32> to vector<16xf32>
        %gt3A_1796 = arith.cmpf ogt, %get3A_1795, %select_n3A_1787 : vector<16xf32>
        %select_n3A_1797 = arith.select %gt3A_1796, %get3A_1795, %select_n3A_1787 : vector<16xi1>, vector<16xf32>
        %jit3A_1798 = arith.constant 4.000000e+01 : f32
        %broadcast_in_dim3A_1799 = vector.broadcast %jit3A_1798 : f32 to vector<16xf32>
        %select_n3A_1800 = arith.select %gt3A_1796, %broadcast_in_dim3A_1799, %select_n3A_1790 : vector<16xi1>, vector<16xf32>
        %get3A_1801 = arith.constant 165 : i32
        %get3A_1802 = arith.index_cast %get3A_1801 : i32 to index
        %get3A_1803 = arith.constant 0 : index
        %get3A_1804 = tpu.vector_load %arg4[%get3A_1802, %get3A_1803] {strides = array<i32>} : memref<1232x16xf32, #tpu.memory_space<vmem>>, vector<1x16xf32>,
        %get3A_1805 = vector.shape_cast %get3A_1804 : vector<1x16xf32> to vector<16xf32>
        %gt3A_1806 = arith.cmpf ogt, %get3A_1805, %select_n3A_1797 : vector<16xf32>
        %select_n3A_1807 = arith.select %gt3A_1806, %get3A_1805, %select_n3A_1797 : vector<16xi1>, vector<16xf32>
        %jit3A_1808 = arith.constant 4.100000e+01 : f32
        %broadcast_in_dim3A_1809 = vector.broadcast %jit3A_1808 : f32 to vector<16xf32>
        %select_n3A_1810 = arith.select %gt3A_1806, %broadcast_in_dim3A_1809, %select_n3A_1800 : vector<16xi1>, vector<16xf32>
        %get3A_1811 = arith.constant 169 : i32
        %get3A_1812 = arith.index_cast %get3A_1811 : i32 to index
        %get3A_1813 = arith.constant 0 : index
        %get3A_1814 = tpu.vector_load %arg4[%get3A_1812, %get3A_1813] {strides = array<i32>} : memref<1232x16xf32, #tpu.memory_space<vmem>>, vector<1x16xf32>,
        %get3A_1815 = vector.shape_cast %get3A_1814 : vector<1x16xf32> to vector<16xf32>
        %gt3A_1816 = arith.cmpf ogt, %get3A_1815, %select_n3A_1807 : vector<16xf32>
        %select_n3A_1817 = arith.select %gt3A_1816, %get3A_1815, %select_n3A_1807 : vector<16xi1>, vector<16xf32>
        %jit3A_1818 = arith.constant 4.200000e+01 : f32
        %broadcast_in_dim3A_1819 = vector.broadcast %jit3A_1818 : f32 to vector<16xf32>
        %select_n3A_1820 = arith.select %gt3A_1816, %broadcast_in_dim3A_1819, %select_n3A_1810 : vector<16xi1>, vector<16xf32>
        %get3A_1821 = arith.constant 173 : i32
        %get3A_1822 = arith.index_cast %get3A_1821 : i32 to index
        %get3A_1823 = arith.constant 0 : index
        %get3A_1824 = tpu.vector_load %arg4[%get3A_1822, %get3A_1823] {strides = array<i32>} : memref<1232x16xf32, #tpu.memory_space<vmem>>, vector<1x16xf32>,
        %get3A_1825 = vector.shape_cast %get3A_1824 : vector<1x16xf32> to vector<16xf32>
        %gt3A_1826 = arith.cmpf ogt, %get3A_1825, %select_n3A_1817 : vector<16xf32>
        %select_n3A_1827 = arith.select %gt3A_1826, %get3A_1825, %select_n3A_1817 : vector<16xi1>, vector<16xf32>
        %jit3A_1828 = arith.constant 4.300000e+01 : f32
        %broadcast_in_dim3A_1829 = vector.broadcast %jit3A_1828 : f32 to vector<16xf32>
        %select_n3A_1830 = arith.select %gt3A_1826, %broadcast_in_dim3A_1829, %select_n3A_1820 : vector<16xi1>, vector<16xf32>
        %get3A_1831 = arith.constant 177 : i32
        %get3A_1832 = arith.index_cast %get3A_1831 : i32 to index
        %get3A_1833 = arith.constant 0 : index
        %get3A_1834 = tpu.vector_load %arg4[%get3A_1832, %get3A_1833] {strides = array<i32>} : memref<1232x16xf32, #tpu.memory_space<vmem>>, vector<1x16xf32>,
        %get3A_1835 = vector.shape_cast %get3A_1834 : vector<1x16xf32> to vector<16xf32>
        %gt3A_1836 = arith.cmpf ogt, %get3A_1835, %select_n3A_1827 : vector<16xf32>
        %select_n3A_1837 = arith.select %gt3A_1836, %get3A_1835, %select_n3A_1827 : vector<16xi1>, vector<16xf32>
        %jit3A_1838 = arith.constant 4.400000e+01 : f32
        %broadcast_in_dim3A_1839 = vector.broadcast %jit3A_1838 : f32 to vector<16xf32>
        %select_n3A_1840 = arith.select %gt3A_1836, %broadcast_in_dim3A_1839, %select_n3A_1830 : vector<16xi1>, vector<16xf32>
        %get3A_1841 = arith.constant 181 : i32
        %get3A_1842 = arith.index_cast %get3A_1841 : i32 to index
        %get3A_1843 = arith.constant 0 : index
        %get3A_1844 = tpu.vector_load %arg4[%get3A_1842, %get3A_1843] {strides = array<i32>} : memref<1232x16xf32, #tpu.memory_space<vmem>>, vector<1x16xf32>,
        %get3A_1845 = vector.shape_cast %get3A_1844 : vector<1x16xf32> to vector<16xf32>
        %gt3A_1846 = arith.cmpf ogt, %get3A_1845, %select_n3A_1837 : vector<16xf32>
        %select_n3A_1847 = arith.select %gt3A_1846, %get3A_1845, %select_n3A_1837 : vector<16xi1>, vector<16xf32>
        %jit3A_1848 = arith.constant 4.500000e+01 : f32
        %broadcast_in_dim3A_1849 = vector.broadcast %jit3A_1848 : f32 to vector<16xf32>
        %select_n3A_1850 = arith.select %gt3A_1846, %broadcast_in_dim3A_1849, %select_n3A_1840 : vector<16xi1>, vector<16xf32>
        %get3A_1851 = arith.constant 185 : i32
        %get3A_1852 = arith.index_cast %get3A_1851 : i32 to index
        %get3A_1853 = arith.constant 0 : index
        %get3A_1854 = tpu.vector_load %arg4[%get3A_1852, %get3A_1853] {strides = array<i32>} : memref<1232x16xf32, #tpu.memory_space<vmem>>, vector<1x16xf32>,
        %get3A_1855 = vector.shape_cast %get3A_1854 : vector<1x16xf32> to vector<16xf32>
        %gt3A_1856 = arith.cmpf ogt, %get3A_1855, %select_n3A_1847 : vector<16xf32>
        %select_n3A_1857 = arith.select %gt3A_1856, %get3A_1855, %select_n3A_1847 : vector<16xi1>, vector<16xf32>
        %jit3A_1858 = arith.constant 4.600000e+01 : f32
        %broadcast_in_dim3A_1859 = vector.broadcast %jit3A_1858 : f32 to vector<16xf32>
        %select_n3A_1860 = arith.select %gt3A_1856, %broadcast_in_dim3A_1859, %select_n3A_1850 : vector<16xi1>, vector<16xf32>
        %get3A_1861 = arith.constant 189 : i32
        %get3A_1862 = arith.index_cast %get3A_1861 : i32 to index
        %get3A_1863 = arith.constant 0 : index
        %get3A_1864 = tpu.vector_load %arg4[%get3A_1862, %get3A_1863] {strides = array<i32>} : memref<1232x16xf32, #tpu.memory_space<vmem>>, vector<1x16xf32>,
        %get3A_1865 = vector.shape_cast %get3A_1864 : vector<1x16xf32> to vector<16xf32>
        %gt3A_1866 = arith.cmpf ogt, %get3A_1865, %select_n3A_1857 : vector<16xf32>
        %select_n3A_1867 = arith.select %gt3A_1866, %get3A_1865, %select_n3A_1857 : vector<16xi1>, vector<16xf32>
        %jit3A_1868 = arith.constant 4.700000e+01 : f32
        %broadcast_in_dim3A_1869 = vector.broadcast %jit3A_1868 : f32 to vector<16xf32>
        %select_n3A_1870 = arith.select %gt3A_1866, %broadcast_in_dim3A_1869, %select_n3A_1860 : vector<16xi1>, vector<16xf32>
        %get3A_1871 = arith.constant 193 : i32
        %get3A_1872 = arith.index_cast %get3A_1871 : i32 to index
        %get3A_1873 = arith.constant 0 : index
        %get3A_1874 = tpu.vector_load %arg4[%get3A_1872, %get3A_1873] {strides = array<i32>} : memref<1232x16xf32, #tpu.memory_space<vmem>>, vector<1x16xf32>,
        %get3A_1875 = vector.shape_cast %get3A_1874 : vector<1x16xf32> to vector<16xf32>
        %gt3A_1876 = arith.cmpf ogt, %get3A_1875, %select_n3A_1867 : vector<16xf32>
        %select_n3A_1877 = arith.select %gt3A_1876, %get3A_1875, %select_n3A_1867 : vector<16xi1>, vector<16xf32>
        %jit3A_1878 = arith.constant 4.800000e+01 : f32
        %broadcast_in_dim3A_1879 = vector.broadcast %jit3A_1878 : f32 to vector<16xf32>
        %select_n3A_1880 = arith.select %gt3A_1876, %broadcast_in_dim3A_1879, %select_n3A_1870 : vector<16xi1>, vector<16xf32>
        %get3A_1881 = arith.constant 197 : i32
        %get3A_1882 = arith.index_cast %get3A_1881 : i32 to index
        %get3A_1883 = arith.constant 0 : index
        %get3A_1884 = tpu.vector_load %arg4[%get3A_1882, %get3A_1883] {strides = array<i32>} : memref<1232x16xf32, #tpu.memory_space<vmem>>, vector<1x16xf32>,
        %get3A_1885 = vector.shape_cast %get3A_1884 : vector<1x16xf32> to vector<16xf32>
        %gt3A_1886 = arith.cmpf ogt, %get3A_1885, %select_n3A_1877 : vector<16xf32>
        %select_n3A_1887 = arith.select %gt3A_1886, %get3A_1885, %select_n3A_1877 : vector<16xi1>, vector<16xf32>
        %jit3A_1888 = arith.constant 4.900000e+01 : f32
        %broadcast_in_dim3A_1889 = vector.broadcast %jit3A_1888 : f32 to vector<16xf32>
        %select_n3A_1890 = arith.select %gt3A_1886, %broadcast_in_dim3A_1889, %select_n3A_1880 : vector<16xi1>, vector<16xf32>
        %get3A_1891 = arith.constant 201 : i32
        %get3A_1892 = arith.index_cast %get3A_1891 : i32 to index
        %get3A_1893 = arith.constant 0 : index
        %get3A_1894 = tpu.vector_load %arg4[%get3A_1892, %get3A_1893] {strides = array<i32>} : memref<1232x16xf32, #tpu.memory_space<vmem>>, vector<1x16xf32>,
        %get3A_1895 = vector.shape_cast %get3A_1894 : vector<1x16xf32> to vector<16xf32>
        %gt3A_1896 = arith.cmpf ogt, %get3A_1895, %select_n3A_1887 : vector<16xf32>
        %select_n3A_1897 = arith.select %gt3A_1896, %get3A_1895, %select_n3A_1887 : vector<16xi1>, vector<16xf32>
        %jit3A_1898 = arith.constant 5.000000e+01 : f32
        %broadcast_in_dim3A_1899 = vector.broadcast %jit3A_1898 : f32 to vector<16xf32>
        %select_n3A_1900 = arith.select %gt3A_1896, %broadcast_in_dim3A_1899, %select_n3A_1890 : vector<16xi1>, vector<16xf32>
        %select_n3A_1901 = arith.select %and3A_938, %select_n3A_1897, %get3A_919 : vector<16xi1>, vector<16xf32>
        %swap3A_1902 = arith.constant 1 : i32
        %swap3A_1903 = arith.index_cast %swap3A_1902 : i32 to index
        %swap3A_1904 = arith.constant 0 : index
        %swap3A_1905 = tpu.vector_load %arg5[%swap3A_1903, %swap3A_1904] {strides = array<i32>} : memref<4x16xf32, #tpu.memory_space<vmem>>, vector<1x16xf32>,
        %swap3A_1906 = vector.shape_cast %swap3A_1905 : vector<1x16xf32> to vector<16xf32>
        %swap3A_1907 = vector.shape_cast %select_n3A_1901 : vector<16xf32> to vector<1x16xf32>
        tpu.vector_store %arg5[%swap3A_1903, %swap3A_1904], %swap3A_1907 {strides = array<i32>} : memref<4x16xf32, #tpu.memory_space<vmem>>, vector<1x16xf32>,
        %select_n3A_1908 = arith.select %and3A_938, %select_n3A_1900, %get3A_924 : vector<16xi1>, vector<16xf32>
        %swap3A_1909 = arith.constant 1 : i32
        %swap3A_1910 = arith.index_cast %swap3A_1909 : i32 to index
        %swap3A_1911 = arith.constant 0 : index
        %swap3A_1912 = tpu.vector_load %arg6[%swap3A_1910, %swap3A_1911] {strides = array<i32>} : memref<4x16xf32, #tpu.memory_space<vmem>>, vector<1x16xf32>,
        %swap3A_1913 = vector.shape_cast %swap3A_1912 : vector<1x16xf32> to vector<16xf32>
        %swap3A_1914 = vector.shape_cast %select_n3A_1908 : vector<16xf32> to vector<1x16xf32>
        tpu.vector_store %arg6[%swap3A_1910, %swap3A_1911], %swap3A_1914 {strides = array<i32>} : memref<4x16xf32, #tpu.memory_space<vmem>>, vector<1x16xf32>,
      } else {
      }
      %get3A_975 = arith.constant 1 : i32
      %get3A_976 = arith.index_cast %get3A_975 : i32 to index
      %get3A_977 = arith.constant 0 : index
      %get3A_978 = tpu.vector_load %arg5[%get3A_976, %get3A_977] {strides = array<i32>} : memref<4x16xf32, #tpu.memory_space<vmem>>, vector<1x16xf32>,
      %get3A_979 = vector.shape_cast %get3A_978 : vector<1x16xf32> to vector<16xf32>
      %jit3A_980 = arith.constant -1.000000e+00 : f32
      %broadcast_in_dim3A_981 = vector.broadcast %jit3A_980 : f32 to vector<16xf32>
      %select_n3A_982 = arith.select %eq3A_930, %broadcast_in_dim3A_981, %get3A_979 : vector<16xi1>, vector<16xf32>
      %swap3A_983 = arith.constant 1 : i32
      %swap3A_984 = arith.index_cast %swap3A_983 : i32 to index
      %swap3A_985 = arith.constant 0 : index
      %swap3A_986 = tpu.vector_load %arg5[%swap3A_984, %swap3A_985] {strides = array<i32>} : memref<4x16xf32, #tpu.memory_space<vmem>>, vector<1x16xf32>,
      %swap3A_987 = vector.shape_cast %swap3A_986 : vector<1x16xf32> to vector<16xf32>
      %swap3A_988 = vector.shape_cast %select_n3A_982 : vector<16xf32> to vector<1x16xf32>
      tpu.vector_store %arg5[%swap3A_984, %swap3A_985], %swap3A_988 {strides = array<i32>} : memref<4x16xf32, #tpu.memory_space<vmem>>, vector<1x16xf32>,
      %get3A_989 = arith.constant 1 : i32
      %get3A_990 = arith.index_cast %get3A_989 : i32 to index
      %get3A_991 = arith.constant 0 : index
      %get3A_992 = tpu.vector_load %arg7[%get3A_990, %get3A_991] {strides = array<i32>} : memref<4x16xf32, #tpu.memory_space<vmem>>, vector<1x16xf32>,
      %get3A_993 = vector.shape_cast %get3A_992 : vector<1x16xf32> to vector<16xf32>
      %select_n3A_994 = arith.select %eq3A_930, %gather3A_598, %get3A_993 : vector<16xi1>, vector<16xf32>
      %swap3A_995 = arith.constant 1 : i32
      %swap3A_996 = arith.index_cast %swap3A_995 : i32 to index
      %swap3A_997 = arith.constant 0 : index
      %swap3A_998 = tpu.vector_load %arg7[%swap3A_996, %swap3A_997] {strides = array<i32>} : memref<4x16xf32, #tpu.memory_space<vmem>>, vector<1x16xf32>,
      %swap3A_999 = vector.shape_cast %swap3A_998 : vector<1x16xf32> to vector<16xf32>
      %swap3A_1000 = vector.shape_cast %select_n3A_994 : vector<16xf32> to vector<1x16xf32>
      tpu.vector_store %arg7[%swap3A_996, %swap3A_997], %swap3A_1000 {strides = array<i32>} : memref<4x16xf32, #tpu.memory_space<vmem>>, vector<1x16xf32>,
      %mul3A_1001 = arith.constant 4 : i32
      %mul3A_1002 = arith.muli %convert_element_type3A_607, %mul3A_1001 : i32
      %add3A_1003 = arith.constant 2 : i32
      %add3A_1004 = arith.addi %mul3A_1002, %add3A_1003 : i32
      %get3A_1005 = arith.index_cast %add3A_1004 : i32 to index
      %get3A_1006 = arith.constant 0 : index
      %get3A_1007 = tpu.vector_load %arg4[%get3A_1005, %get3A_1006] {strides = array<i32>} : memref<1232x16xf32, #tpu.memory_space<vmem>>, vector<1x16xf32>,
      %get3A_1008 = vector.shape_cast %get3A_1007 : vector<1x16xf32> to vector<16xf32>
      %add3A_1009 = arith.constant 51 : i32
      %add3A_1010 = arith.addi %add3A_1009, %convert_element_type3A_607 : i32
      %mul3A_1011 = arith.constant 4 : i32
      %mul3A_1012 = arith.muli %add3A_1010, %mul3A_1011 : i32
      %add3A_1013 = arith.constant 2 : i32
      %add3A_1014 = arith.addi %mul3A_1012, %add3A_1013 : i32
      %get3A_1015 = arith.index_cast %add3A_1014 : i32 to index
      %get3A_1016 = arith.constant 0 : index
      %get3A_1017 = tpu.vector_load %arg4[%get3A_1015, %get3A_1016] {strides = array<i32>} : memref<1232x16xf32, #tpu.memory_space<vmem>>, vector<1x16xf32>,
      %get3A_1018 = vector.shape_cast %get3A_1017 : vector<1x16xf32> to vector<16xf32>
      %add3A_1019 = arith.constant 102 : i32
      %add3A_1020 = arith.addi %add3A_1019, %convert_element_type3A_607 : i32
      %mul3A_1021 = arith.constant 4 : i32
      %mul3A_1022 = arith.muli %add3A_1020, %mul3A_1021 : i32
      %add3A_1023 = arith.constant 2 : i32
      %add3A_1024 = arith.addi %mul3A_1022, %add3A_1023 : i32
      %get3A_1025 = arith.index_cast %add3A_1024 : i32 to index
      %get3A_1026 = arith.constant 0 : index
      %get3A_1027 = tpu.vector_load %arg4[%get3A_1025, %get3A_1026] {strides = array<i32>} : memref<1232x16xf32, #tpu.memory_space<vmem>>, vector<1x16xf32>,
      %get3A_1028 = vector.shape_cast %get3A_1027 : vector<1x16xf32> to vector<16xf32>
      %add3A_1029 = arith.constant 153 : i32
      %add3A_1030 = arith.addi %add3A_1029, %convert_element_type3A_607 : i32
      %mul3A_1031 = arith.constant 4 : i32
      %mul3A_1032 = arith.muli %add3A_1030, %mul3A_1031 : i32
      %add3A_1033 = arith.constant 2 : i32
      %add3A_1034 = arith.addi %mul3A_1032, %add3A_1033 : i32
      %get3A_1035 = arith.index_cast %add3A_1034 : i32 to index
      %get3A_1036 = arith.constant 0 : index
      %get3A_1037 = tpu.vector_load %arg4[%get3A_1035, %get3A_1036] {strides = array<i32>} : memref<1232x16xf32, #tpu.memory_space<vmem>>, vector<1x16xf32>,
      %get3A_1038 = vector.shape_cast %get3A_1037 : vector<1x16xf32> to vector<16xf32>
      %add3A_1039 = arith.constant 204 : i32
      %add3A_1040 = arith.addi %add3A_1039, %convert_element_type3A_607 : i32
      %mul3A_1041 = arith.constant 4 : i32
      %mul3A_1042 = arith.muli %add3A_1040, %mul3A_1041 : i32
      %add3A_1043 = arith.constant 2 : i32
      %add3A_1044 = arith.addi %mul3A_1042, %add3A_1043 : i32
      %get3A_1045 = arith.index_cast %add3A_1044 : i32 to index
      %get3A_1046 = arith.constant 0 : index
      %get3A_1047 = tpu.vector_load %arg4[%get3A_1045, %get3A_1046] {strides = array<i32>} : memref<1232x16xf32, #tpu.memory_space<vmem>>, vector<1x16xf32>,
      %get3A_1048 = vector.shape_cast %get3A_1047 : vector<1x16xf32> to vector<16xf32>
      %add3A_1049 = arith.constant 255 : i32
      %add3A_1050 = arith.addi %add3A_1049, %convert_element_type3A_607 : i32
      %mul3A_1051 = arith.constant 4 : i32
      %mul3A_1052 = arith.muli %add3A_1050, %mul3A_1051 : i32
      %add3A_1053 = arith.constant 2 : i32
      %add3A_1054 = arith.addi %mul3A_1052, %add3A_1053 : i32
      %get3A_1055 = arith.index_cast %add3A_1054 : i32 to index
      %get3A_1056 = arith.constant 0 : index
      %get3A_1057 = tpu.vector_load %arg4[%get3A_1055, %get3A_1056] {strides = array<i32>} : memref<1232x16xf32, #tpu.memory_space<vmem>>, vector<1x16xf32>,
      %get3A_1058 = vector.shape_cast %get3A_1057 : vector<1x16xf32> to vector<16xf32>
      %min3A_1059 = arith.minimumf %gather3A_625, %get3A_1038 : vector<16xf32>
      %max3A_1060 = arith.maximumf %gather3A_613, %get3A_1018 : vector<16xf32>
      %sub3A_1061 = arith.subf %min3A_1059, %max3A_1060 : vector<16xf32>
      %add3A_1062 = arith.constant 1.000000e+00 : f32
      %add3A_1063 = vector.broadcast %add3A_1062 : f32 to vector<16xf32>
      %add3A_1064 = arith.addf %sub3A_1061, %add3A_1063 : vector<16xf32>
      %max3A_1065 = arith.constant 0.000000e+00 : f32
      %max3A_1066 = vector.broadcast %max3A_1065 : f32 to vector<16xf32>
      %max3A_1067 = arith.maximumf %add3A_1064, %max3A_1066 : vector<16xf32>
      %min3A_1068 = arith.minimumf %gather3A_631, %get3A_1048 : vector<16xf32>
      %max3A_1069 = arith.maximumf %gather3A_619, %get3A_1028 : vector<16xf32>
      %sub3A_1070 = arith.subf %min3A_1068, %max3A_1069 : vector<16xf32>
      %add3A_1071 = arith.constant 1.000000e+00 : f32
      %add3A_1072 = vector.broadcast %add3A_1071 : f32 to vector<16xf32>
      %add3A_1073 = arith.addf %sub3A_1070, %add3A_1072 : vector<16xf32>
      %max3A_1074 = arith.constant 0.000000e+00 : f32
      %max3A_1075 = vector.broadcast %max3A_1074 : f32 to vector<16xf32>
      %max3A_1076 = arith.maximumf %add3A_1073, %max3A_1075 : vector<16xf32>
      %mul3A_1077 = arith.mulf %max3A_1067, %max3A_1076 : vector<16xf32>
      %neg3A_1078 = arith.constant 0.000000e+00 : f32
      %neg3A_1079 = vector.broadcast %neg3A_1078 : f32 to vector<16xf32>
      %neg3A_1080 = arith.subf %neg3A_1079, %mul3A_1077 : vector<16xf32>
      %add3A_1081 = arith.addf %neg3A_1080, %get3A_1058 : vector<16xf32>
      %add3A_1082 = arith.addf %add3A_1081, %gather3A_637 : vector<16xf32>
      %div3A_1083 = arith.divf %mul3A_1077, %add3A_1082 : vector<16xf32>
      %ge3A_1084 = arith.constant 5.000000e-01 : f32
      %ge3A_1085 = vector.broadcast %ge3A_1084 : f32 to vector<16xf32>
      %ge3A_1086 = arith.cmpf oge, %div3A_1083, %ge3A_1085 : vector<16xf32>
      %jit3A_1087 = arith.constant 0.000000e+00 : f32
      %broadcast_in_dim3A_1088 = vector.broadcast %jit3A_1087 : f32 to vector<16xf32>
      %select_n3A_1089 = arith.select %ge3A_1086, %broadcast_in_dim3A_1088, %get3A_1008 : vector<16xi1>, vector<16xf32>
      %mul3A_1090 = arith.constant 4 : i32
      %mul3A_1091 = arith.muli %convert_element_type3A_607, %mul3A_1090 : i32
      %add3A_1092 = arith.constant 2 : i32
      %add3A_1093 = arith.addi %mul3A_1091, %add3A_1092 : i32
      %swap3A_1094 = arith.index_cast %add3A_1093 : i32 to index
      %swap3A_1095 = arith.constant 0 : index
      %swap3A_1096 = tpu.vector_load %arg4[%swap3A_1094, %swap3A_1095] {strides = array<i32>} : memref<1232x16xf32, #tpu.memory_space<vmem>>, vector<1x16xf32>,
      %swap3A_1097 = vector.shape_cast %swap3A_1096 : vector<1x16xf32> to vector<16xf32>
      %swap3A_1098 = vector.shape_cast %select_n3A_1089 : vector<16xf32> to vector<1x16xf32>
      tpu.vector_store %arg4[%swap3A_1094, %swap3A_1095], %swap3A_1098 {strides = array<i32>} : memref<1232x16xf32, #tpu.memory_space<vmem>>, vector<1x16xf32>,
      %get3A_1099 = arith.constant 2 : i32
      %get3A_1100 = arith.index_cast %get3A_1099 : i32 to index
      %get3A_1101 = arith.constant 0 : index
      %get3A_1102 = tpu.vector_load %arg5[%get3A_1100, %get3A_1101] {strides = array<i32>} : memref<4x16xf32, #tpu.memory_space<vmem>>, vector<1x16xf32>,
      %get3A_1103 = vector.shape_cast %get3A_1102 : vector<1x16xf32> to vector<16xf32>
      %get3A_1104 = arith.constant 2 : i32
      %get3A_1105 = arith.index_cast %get3A_1104 : i32 to index
      %get3A_1106 = arith.constant 0 : index
      %get3A_1107 = tpu.vector_load %arg6[%get3A_1105, %get3A_1106] {strides = array<i32>} : memref<4x16xf32, #tpu.memory_space<vmem>>, vector<1x16xf32>,
      %get3A_1108 = vector.shape_cast %get3A_1107 : vector<1x16xf32> to vector<16xf32>
      %add3A_1109 = arith.constant 32 : i32
      %add3A_1110 = arith.addi %mul3A_0, %add3A_1109 : i32
      %convert_element_type3A_1111 = arith.sitofp %add3A_1110 : i32 to f32
      %add3A_1112 = vector.broadcast %convert_element_type3A_1111 : f32 to vector<16xf32>
      %add3A_1113 = arith.addf %convert_element_type3A, %add3A_1112 : vector<16xf32>
      %eq3A_1114 = arith.cmpf oeq, %add3A_1113, %gather3A_592 : vector<16xf32>
      %eq3A_1115 = arith.cmpf oeq, %get3A_1108, %gather3A_598 : vector<16xf32>
      %and3A_1116 = arith.andi %ge3A_1086, %eq3A_1115 : vector<16xi1>
      %gt3A_1117 = arith.constant -5.000000e-01 : f32
      %gt3A_1118 = vector.broadcast %gt3A_1117 : f32 to vector<16xf32>
      %gt3A_1119 = arith.cmpf ogt, %get3A_1103, %gt3A_1118 : vector<16xf32>
      %and3A_1120 = arith.andi %and3A_1116, %gt3A_1119 : vector<16xi1>
      %ne3A_1121 = arith.cmpf one, %add3A_1113, %gather3A_592 : vector<16xf32>
      %and3A_1122 = arith.andi %and3A_1120, %ne3A_1121 : vector<16xi1>
      %jit3A_1123 = arith.constant 1.000000e+00 : f32
      %jit3A_1124 = arith.constant 0.000000e+00 : f32
      %broadcast_in_dim3A_1125 = vector.broadcast %jit3A_1123 : f32 to vector<16xf32>
      %broadcast_in_dim3A_1126 = vector.broadcast %jit3A_1124 : f32 to vector<16xf32>
      %select_n3A_1127 = arith.select %and3A_1122, %broadcast_in_dim3A_1125, %broadcast_in_dim3A_1126 : vector<16xi1>, vector<16xf32>
      %xor3A_1128 = arith.constant 8 : i32
      %xor3A_1129 = vector.broadcast %xor3A_1128 : i32 to vector<16xi32>
      %xor3A_1130 = arith.xori %iota3A, %xor3A_1129 : vector<16xi32>
      %broadcast_in_dim3A_1131 = vector.shape_cast %xor3A_1130 : vector<16xi32> to vector<16x1xi32>
      %gather3A_1132 = vector.shape_cast %broadcast_in_dim3A_1131 : vector<16x1xi32> to vector<16xi32>
      %gather3A_1133 = tpu.dynamic_gather %select_n3A_1127[%gather3A_1132] in [0] : vector<16xf32>, vector<16xi32> -> vector<16xf32>
      %max3A_1134 = arith.maximumf %select_n3A_1127, %gather3A_1133 : vector<16xf32>
      %xor3A_1135 = arith.constant 4 : i32
      %xor3A_1136 = vector.broadcast %xor3A_1135 : i32 to vector<16xi32>
      %xor3A_1137 = arith.xori %iota3A, %xor3A_1136 : vector<16xi32>
      %broadcast_in_dim3A_1138 = vector.shape_cast %xor3A_1137 : vector<16xi32> to vector<16x1xi32>
      %gather3A_1139 = vector.shape_cast %broadcast_in_dim3A_1138 : vector<16x1xi32> to vector<16xi32>
      %gather3A_1140 = tpu.dynamic_gather %max3A_1134[%gather3A_1139] in [0] : vector<16xf32>, vector<16xi32> -> vector<16xf32>
      %max3A_1141 = arith.maximumf %max3A_1134, %gather3A_1140 : vector<16xf32>
      %xor3A_1142 = arith.constant 2 : i32
      %xor3A_1143 = vector.broadcast %xor3A_1142 : i32 to vector<16xi32>
      %xor3A_1144 = arith.xori %iota3A, %xor3A_1143 : vector<16xi32>
      %broadcast_in_dim3A_1145 = vector.shape_cast %xor3A_1144 : vector<16xi32> to vector<16x1xi32>
      %gather3A_1146 = vector.shape_cast %broadcast_in_dim3A_1145 : vector<16x1xi32> to vector<16xi32>
      %gather3A_1147 = tpu.dynamic_gather %max3A_1141[%gather3A_1146] in [0] : vector<16xf32>, vector<16xi32> -> vector<16xf32>
      %max3A_1148 = arith.maximumf %max3A_1141, %gather3A_1147 : vector<16xf32>
      %slice3A_1149 = vector.extract_strided_slice %max3A_1148 {offsets = [0], sizes = [1], strides = [1]} : vector<16xf32> to vector<1xf32>
      %squeeze3A_1150 = vector.extract %slice3A_1149[0] : f32 from vector<1xf32>
      %slice3A_1151 = vector.extract_strided_slice %max3A_1148 {offsets = [1], sizes = [1], strides = [1]} : vector<16xf32> to vector<1xf32>
      %squeeze3A_1152 = vector.extract %slice3A_1151[0] : f32 from vector<1xf32>
      %max3A_1153 = arith.maximumf %squeeze3A_1150, %squeeze3A_1152 : f32
      %gt3A_1154 = arith.constant 5.000000e-01 : f32
      %gt3A_1155 = arith.cmpf ogt, %max3A_1153, %gt3A_1154 : f32
      %convert_element_type3A_1156 = arith.extui %gt3A_1155 : i1 to i32
      %cond3A_1157 = arith.constant 0 : i32
      %cond3A_1158 = arith.cmpi ne, %convert_element_type3A_1156, %cond3A_1157 : i32
      scf.if %cond3A_1158 {
        %get3A_1394 = arith.constant 2 : i32
        %get3A_1395 = arith.index_cast %get3A_1394 : i32 to index
        %get3A_1396 = arith.constant 0 : index
        %get3A_1397 = tpu.vector_load %arg4[%get3A_1395, %get3A_1396] {strides = array<i32>} : memref<1232x16xf32, #tpu.memory_space<vmem>>, vector<1x16xf32>,
        %get3A_1398 = vector.shape_cast %get3A_1397 : vector<1x16xf32> to vector<16xf32>
        %broadcast_in_dim3A_1399 = arith.constant 0.000000e+00 : f32
        %broadcast_in_dim3A_1400 = vector.broadcast %broadcast_in_dim3A_1399 : f32 to vector<16xf32>
        %get3A_1401 = arith.constant 6 : i32
        %get3A_1402 = arith.index_cast %get3A_1401 : i32 to index
        %get3A_1403 = arith.constant 0 : index
        %get3A_1404 = tpu.vector_load %arg4[%get3A_1402, %get3A_1403] {strides = array<i32>} : memref<1232x16xf32, #tpu.memory_space<vmem>>, vector<1x16xf32>,
        %get3A_1405 = vector.shape_cast %get3A_1404 : vector<1x16xf32> to vector<16xf32>
        %gt3A_1406 = arith.cmpf ogt, %get3A_1405, %get3A_1398 : vector<16xf32>
        %select_n3A_1407 = arith.select %gt3A_1406, %get3A_1405, %get3A_1398 : vector<16xi1>, vector<16xf32>
        %jit3A_1408 = arith.constant 1.000000e+00 : f32
        %broadcast_in_dim3A_1409 = vector.broadcast %jit3A_1408 : f32 to vector<16xf32>
        %select_n3A_1410 = arith.select %gt3A_1406, %broadcast_in_dim3A_1409, %broadcast_in_dim3A_1400 : vector<16xi1>, vector<16xf32>
        %get3A_1411 = arith.constant 10 : i32
        %get3A_1412 = arith.index_cast %get3A_1411 : i32 to index
        %get3A_1413 = arith.constant 0 : index
        %get3A_1414 = tpu.vector_load %arg4[%get3A_1412, %get3A_1413] {strides = array<i32>} : memref<1232x16xf32, #tpu.memory_space<vmem>>, vector<1x16xf32>,
        %get3A_1415 = vector.shape_cast %get3A_1414 : vector<1x16xf32> to vector<16xf32>
        %gt3A_1416 = arith.cmpf ogt, %get3A_1415, %select_n3A_1407 : vector<16xf32>
        %select_n3A_1417 = arith.select %gt3A_1416, %get3A_1415, %select_n3A_1407 : vector<16xi1>, vector<16xf32>
        %jit3A_1418 = arith.constant 2.000000e+00 : f32
        %broadcast_in_dim3A_1419 = vector.broadcast %jit3A_1418 : f32 to vector<16xf32>
        %select_n3A_1420 = arith.select %gt3A_1416, %broadcast_in_dim3A_1419, %select_n3A_1410 : vector<16xi1>, vector<16xf32>
        %get3A_1421 = arith.constant 14 : i32
        %get3A_1422 = arith.index_cast %get3A_1421 : i32 to index
        %get3A_1423 = arith.constant 0 : index
        %get3A_1424 = tpu.vector_load %arg4[%get3A_1422, %get3A_1423] {strides = array<i32>} : memref<1232x16xf32, #tpu.memory_space<vmem>>, vector<1x16xf32>,
        %get3A_1425 = vector.shape_cast %get3A_1424 : vector<1x16xf32> to vector<16xf32>
        %gt3A_1426 = arith.cmpf ogt, %get3A_1425, %select_n3A_1417 : vector<16xf32>
        %select_n3A_1427 = arith.select %gt3A_1426, %get3A_1425, %select_n3A_1417 : vector<16xi1>, vector<16xf32>
        %jit3A_1428 = arith.constant 3.000000e+00 : f32
        %broadcast_in_dim3A_1429 = vector.broadcast %jit3A_1428 : f32 to vector<16xf32>
        %select_n3A_1430 = arith.select %gt3A_1426, %broadcast_in_dim3A_1429, %select_n3A_1420 : vector<16xi1>, vector<16xf32>
        %get3A_1431 = arith.constant 18 : i32
        %get3A_1432 = arith.index_cast %get3A_1431 : i32 to index
        %get3A_1433 = arith.constant 0 : index
        %get3A_1434 = tpu.vector_load %arg4[%get3A_1432, %get3A_1433] {strides = array<i32>} : memref<1232x16xf32, #tpu.memory_space<vmem>>, vector<1x16xf32>,
        %get3A_1435 = vector.shape_cast %get3A_1434 : vector<1x16xf32> to vector<16xf32>
        %gt3A_1436 = arith.cmpf ogt, %get3A_1435, %select_n3A_1427 : vector<16xf32>
        %select_n3A_1437 = arith.select %gt3A_1436, %get3A_1435, %select_n3A_1427 : vector<16xi1>, vector<16xf32>
        %jit3A_1438 = arith.constant 4.000000e+00 : f32
        %broadcast_in_dim3A_1439 = vector.broadcast %jit3A_1438 : f32 to vector<16xf32>
        %select_n3A_1440 = arith.select %gt3A_1436, %broadcast_in_dim3A_1439, %select_n3A_1430 : vector<16xi1>, vector<16xf32>
        %get3A_1441 = arith.constant 22 : i32
        %get3A_1442 = arith.index_cast %get3A_1441 : i32 to index
        %get3A_1443 = arith.constant 0 : index
        %get3A_1444 = tpu.vector_load %arg4[%get3A_1442, %get3A_1443] {strides = array<i32>} : memref<1232x16xf32, #tpu.memory_space<vmem>>, vector<1x16xf32>,
        %get3A_1445 = vector.shape_cast %get3A_1444 : vector<1x16xf32> to vector<16xf32>
        %gt3A_1446 = arith.cmpf ogt, %get3A_1445, %select_n3A_1437 : vector<16xf32>
        %select_n3A_1447 = arith.select %gt3A_1446, %get3A_1445, %select_n3A_1437 : vector<16xi1>, vector<16xf32>
        %jit3A_1448 = arith.constant 5.000000e+00 : f32
        %broadcast_in_dim3A_1449 = vector.broadcast %jit3A_1448 : f32 to vector<16xf32>
        %select_n3A_1450 = arith.select %gt3A_1446, %broadcast_in_dim3A_1449, %select_n3A_1440 : vector<16xi1>, vector<16xf32>
        %get3A_1451 = arith.constant 26 : i32
        %get3A_1452 = arith.index_cast %get3A_1451 : i32 to index
        %get3A_1453 = arith.constant 0 : index
        %get3A_1454 = tpu.vector_load %arg4[%get3A_1452, %get3A_1453] {strides = array<i32>} : memref<1232x16xf32, #tpu.memory_space<vmem>>, vector<1x16xf32>,
        %get3A_1455 = vector.shape_cast %get3A_1454 : vector<1x16xf32> to vector<16xf32>
        %gt3A_1456 = arith.cmpf ogt, %get3A_1455, %select_n3A_1447 : vector<16xf32>
        %select_n3A_1457 = arith.select %gt3A_1456, %get3A_1455, %select_n3A_1447 : vector<16xi1>, vector<16xf32>
        %jit3A_1458 = arith.constant 6.000000e+00 : f32
        %broadcast_in_dim3A_1459 = vector.broadcast %jit3A_1458 : f32 to vector<16xf32>
        %select_n3A_1460 = arith.select %gt3A_1456, %broadcast_in_dim3A_1459, %select_n3A_1450 : vector<16xi1>, vector<16xf32>
        %get3A_1461 = arith.constant 30 : i32
        %get3A_1462 = arith.index_cast %get3A_1461 : i32 to index
        %get3A_1463 = arith.constant 0 : index
        %get3A_1464 = tpu.vector_load %arg4[%get3A_1462, %get3A_1463] {strides = array<i32>} : memref<1232x16xf32, #tpu.memory_space<vmem>>, vector<1x16xf32>,
        %get3A_1465 = vector.shape_cast %get3A_1464 : vector<1x16xf32> to vector<16xf32>
        %gt3A_1466 = arith.cmpf ogt, %get3A_1465, %select_n3A_1457 : vector<16xf32>
        %select_n3A_1467 = arith.select %gt3A_1466, %get3A_1465, %select_n3A_1457 : vector<16xi1>, vector<16xf32>
        %jit3A_1468 = arith.constant 7.000000e+00 : f32
        %broadcast_in_dim3A_1469 = vector.broadcast %jit3A_1468 : f32 to vector<16xf32>
        %select_n3A_1470 = arith.select %gt3A_1466, %broadcast_in_dim3A_1469, %select_n3A_1460 : vector<16xi1>, vector<16xf32>
        %get3A_1471 = arith.constant 34 : i32
        %get3A_1472 = arith.index_cast %get3A_1471 : i32 to index
        %get3A_1473 = arith.constant 0 : index
        %get3A_1474 = tpu.vector_load %arg4[%get3A_1472, %get3A_1473] {strides = array<i32>} : memref<1232x16xf32, #tpu.memory_space<vmem>>, vector<1x16xf32>,
        %get3A_1475 = vector.shape_cast %get3A_1474 : vector<1x16xf32> to vector<16xf32>
        %gt3A_1476 = arith.cmpf ogt, %get3A_1475, %select_n3A_1467 : vector<16xf32>
        %select_n3A_1477 = arith.select %gt3A_1476, %get3A_1475, %select_n3A_1467 : vector<16xi1>, vector<16xf32>
        %jit3A_1478 = arith.constant 8.000000e+00 : f32
        %broadcast_in_dim3A_1479 = vector.broadcast %jit3A_1478 : f32 to vector<16xf32>
        %select_n3A_1480 = arith.select %gt3A_1476, %broadcast_in_dim3A_1479, %select_n3A_1470 : vector<16xi1>, vector<16xf32>
        %get3A_1481 = arith.constant 38 : i32
        %get3A_1482 = arith.index_cast %get3A_1481 : i32 to index
        %get3A_1483 = arith.constant 0 : index
        %get3A_1484 = tpu.vector_load %arg4[%get3A_1482, %get3A_1483] {strides = array<i32>} : memref<1232x16xf32, #tpu.memory_space<vmem>>, vector<1x16xf32>,
        %get3A_1485 = vector.shape_cast %get3A_1484 : vector<1x16xf32> to vector<16xf32>
        %gt3A_1486 = arith.cmpf ogt, %get3A_1485, %select_n3A_1477 : vector<16xf32>
        %select_n3A_1487 = arith.select %gt3A_1486, %get3A_1485, %select_n3A_1477 : vector<16xi1>, vector<16xf32>
        %jit3A_1488 = arith.constant 9.000000e+00 : f32
        %broadcast_in_dim3A_1489 = vector.broadcast %jit3A_1488 : f32 to vector<16xf32>
        %select_n3A_1490 = arith.select %gt3A_1486, %broadcast_in_dim3A_1489, %select_n3A_1480 : vector<16xi1>, vector<16xf32>
        %get3A_1491 = arith.constant 42 : i32
        %get3A_1492 = arith.index_cast %get3A_1491 : i32 to index
        %get3A_1493 = arith.constant 0 : index
        %get3A_1494 = tpu.vector_load %arg4[%get3A_1492, %get3A_1493] {strides = array<i32>} : memref<1232x16xf32, #tpu.memory_space<vmem>>, vector<1x16xf32>,
        %get3A_1495 = vector.shape_cast %get3A_1494 : vector<1x16xf32> to vector<16xf32>
        %gt3A_1496 = arith.cmpf ogt, %get3A_1495, %select_n3A_1487 : vector<16xf32>
        %select_n3A_1497 = arith.select %gt3A_1496, %get3A_1495, %select_n3A_1487 : vector<16xi1>, vector<16xf32>
        %jit3A_1498 = arith.constant 1.000000e+01 : f32
        %broadcast_in_dim3A_1499 = vector.broadcast %jit3A_1498 : f32 to vector<16xf32>
        %select_n3A_1500 = arith.select %gt3A_1496, %broadcast_in_dim3A_1499, %select_n3A_1490 : vector<16xi1>, vector<16xf32>
        %get3A_1501 = arith.constant 46 : i32
        %get3A_1502 = arith.index_cast %get3A_1501 : i32 to index
        %get3A_1503 = arith.constant 0 : index
        %get3A_1504 = tpu.vector_load %arg4[%get3A_1502, %get3A_1503] {strides = array<i32>} : memref<1232x16xf32, #tpu.memory_space<vmem>>, vector<1x16xf32>,
        %get3A_1505 = vector.shape_cast %get3A_1504 : vector<1x16xf32> to vector<16xf32>
        %gt3A_1506 = arith.cmpf ogt, %get3A_1505, %select_n3A_1497 : vector<16xf32>
        %select_n3A_1507 = arith.select %gt3A_1506, %get3A_1505, %select_n3A_1497 : vector<16xi1>, vector<16xf32>
        %jit3A_1508 = arith.constant 1.100000e+01 : f32
        %broadcast_in_dim3A_1509 = vector.broadcast %jit3A_1508 : f32 to vector<16xf32>
        %select_n3A_1510 = arith.select %gt3A_1506, %broadcast_in_dim3A_1509, %select_n3A_1500 : vector<16xi1>, vector<16xf32>
        %get3A_1511 = arith.constant 50 : i32
        %get3A_1512 = arith.index_cast %get3A_1511 : i32 to index
        %get3A_1513 = arith.constant 0 : index
        %get3A_1514 = tpu.vector_load %arg4[%get3A_1512, %get3A_1513] {strides = array<i32>} : memref<1232x16xf32, #tpu.memory_space<vmem>>, vector<1x16xf32>,
        %get3A_1515 = vector.shape_cast %get3A_1514 : vector<1x16xf32> to vector<16xf32>
        %gt3A_1516 = arith.cmpf ogt, %get3A_1515, %select_n3A_1507 : vector<16xf32>
        %select_n3A_1517 = arith.select %gt3A_1516, %get3A_1515, %select_n3A_1507 : vector<16xi1>, vector<16xf32>
        %jit3A_1518 = arith.constant 1.200000e+01 : f32
        %broadcast_in_dim3A_1519 = vector.broadcast %jit3A_1518 : f32 to vector<16xf32>
        %select_n3A_1520 = arith.select %gt3A_1516, %broadcast_in_dim3A_1519, %select_n3A_1510 : vector<16xi1>, vector<16xf32>
        %get3A_1521 = arith.constant 54 : i32
        %get3A_1522 = arith.index_cast %get3A_1521 : i32 to index
        %get3A_1523 = arith.constant 0 : index
        %get3A_1524 = tpu.vector_load %arg4[%get3A_1522, %get3A_1523] {strides = array<i32>} : memref<1232x16xf32, #tpu.memory_space<vmem>>, vector<1x16xf32>,
        %get3A_1525 = vector.shape_cast %get3A_1524 : vector<1x16xf32> to vector<16xf32>
        %gt3A_1526 = arith.cmpf ogt, %get3A_1525, %select_n3A_1517 : vector<16xf32>
        %select_n3A_1527 = arith.select %gt3A_1526, %get3A_1525, %select_n3A_1517 : vector<16xi1>, vector<16xf32>
        %jit3A_1528 = arith.constant 1.300000e+01 : f32
        %broadcast_in_dim3A_1529 = vector.broadcast %jit3A_1528 : f32 to vector<16xf32>
        %select_n3A_1530 = arith.select %gt3A_1526, %broadcast_in_dim3A_1529, %select_n3A_1520 : vector<16xi1>, vector<16xf32>
        %get3A_1531 = arith.constant 58 : i32
        %get3A_1532 = arith.index_cast %get3A_1531 : i32 to index
        %get3A_1533 = arith.constant 0 : index
        %get3A_1534 = tpu.vector_load %arg4[%get3A_1532, %get3A_1533] {strides = array<i32>} : memref<1232x16xf32, #tpu.memory_space<vmem>>, vector<1x16xf32>,
        %get3A_1535 = vector.shape_cast %get3A_1534 : vector<1x16xf32> to vector<16xf32>
        %gt3A_1536 = arith.cmpf ogt, %get3A_1535, %select_n3A_1527 : vector<16xf32>
        %select_n3A_1537 = arith.select %gt3A_1536, %get3A_1535, %select_n3A_1527 : vector<16xi1>, vector<16xf32>
        %jit3A_1538 = arith.constant 1.400000e+01 : f32
        %broadcast_in_dim3A_1539 = vector.broadcast %jit3A_1538 : f32 to vector<16xf32>
        %select_n3A_1540 = arith.select %gt3A_1536, %broadcast_in_dim3A_1539, %select_n3A_1530 : vector<16xi1>, vector<16xf32>
        %get3A_1541 = arith.constant 62 : i32
        %get3A_1542 = arith.index_cast %get3A_1541 : i32 to index
        %get3A_1543 = arith.constant 0 : index
        %get3A_1544 = tpu.vector_load %arg4[%get3A_1542, %get3A_1543] {strides = array<i32>} : memref<1232x16xf32, #tpu.memory_space<vmem>>, vector<1x16xf32>,
        %get3A_1545 = vector.shape_cast %get3A_1544 : vector<1x16xf32> to vector<16xf32>
        %gt3A_1546 = arith.cmpf ogt, %get3A_1545, %select_n3A_1537 : vector<16xf32>
        %select_n3A_1547 = arith.select %gt3A_1546, %get3A_1545, %select_n3A_1537 : vector<16xi1>, vector<16xf32>
        %jit3A_1548 = arith.constant 1.500000e+01 : f32
        %broadcast_in_dim3A_1549 = vector.broadcast %jit3A_1548 : f32 to vector<16xf32>
        %select_n3A_1550 = arith.select %gt3A_1546, %broadcast_in_dim3A_1549, %select_n3A_1540 : vector<16xi1>, vector<16xf32>
        %get3A_1551 = arith.constant 66 : i32
        %get3A_1552 = arith.index_cast %get3A_1551 : i32 to index
        %get3A_1553 = arith.constant 0 : index
        %get3A_1554 = tpu.vector_load %arg4[%get3A_1552, %get3A_1553] {strides = array<i32>} : memref<1232x16xf32, #tpu.memory_space<vmem>>, vector<1x16xf32>,
        %get3A_1555 = vector.shape_cast %get3A_1554 : vector<1x16xf32> to vector<16xf32>
        %gt3A_1556 = arith.cmpf ogt, %get3A_1555, %select_n3A_1547 : vector<16xf32>
        %select_n3A_1557 = arith.select %gt3A_1556, %get3A_1555, %select_n3A_1547 : vector<16xi1>, vector<16xf32>
        %jit3A_1558 = arith.constant 1.600000e+01 : f32
        %broadcast_in_dim3A_1559 = vector.broadcast %jit3A_1558 : f32 to vector<16xf32>
        %select_n3A_1560 = arith.select %gt3A_1556, %broadcast_in_dim3A_1559, %select_n3A_1550 : vector<16xi1>, vector<16xf32>
        %get3A_1561 = arith.constant 70 : i32
        %get3A_1562 = arith.index_cast %get3A_1561 : i32 to index
        %get3A_1563 = arith.constant 0 : index
        %get3A_1564 = tpu.vector_load %arg4[%get3A_1562, %get3A_1563] {strides = array<i32>} : memref<1232x16xf32, #tpu.memory_space<vmem>>, vector<1x16xf32>,
        %get3A_1565 = vector.shape_cast %get3A_1564 : vector<1x16xf32> to vector<16xf32>
        %gt3A_1566 = arith.cmpf ogt, %get3A_1565, %select_n3A_1557 : vector<16xf32>
        %select_n3A_1567 = arith.select %gt3A_1566, %get3A_1565, %select_n3A_1557 : vector<16xi1>, vector<16xf32>
        %jit3A_1568 = arith.constant 1.700000e+01 : f32
        %broadcast_in_dim3A_1569 = vector.broadcast %jit3A_1568 : f32 to vector<16xf32>
        %select_n3A_1570 = arith.select %gt3A_1566, %broadcast_in_dim3A_1569, %select_n3A_1560 : vector<16xi1>, vector<16xf32>
        %get3A_1571 = arith.constant 74 : i32
        %get3A_1572 = arith.index_cast %get3A_1571 : i32 to index
        %get3A_1573 = arith.constant 0 : index
        %get3A_1574 = tpu.vector_load %arg4[%get3A_1572, %get3A_1573] {strides = array<i32>} : memref<1232x16xf32, #tpu.memory_space<vmem>>, vector<1x16xf32>,
        %get3A_1575 = vector.shape_cast %get3A_1574 : vector<1x16xf32> to vector<16xf32>
        %gt3A_1576 = arith.cmpf ogt, %get3A_1575, %select_n3A_1567 : vector<16xf32>
        %select_n3A_1577 = arith.select %gt3A_1576, %get3A_1575, %select_n3A_1567 : vector<16xi1>, vector<16xf32>
        %jit3A_1578 = arith.constant 1.800000e+01 : f32
        %broadcast_in_dim3A_1579 = vector.broadcast %jit3A_1578 : f32 to vector<16xf32>
        %select_n3A_1580 = arith.select %gt3A_1576, %broadcast_in_dim3A_1579, %select_n3A_1570 : vector<16xi1>, vector<16xf32>
        %get3A_1581 = arith.constant 78 : i32
        %get3A_1582 = arith.index_cast %get3A_1581 : i32 to index
        %get3A_1583 = arith.constant 0 : index
        %get3A_1584 = tpu.vector_load %arg4[%get3A_1582, %get3A_1583] {strides = array<i32>} : memref<1232x16xf32, #tpu.memory_space<vmem>>, vector<1x16xf32>,
        %get3A_1585 = vector.shape_cast %get3A_1584 : vector<1x16xf32> to vector<16xf32>
        %gt3A_1586 = arith.cmpf ogt, %get3A_1585, %select_n3A_1577 : vector<16xf32>
        %select_n3A_1587 = arith.select %gt3A_1586, %get3A_1585, %select_n3A_1577 : vector<16xi1>, vector<16xf32>
        %jit3A_1588 = arith.constant 1.900000e+01 : f32
        %broadcast_in_dim3A_1589 = vector.broadcast %jit3A_1588 : f32 to vector<16xf32>
        %select_n3A_1590 = arith.select %gt3A_1586, %broadcast_in_dim3A_1589, %select_n3A_1580 : vector<16xi1>, vector<16xf32>
        %get3A_1591 = arith.constant 82 : i32
        %get3A_1592 = arith.index_cast %get3A_1591 : i32 to index
        %get3A_1593 = arith.constant 0 : index
        %get3A_1594 = tpu.vector_load %arg4[%get3A_1592, %get3A_1593] {strides = array<i32>} : memref<1232x16xf32, #tpu.memory_space<vmem>>, vector<1x16xf32>,
        %get3A_1595 = vector.shape_cast %get3A_1594 : vector<1x16xf32> to vector<16xf32>
        %gt3A_1596 = arith.cmpf ogt, %get3A_1595, %select_n3A_1587 : vector<16xf32>
        %select_n3A_1597 = arith.select %gt3A_1596, %get3A_1595, %select_n3A_1587 : vector<16xi1>, vector<16xf32>
        %jit3A_1598 = arith.constant 2.000000e+01 : f32
        %broadcast_in_dim3A_1599 = vector.broadcast %jit3A_1598 : f32 to vector<16xf32>
        %select_n3A_1600 = arith.select %gt3A_1596, %broadcast_in_dim3A_1599, %select_n3A_1590 : vector<16xi1>, vector<16xf32>
        %get3A_1601 = arith.constant 86 : i32
        %get3A_1602 = arith.index_cast %get3A_1601 : i32 to index
        %get3A_1603 = arith.constant 0 : index
        %get3A_1604 = tpu.vector_load %arg4[%get3A_1602, %get3A_1603] {strides = array<i32>} : memref<1232x16xf32, #tpu.memory_space<vmem>>, vector<1x16xf32>,
        %get3A_1605 = vector.shape_cast %get3A_1604 : vector<1x16xf32> to vector<16xf32>
        %gt3A_1606 = arith.cmpf ogt, %get3A_1605, %select_n3A_1597 : vector<16xf32>
        %select_n3A_1607 = arith.select %gt3A_1606, %get3A_1605, %select_n3A_1597 : vector<16xi1>, vector<16xf32>
        %jit3A_1608 = arith.constant 2.100000e+01 : f32
        %broadcast_in_dim3A_1609 = vector.broadcast %jit3A_1608 : f32 to vector<16xf32>
        %select_n3A_1610 = arith.select %gt3A_1606, %broadcast_in_dim3A_1609, %select_n3A_1600 : vector<16xi1>, vector<16xf32>
        %get3A_1611 = arith.constant 90 : i32
        %get3A_1612 = arith.index_cast %get3A_1611 : i32 to index
        %get3A_1613 = arith.constant 0 : index
        %get3A_1614 = tpu.vector_load %arg4[%get3A_1612, %get3A_1613] {strides = array<i32>} : memref<1232x16xf32, #tpu.memory_space<vmem>>, vector<1x16xf32>,
        %get3A_1615 = vector.shape_cast %get3A_1614 : vector<1x16xf32> to vector<16xf32>
        %gt3A_1616 = arith.cmpf ogt, %get3A_1615, %select_n3A_1607 : vector<16xf32>
        %select_n3A_1617 = arith.select %gt3A_1616, %get3A_1615, %select_n3A_1607 : vector<16xi1>, vector<16xf32>
        %jit3A_1618 = arith.constant 2.200000e+01 : f32
        %broadcast_in_dim3A_1619 = vector.broadcast %jit3A_1618 : f32 to vector<16xf32>
        %select_n3A_1620 = arith.select %gt3A_1616, %broadcast_in_dim3A_1619, %select_n3A_1610 : vector<16xi1>, vector<16xf32>
        %get3A_1621 = arith.constant 94 : i32
        %get3A_1622 = arith.index_cast %get3A_1621 : i32 to index
        %get3A_1623 = arith.constant 0 : index
        %get3A_1624 = tpu.vector_load %arg4[%get3A_1622, %get3A_1623] {strides = array<i32>} : memref<1232x16xf32, #tpu.memory_space<vmem>>, vector<1x16xf32>,
        %get3A_1625 = vector.shape_cast %get3A_1624 : vector<1x16xf32> to vector<16xf32>
        %gt3A_1626 = arith.cmpf ogt, %get3A_1625, %select_n3A_1617 : vector<16xf32>
        %select_n3A_1627 = arith.select %gt3A_1626, %get3A_1625, %select_n3A_1617 : vector<16xi1>, vector<16xf32>
        %jit3A_1628 = arith.constant 2.300000e+01 : f32
        %broadcast_in_dim3A_1629 = vector.broadcast %jit3A_1628 : f32 to vector<16xf32>
        %select_n3A_1630 = arith.select %gt3A_1626, %broadcast_in_dim3A_1629, %select_n3A_1620 : vector<16xi1>, vector<16xf32>
        %get3A_1631 = arith.constant 98 : i32
        %get3A_1632 = arith.index_cast %get3A_1631 : i32 to index
        %get3A_1633 = arith.constant 0 : index
        %get3A_1634 = tpu.vector_load %arg4[%get3A_1632, %get3A_1633] {strides = array<i32>} : memref<1232x16xf32, #tpu.memory_space<vmem>>, vector<1x16xf32>,
        %get3A_1635 = vector.shape_cast %get3A_1634 : vector<1x16xf32> to vector<16xf32>
        %gt3A_1636 = arith.cmpf ogt, %get3A_1635, %select_n3A_1627 : vector<16xf32>
        %select_n3A_1637 = arith.select %gt3A_1636, %get3A_1635, %select_n3A_1627 : vector<16xi1>, vector<16xf32>
        %jit3A_1638 = arith.constant 2.400000e+01 : f32
        %broadcast_in_dim3A_1639 = vector.broadcast %jit3A_1638 : f32 to vector<16xf32>
        %select_n3A_1640 = arith.select %gt3A_1636, %broadcast_in_dim3A_1639, %select_n3A_1630 : vector<16xi1>, vector<16xf32>
        %get3A_1641 = arith.constant 102 : i32
        %get3A_1642 = arith.index_cast %get3A_1641 : i32 to index
        %get3A_1643 = arith.constant 0 : index
        %get3A_1644 = tpu.vector_load %arg4[%get3A_1642, %get3A_1643] {strides = array<i32>} : memref<1232x16xf32, #tpu.memory_space<vmem>>, vector<1x16xf32>,
        %get3A_1645 = vector.shape_cast %get3A_1644 : vector<1x16xf32> to vector<16xf32>
        %gt3A_1646 = arith.cmpf ogt, %get3A_1645, %select_n3A_1637 : vector<16xf32>
        %select_n3A_1647 = arith.select %gt3A_1646, %get3A_1645, %select_n3A_1637 : vector<16xi1>, vector<16xf32>
        %jit3A_1648 = arith.constant 2.500000e+01 : f32
        %broadcast_in_dim3A_1649 = vector.broadcast %jit3A_1648 : f32 to vector<16xf32>
        %select_n3A_1650 = arith.select %gt3A_1646, %broadcast_in_dim3A_1649, %select_n3A_1640 : vector<16xi1>, vector<16xf32>
        %get3A_1651 = arith.constant 106 : i32
        %get3A_1652 = arith.index_cast %get3A_1651 : i32 to index
        %get3A_1653 = arith.constant 0 : index
        %get3A_1654 = tpu.vector_load %arg4[%get3A_1652, %get3A_1653] {strides = array<i32>} : memref<1232x16xf32, #tpu.memory_space<vmem>>, vector<1x16xf32>,
        %get3A_1655 = vector.shape_cast %get3A_1654 : vector<1x16xf32> to vector<16xf32>
        %gt3A_1656 = arith.cmpf ogt, %get3A_1655, %select_n3A_1647 : vector<16xf32>
        %select_n3A_1657 = arith.select %gt3A_1656, %get3A_1655, %select_n3A_1647 : vector<16xi1>, vector<16xf32>
        %jit3A_1658 = arith.constant 2.600000e+01 : f32
        %broadcast_in_dim3A_1659 = vector.broadcast %jit3A_1658 : f32 to vector<16xf32>
        %select_n3A_1660 = arith.select %gt3A_1656, %broadcast_in_dim3A_1659, %select_n3A_1650 : vector<16xi1>, vector<16xf32>
        %get3A_1661 = arith.constant 110 : i32
        %get3A_1662 = arith.index_cast %get3A_1661 : i32 to index
        %get3A_1663 = arith.constant 0 : index
        %get3A_1664 = tpu.vector_load %arg4[%get3A_1662, %get3A_1663] {strides = array<i32>} : memref<1232x16xf32, #tpu.memory_space<vmem>>, vector<1x16xf32>,
        %get3A_1665 = vector.shape_cast %get3A_1664 : vector<1x16xf32> to vector<16xf32>
        %gt3A_1666 = arith.cmpf ogt, %get3A_1665, %select_n3A_1657 : vector<16xf32>
        %select_n3A_1667 = arith.select %gt3A_1666, %get3A_1665, %select_n3A_1657 : vector<16xi1>, vector<16xf32>
        %jit3A_1668 = arith.constant 2.700000e+01 : f32
        %broadcast_in_dim3A_1669 = vector.broadcast %jit3A_1668 : f32 to vector<16xf32>
        %select_n3A_1670 = arith.select %gt3A_1666, %broadcast_in_dim3A_1669, %select_n3A_1660 : vector<16xi1>, vector<16xf32>
        %get3A_1671 = arith.constant 114 : i32
        %get3A_1672 = arith.index_cast %get3A_1671 : i32 to index
        %get3A_1673 = arith.constant 0 : index
        %get3A_1674 = tpu.vector_load %arg4[%get3A_1672, %get3A_1673] {strides = array<i32>} : memref<1232x16xf32, #tpu.memory_space<vmem>>, vector<1x16xf32>,
        %get3A_1675 = vector.shape_cast %get3A_1674 : vector<1x16xf32> to vector<16xf32>
        %gt3A_1676 = arith.cmpf ogt, %get3A_1675, %select_n3A_1667 : vector<16xf32>
        %select_n3A_1677 = arith.select %gt3A_1676, %get3A_1675, %select_n3A_1667 : vector<16xi1>, vector<16xf32>
        %jit3A_1678 = arith.constant 2.800000e+01 : f32
        %broadcast_in_dim3A_1679 = vector.broadcast %jit3A_1678 : f32 to vector<16xf32>
        %select_n3A_1680 = arith.select %gt3A_1676, %broadcast_in_dim3A_1679, %select_n3A_1670 : vector<16xi1>, vector<16xf32>
        %get3A_1681 = arith.constant 118 : i32
        %get3A_1682 = arith.index_cast %get3A_1681 : i32 to index
        %get3A_1683 = arith.constant 0 : index
        %get3A_1684 = tpu.vector_load %arg4[%get3A_1682, %get3A_1683] {strides = array<i32>} : memref<1232x16xf32, #tpu.memory_space<vmem>>, vector<1x16xf32>,
        %get3A_1685 = vector.shape_cast %get3A_1684 : vector<1x16xf32> to vector<16xf32>
        %gt3A_1686 = arith.cmpf ogt, %get3A_1685, %select_n3A_1677 : vector<16xf32>
        %select_n3A_1687 = arith.select %gt3A_1686, %get3A_1685, %select_n3A_1677 : vector<16xi1>, vector<16xf32>
        %jit3A_1688 = arith.constant 2.900000e+01 : f32
        %broadcast_in_dim3A_1689 = vector.broadcast %jit3A_1688 : f32 to vector<16xf32>
        %select_n3A_1690 = arith.select %gt3A_1686, %broadcast_in_dim3A_1689, %select_n3A_1680 : vector<16xi1>, vector<16xf32>
        %get3A_1691 = arith.constant 122 : i32
        %get3A_1692 = arith.index_cast %get3A_1691 : i32 to index
        %get3A_1693 = arith.constant 0 : index
        %get3A_1694 = tpu.vector_load %arg4[%get3A_1692, %get3A_1693] {strides = array<i32>} : memref<1232x16xf32, #tpu.memory_space<vmem>>, vector<1x16xf32>,
        %get3A_1695 = vector.shape_cast %get3A_1694 : vector<1x16xf32> to vector<16xf32>
        %gt3A_1696 = arith.cmpf ogt, %get3A_1695, %select_n3A_1687 : vector<16xf32>
        %select_n3A_1697 = arith.select %gt3A_1696, %get3A_1695, %select_n3A_1687 : vector<16xi1>, vector<16xf32>
        %jit3A_1698 = arith.constant 3.000000e+01 : f32
        %broadcast_in_dim3A_1699 = vector.broadcast %jit3A_1698 : f32 to vector<16xf32>
        %select_n3A_1700 = arith.select %gt3A_1696, %broadcast_in_dim3A_1699, %select_n3A_1690 : vector<16xi1>, vector<16xf32>
        %get3A_1701 = arith.constant 126 : i32
        %get3A_1702 = arith.index_cast %get3A_1701 : i32 to index
        %get3A_1703 = arith.constant 0 : index
        %get3A_1704 = tpu.vector_load %arg4[%get3A_1702, %get3A_1703] {strides = array<i32>} : memref<1232x16xf32, #tpu.memory_space<vmem>>, vector<1x16xf32>,
        %get3A_1705 = vector.shape_cast %get3A_1704 : vector<1x16xf32> to vector<16xf32>
        %gt3A_1706 = arith.cmpf ogt, %get3A_1705, %select_n3A_1697 : vector<16xf32>
        %select_n3A_1707 = arith.select %gt3A_1706, %get3A_1705, %select_n3A_1697 : vector<16xi1>, vector<16xf32>
        %jit3A_1708 = arith.constant 3.100000e+01 : f32
        %broadcast_in_dim3A_1709 = vector.broadcast %jit3A_1708 : f32 to vector<16xf32>
        %select_n3A_1710 = arith.select %gt3A_1706, %broadcast_in_dim3A_1709, %select_n3A_1700 : vector<16xi1>, vector<16xf32>
        %get3A_1711 = arith.constant 130 : i32
        %get3A_1712 = arith.index_cast %get3A_1711 : i32 to index
        %get3A_1713 = arith.constant 0 : index
        %get3A_1714 = tpu.vector_load %arg4[%get3A_1712, %get3A_1713] {strides = array<i32>} : memref<1232x16xf32, #tpu.memory_space<vmem>>, vector<1x16xf32>,
        %get3A_1715 = vector.shape_cast %get3A_1714 : vector<1x16xf32> to vector<16xf32>
        %gt3A_1716 = arith.cmpf ogt, %get3A_1715, %select_n3A_1707 : vector<16xf32>
        %select_n3A_1717 = arith.select %gt3A_1716, %get3A_1715, %select_n3A_1707 : vector<16xi1>, vector<16xf32>
        %jit3A_1718 = arith.constant 3.200000e+01 : f32
        %broadcast_in_dim3A_1719 = vector.broadcast %jit3A_1718 : f32 to vector<16xf32>
        %select_n3A_1720 = arith.select %gt3A_1716, %broadcast_in_dim3A_1719, %select_n3A_1710 : vector<16xi1>, vector<16xf32>
        %get3A_1721 = arith.constant 134 : i32
        %get3A_1722 = arith.index_cast %get3A_1721 : i32 to index
        %get3A_1723 = arith.constant 0 : index
        %get3A_1724 = tpu.vector_load %arg4[%get3A_1722, %get3A_1723] {strides = array<i32>} : memref<1232x16xf32, #tpu.memory_space<vmem>>, vector<1x16xf32>,
        %get3A_1725 = vector.shape_cast %get3A_1724 : vector<1x16xf32> to vector<16xf32>
        %gt3A_1726 = arith.cmpf ogt, %get3A_1725, %select_n3A_1717 : vector<16xf32>
        %select_n3A_1727 = arith.select %gt3A_1726, %get3A_1725, %select_n3A_1717 : vector<16xi1>, vector<16xf32>
        %jit3A_1728 = arith.constant 3.300000e+01 : f32
        %broadcast_in_dim3A_1729 = vector.broadcast %jit3A_1728 : f32 to vector<16xf32>
        %select_n3A_1730 = arith.select %gt3A_1726, %broadcast_in_dim3A_1729, %select_n3A_1720 : vector<16xi1>, vector<16xf32>
        %get3A_1731 = arith.constant 138 : i32
        %get3A_1732 = arith.index_cast %get3A_1731 : i32 to index
        %get3A_1733 = arith.constant 0 : index
        %get3A_1734 = tpu.vector_load %arg4[%get3A_1732, %get3A_1733] {strides = array<i32>} : memref<1232x16xf32, #tpu.memory_space<vmem>>, vector<1x16xf32>,
        %get3A_1735 = vector.shape_cast %get3A_1734 : vector<1x16xf32> to vector<16xf32>
        %gt3A_1736 = arith.cmpf ogt, %get3A_1735, %select_n3A_1727 : vector<16xf32>
        %select_n3A_1737 = arith.select %gt3A_1736, %get3A_1735, %select_n3A_1727 : vector<16xi1>, vector<16xf32>
        %jit3A_1738 = arith.constant 3.400000e+01 : f32
        %broadcast_in_dim3A_1739 = vector.broadcast %jit3A_1738 : f32 to vector<16xf32>
        %select_n3A_1740 = arith.select %gt3A_1736, %broadcast_in_dim3A_1739, %select_n3A_1730 : vector<16xi1>, vector<16xf32>
        %get3A_1741 = arith.constant 142 : i32
        %get3A_1742 = arith.index_cast %get3A_1741 : i32 to index
        %get3A_1743 = arith.constant 0 : index
        %get3A_1744 = tpu.vector_load %arg4[%get3A_1742, %get3A_1743] {strides = array<i32>} : memref<1232x16xf32, #tpu.memory_space<vmem>>, vector<1x16xf32>,
        %get3A_1745 = vector.shape_cast %get3A_1744 : vector<1x16xf32> to vector<16xf32>
        %gt3A_1746 = arith.cmpf ogt, %get3A_1745, %select_n3A_1737 : vector<16xf32>
        %select_n3A_1747 = arith.select %gt3A_1746, %get3A_1745, %select_n3A_1737 : vector<16xi1>, vector<16xf32>
        %jit3A_1748 = arith.constant 3.500000e+01 : f32
        %broadcast_in_dim3A_1749 = vector.broadcast %jit3A_1748 : f32 to vector<16xf32>
        %select_n3A_1750 = arith.select %gt3A_1746, %broadcast_in_dim3A_1749, %select_n3A_1740 : vector<16xi1>, vector<16xf32>
        %get3A_1751 = arith.constant 146 : i32
        %get3A_1752 = arith.index_cast %get3A_1751 : i32 to index
        %get3A_1753 = arith.constant 0 : index
        %get3A_1754 = tpu.vector_load %arg4[%get3A_1752, %get3A_1753] {strides = array<i32>} : memref<1232x16xf32, #tpu.memory_space<vmem>>, vector<1x16xf32>,
        %get3A_1755 = vector.shape_cast %get3A_1754 : vector<1x16xf32> to vector<16xf32>
        %gt3A_1756 = arith.cmpf ogt, %get3A_1755, %select_n3A_1747 : vector<16xf32>
        %select_n3A_1757 = arith.select %gt3A_1756, %get3A_1755, %select_n3A_1747 : vector<16xi1>, vector<16xf32>
        %jit3A_1758 = arith.constant 3.600000e+01 : f32
        %broadcast_in_dim3A_1759 = vector.broadcast %jit3A_1758 : f32 to vector<16xf32>
        %select_n3A_1760 = arith.select %gt3A_1756, %broadcast_in_dim3A_1759, %select_n3A_1750 : vector<16xi1>, vector<16xf32>
        %get3A_1761 = arith.constant 150 : i32
        %get3A_1762 = arith.index_cast %get3A_1761 : i32 to index
        %get3A_1763 = arith.constant 0 : index
        %get3A_1764 = tpu.vector_load %arg4[%get3A_1762, %get3A_1763] {strides = array<i32>} : memref<1232x16xf32, #tpu.memory_space<vmem>>, vector<1x16xf32>,
        %get3A_1765 = vector.shape_cast %get3A_1764 : vector<1x16xf32> to vector<16xf32>
        %gt3A_1766 = arith.cmpf ogt, %get3A_1765, %select_n3A_1757 : vector<16xf32>
        %select_n3A_1767 = arith.select %gt3A_1766, %get3A_1765, %select_n3A_1757 : vector<16xi1>, vector<16xf32>
        %jit3A_1768 = arith.constant 3.700000e+01 : f32
        %broadcast_in_dim3A_1769 = vector.broadcast %jit3A_1768 : f32 to vector<16xf32>
        %select_n3A_1770 = arith.select %gt3A_1766, %broadcast_in_dim3A_1769, %select_n3A_1760 : vector<16xi1>, vector<16xf32>
        %get3A_1771 = arith.constant 154 : i32
        %get3A_1772 = arith.index_cast %get3A_1771 : i32 to index
        %get3A_1773 = arith.constant 0 : index
        %get3A_1774 = tpu.vector_load %arg4[%get3A_1772, %get3A_1773] {strides = array<i32>} : memref<1232x16xf32, #tpu.memory_space<vmem>>, vector<1x16xf32>,
        %get3A_1775 = vector.shape_cast %get3A_1774 : vector<1x16xf32> to vector<16xf32>
        %gt3A_1776 = arith.cmpf ogt, %get3A_1775, %select_n3A_1767 : vector<16xf32>
        %select_n3A_1777 = arith.select %gt3A_1776, %get3A_1775, %select_n3A_1767 : vector<16xi1>, vector<16xf32>
        %jit3A_1778 = arith.constant 3.800000e+01 : f32
        %broadcast_in_dim3A_1779 = vector.broadcast %jit3A_1778 : f32 to vector<16xf32>
        %select_n3A_1780 = arith.select %gt3A_1776, %broadcast_in_dim3A_1779, %select_n3A_1770 : vector<16xi1>, vector<16xf32>
        %get3A_1781 = arith.constant 158 : i32
        %get3A_1782 = arith.index_cast %get3A_1781 : i32 to index
        %get3A_1783 = arith.constant 0 : index
        %get3A_1784 = tpu.vector_load %arg4[%get3A_1782, %get3A_1783] {strides = array<i32>} : memref<1232x16xf32, #tpu.memory_space<vmem>>, vector<1x16xf32>,
        %get3A_1785 = vector.shape_cast %get3A_1784 : vector<1x16xf32> to vector<16xf32>
        %gt3A_1786 = arith.cmpf ogt, %get3A_1785, %select_n3A_1777 : vector<16xf32>
        %select_n3A_1787 = arith.select %gt3A_1786, %get3A_1785, %select_n3A_1777 : vector<16xi1>, vector<16xf32>
        %jit3A_1788 = arith.constant 3.900000e+01 : f32
        %broadcast_in_dim3A_1789 = vector.broadcast %jit3A_1788 : f32 to vector<16xf32>
        %select_n3A_1790 = arith.select %gt3A_1786, %broadcast_in_dim3A_1789, %select_n3A_1780 : vector<16xi1>, vector<16xf32>
        %get3A_1791 = arith.constant 162 : i32
        %get3A_1792 = arith.index_cast %get3A_1791 : i32 to index
        %get3A_1793 = arith.constant 0 : index
        %get3A_1794 = tpu.vector_load %arg4[%get3A_1792, %get3A_1793] {strides = array<i32>} : memref<1232x16xf32, #tpu.memory_space<vmem>>, vector<1x16xf32>,
        %get3A_1795 = vector.shape_cast %get3A_1794 : vector<1x16xf32> to vector<16xf32>
        %gt3A_1796 = arith.cmpf ogt, %get3A_1795, %select_n3A_1787 : vector<16xf32>
        %select_n3A_1797 = arith.select %gt3A_1796, %get3A_1795, %select_n3A_1787 : vector<16xi1>, vector<16xf32>
        %jit3A_1798 = arith.constant 4.000000e+01 : f32
        %broadcast_in_dim3A_1799 = vector.broadcast %jit3A_1798 : f32 to vector<16xf32>
        %select_n3A_1800 = arith.select %gt3A_1796, %broadcast_in_dim3A_1799, %select_n3A_1790 : vector<16xi1>, vector<16xf32>
        %get3A_1801 = arith.constant 166 : i32
        %get3A_1802 = arith.index_cast %get3A_1801 : i32 to index
        %get3A_1803 = arith.constant 0 : index
        %get3A_1804 = tpu.vector_load %arg4[%get3A_1802, %get3A_1803] {strides = array<i32>} : memref<1232x16xf32, #tpu.memory_space<vmem>>, vector<1x16xf32>,
        %get3A_1805 = vector.shape_cast %get3A_1804 : vector<1x16xf32> to vector<16xf32>
        %gt3A_1806 = arith.cmpf ogt, %get3A_1805, %select_n3A_1797 : vector<16xf32>
        %select_n3A_1807 = arith.select %gt3A_1806, %get3A_1805, %select_n3A_1797 : vector<16xi1>, vector<16xf32>
        %jit3A_1808 = arith.constant 4.100000e+01 : f32
        %broadcast_in_dim3A_1809 = vector.broadcast %jit3A_1808 : f32 to vector<16xf32>
        %select_n3A_1810 = arith.select %gt3A_1806, %broadcast_in_dim3A_1809, %select_n3A_1800 : vector<16xi1>, vector<16xf32>
        %get3A_1811 = arith.constant 170 : i32
        %get3A_1812 = arith.index_cast %get3A_1811 : i32 to index
        %get3A_1813 = arith.constant 0 : index
        %get3A_1814 = tpu.vector_load %arg4[%get3A_1812, %get3A_1813] {strides = array<i32>} : memref<1232x16xf32, #tpu.memory_space<vmem>>, vector<1x16xf32>,
        %get3A_1815 = vector.shape_cast %get3A_1814 : vector<1x16xf32> to vector<16xf32>
        %gt3A_1816 = arith.cmpf ogt, %get3A_1815, %select_n3A_1807 : vector<16xf32>
        %select_n3A_1817 = arith.select %gt3A_1816, %get3A_1815, %select_n3A_1807 : vector<16xi1>, vector<16xf32>
        %jit3A_1818 = arith.constant 4.200000e+01 : f32
        %broadcast_in_dim3A_1819 = vector.broadcast %jit3A_1818 : f32 to vector<16xf32>
        %select_n3A_1820 = arith.select %gt3A_1816, %broadcast_in_dim3A_1819, %select_n3A_1810 : vector<16xi1>, vector<16xf32>
        %get3A_1821 = arith.constant 174 : i32
        %get3A_1822 = arith.index_cast %get3A_1821 : i32 to index
        %get3A_1823 = arith.constant 0 : index
        %get3A_1824 = tpu.vector_load %arg4[%get3A_1822, %get3A_1823] {strides = array<i32>} : memref<1232x16xf32, #tpu.memory_space<vmem>>, vector<1x16xf32>,
        %get3A_1825 = vector.shape_cast %get3A_1824 : vector<1x16xf32> to vector<16xf32>
        %gt3A_1826 = arith.cmpf ogt, %get3A_1825, %select_n3A_1817 : vector<16xf32>
        %select_n3A_1827 = arith.select %gt3A_1826, %get3A_1825, %select_n3A_1817 : vector<16xi1>, vector<16xf32>
        %jit3A_1828 = arith.constant 4.300000e+01 : f32
        %broadcast_in_dim3A_1829 = vector.broadcast %jit3A_1828 : f32 to vector<16xf32>
        %select_n3A_1830 = arith.select %gt3A_1826, %broadcast_in_dim3A_1829, %select_n3A_1820 : vector<16xi1>, vector<16xf32>
        %get3A_1831 = arith.constant 178 : i32
        %get3A_1832 = arith.index_cast %get3A_1831 : i32 to index
        %get3A_1833 = arith.constant 0 : index
        %get3A_1834 = tpu.vector_load %arg4[%get3A_1832, %get3A_1833] {strides = array<i32>} : memref<1232x16xf32, #tpu.memory_space<vmem>>, vector<1x16xf32>,
        %get3A_1835 = vector.shape_cast %get3A_1834 : vector<1x16xf32> to vector<16xf32>
        %gt3A_1836 = arith.cmpf ogt, %get3A_1835, %select_n3A_1827 : vector<16xf32>
        %select_n3A_1837 = arith.select %gt3A_1836, %get3A_1835, %select_n3A_1827 : vector<16xi1>, vector<16xf32>
        %jit3A_1838 = arith.constant 4.400000e+01 : f32
        %broadcast_in_dim3A_1839 = vector.broadcast %jit3A_1838 : f32 to vector<16xf32>
        %select_n3A_1840 = arith.select %gt3A_1836, %broadcast_in_dim3A_1839, %select_n3A_1830 : vector<16xi1>, vector<16xf32>
        %get3A_1841 = arith.constant 182 : i32
        %get3A_1842 = arith.index_cast %get3A_1841 : i32 to index
        %get3A_1843 = arith.constant 0 : index
        %get3A_1844 = tpu.vector_load %arg4[%get3A_1842, %get3A_1843] {strides = array<i32>} : memref<1232x16xf32, #tpu.memory_space<vmem>>, vector<1x16xf32>,
        %get3A_1845 = vector.shape_cast %get3A_1844 : vector<1x16xf32> to vector<16xf32>
        %gt3A_1846 = arith.cmpf ogt, %get3A_1845, %select_n3A_1837 : vector<16xf32>
        %select_n3A_1847 = arith.select %gt3A_1846, %get3A_1845, %select_n3A_1837 : vector<16xi1>, vector<16xf32>
        %jit3A_1848 = arith.constant 4.500000e+01 : f32
        %broadcast_in_dim3A_1849 = vector.broadcast %jit3A_1848 : f32 to vector<16xf32>
        %select_n3A_1850 = arith.select %gt3A_1846, %broadcast_in_dim3A_1849, %select_n3A_1840 : vector<16xi1>, vector<16xf32>
        %get3A_1851 = arith.constant 186 : i32
        %get3A_1852 = arith.index_cast %get3A_1851 : i32 to index
        %get3A_1853 = arith.constant 0 : index
        %get3A_1854 = tpu.vector_load %arg4[%get3A_1852, %get3A_1853] {strides = array<i32>} : memref<1232x16xf32, #tpu.memory_space<vmem>>, vector<1x16xf32>,
        %get3A_1855 = vector.shape_cast %get3A_1854 : vector<1x16xf32> to vector<16xf32>
        %gt3A_1856 = arith.cmpf ogt, %get3A_1855, %select_n3A_1847 : vector<16xf32>
        %select_n3A_1857 = arith.select %gt3A_1856, %get3A_1855, %select_n3A_1847 : vector<16xi1>, vector<16xf32>
        %jit3A_1858 = arith.constant 4.600000e+01 : f32
        %broadcast_in_dim3A_1859 = vector.broadcast %jit3A_1858 : f32 to vector<16xf32>
        %select_n3A_1860 = arith.select %gt3A_1856, %broadcast_in_dim3A_1859, %select_n3A_1850 : vector<16xi1>, vector<16xf32>
        %get3A_1861 = arith.constant 190 : i32
        %get3A_1862 = arith.index_cast %get3A_1861 : i32 to index
        %get3A_1863 = arith.constant 0 : index
        %get3A_1864 = tpu.vector_load %arg4[%get3A_1862, %get3A_1863] {strides = array<i32>} : memref<1232x16xf32, #tpu.memory_space<vmem>>, vector<1x16xf32>,
        %get3A_1865 = vector.shape_cast %get3A_1864 : vector<1x16xf32> to vector<16xf32>
        %gt3A_1866 = arith.cmpf ogt, %get3A_1865, %select_n3A_1857 : vector<16xf32>
        %select_n3A_1867 = arith.select %gt3A_1866, %get3A_1865, %select_n3A_1857 : vector<16xi1>, vector<16xf32>
        %jit3A_1868 = arith.constant 4.700000e+01 : f32
        %broadcast_in_dim3A_1869 = vector.broadcast %jit3A_1868 : f32 to vector<16xf32>
        %select_n3A_1870 = arith.select %gt3A_1866, %broadcast_in_dim3A_1869, %select_n3A_1860 : vector<16xi1>, vector<16xf32>
        %get3A_1871 = arith.constant 194 : i32
        %get3A_1872 = arith.index_cast %get3A_1871 : i32 to index
        %get3A_1873 = arith.constant 0 : index
        %get3A_1874 = tpu.vector_load %arg4[%get3A_1872, %get3A_1873] {strides = array<i32>} : memref<1232x16xf32, #tpu.memory_space<vmem>>, vector<1x16xf32>,
        %get3A_1875 = vector.shape_cast %get3A_1874 : vector<1x16xf32> to vector<16xf32>
        %gt3A_1876 = arith.cmpf ogt, %get3A_1875, %select_n3A_1867 : vector<16xf32>
        %select_n3A_1877 = arith.select %gt3A_1876, %get3A_1875, %select_n3A_1867 : vector<16xi1>, vector<16xf32>
        %jit3A_1878 = arith.constant 4.800000e+01 : f32
        %broadcast_in_dim3A_1879 = vector.broadcast %jit3A_1878 : f32 to vector<16xf32>
        %select_n3A_1880 = arith.select %gt3A_1876, %broadcast_in_dim3A_1879, %select_n3A_1870 : vector<16xi1>, vector<16xf32>
        %get3A_1881 = arith.constant 198 : i32
        %get3A_1882 = arith.index_cast %get3A_1881 : i32 to index
        %get3A_1883 = arith.constant 0 : index
        %get3A_1884 = tpu.vector_load %arg4[%get3A_1882, %get3A_1883] {strides = array<i32>} : memref<1232x16xf32, #tpu.memory_space<vmem>>, vector<1x16xf32>,
        %get3A_1885 = vector.shape_cast %get3A_1884 : vector<1x16xf32> to vector<16xf32>
        %gt3A_1886 = arith.cmpf ogt, %get3A_1885, %select_n3A_1877 : vector<16xf32>
        %select_n3A_1887 = arith.select %gt3A_1886, %get3A_1885, %select_n3A_1877 : vector<16xi1>, vector<16xf32>
        %jit3A_1888 = arith.constant 4.900000e+01 : f32
        %broadcast_in_dim3A_1889 = vector.broadcast %jit3A_1888 : f32 to vector<16xf32>
        %select_n3A_1890 = arith.select %gt3A_1886, %broadcast_in_dim3A_1889, %select_n3A_1880 : vector<16xi1>, vector<16xf32>
        %get3A_1891 = arith.constant 202 : i32
        %get3A_1892 = arith.index_cast %get3A_1891 : i32 to index
        %get3A_1893 = arith.constant 0 : index
        %get3A_1894 = tpu.vector_load %arg4[%get3A_1892, %get3A_1893] {strides = array<i32>} : memref<1232x16xf32, #tpu.memory_space<vmem>>, vector<1x16xf32>,
        %get3A_1895 = vector.shape_cast %get3A_1894 : vector<1x16xf32> to vector<16xf32>
        %gt3A_1896 = arith.cmpf ogt, %get3A_1895, %select_n3A_1887 : vector<16xf32>
        %select_n3A_1897 = arith.select %gt3A_1896, %get3A_1895, %select_n3A_1887 : vector<16xi1>, vector<16xf32>
        %jit3A_1898 = arith.constant 5.000000e+01 : f32
        %broadcast_in_dim3A_1899 = vector.broadcast %jit3A_1898 : f32 to vector<16xf32>
        %select_n3A_1900 = arith.select %gt3A_1896, %broadcast_in_dim3A_1899, %select_n3A_1890 : vector<16xi1>, vector<16xf32>
        %select_n3A_1901 = arith.select %and3A_1122, %select_n3A_1897, %get3A_1103 : vector<16xi1>, vector<16xf32>
        %swap3A_1902 = arith.constant 2 : i32
        %swap3A_1903 = arith.index_cast %swap3A_1902 : i32 to index
        %swap3A_1904 = arith.constant 0 : index
        %swap3A_1905 = tpu.vector_load %arg5[%swap3A_1903, %swap3A_1904] {strides = array<i32>} : memref<4x16xf32, #tpu.memory_space<vmem>>, vector<1x16xf32>,
        %swap3A_1906 = vector.shape_cast %swap3A_1905 : vector<1x16xf32> to vector<16xf32>
        %swap3A_1907 = vector.shape_cast %select_n3A_1901 : vector<16xf32> to vector<1x16xf32>
        tpu.vector_store %arg5[%swap3A_1903, %swap3A_1904], %swap3A_1907 {strides = array<i32>} : memref<4x16xf32, #tpu.memory_space<vmem>>, vector<1x16xf32>,
        %select_n3A_1908 = arith.select %and3A_1122, %select_n3A_1900, %get3A_1108 : vector<16xi1>, vector<16xf32>
        %swap3A_1909 = arith.constant 2 : i32
        %swap3A_1910 = arith.index_cast %swap3A_1909 : i32 to index
        %swap3A_1911 = arith.constant 0 : index
        %swap3A_1912 = tpu.vector_load %arg6[%swap3A_1910, %swap3A_1911] {strides = array<i32>} : memref<4x16xf32, #tpu.memory_space<vmem>>, vector<1x16xf32>,
        %swap3A_1913 = vector.shape_cast %swap3A_1912 : vector<1x16xf32> to vector<16xf32>
        %swap3A_1914 = vector.shape_cast %select_n3A_1908 : vector<16xf32> to vector<1x16xf32>
        tpu.vector_store %arg6[%swap3A_1910, %swap3A_1911], %swap3A_1914 {strides = array<i32>} : memref<4x16xf32, #tpu.memory_space<vmem>>, vector<1x16xf32>,
      } else {
      }
      %get3A_1159 = arith.constant 2 : i32
      %get3A_1160 = arith.index_cast %get3A_1159 : i32 to index
      %get3A_1161 = arith.constant 0 : index
      %get3A_1162 = tpu.vector_load %arg5[%get3A_1160, %get3A_1161] {strides = array<i32>} : memref<4x16xf32, #tpu.memory_space<vmem>>, vector<1x16xf32>,
      %get3A_1163 = vector.shape_cast %get3A_1162 : vector<1x16xf32> to vector<16xf32>
      %jit3A_1164 = arith.constant -1.000000e+00 : f32
      %broadcast_in_dim3A_1165 = vector.broadcast %jit3A_1164 : f32 to vector<16xf32>
      %select_n3A_1166 = arith.select %eq3A_1114, %broadcast_in_dim3A_1165, %get3A_1163 : vector<16xi1>, vector<16xf32>
      %swap3A_1167 = arith.constant 2 : i32
      %swap3A_1168 = arith.index_cast %swap3A_1167 : i32 to index
      %swap3A_1169 = arith.constant 0 : index
      %swap3A_1170 = tpu.vector_load %arg5[%swap3A_1168, %swap3A_1169] {strides = array<i32>} : memref<4x16xf32, #tpu.memory_space<vmem>>, vector<1x16xf32>,
      %swap3A_1171 = vector.shape_cast %swap3A_1170 : vector<1x16xf32> to vector<16xf32>
      %swap3A_1172 = vector.shape_cast %select_n3A_1166 : vector<16xf32> to vector<1x16xf32>
      tpu.vector_store %arg5[%swap3A_1168, %swap3A_1169], %swap3A_1172 {strides = array<i32>} : memref<4x16xf32, #tpu.memory_space<vmem>>, vector<1x16xf32>,
      %get3A_1173 = arith.constant 2 : i32
      %get3A_1174 = arith.index_cast %get3A_1173 : i32 to index
      %get3A_1175 = arith.constant 0 : index
      %get3A_1176 = tpu.vector_load %arg7[%get3A_1174, %get3A_1175] {strides = array<i32>} : memref<4x16xf32, #tpu.memory_space<vmem>>, vector<1x16xf32>,
      %get3A_1177 = vector.shape_cast %get3A_1176 : vector<1x16xf32> to vector<16xf32>
      %select_n3A_1178 = arith.select %eq3A_1114, %gather3A_598, %get3A_1177 : vector<16xi1>, vector<16xf32>
      %swap3A_1179 = arith.constant 2 : i32
      %swap3A_1180 = arith.index_cast %swap3A_1179 : i32 to index
      %swap3A_1181 = arith.constant 0 : index
      %swap3A_1182 = tpu.vector_load %arg7[%swap3A_1180, %swap3A_1181] {strides = array<i32>} : memref<4x16xf32, #tpu.memory_space<vmem>>, vector<1x16xf32>,
      %swap3A_1183 = vector.shape_cast %swap3A_1182 : vector<1x16xf32> to vector<16xf32>
      %swap3A_1184 = vector.shape_cast %select_n3A_1178 : vector<16xf32> to vector<1x16xf32>
      tpu.vector_store %arg7[%swap3A_1180, %swap3A_1181], %swap3A_1184 {strides = array<i32>} : memref<4x16xf32, #tpu.memory_space<vmem>>, vector<1x16xf32>,
      %mul3A_1185 = arith.constant 4 : i32
      %mul3A_1186 = arith.muli %convert_element_type3A_607, %mul3A_1185 : i32
      %add3A_1187 = arith.constant 3 : i32
      %add3A_1188 = arith.addi %mul3A_1186, %add3A_1187 : i32
      %get3A_1189 = arith.index_cast %add3A_1188 : i32 to index
      %get3A_1190 = arith.constant 0 : index
      %get3A_1191 = tpu.vector_load %arg4[%get3A_1189, %get3A_1190] {strides = array<i32>} : memref<1232x16xf32, #tpu.memory_space<vmem>>, vector<1x16xf32>,
      %get3A_1192 = vector.shape_cast %get3A_1191 : vector<1x16xf32> to vector<16xf32>
      %add3A_1193 = arith.constant 51 : i32
      %add3A_1194 = arith.addi %add3A_1193, %convert_element_type3A_607 : i32
      %mul3A_1195 = arith.constant 4 : i32
      %mul3A_1196 = arith.muli %add3A_1194, %mul3A_1195 : i32
      %add3A_1197 = arith.constant 3 : i32
      %add3A_1198 = arith.addi %mul3A_1196, %add3A_1197 : i32
      %get3A_1199 = arith.index_cast %add3A_1198 : i32 to index
      %get3A_1200 = arith.constant 0 : index
      %get3A_1201 = tpu.vector_load %arg4[%get3A_1199, %get3A_1200] {strides = array<i32>} : memref<1232x16xf32, #tpu.memory_space<vmem>>, vector<1x16xf32>,
      %get3A_1202 = vector.shape_cast %get3A_1201 : vector<1x16xf32> to vector<16xf32>
      %add3A_1203 = arith.constant 102 : i32
      %add3A_1204 = arith.addi %add3A_1203, %convert_element_type3A_607 : i32
      %mul3A_1205 = arith.constant 4 : i32
      %mul3A_1206 = arith.muli %add3A_1204, %mul3A_1205 : i32
      %add3A_1207 = arith.constant 3 : i32
      %add3A_1208 = arith.addi %mul3A_1206, %add3A_1207 : i32
      %get3A_1209 = arith.index_cast %add3A_1208 : i32 to index
      %get3A_1210 = arith.constant 0 : index
      %get3A_1211 = tpu.vector_load %arg4[%get3A_1209, %get3A_1210] {strides = array<i32>} : memref<1232x16xf32, #tpu.memory_space<vmem>>, vector<1x16xf32>,
      %get3A_1212 = vector.shape_cast %get3A_1211 : vector<1x16xf32> to vector<16xf32>
      %add3A_1213 = arith.constant 153 : i32
      %add3A_1214 = arith.addi %add3A_1213, %convert_element_type3A_607 : i32
      %mul3A_1215 = arith.constant 4 : i32
      %mul3A_1216 = arith.muli %add3A_1214, %mul3A_1215 : i32
      %add3A_1217 = arith.constant 3 : i32
      %add3A_1218 = arith.addi %mul3A_1216, %add3A_1217 : i32
      %get3A_1219 = arith.index_cast %add3A_1218 : i32 to index
      %get3A_1220 = arith.constant 0 : index
      %get3A_1221 = tpu.vector_load %arg4[%get3A_1219, %get3A_1220] {strides = array<i32>} : memref<1232x16xf32, #tpu.memory_space<vmem>>, vector<1x16xf32>,
      %get3A_1222 = vector.shape_cast %get3A_1221 : vector<1x16xf32> to vector<16xf32>
      %add3A_1223 = arith.constant 204 : i32
      %add3A_1224 = arith.addi %add3A_1223, %convert_element_type3A_607 : i32
      %mul3A_1225 = arith.constant 4 : i32
      %mul3A_1226 = arith.muli %add3A_1224, %mul3A_1225 : i32
      %add3A_1227 = arith.constant 3 : i32
      %add3A_1228 = arith.addi %mul3A_1226, %add3A_1227 : i32
      %get3A_1229 = arith.index_cast %add3A_1228 : i32 to index
      %get3A_1230 = arith.constant 0 : index
      %get3A_1231 = tpu.vector_load %arg4[%get3A_1229, %get3A_1230] {strides = array<i32>} : memref<1232x16xf32, #tpu.memory_space<vmem>>, vector<1x16xf32>,
      %get3A_1232 = vector.shape_cast %get3A_1231 : vector<1x16xf32> to vector<16xf32>
      %add3A_1233 = arith.constant 255 : i32
      %add3A_1234 = arith.addi %add3A_1233, %convert_element_type3A_607 : i32
      %mul3A_1235 = arith.constant 4 : i32
      %mul3A_1236 = arith.muli %add3A_1234, %mul3A_1235 : i32
      %add3A_1237 = arith.constant 3 : i32
      %add3A_1238 = arith.addi %mul3A_1236, %add3A_1237 : i32
      %get3A_1239 = arith.index_cast %add3A_1238 : i32 to index
      %get3A_1240 = arith.constant 0 : index
      %get3A_1241 = tpu.vector_load %arg4[%get3A_1239, %get3A_1240] {strides = array<i32>} : memref<1232x16xf32, #tpu.memory_space<vmem>>, vector<1x16xf32>,
      %get3A_1242 = vector.shape_cast %get3A_1241 : vector<1x16xf32> to vector<16xf32>
      %min3A_1243 = arith.minimumf %gather3A_625, %get3A_1222 : vector<16xf32>
      %max3A_1244 = arith.maximumf %gather3A_613, %get3A_1202 : vector<16xf32>
      %sub3A_1245 = arith.subf %min3A_1243, %max3A_1244 : vector<16xf32>
      %add3A_1246 = arith.constant 1.000000e+00 : f32
      %add3A_1247 = vector.broadcast %add3A_1246 : f32 to vector<16xf32>
      %add3A_1248 = arith.addf %sub3A_1245, %add3A_1247 : vector<16xf32>
      %max3A_1249 = arith.constant 0.000000e+00 : f32
      %max3A_1250 = vector.broadcast %max3A_1249 : f32 to vector<16xf32>
      %max3A_1251 = arith.maximumf %add3A_1248, %max3A_1250 : vector<16xf32>
      %min3A_1252 = arith.minimumf %gather3A_631, %get3A_1232 : vector<16xf32>
      %max3A_1253 = arith.maximumf %gather3A_619, %get3A_1212 : vector<16xf32>
      %sub3A_1254 = arith.subf %min3A_1252, %max3A_1253 : vector<16xf32>
      %add3A_1255 = arith.constant 1.000000e+00 : f32
      %add3A_1256 = vector.broadcast %add3A_1255 : f32 to vector<16xf32>
      %add3A_1257 = arith.addf %sub3A_1254, %add3A_1256 : vector<16xf32>
      %max3A_1258 = arith.constant 0.000000e+00 : f32
      %max3A_1259 = vector.broadcast %max3A_1258 : f32 to vector<16xf32>
      %max3A_1260 = arith.maximumf %add3A_1257, %max3A_1259 : vector<16xf32>
      %mul3A_1261 = arith.mulf %max3A_1251, %max3A_1260 : vector<16xf32>
      %neg3A_1262 = arith.constant 0.000000e+00 : f32
      %neg3A_1263 = vector.broadcast %neg3A_1262 : f32 to vector<16xf32>
      %neg3A_1264 = arith.subf %neg3A_1263, %mul3A_1261 : vector<16xf32>
      %add3A_1265 = arith.addf %neg3A_1264, %get3A_1242 : vector<16xf32>
      %add3A_1266 = arith.addf %add3A_1265, %gather3A_637 : vector<16xf32>
      %div3A_1267 = arith.divf %mul3A_1261, %add3A_1266 : vector<16xf32>
      %ge3A_1268 = arith.constant 5.000000e-01 : f32
      %ge3A_1269 = vector.broadcast %ge3A_1268 : f32 to vector<16xf32>
      %ge3A_1270 = arith.cmpf oge, %div3A_1267, %ge3A_1269 : vector<16xf32>
      %jit3A_1271 = arith.constant 0.000000e+00 : f32
      %broadcast_in_dim3A_1272 = vector.broadcast %jit3A_1271 : f32 to vector<16xf32>
      %select_n3A_1273 = arith.select %ge3A_1270, %broadcast_in_dim3A_1272, %get3A_1192 : vector<16xi1>, vector<16xf32>
      %mul3A_1274 = arith.constant 4 : i32
      %mul3A_1275 = arith.muli %convert_element_type3A_607, %mul3A_1274 : i32
      %add3A_1276 = arith.constant 3 : i32
      %add3A_1277 = arith.addi %mul3A_1275, %add3A_1276 : i32
      %swap3A_1278 = arith.index_cast %add3A_1277 : i32 to index
      %swap3A_1279 = arith.constant 0 : index
      %swap3A_1280 = tpu.vector_load %arg4[%swap3A_1278, %swap3A_1279] {strides = array<i32>} : memref<1232x16xf32, #tpu.memory_space<vmem>>, vector<1x16xf32>,
      %swap3A_1281 = vector.shape_cast %swap3A_1280 : vector<1x16xf32> to vector<16xf32>
      %swap3A_1282 = vector.shape_cast %select_n3A_1273 : vector<16xf32> to vector<1x16xf32>
      tpu.vector_store %arg4[%swap3A_1278, %swap3A_1279], %swap3A_1282 {strides = array<i32>} : memref<1232x16xf32, #tpu.memory_space<vmem>>, vector<1x16xf32>,
      %get3A_1283 = arith.constant 3 : i32
      %get3A_1284 = arith.index_cast %get3A_1283 : i32 to index
      %get3A_1285 = arith.constant 0 : index
      %get3A_1286 = tpu.vector_load %arg5[%get3A_1284, %get3A_1285] {strides = array<i32>} : memref<4x16xf32, #tpu.memory_space<vmem>>, vector<1x16xf32>,
      %get3A_1287 = vector.shape_cast %get3A_1286 : vector<1x16xf32> to vector<16xf32>
      %get3A_1288 = arith.constant 3 : i32
      %get3A_1289 = arith.index_cast %get3A_1288 : i32 to index
      %get3A_1290 = arith.constant 0 : index
      %get3A_1291 = tpu.vector_load %arg6[%get3A_1289, %get3A_1290] {strides = array<i32>} : memref<4x16xf32, #tpu.memory_space<vmem>>, vector<1x16xf32>,
      %get3A_1292 = vector.shape_cast %get3A_1291 : vector<1x16xf32> to vector<16xf32>
      %add3A_1293 = arith.constant 48 : i32
      %add3A_1294 = arith.addi %mul3A_0, %add3A_1293 : i32
      %convert_element_type3A_1295 = arith.sitofp %add3A_1294 : i32 to f32
      %add3A_1296 = vector.broadcast %convert_element_type3A_1295 : f32 to vector<16xf32>
      %add3A_1297 = arith.addf %convert_element_type3A, %add3A_1296 : vector<16xf32>
      %eq3A_1298 = arith.cmpf oeq, %add3A_1297, %gather3A_592 : vector<16xf32>
      %eq3A_1299 = arith.cmpf oeq, %get3A_1292, %gather3A_598 : vector<16xf32>
      %and3A_1300 = arith.andi %ge3A_1270, %eq3A_1299 : vector<16xi1>
      %gt3A_1301 = arith.constant -5.000000e-01 : f32
      %gt3A_1302 = vector.broadcast %gt3A_1301 : f32 to vector<16xf32>
      %gt3A_1303 = arith.cmpf ogt, %get3A_1287, %gt3A_1302 : vector<16xf32>
      %and3A_1304 = arith.andi %and3A_1300, %gt3A_1303 : vector<16xi1>
      %ne3A_1305 = arith.cmpf one, %add3A_1297, %gather3A_592 : vector<16xf32>
      %and3A_1306 = arith.andi %and3A_1304, %ne3A_1305 : vector<16xi1>
      %jit3A_1307 = arith.constant 1.000000e+00 : f32
      %jit3A_1308 = arith.constant 0.000000e+00 : f32
      %broadcast_in_dim3A_1309 = vector.broadcast %jit3A_1307 : f32 to vector<16xf32>
      %broadcast_in_dim3A_1310 = vector.broadcast %jit3A_1308 : f32 to vector<16xf32>
      %select_n3A_1311 = arith.select %and3A_1306, %broadcast_in_dim3A_1309, %broadcast_in_dim3A_1310 : vector<16xi1>, vector<16xf32>
      %xor3A_1312 = arith.constant 8 : i32
      %xor3A_1313 = vector.broadcast %xor3A_1312 : i32 to vector<16xi32>
      %xor3A_1314 = arith.xori %iota3A, %xor3A_1313 : vector<16xi32>
      %broadcast_in_dim3A_1315 = vector.shape_cast %xor3A_1314 : vector<16xi32> to vector<16x1xi32>
      %gather3A_1316 = vector.shape_cast %broadcast_in_dim3A_1315 : vector<16x1xi32> to vector<16xi32>
      %gather3A_1317 = tpu.dynamic_gather %select_n3A_1311[%gather3A_1316] in [0] : vector<16xf32>, vector<16xi32> -> vector<16xf32>
      %max3A_1318 = arith.maximumf %select_n3A_1311, %gather3A_1317 : vector<16xf32>
      %xor3A_1319 = arith.constant 4 : i32
      %xor3A_1320 = vector.broadcast %xor3A_1319 : i32 to vector<16xi32>
      %xor3A_1321 = arith.xori %iota3A, %xor3A_1320 : vector<16xi32>
      %broadcast_in_dim3A_1322 = vector.shape_cast %xor3A_1321 : vector<16xi32> to vector<16x1xi32>
      %gather3A_1323 = vector.shape_cast %broadcast_in_dim3A_1322 : vector<16x1xi32> to vector<16xi32>
      %gather3A_1324 = tpu.dynamic_gather %max3A_1318[%gather3A_1323] in [0] : vector<16xf32>, vector<16xi32> -> vector<16xf32>
      %max3A_1325 = arith.maximumf %max3A_1318, %gather3A_1324 : vector<16xf32>
      %xor3A_1326 = arith.constant 2 : i32
      %xor3A_1327 = vector.broadcast %xor3A_1326 : i32 to vector<16xi32>
      %xor3A_1328 = arith.xori %iota3A, %xor3A_1327 : vector<16xi32>
      %broadcast_in_dim3A_1329 = vector.shape_cast %xor3A_1328 : vector<16xi32> to vector<16x1xi32>
      %gather3A_1330 = vector.shape_cast %broadcast_in_dim3A_1329 : vector<16x1xi32> to vector<16xi32>
      %gather3A_1331 = tpu.dynamic_gather %max3A_1325[%gather3A_1330] in [0] : vector<16xf32>, vector<16xi32> -> vector<16xf32>
      %max3A_1332 = arith.maximumf %max3A_1325, %gather3A_1331 : vector<16xf32>
      %slice3A_1333 = vector.extract_strided_slice %max3A_1332 {offsets = [0], sizes = [1], strides = [1]} : vector<16xf32> to vector<1xf32>
      %squeeze3A_1334 = vector.extract %slice3A_1333[0] : f32 from vector<1xf32>
      %slice3A_1335 = vector.extract_strided_slice %max3A_1332 {offsets = [1], sizes = [1], strides = [1]} : vector<16xf32> to vector<1xf32>
      %squeeze3A_1336 = vector.extract %slice3A_1335[0] : f32 from vector<1xf32>
      %max3A_1337 = arith.maximumf %squeeze3A_1334, %squeeze3A_1336 : f32
      %gt3A_1338 = arith.constant 5.000000e-01 : f32
      %gt3A_1339 = arith.cmpf ogt, %max3A_1337, %gt3A_1338 : f32
      %convert_element_type3A_1340 = arith.extui %gt3A_1339 : i1 to i32
      %cond3A_1341 = arith.constant 0 : i32
      %cond3A_1342 = arith.cmpi ne, %convert_element_type3A_1340, %cond3A_1341 : i32
      scf.if %cond3A_1342 {
        %get3A_1394 = arith.constant 3 : i32
        %get3A_1395 = arith.index_cast %get3A_1394 : i32 to index
        %get3A_1396 = arith.constant 0 : index
        %get3A_1397 = tpu.vector_load %arg4[%get3A_1395, %get3A_1396] {strides = array<i32>} : memref<1232x16xf32, #tpu.memory_space<vmem>>, vector<1x16xf32>,
        %get3A_1398 = vector.shape_cast %get3A_1397 : vector<1x16xf32> to vector<16xf32>
        %broadcast_in_dim3A_1399 = arith.constant 0.000000e+00 : f32
        %broadcast_in_dim3A_1400 = vector.broadcast %broadcast_in_dim3A_1399 : f32 to vector<16xf32>
        %get3A_1401 = arith.constant 7 : i32
        %get3A_1402 = arith.index_cast %get3A_1401 : i32 to index
        %get3A_1403 = arith.constant 0 : index
        %get3A_1404 = tpu.vector_load %arg4[%get3A_1402, %get3A_1403] {strides = array<i32>} : memref<1232x16xf32, #tpu.memory_space<vmem>>, vector<1x16xf32>,
        %get3A_1405 = vector.shape_cast %get3A_1404 : vector<1x16xf32> to vector<16xf32>
        %gt3A_1406 = arith.cmpf ogt, %get3A_1405, %get3A_1398 : vector<16xf32>
        %select_n3A_1407 = arith.select %gt3A_1406, %get3A_1405, %get3A_1398 : vector<16xi1>, vector<16xf32>
        %jit3A_1408 = arith.constant 1.000000e+00 : f32
        %broadcast_in_dim3A_1409 = vector.broadcast %jit3A_1408 : f32 to vector<16xf32>
        %select_n3A_1410 = arith.select %gt3A_1406, %broadcast_in_dim3A_1409, %broadcast_in_dim3A_1400 : vector<16xi1>, vector<16xf32>
        %get3A_1411 = arith.constant 11 : i32
        %get3A_1412 = arith.index_cast %get3A_1411 : i32 to index
        %get3A_1413 = arith.constant 0 : index
        %get3A_1414 = tpu.vector_load %arg4[%get3A_1412, %get3A_1413] {strides = array<i32>} : memref<1232x16xf32, #tpu.memory_space<vmem>>, vector<1x16xf32>,
        %get3A_1415 = vector.shape_cast %get3A_1414 : vector<1x16xf32> to vector<16xf32>
        %gt3A_1416 = arith.cmpf ogt, %get3A_1415, %select_n3A_1407 : vector<16xf32>
        %select_n3A_1417 = arith.select %gt3A_1416, %get3A_1415, %select_n3A_1407 : vector<16xi1>, vector<16xf32>
        %jit3A_1418 = arith.constant 2.000000e+00 : f32
        %broadcast_in_dim3A_1419 = vector.broadcast %jit3A_1418 : f32 to vector<16xf32>
        %select_n3A_1420 = arith.select %gt3A_1416, %broadcast_in_dim3A_1419, %select_n3A_1410 : vector<16xi1>, vector<16xf32>
        %get3A_1421 = arith.constant 15 : i32
        %get3A_1422 = arith.index_cast %get3A_1421 : i32 to index
        %get3A_1423 = arith.constant 0 : index
        %get3A_1424 = tpu.vector_load %arg4[%get3A_1422, %get3A_1423] {strides = array<i32>} : memref<1232x16xf32, #tpu.memory_space<vmem>>, vector<1x16xf32>,
        %get3A_1425 = vector.shape_cast %get3A_1424 : vector<1x16xf32> to vector<16xf32>
        %gt3A_1426 = arith.cmpf ogt, %get3A_1425, %select_n3A_1417 : vector<16xf32>
        %select_n3A_1427 = arith.select %gt3A_1426, %get3A_1425, %select_n3A_1417 : vector<16xi1>, vector<16xf32>
        %jit3A_1428 = arith.constant 3.000000e+00 : f32
        %broadcast_in_dim3A_1429 = vector.broadcast %jit3A_1428 : f32 to vector<16xf32>
        %select_n3A_1430 = arith.select %gt3A_1426, %broadcast_in_dim3A_1429, %select_n3A_1420 : vector<16xi1>, vector<16xf32>
        %get3A_1431 = arith.constant 19 : i32
        %get3A_1432 = arith.index_cast %get3A_1431 : i32 to index
        %get3A_1433 = arith.constant 0 : index
        %get3A_1434 = tpu.vector_load %arg4[%get3A_1432, %get3A_1433] {strides = array<i32>} : memref<1232x16xf32, #tpu.memory_space<vmem>>, vector<1x16xf32>,
        %get3A_1435 = vector.shape_cast %get3A_1434 : vector<1x16xf32> to vector<16xf32>
        %gt3A_1436 = arith.cmpf ogt, %get3A_1435, %select_n3A_1427 : vector<16xf32>
        %select_n3A_1437 = arith.select %gt3A_1436, %get3A_1435, %select_n3A_1427 : vector<16xi1>, vector<16xf32>
        %jit3A_1438 = arith.constant 4.000000e+00 : f32
        %broadcast_in_dim3A_1439 = vector.broadcast %jit3A_1438 : f32 to vector<16xf32>
        %select_n3A_1440 = arith.select %gt3A_1436, %broadcast_in_dim3A_1439, %select_n3A_1430 : vector<16xi1>, vector<16xf32>
        %get3A_1441 = arith.constant 23 : i32
        %get3A_1442 = arith.index_cast %get3A_1441 : i32 to index
        %get3A_1443 = arith.constant 0 : index
        %get3A_1444 = tpu.vector_load %arg4[%get3A_1442, %get3A_1443] {strides = array<i32>} : memref<1232x16xf32, #tpu.memory_space<vmem>>, vector<1x16xf32>,
        %get3A_1445 = vector.shape_cast %get3A_1444 : vector<1x16xf32> to vector<16xf32>
        %gt3A_1446 = arith.cmpf ogt, %get3A_1445, %select_n3A_1437 : vector<16xf32>
        %select_n3A_1447 = arith.select %gt3A_1446, %get3A_1445, %select_n3A_1437 : vector<16xi1>, vector<16xf32>
        %jit3A_1448 = arith.constant 5.000000e+00 : f32
        %broadcast_in_dim3A_1449 = vector.broadcast %jit3A_1448 : f32 to vector<16xf32>
        %select_n3A_1450 = arith.select %gt3A_1446, %broadcast_in_dim3A_1449, %select_n3A_1440 : vector<16xi1>, vector<16xf32>
        %get3A_1451 = arith.constant 27 : i32
        %get3A_1452 = arith.index_cast %get3A_1451 : i32 to index
        %get3A_1453 = arith.constant 0 : index
        %get3A_1454 = tpu.vector_load %arg4[%get3A_1452, %get3A_1453] {strides = array<i32>} : memref<1232x16xf32, #tpu.memory_space<vmem>>, vector<1x16xf32>,
        %get3A_1455 = vector.shape_cast %get3A_1454 : vector<1x16xf32> to vector<16xf32>
        %gt3A_1456 = arith.cmpf ogt, %get3A_1455, %select_n3A_1447 : vector<16xf32>
        %select_n3A_1457 = arith.select %gt3A_1456, %get3A_1455, %select_n3A_1447 : vector<16xi1>, vector<16xf32>
        %jit3A_1458 = arith.constant 6.000000e+00 : f32
        %broadcast_in_dim3A_1459 = vector.broadcast %jit3A_1458 : f32 to vector<16xf32>
        %select_n3A_1460 = arith.select %gt3A_1456, %broadcast_in_dim3A_1459, %select_n3A_1450 : vector<16xi1>, vector<16xf32>
        %get3A_1461 = arith.constant 31 : i32
        %get3A_1462 = arith.index_cast %get3A_1461 : i32 to index
        %get3A_1463 = arith.constant 0 : index
        %get3A_1464 = tpu.vector_load %arg4[%get3A_1462, %get3A_1463] {strides = array<i32>} : memref<1232x16xf32, #tpu.memory_space<vmem>>, vector<1x16xf32>,
        %get3A_1465 = vector.shape_cast %get3A_1464 : vector<1x16xf32> to vector<16xf32>
        %gt3A_1466 = arith.cmpf ogt, %get3A_1465, %select_n3A_1457 : vector<16xf32>
        %select_n3A_1467 = arith.select %gt3A_1466, %get3A_1465, %select_n3A_1457 : vector<16xi1>, vector<16xf32>
        %jit3A_1468 = arith.constant 7.000000e+00 : f32
        %broadcast_in_dim3A_1469 = vector.broadcast %jit3A_1468 : f32 to vector<16xf32>
        %select_n3A_1470 = arith.select %gt3A_1466, %broadcast_in_dim3A_1469, %select_n3A_1460 : vector<16xi1>, vector<16xf32>
        %get3A_1471 = arith.constant 35 : i32
        %get3A_1472 = arith.index_cast %get3A_1471 : i32 to index
        %get3A_1473 = arith.constant 0 : index
        %get3A_1474 = tpu.vector_load %arg4[%get3A_1472, %get3A_1473] {strides = array<i32>} : memref<1232x16xf32, #tpu.memory_space<vmem>>, vector<1x16xf32>,
        %get3A_1475 = vector.shape_cast %get3A_1474 : vector<1x16xf32> to vector<16xf32>
        %gt3A_1476 = arith.cmpf ogt, %get3A_1475, %select_n3A_1467 : vector<16xf32>
        %select_n3A_1477 = arith.select %gt3A_1476, %get3A_1475, %select_n3A_1467 : vector<16xi1>, vector<16xf32>
        %jit3A_1478 = arith.constant 8.000000e+00 : f32
        %broadcast_in_dim3A_1479 = vector.broadcast %jit3A_1478 : f32 to vector<16xf32>
        %select_n3A_1480 = arith.select %gt3A_1476, %broadcast_in_dim3A_1479, %select_n3A_1470 : vector<16xi1>, vector<16xf32>
        %get3A_1481 = arith.constant 39 : i32
        %get3A_1482 = arith.index_cast %get3A_1481 : i32 to index
        %get3A_1483 = arith.constant 0 : index
        %get3A_1484 = tpu.vector_load %arg4[%get3A_1482, %get3A_1483] {strides = array<i32>} : memref<1232x16xf32, #tpu.memory_space<vmem>>, vector<1x16xf32>,
        %get3A_1485 = vector.shape_cast %get3A_1484 : vector<1x16xf32> to vector<16xf32>
        %gt3A_1486 = arith.cmpf ogt, %get3A_1485, %select_n3A_1477 : vector<16xf32>
        %select_n3A_1487 = arith.select %gt3A_1486, %get3A_1485, %select_n3A_1477 : vector<16xi1>, vector<16xf32>
        %jit3A_1488 = arith.constant 9.000000e+00 : f32
        %broadcast_in_dim3A_1489 = vector.broadcast %jit3A_1488 : f32 to vector<16xf32>
        %select_n3A_1490 = arith.select %gt3A_1486, %broadcast_in_dim3A_1489, %select_n3A_1480 : vector<16xi1>, vector<16xf32>
        %get3A_1491 = arith.constant 43 : i32
        %get3A_1492 = arith.index_cast %get3A_1491 : i32 to index
        %get3A_1493 = arith.constant 0 : index
        %get3A_1494 = tpu.vector_load %arg4[%get3A_1492, %get3A_1493] {strides = array<i32>} : memref<1232x16xf32, #tpu.memory_space<vmem>>, vector<1x16xf32>,
        %get3A_1495 = vector.shape_cast %get3A_1494 : vector<1x16xf32> to vector<16xf32>
        %gt3A_1496 = arith.cmpf ogt, %get3A_1495, %select_n3A_1487 : vector<16xf32>
        %select_n3A_1497 = arith.select %gt3A_1496, %get3A_1495, %select_n3A_1487 : vector<16xi1>, vector<16xf32>
        %jit3A_1498 = arith.constant 1.000000e+01 : f32
        %broadcast_in_dim3A_1499 = vector.broadcast %jit3A_1498 : f32 to vector<16xf32>
        %select_n3A_1500 = arith.select %gt3A_1496, %broadcast_in_dim3A_1499, %select_n3A_1490 : vector<16xi1>, vector<16xf32>
        %get3A_1501 = arith.constant 47 : i32
        %get3A_1502 = arith.index_cast %get3A_1501 : i32 to index
        %get3A_1503 = arith.constant 0 : index
        %get3A_1504 = tpu.vector_load %arg4[%get3A_1502, %get3A_1503] {strides = array<i32>} : memref<1232x16xf32, #tpu.memory_space<vmem>>, vector<1x16xf32>,
        %get3A_1505 = vector.shape_cast %get3A_1504 : vector<1x16xf32> to vector<16xf32>
        %gt3A_1506 = arith.cmpf ogt, %get3A_1505, %select_n3A_1497 : vector<16xf32>
        %select_n3A_1507 = arith.select %gt3A_1506, %get3A_1505, %select_n3A_1497 : vector<16xi1>, vector<16xf32>
        %jit3A_1508 = arith.constant 1.100000e+01 : f32
        %broadcast_in_dim3A_1509 = vector.broadcast %jit3A_1508 : f32 to vector<16xf32>
        %select_n3A_1510 = arith.select %gt3A_1506, %broadcast_in_dim3A_1509, %select_n3A_1500 : vector<16xi1>, vector<16xf32>
        %get3A_1511 = arith.constant 51 : i32
        %get3A_1512 = arith.index_cast %get3A_1511 : i32 to index
        %get3A_1513 = arith.constant 0 : index
        %get3A_1514 = tpu.vector_load %arg4[%get3A_1512, %get3A_1513] {strides = array<i32>} : memref<1232x16xf32, #tpu.memory_space<vmem>>, vector<1x16xf32>,
        %get3A_1515 = vector.shape_cast %get3A_1514 : vector<1x16xf32> to vector<16xf32>
        %gt3A_1516 = arith.cmpf ogt, %get3A_1515, %select_n3A_1507 : vector<16xf32>
        %select_n3A_1517 = arith.select %gt3A_1516, %get3A_1515, %select_n3A_1507 : vector<16xi1>, vector<16xf32>
        %jit3A_1518 = arith.constant 1.200000e+01 : f32
        %broadcast_in_dim3A_1519 = vector.broadcast %jit3A_1518 : f32 to vector<16xf32>
        %select_n3A_1520 = arith.select %gt3A_1516, %broadcast_in_dim3A_1519, %select_n3A_1510 : vector<16xi1>, vector<16xf32>
        %get3A_1521 = arith.constant 55 : i32
        %get3A_1522 = arith.index_cast %get3A_1521 : i32 to index
        %get3A_1523 = arith.constant 0 : index
        %get3A_1524 = tpu.vector_load %arg4[%get3A_1522, %get3A_1523] {strides = array<i32>} : memref<1232x16xf32, #tpu.memory_space<vmem>>, vector<1x16xf32>,
        %get3A_1525 = vector.shape_cast %get3A_1524 : vector<1x16xf32> to vector<16xf32>
        %gt3A_1526 = arith.cmpf ogt, %get3A_1525, %select_n3A_1517 : vector<16xf32>
        %select_n3A_1527 = arith.select %gt3A_1526, %get3A_1525, %select_n3A_1517 : vector<16xi1>, vector<16xf32>
        %jit3A_1528 = arith.constant 1.300000e+01 : f32
        %broadcast_in_dim3A_1529 = vector.broadcast %jit3A_1528 : f32 to vector<16xf32>
        %select_n3A_1530 = arith.select %gt3A_1526, %broadcast_in_dim3A_1529, %select_n3A_1520 : vector<16xi1>, vector<16xf32>
        %get3A_1531 = arith.constant 59 : i32
        %get3A_1532 = arith.index_cast %get3A_1531 : i32 to index
        %get3A_1533 = arith.constant 0 : index
        %get3A_1534 = tpu.vector_load %arg4[%get3A_1532, %get3A_1533] {strides = array<i32>} : memref<1232x16xf32, #tpu.memory_space<vmem>>, vector<1x16xf32>,
        %get3A_1535 = vector.shape_cast %get3A_1534 : vector<1x16xf32> to vector<16xf32>
        %gt3A_1536 = arith.cmpf ogt, %get3A_1535, %select_n3A_1527 : vector<16xf32>
        %select_n3A_1537 = arith.select %gt3A_1536, %get3A_1535, %select_n3A_1527 : vector<16xi1>, vector<16xf32>
        %jit3A_1538 = arith.constant 1.400000e+01 : f32
        %broadcast_in_dim3A_1539 = vector.broadcast %jit3A_1538 : f32 to vector<16xf32>
        %select_n3A_1540 = arith.select %gt3A_1536, %broadcast_in_dim3A_1539, %select_n3A_1530 : vector<16xi1>, vector<16xf32>
        %get3A_1541 = arith.constant 63 : i32
        %get3A_1542 = arith.index_cast %get3A_1541 : i32 to index
        %get3A_1543 = arith.constant 0 : index
        %get3A_1544 = tpu.vector_load %arg4[%get3A_1542, %get3A_1543] {strides = array<i32>} : memref<1232x16xf32, #tpu.memory_space<vmem>>, vector<1x16xf32>,
        %get3A_1545 = vector.shape_cast %get3A_1544 : vector<1x16xf32> to vector<16xf32>
        %gt3A_1546 = arith.cmpf ogt, %get3A_1545, %select_n3A_1537 : vector<16xf32>
        %select_n3A_1547 = arith.select %gt3A_1546, %get3A_1545, %select_n3A_1537 : vector<16xi1>, vector<16xf32>
        %jit3A_1548 = arith.constant 1.500000e+01 : f32
        %broadcast_in_dim3A_1549 = vector.broadcast %jit3A_1548 : f32 to vector<16xf32>
        %select_n3A_1550 = arith.select %gt3A_1546, %broadcast_in_dim3A_1549, %select_n3A_1540 : vector<16xi1>, vector<16xf32>
        %get3A_1551 = arith.constant 67 : i32
        %get3A_1552 = arith.index_cast %get3A_1551 : i32 to index
        %get3A_1553 = arith.constant 0 : index
        %get3A_1554 = tpu.vector_load %arg4[%get3A_1552, %get3A_1553] {strides = array<i32>} : memref<1232x16xf32, #tpu.memory_space<vmem>>, vector<1x16xf32>,
        %get3A_1555 = vector.shape_cast %get3A_1554 : vector<1x16xf32> to vector<16xf32>
        %gt3A_1556 = arith.cmpf ogt, %get3A_1555, %select_n3A_1547 : vector<16xf32>
        %select_n3A_1557 = arith.select %gt3A_1556, %get3A_1555, %select_n3A_1547 : vector<16xi1>, vector<16xf32>
        %jit3A_1558 = arith.constant 1.600000e+01 : f32
        %broadcast_in_dim3A_1559 = vector.broadcast %jit3A_1558 : f32 to vector<16xf32>
        %select_n3A_1560 = arith.select %gt3A_1556, %broadcast_in_dim3A_1559, %select_n3A_1550 : vector<16xi1>, vector<16xf32>
        %get3A_1561 = arith.constant 71 : i32
        %get3A_1562 = arith.index_cast %get3A_1561 : i32 to index
        %get3A_1563 = arith.constant 0 : index
        %get3A_1564 = tpu.vector_load %arg4[%get3A_1562, %get3A_1563] {strides = array<i32>} : memref<1232x16xf32, #tpu.memory_space<vmem>>, vector<1x16xf32>,
        %get3A_1565 = vector.shape_cast %get3A_1564 : vector<1x16xf32> to vector<16xf32>
        %gt3A_1566 = arith.cmpf ogt, %get3A_1565, %select_n3A_1557 : vector<16xf32>
        %select_n3A_1567 = arith.select %gt3A_1566, %get3A_1565, %select_n3A_1557 : vector<16xi1>, vector<16xf32>
        %jit3A_1568 = arith.constant 1.700000e+01 : f32
        %broadcast_in_dim3A_1569 = vector.broadcast %jit3A_1568 : f32 to vector<16xf32>
        %select_n3A_1570 = arith.select %gt3A_1566, %broadcast_in_dim3A_1569, %select_n3A_1560 : vector<16xi1>, vector<16xf32>
        %get3A_1571 = arith.constant 75 : i32
        %get3A_1572 = arith.index_cast %get3A_1571 : i32 to index
        %get3A_1573 = arith.constant 0 : index
        %get3A_1574 = tpu.vector_load %arg4[%get3A_1572, %get3A_1573] {strides = array<i32>} : memref<1232x16xf32, #tpu.memory_space<vmem>>, vector<1x16xf32>,
        %get3A_1575 = vector.shape_cast %get3A_1574 : vector<1x16xf32> to vector<16xf32>
        %gt3A_1576 = arith.cmpf ogt, %get3A_1575, %select_n3A_1567 : vector<16xf32>
        %select_n3A_1577 = arith.select %gt3A_1576, %get3A_1575, %select_n3A_1567 : vector<16xi1>, vector<16xf32>
        %jit3A_1578 = arith.constant 1.800000e+01 : f32
        %broadcast_in_dim3A_1579 = vector.broadcast %jit3A_1578 : f32 to vector<16xf32>
        %select_n3A_1580 = arith.select %gt3A_1576, %broadcast_in_dim3A_1579, %select_n3A_1570 : vector<16xi1>, vector<16xf32>
        %get3A_1581 = arith.constant 79 : i32
        %get3A_1582 = arith.index_cast %get3A_1581 : i32 to index
        %get3A_1583 = arith.constant 0 : index
        %get3A_1584 = tpu.vector_load %arg4[%get3A_1582, %get3A_1583] {strides = array<i32>} : memref<1232x16xf32, #tpu.memory_space<vmem>>, vector<1x16xf32>,
        %get3A_1585 = vector.shape_cast %get3A_1584 : vector<1x16xf32> to vector<16xf32>
        %gt3A_1586 = arith.cmpf ogt, %get3A_1585, %select_n3A_1577 : vector<16xf32>
        %select_n3A_1587 = arith.select %gt3A_1586, %get3A_1585, %select_n3A_1577 : vector<16xi1>, vector<16xf32>
        %jit3A_1588 = arith.constant 1.900000e+01 : f32
        %broadcast_in_dim3A_1589 = vector.broadcast %jit3A_1588 : f32 to vector<16xf32>
        %select_n3A_1590 = arith.select %gt3A_1586, %broadcast_in_dim3A_1589, %select_n3A_1580 : vector<16xi1>, vector<16xf32>
        %get3A_1591 = arith.constant 83 : i32
        %get3A_1592 = arith.index_cast %get3A_1591 : i32 to index
        %get3A_1593 = arith.constant 0 : index
        %get3A_1594 = tpu.vector_load %arg4[%get3A_1592, %get3A_1593] {strides = array<i32>} : memref<1232x16xf32, #tpu.memory_space<vmem>>, vector<1x16xf32>,
        %get3A_1595 = vector.shape_cast %get3A_1594 : vector<1x16xf32> to vector<16xf32>
        %gt3A_1596 = arith.cmpf ogt, %get3A_1595, %select_n3A_1587 : vector<16xf32>
        %select_n3A_1597 = arith.select %gt3A_1596, %get3A_1595, %select_n3A_1587 : vector<16xi1>, vector<16xf32>
        %jit3A_1598 = arith.constant 2.000000e+01 : f32
        %broadcast_in_dim3A_1599 = vector.broadcast %jit3A_1598 : f32 to vector<16xf32>
        %select_n3A_1600 = arith.select %gt3A_1596, %broadcast_in_dim3A_1599, %select_n3A_1590 : vector<16xi1>, vector<16xf32>
        %get3A_1601 = arith.constant 87 : i32
        %get3A_1602 = arith.index_cast %get3A_1601 : i32 to index
        %get3A_1603 = arith.constant 0 : index
        %get3A_1604 = tpu.vector_load %arg4[%get3A_1602, %get3A_1603] {strides = array<i32>} : memref<1232x16xf32, #tpu.memory_space<vmem>>, vector<1x16xf32>,
        %get3A_1605 = vector.shape_cast %get3A_1604 : vector<1x16xf32> to vector<16xf32>
        %gt3A_1606 = arith.cmpf ogt, %get3A_1605, %select_n3A_1597 : vector<16xf32>
        %select_n3A_1607 = arith.select %gt3A_1606, %get3A_1605, %select_n3A_1597 : vector<16xi1>, vector<16xf32>
        %jit3A_1608 = arith.constant 2.100000e+01 : f32
        %broadcast_in_dim3A_1609 = vector.broadcast %jit3A_1608 : f32 to vector<16xf32>
        %select_n3A_1610 = arith.select %gt3A_1606, %broadcast_in_dim3A_1609, %select_n3A_1600 : vector<16xi1>, vector<16xf32>
        %get3A_1611 = arith.constant 91 : i32
        %get3A_1612 = arith.index_cast %get3A_1611 : i32 to index
        %get3A_1613 = arith.constant 0 : index
        %get3A_1614 = tpu.vector_load %arg4[%get3A_1612, %get3A_1613] {strides = array<i32>} : memref<1232x16xf32, #tpu.memory_space<vmem>>, vector<1x16xf32>,
        %get3A_1615 = vector.shape_cast %get3A_1614 : vector<1x16xf32> to vector<16xf32>
        %gt3A_1616 = arith.cmpf ogt, %get3A_1615, %select_n3A_1607 : vector<16xf32>
        %select_n3A_1617 = arith.select %gt3A_1616, %get3A_1615, %select_n3A_1607 : vector<16xi1>, vector<16xf32>
        %jit3A_1618 = arith.constant 2.200000e+01 : f32
        %broadcast_in_dim3A_1619 = vector.broadcast %jit3A_1618 : f32 to vector<16xf32>
        %select_n3A_1620 = arith.select %gt3A_1616, %broadcast_in_dim3A_1619, %select_n3A_1610 : vector<16xi1>, vector<16xf32>
        %get3A_1621 = arith.constant 95 : i32
        %get3A_1622 = arith.index_cast %get3A_1621 : i32 to index
        %get3A_1623 = arith.constant 0 : index
        %get3A_1624 = tpu.vector_load %arg4[%get3A_1622, %get3A_1623] {strides = array<i32>} : memref<1232x16xf32, #tpu.memory_space<vmem>>, vector<1x16xf32>,
        %get3A_1625 = vector.shape_cast %get3A_1624 : vector<1x16xf32> to vector<16xf32>
        %gt3A_1626 = arith.cmpf ogt, %get3A_1625, %select_n3A_1617 : vector<16xf32>
        %select_n3A_1627 = arith.select %gt3A_1626, %get3A_1625, %select_n3A_1617 : vector<16xi1>, vector<16xf32>
        %jit3A_1628 = arith.constant 2.300000e+01 : f32
        %broadcast_in_dim3A_1629 = vector.broadcast %jit3A_1628 : f32 to vector<16xf32>
        %select_n3A_1630 = arith.select %gt3A_1626, %broadcast_in_dim3A_1629, %select_n3A_1620 : vector<16xi1>, vector<16xf32>
        %get3A_1631 = arith.constant 99 : i32
        %get3A_1632 = arith.index_cast %get3A_1631 : i32 to index
        %get3A_1633 = arith.constant 0 : index
        %get3A_1634 = tpu.vector_load %arg4[%get3A_1632, %get3A_1633] {strides = array<i32>} : memref<1232x16xf32, #tpu.memory_space<vmem>>, vector<1x16xf32>,
        %get3A_1635 = vector.shape_cast %get3A_1634 : vector<1x16xf32> to vector<16xf32>
        %gt3A_1636 = arith.cmpf ogt, %get3A_1635, %select_n3A_1627 : vector<16xf32>
        %select_n3A_1637 = arith.select %gt3A_1636, %get3A_1635, %select_n3A_1627 : vector<16xi1>, vector<16xf32>
        %jit3A_1638 = arith.constant 2.400000e+01 : f32
        %broadcast_in_dim3A_1639 = vector.broadcast %jit3A_1638 : f32 to vector<16xf32>
        %select_n3A_1640 = arith.select %gt3A_1636, %broadcast_in_dim3A_1639, %select_n3A_1630 : vector<16xi1>, vector<16xf32>
        %get3A_1641 = arith.constant 103 : i32
        %get3A_1642 = arith.index_cast %get3A_1641 : i32 to index
        %get3A_1643 = arith.constant 0 : index
        %get3A_1644 = tpu.vector_load %arg4[%get3A_1642, %get3A_1643] {strides = array<i32>} : memref<1232x16xf32, #tpu.memory_space<vmem>>, vector<1x16xf32>,
        %get3A_1645 = vector.shape_cast %get3A_1644 : vector<1x16xf32> to vector<16xf32>
        %gt3A_1646 = arith.cmpf ogt, %get3A_1645, %select_n3A_1637 : vector<16xf32>
        %select_n3A_1647 = arith.select %gt3A_1646, %get3A_1645, %select_n3A_1637 : vector<16xi1>, vector<16xf32>
        %jit3A_1648 = arith.constant 2.500000e+01 : f32
        %broadcast_in_dim3A_1649 = vector.broadcast %jit3A_1648 : f32 to vector<16xf32>
        %select_n3A_1650 = arith.select %gt3A_1646, %broadcast_in_dim3A_1649, %select_n3A_1640 : vector<16xi1>, vector<16xf32>
        %get3A_1651 = arith.constant 107 : i32
        %get3A_1652 = arith.index_cast %get3A_1651 : i32 to index
        %get3A_1653 = arith.constant 0 : index
        %get3A_1654 = tpu.vector_load %arg4[%get3A_1652, %get3A_1653] {strides = array<i32>} : memref<1232x16xf32, #tpu.memory_space<vmem>>, vector<1x16xf32>,
        %get3A_1655 = vector.shape_cast %get3A_1654 : vector<1x16xf32> to vector<16xf32>
        %gt3A_1656 = arith.cmpf ogt, %get3A_1655, %select_n3A_1647 : vector<16xf32>
        %select_n3A_1657 = arith.select %gt3A_1656, %get3A_1655, %select_n3A_1647 : vector<16xi1>, vector<16xf32>
        %jit3A_1658 = arith.constant 2.600000e+01 : f32
        %broadcast_in_dim3A_1659 = vector.broadcast %jit3A_1658 : f32 to vector<16xf32>
        %select_n3A_1660 = arith.select %gt3A_1656, %broadcast_in_dim3A_1659, %select_n3A_1650 : vector<16xi1>, vector<16xf32>
        %get3A_1661 = arith.constant 111 : i32
        %get3A_1662 = arith.index_cast %get3A_1661 : i32 to index
        %get3A_1663 = arith.constant 0 : index
        %get3A_1664 = tpu.vector_load %arg4[%get3A_1662, %get3A_1663] {strides = array<i32>} : memref<1232x16xf32, #tpu.memory_space<vmem>>, vector<1x16xf32>,
        %get3A_1665 = vector.shape_cast %get3A_1664 : vector<1x16xf32> to vector<16xf32>
        %gt3A_1666 = arith.cmpf ogt, %get3A_1665, %select_n3A_1657 : vector<16xf32>
        %select_n3A_1667 = arith.select %gt3A_1666, %get3A_1665, %select_n3A_1657 : vector<16xi1>, vector<16xf32>
        %jit3A_1668 = arith.constant 2.700000e+01 : f32
        %broadcast_in_dim3A_1669 = vector.broadcast %jit3A_1668 : f32 to vector<16xf32>
        %select_n3A_1670 = arith.select %gt3A_1666, %broadcast_in_dim3A_1669, %select_n3A_1660 : vector<16xi1>, vector<16xf32>
        %get3A_1671 = arith.constant 115 : i32
        %get3A_1672 = arith.index_cast %get3A_1671 : i32 to index
        %get3A_1673 = arith.constant 0 : index
        %get3A_1674 = tpu.vector_load %arg4[%get3A_1672, %get3A_1673] {strides = array<i32>} : memref<1232x16xf32, #tpu.memory_space<vmem>>, vector<1x16xf32>,
        %get3A_1675 = vector.shape_cast %get3A_1674 : vector<1x16xf32> to vector<16xf32>
        %gt3A_1676 = arith.cmpf ogt, %get3A_1675, %select_n3A_1667 : vector<16xf32>
        %select_n3A_1677 = arith.select %gt3A_1676, %get3A_1675, %select_n3A_1667 : vector<16xi1>, vector<16xf32>
        %jit3A_1678 = arith.constant 2.800000e+01 : f32
        %broadcast_in_dim3A_1679 = vector.broadcast %jit3A_1678 : f32 to vector<16xf32>
        %select_n3A_1680 = arith.select %gt3A_1676, %broadcast_in_dim3A_1679, %select_n3A_1670 : vector<16xi1>, vector<16xf32>
        %get3A_1681 = arith.constant 119 : i32
        %get3A_1682 = arith.index_cast %get3A_1681 : i32 to index
        %get3A_1683 = arith.constant 0 : index
        %get3A_1684 = tpu.vector_load %arg4[%get3A_1682, %get3A_1683] {strides = array<i32>} : memref<1232x16xf32, #tpu.memory_space<vmem>>, vector<1x16xf32>,
        %get3A_1685 = vector.shape_cast %get3A_1684 : vector<1x16xf32> to vector<16xf32>
        %gt3A_1686 = arith.cmpf ogt, %get3A_1685, %select_n3A_1677 : vector<16xf32>
        %select_n3A_1687 = arith.select %gt3A_1686, %get3A_1685, %select_n3A_1677 : vector<16xi1>, vector<16xf32>
        %jit3A_1688 = arith.constant 2.900000e+01 : f32
        %broadcast_in_dim3A_1689 = vector.broadcast %jit3A_1688 : f32 to vector<16xf32>
        %select_n3A_1690 = arith.select %gt3A_1686, %broadcast_in_dim3A_1689, %select_n3A_1680 : vector<16xi1>, vector<16xf32>
        %get3A_1691 = arith.constant 123 : i32
        %get3A_1692 = arith.index_cast %get3A_1691 : i32 to index
        %get3A_1693 = arith.constant 0 : index
        %get3A_1694 = tpu.vector_load %arg4[%get3A_1692, %get3A_1693] {strides = array<i32>} : memref<1232x16xf32, #tpu.memory_space<vmem>>, vector<1x16xf32>,
        %get3A_1695 = vector.shape_cast %get3A_1694 : vector<1x16xf32> to vector<16xf32>
        %gt3A_1696 = arith.cmpf ogt, %get3A_1695, %select_n3A_1687 : vector<16xf32>
        %select_n3A_1697 = arith.select %gt3A_1696, %get3A_1695, %select_n3A_1687 : vector<16xi1>, vector<16xf32>
        %jit3A_1698 = arith.constant 3.000000e+01 : f32
        %broadcast_in_dim3A_1699 = vector.broadcast %jit3A_1698 : f32 to vector<16xf32>
        %select_n3A_1700 = arith.select %gt3A_1696, %broadcast_in_dim3A_1699, %select_n3A_1690 : vector<16xi1>, vector<16xf32>
        %get3A_1701 = arith.constant 127 : i32
        %get3A_1702 = arith.index_cast %get3A_1701 : i32 to index
        %get3A_1703 = arith.constant 0 : index
        %get3A_1704 = tpu.vector_load %arg4[%get3A_1702, %get3A_1703] {strides = array<i32>} : memref<1232x16xf32, #tpu.memory_space<vmem>>, vector<1x16xf32>,
        %get3A_1705 = vector.shape_cast %get3A_1704 : vector<1x16xf32> to vector<16xf32>
        %gt3A_1706 = arith.cmpf ogt, %get3A_1705, %select_n3A_1697 : vector<16xf32>
        %select_n3A_1707 = arith.select %gt3A_1706, %get3A_1705, %select_n3A_1697 : vector<16xi1>, vector<16xf32>
        %jit3A_1708 = arith.constant 3.100000e+01 : f32
        %broadcast_in_dim3A_1709 = vector.broadcast %jit3A_1708 : f32 to vector<16xf32>
        %select_n3A_1710 = arith.select %gt3A_1706, %broadcast_in_dim3A_1709, %select_n3A_1700 : vector<16xi1>, vector<16xf32>
        %get3A_1711 = arith.constant 131 : i32
        %get3A_1712 = arith.index_cast %get3A_1711 : i32 to index
        %get3A_1713 = arith.constant 0 : index
        %get3A_1714 = tpu.vector_load %arg4[%get3A_1712, %get3A_1713] {strides = array<i32>} : memref<1232x16xf32, #tpu.memory_space<vmem>>, vector<1x16xf32>,
        %get3A_1715 = vector.shape_cast %get3A_1714 : vector<1x16xf32> to vector<16xf32>
        %gt3A_1716 = arith.cmpf ogt, %get3A_1715, %select_n3A_1707 : vector<16xf32>
        %select_n3A_1717 = arith.select %gt3A_1716, %get3A_1715, %select_n3A_1707 : vector<16xi1>, vector<16xf32>
        %jit3A_1718 = arith.constant 3.200000e+01 : f32
        %broadcast_in_dim3A_1719 = vector.broadcast %jit3A_1718 : f32 to vector<16xf32>
        %select_n3A_1720 = arith.select %gt3A_1716, %broadcast_in_dim3A_1719, %select_n3A_1710 : vector<16xi1>, vector<16xf32>
        %get3A_1721 = arith.constant 135 : i32
        %get3A_1722 = arith.index_cast %get3A_1721 : i32 to index
        %get3A_1723 = arith.constant 0 : index
        %get3A_1724 = tpu.vector_load %arg4[%get3A_1722, %get3A_1723] {strides = array<i32>} : memref<1232x16xf32, #tpu.memory_space<vmem>>, vector<1x16xf32>,
        %get3A_1725 = vector.shape_cast %get3A_1724 : vector<1x16xf32> to vector<16xf32>
        %gt3A_1726 = arith.cmpf ogt, %get3A_1725, %select_n3A_1717 : vector<16xf32>
        %select_n3A_1727 = arith.select %gt3A_1726, %get3A_1725, %select_n3A_1717 : vector<16xi1>, vector<16xf32>
        %jit3A_1728 = arith.constant 3.300000e+01 : f32
        %broadcast_in_dim3A_1729 = vector.broadcast %jit3A_1728 : f32 to vector<16xf32>
        %select_n3A_1730 = arith.select %gt3A_1726, %broadcast_in_dim3A_1729, %select_n3A_1720 : vector<16xi1>, vector<16xf32>
        %get3A_1731 = arith.constant 139 : i32
        %get3A_1732 = arith.index_cast %get3A_1731 : i32 to index
        %get3A_1733 = arith.constant 0 : index
        %get3A_1734 = tpu.vector_load %arg4[%get3A_1732, %get3A_1733] {strides = array<i32>} : memref<1232x16xf32, #tpu.memory_space<vmem>>, vector<1x16xf32>,
        %get3A_1735 = vector.shape_cast %get3A_1734 : vector<1x16xf32> to vector<16xf32>
        %gt3A_1736 = arith.cmpf ogt, %get3A_1735, %select_n3A_1727 : vector<16xf32>
        %select_n3A_1737 = arith.select %gt3A_1736, %get3A_1735, %select_n3A_1727 : vector<16xi1>, vector<16xf32>
        %jit3A_1738 = arith.constant 3.400000e+01 : f32
        %broadcast_in_dim3A_1739 = vector.broadcast %jit3A_1738 : f32 to vector<16xf32>
        %select_n3A_1740 = arith.select %gt3A_1736, %broadcast_in_dim3A_1739, %select_n3A_1730 : vector<16xi1>, vector<16xf32>
        %get3A_1741 = arith.constant 143 : i32
        %get3A_1742 = arith.index_cast %get3A_1741 : i32 to index
        %get3A_1743 = arith.constant 0 : index
        %get3A_1744 = tpu.vector_load %arg4[%get3A_1742, %get3A_1743] {strides = array<i32>} : memref<1232x16xf32, #tpu.memory_space<vmem>>, vector<1x16xf32>,
        %get3A_1745 = vector.shape_cast %get3A_1744 : vector<1x16xf32> to vector<16xf32>
        %gt3A_1746 = arith.cmpf ogt, %get3A_1745, %select_n3A_1737 : vector<16xf32>
        %select_n3A_1747 = arith.select %gt3A_1746, %get3A_1745, %select_n3A_1737 : vector<16xi1>, vector<16xf32>
        %jit3A_1748 = arith.constant 3.500000e+01 : f32
        %broadcast_in_dim3A_1749 = vector.broadcast %jit3A_1748 : f32 to vector<16xf32>
        %select_n3A_1750 = arith.select %gt3A_1746, %broadcast_in_dim3A_1749, %select_n3A_1740 : vector<16xi1>, vector<16xf32>
        %get3A_1751 = arith.constant 147 : i32
        %get3A_1752 = arith.index_cast %get3A_1751 : i32 to index
        %get3A_1753 = arith.constant 0 : index
        %get3A_1754 = tpu.vector_load %arg4[%get3A_1752, %get3A_1753] {strides = array<i32>} : memref<1232x16xf32, #tpu.memory_space<vmem>>, vector<1x16xf32>,
        %get3A_1755 = vector.shape_cast %get3A_1754 : vector<1x16xf32> to vector<16xf32>
        %gt3A_1756 = arith.cmpf ogt, %get3A_1755, %select_n3A_1747 : vector<16xf32>
        %select_n3A_1757 = arith.select %gt3A_1756, %get3A_1755, %select_n3A_1747 : vector<16xi1>, vector<16xf32>
        %jit3A_1758 = arith.constant 3.600000e+01 : f32
        %broadcast_in_dim3A_1759 = vector.broadcast %jit3A_1758 : f32 to vector<16xf32>
        %select_n3A_1760 = arith.select %gt3A_1756, %broadcast_in_dim3A_1759, %select_n3A_1750 : vector<16xi1>, vector<16xf32>
        %get3A_1761 = arith.constant 151 : i32
        %get3A_1762 = arith.index_cast %get3A_1761 : i32 to index
        %get3A_1763 = arith.constant 0 : index
        %get3A_1764 = tpu.vector_load %arg4[%get3A_1762, %get3A_1763] {strides = array<i32>} : memref<1232x16xf32, #tpu.memory_space<vmem>>, vector<1x16xf32>,
        %get3A_1765 = vector.shape_cast %get3A_1764 : vector<1x16xf32> to vector<16xf32>
        %gt3A_1766 = arith.cmpf ogt, %get3A_1765, %select_n3A_1757 : vector<16xf32>
        %select_n3A_1767 = arith.select %gt3A_1766, %get3A_1765, %select_n3A_1757 : vector<16xi1>, vector<16xf32>
        %jit3A_1768 = arith.constant 3.700000e+01 : f32
        %broadcast_in_dim3A_1769 = vector.broadcast %jit3A_1768 : f32 to vector<16xf32>
        %select_n3A_1770 = arith.select %gt3A_1766, %broadcast_in_dim3A_1769, %select_n3A_1760 : vector<16xi1>, vector<16xf32>
        %get3A_1771 = arith.constant 155 : i32
        %get3A_1772 = arith.index_cast %get3A_1771 : i32 to index
        %get3A_1773 = arith.constant 0 : index
        %get3A_1774 = tpu.vector_load %arg4[%get3A_1772, %get3A_1773] {strides = array<i32>} : memref<1232x16xf32, #tpu.memory_space<vmem>>, vector<1x16xf32>,
        %get3A_1775 = vector.shape_cast %get3A_1774 : vector<1x16xf32> to vector<16xf32>
        %gt3A_1776 = arith.cmpf ogt, %get3A_1775, %select_n3A_1767 : vector<16xf32>
        %select_n3A_1777 = arith.select %gt3A_1776, %get3A_1775, %select_n3A_1767 : vector<16xi1>, vector<16xf32>
        %jit3A_1778 = arith.constant 3.800000e+01 : f32
        %broadcast_in_dim3A_1779 = vector.broadcast %jit3A_1778 : f32 to vector<16xf32>
        %select_n3A_1780 = arith.select %gt3A_1776, %broadcast_in_dim3A_1779, %select_n3A_1770 : vector<16xi1>, vector<16xf32>
        %get3A_1781 = arith.constant 159 : i32
        %get3A_1782 = arith.index_cast %get3A_1781 : i32 to index
        %get3A_1783 = arith.constant 0 : index
        %get3A_1784 = tpu.vector_load %arg4[%get3A_1782, %get3A_1783] {strides = array<i32>} : memref<1232x16xf32, #tpu.memory_space<vmem>>, vector<1x16xf32>,
        %get3A_1785 = vector.shape_cast %get3A_1784 : vector<1x16xf32> to vector<16xf32>
        %gt3A_1786 = arith.cmpf ogt, %get3A_1785, %select_n3A_1777 : vector<16xf32>
        %select_n3A_1787 = arith.select %gt3A_1786, %get3A_1785, %select_n3A_1777 : vector<16xi1>, vector<16xf32>
        %jit3A_1788 = arith.constant 3.900000e+01 : f32
        %broadcast_in_dim3A_1789 = vector.broadcast %jit3A_1788 : f32 to vector<16xf32>
        %select_n3A_1790 = arith.select %gt3A_1786, %broadcast_in_dim3A_1789, %select_n3A_1780 : vector<16xi1>, vector<16xf32>
        %get3A_1791 = arith.constant 163 : i32
        %get3A_1792 = arith.index_cast %get3A_1791 : i32 to index
        %get3A_1793 = arith.constant 0 : index
        %get3A_1794 = tpu.vector_load %arg4[%get3A_1792, %get3A_1793] {strides = array<i32>} : memref<1232x16xf32, #tpu.memory_space<vmem>>, vector<1x16xf32>,
        %get3A_1795 = vector.shape_cast %get3A_1794 : vector<1x16xf32> to vector<16xf32>
        %gt3A_1796 = arith.cmpf ogt, %get3A_1795, %select_n3A_1787 : vector<16xf32>
        %select_n3A_1797 = arith.select %gt3A_1796, %get3A_1795, %select_n3A_1787 : vector<16xi1>, vector<16xf32>
        %jit3A_1798 = arith.constant 4.000000e+01 : f32
        %broadcast_in_dim3A_1799 = vector.broadcast %jit3A_1798 : f32 to vector<16xf32>
        %select_n3A_1800 = arith.select %gt3A_1796, %broadcast_in_dim3A_1799, %select_n3A_1790 : vector<16xi1>, vector<16xf32>
        %get3A_1801 = arith.constant 167 : i32
        %get3A_1802 = arith.index_cast %get3A_1801 : i32 to index
        %get3A_1803 = arith.constant 0 : index
        %get3A_1804 = tpu.vector_load %arg4[%get3A_1802, %get3A_1803] {strides = array<i32>} : memref<1232x16xf32, #tpu.memory_space<vmem>>, vector<1x16xf32>,
        %get3A_1805 = vector.shape_cast %get3A_1804 : vector<1x16xf32> to vector<16xf32>
        %gt3A_1806 = arith.cmpf ogt, %get3A_1805, %select_n3A_1797 : vector<16xf32>
        %select_n3A_1807 = arith.select %gt3A_1806, %get3A_1805, %select_n3A_1797 : vector<16xi1>, vector<16xf32>
        %jit3A_1808 = arith.constant 4.100000e+01 : f32
        %broadcast_in_dim3A_1809 = vector.broadcast %jit3A_1808 : f32 to vector<16xf32>
        %select_n3A_1810 = arith.select %gt3A_1806, %broadcast_in_dim3A_1809, %select_n3A_1800 : vector<16xi1>, vector<16xf32>
        %get3A_1811 = arith.constant 171 : i32
        %get3A_1812 = arith.index_cast %get3A_1811 : i32 to index
        %get3A_1813 = arith.constant 0 : index
        %get3A_1814 = tpu.vector_load %arg4[%get3A_1812, %get3A_1813] {strides = array<i32>} : memref<1232x16xf32, #tpu.memory_space<vmem>>, vector<1x16xf32>,
        %get3A_1815 = vector.shape_cast %get3A_1814 : vector<1x16xf32> to vector<16xf32>
        %gt3A_1816 = arith.cmpf ogt, %get3A_1815, %select_n3A_1807 : vector<16xf32>
        %select_n3A_1817 = arith.select %gt3A_1816, %get3A_1815, %select_n3A_1807 : vector<16xi1>, vector<16xf32>
        %jit3A_1818 = arith.constant 4.200000e+01 : f32
        %broadcast_in_dim3A_1819 = vector.broadcast %jit3A_1818 : f32 to vector<16xf32>
        %select_n3A_1820 = arith.select %gt3A_1816, %broadcast_in_dim3A_1819, %select_n3A_1810 : vector<16xi1>, vector<16xf32>
        %get3A_1821 = arith.constant 175 : i32
        %get3A_1822 = arith.index_cast %get3A_1821 : i32 to index
        %get3A_1823 = arith.constant 0 : index
        %get3A_1824 = tpu.vector_load %arg4[%get3A_1822, %get3A_1823] {strides = array<i32>} : memref<1232x16xf32, #tpu.memory_space<vmem>>, vector<1x16xf32>,
        %get3A_1825 = vector.shape_cast %get3A_1824 : vector<1x16xf32> to vector<16xf32>
        %gt3A_1826 = arith.cmpf ogt, %get3A_1825, %select_n3A_1817 : vector<16xf32>
        %select_n3A_1827 = arith.select %gt3A_1826, %get3A_1825, %select_n3A_1817 : vector<16xi1>, vector<16xf32>
        %jit3A_1828 = arith.constant 4.300000e+01 : f32
        %broadcast_in_dim3A_1829 = vector.broadcast %jit3A_1828 : f32 to vector<16xf32>
        %select_n3A_1830 = arith.select %gt3A_1826, %broadcast_in_dim3A_1829, %select_n3A_1820 : vector<16xi1>, vector<16xf32>
        %get3A_1831 = arith.constant 179 : i32
        %get3A_1832 = arith.index_cast %get3A_1831 : i32 to index
        %get3A_1833 = arith.constant 0 : index
        %get3A_1834 = tpu.vector_load %arg4[%get3A_1832, %get3A_1833] {strides = array<i32>} : memref<1232x16xf32, #tpu.memory_space<vmem>>, vector<1x16xf32>,
        %get3A_1835 = vector.shape_cast %get3A_1834 : vector<1x16xf32> to vector<16xf32>
        %gt3A_1836 = arith.cmpf ogt, %get3A_1835, %select_n3A_1827 : vector<16xf32>
        %select_n3A_1837 = arith.select %gt3A_1836, %get3A_1835, %select_n3A_1827 : vector<16xi1>, vector<16xf32>
        %jit3A_1838 = arith.constant 4.400000e+01 : f32
        %broadcast_in_dim3A_1839 = vector.broadcast %jit3A_1838 : f32 to vector<16xf32>
        %select_n3A_1840 = arith.select %gt3A_1836, %broadcast_in_dim3A_1839, %select_n3A_1830 : vector<16xi1>, vector<16xf32>
        %get3A_1841 = arith.constant 183 : i32
        %get3A_1842 = arith.index_cast %get3A_1841 : i32 to index
        %get3A_1843 = arith.constant 0 : index
        %get3A_1844 = tpu.vector_load %arg4[%get3A_1842, %get3A_1843] {strides = array<i32>} : memref<1232x16xf32, #tpu.memory_space<vmem>>, vector<1x16xf32>,
        %get3A_1845 = vector.shape_cast %get3A_1844 : vector<1x16xf32> to vector<16xf32>
        %gt3A_1846 = arith.cmpf ogt, %get3A_1845, %select_n3A_1837 : vector<16xf32>
        %select_n3A_1847 = arith.select %gt3A_1846, %get3A_1845, %select_n3A_1837 : vector<16xi1>, vector<16xf32>
        %jit3A_1848 = arith.constant 4.500000e+01 : f32
        %broadcast_in_dim3A_1849 = vector.broadcast %jit3A_1848 : f32 to vector<16xf32>
        %select_n3A_1850 = arith.select %gt3A_1846, %broadcast_in_dim3A_1849, %select_n3A_1840 : vector<16xi1>, vector<16xf32>
        %get3A_1851 = arith.constant 187 : i32
        %get3A_1852 = arith.index_cast %get3A_1851 : i32 to index
        %get3A_1853 = arith.constant 0 : index
        %get3A_1854 = tpu.vector_load %arg4[%get3A_1852, %get3A_1853] {strides = array<i32>} : memref<1232x16xf32, #tpu.memory_space<vmem>>, vector<1x16xf32>,
        %get3A_1855 = vector.shape_cast %get3A_1854 : vector<1x16xf32> to vector<16xf32>
        %gt3A_1856 = arith.cmpf ogt, %get3A_1855, %select_n3A_1847 : vector<16xf32>
        %select_n3A_1857 = arith.select %gt3A_1856, %get3A_1855, %select_n3A_1847 : vector<16xi1>, vector<16xf32>
        %jit3A_1858 = arith.constant 4.600000e+01 : f32
        %broadcast_in_dim3A_1859 = vector.broadcast %jit3A_1858 : f32 to vector<16xf32>
        %select_n3A_1860 = arith.select %gt3A_1856, %broadcast_in_dim3A_1859, %select_n3A_1850 : vector<16xi1>, vector<16xf32>
        %get3A_1861 = arith.constant 191 : i32
        %get3A_1862 = arith.index_cast %get3A_1861 : i32 to index
        %get3A_1863 = arith.constant 0 : index
        %get3A_1864 = tpu.vector_load %arg4[%get3A_1862, %get3A_1863] {strides = array<i32>} : memref<1232x16xf32, #tpu.memory_space<vmem>>, vector<1x16xf32>,
        %get3A_1865 = vector.shape_cast %get3A_1864 : vector<1x16xf32> to vector<16xf32>
        %gt3A_1866 = arith.cmpf ogt, %get3A_1865, %select_n3A_1857 : vector<16xf32>
        %select_n3A_1867 = arith.select %gt3A_1866, %get3A_1865, %select_n3A_1857 : vector<16xi1>, vector<16xf32>
        %jit3A_1868 = arith.constant 4.700000e+01 : f32
        %broadcast_in_dim3A_1869 = vector.broadcast %jit3A_1868 : f32 to vector<16xf32>
        %select_n3A_1870 = arith.select %gt3A_1866, %broadcast_in_dim3A_1869, %select_n3A_1860 : vector<16xi1>, vector<16xf32>
        %get3A_1871 = arith.constant 195 : i32
        %get3A_1872 = arith.index_cast %get3A_1871 : i32 to index
        %get3A_1873 = arith.constant 0 : index
        %get3A_1874 = tpu.vector_load %arg4[%get3A_1872, %get3A_1873] {strides = array<i32>} : memref<1232x16xf32, #tpu.memory_space<vmem>>, vector<1x16xf32>,
        %get3A_1875 = vector.shape_cast %get3A_1874 : vector<1x16xf32> to vector<16xf32>
        %gt3A_1876 = arith.cmpf ogt, %get3A_1875, %select_n3A_1867 : vector<16xf32>
        %select_n3A_1877 = arith.select %gt3A_1876, %get3A_1875, %select_n3A_1867 : vector<16xi1>, vector<16xf32>
        %jit3A_1878 = arith.constant 4.800000e+01 : f32
        %broadcast_in_dim3A_1879 = vector.broadcast %jit3A_1878 : f32 to vector<16xf32>
        %select_n3A_1880 = arith.select %gt3A_1876, %broadcast_in_dim3A_1879, %select_n3A_1870 : vector<16xi1>, vector<16xf32>
        %get3A_1881 = arith.constant 199 : i32
        %get3A_1882 = arith.index_cast %get3A_1881 : i32 to index
        %get3A_1883 = arith.constant 0 : index
        %get3A_1884 = tpu.vector_load %arg4[%get3A_1882, %get3A_1883] {strides = array<i32>} : memref<1232x16xf32, #tpu.memory_space<vmem>>, vector<1x16xf32>,
        %get3A_1885 = vector.shape_cast %get3A_1884 : vector<1x16xf32> to vector<16xf32>
        %gt3A_1886 = arith.cmpf ogt, %get3A_1885, %select_n3A_1877 : vector<16xf32>
        %select_n3A_1887 = arith.select %gt3A_1886, %get3A_1885, %select_n3A_1877 : vector<16xi1>, vector<16xf32>
        %jit3A_1888 = arith.constant 4.900000e+01 : f32
        %broadcast_in_dim3A_1889 = vector.broadcast %jit3A_1888 : f32 to vector<16xf32>
        %select_n3A_1890 = arith.select %gt3A_1886, %broadcast_in_dim3A_1889, %select_n3A_1880 : vector<16xi1>, vector<16xf32>
        %get3A_1891 = arith.constant 203 : i32
        %get3A_1892 = arith.index_cast %get3A_1891 : i32 to index
        %get3A_1893 = arith.constant 0 : index
        %get3A_1894 = tpu.vector_load %arg4[%get3A_1892, %get3A_1893] {strides = array<i32>} : memref<1232x16xf32, #tpu.memory_space<vmem>>, vector<1x16xf32>,
        %get3A_1895 = vector.shape_cast %get3A_1894 : vector<1x16xf32> to vector<16xf32>
        %gt3A_1896 = arith.cmpf ogt, %get3A_1895, %select_n3A_1887 : vector<16xf32>
        %select_n3A_1897 = arith.select %gt3A_1896, %get3A_1895, %select_n3A_1887 : vector<16xi1>, vector<16xf32>
        %jit3A_1898 = arith.constant 5.000000e+01 : f32
        %broadcast_in_dim3A_1899 = vector.broadcast %jit3A_1898 : f32 to vector<16xf32>
        %select_n3A_1900 = arith.select %gt3A_1896, %broadcast_in_dim3A_1899, %select_n3A_1890 : vector<16xi1>, vector<16xf32>
        %select_n3A_1901 = arith.select %and3A_1306, %select_n3A_1897, %get3A_1287 : vector<16xi1>, vector<16xf32>
        %swap3A_1902 = arith.constant 3 : i32
        %swap3A_1903 = arith.index_cast %swap3A_1902 : i32 to index
        %swap3A_1904 = arith.constant 0 : index
        %swap3A_1905 = tpu.vector_load %arg5[%swap3A_1903, %swap3A_1904] {strides = array<i32>} : memref<4x16xf32, #tpu.memory_space<vmem>>, vector<1x16xf32>,
        %swap3A_1906 = vector.shape_cast %swap3A_1905 : vector<1x16xf32> to vector<16xf32>
        %swap3A_1907 = vector.shape_cast %select_n3A_1901 : vector<16xf32> to vector<1x16xf32>
        tpu.vector_store %arg5[%swap3A_1903, %swap3A_1904], %swap3A_1907 {strides = array<i32>} : memref<4x16xf32, #tpu.memory_space<vmem>>, vector<1x16xf32>,
        %select_n3A_1908 = arith.select %and3A_1306, %select_n3A_1900, %get3A_1292 : vector<16xi1>, vector<16xf32>
        %swap3A_1909 = arith.constant 3 : i32
        %swap3A_1910 = arith.index_cast %swap3A_1909 : i32 to index
        %swap3A_1911 = arith.constant 0 : index
        %swap3A_1912 = tpu.vector_load %arg6[%swap3A_1910, %swap3A_1911] {strides = array<i32>} : memref<4x16xf32, #tpu.memory_space<vmem>>, vector<1x16xf32>,
        %swap3A_1913 = vector.shape_cast %swap3A_1912 : vector<1x16xf32> to vector<16xf32>
        %swap3A_1914 = vector.shape_cast %select_n3A_1908 : vector<16xf32> to vector<1x16xf32>
        tpu.vector_store %arg6[%swap3A_1910, %swap3A_1911], %swap3A_1914 {strides = array<i32>} : memref<4x16xf32, #tpu.memory_space<vmem>>, vector<1x16xf32>,
      } else {
      }
      %get3A_1343 = arith.constant 3 : i32
      %get3A_1344 = arith.index_cast %get3A_1343 : i32 to index
      %get3A_1345 = arith.constant 0 : index
      %get3A_1346 = tpu.vector_load %arg5[%get3A_1344, %get3A_1345] {strides = array<i32>} : memref<4x16xf32, #tpu.memory_space<vmem>>, vector<1x16xf32>,
      %get3A_1347 = vector.shape_cast %get3A_1346 : vector<1x16xf32> to vector<16xf32>
      %jit3A_1348 = arith.constant -1.000000e+00 : f32
      %broadcast_in_dim3A_1349 = vector.broadcast %jit3A_1348 : f32 to vector<16xf32>
      %select_n3A_1350 = arith.select %eq3A_1298, %broadcast_in_dim3A_1349, %get3A_1347 : vector<16xi1>, vector<16xf32>
      %swap3A_1351 = arith.constant 3 : i32
      %swap3A_1352 = arith.index_cast %swap3A_1351 : i32 to index
      %swap3A_1353 = arith.constant 0 : index
      %swap3A_1354 = tpu.vector_load %arg5[%swap3A_1352, %swap3A_1353] {strides = array<i32>} : memref<4x16xf32, #tpu.memory_space<vmem>>, vector<1x16xf32>,
      %swap3A_1355 = vector.shape_cast %swap3A_1354 : vector<1x16xf32> to vector<16xf32>
      %swap3A_1356 = vector.shape_cast %select_n3A_1350 : vector<16xf32> to vector<1x16xf32>
      tpu.vector_store %arg5[%swap3A_1352, %swap3A_1353], %swap3A_1356 {strides = array<i32>} : memref<4x16xf32, #tpu.memory_space<vmem>>, vector<1x16xf32>,
      %get3A_1357 = arith.constant 3 : i32
      %get3A_1358 = arith.index_cast %get3A_1357 : i32 to index
      %get3A_1359 = arith.constant 0 : index
      %get3A_1360 = tpu.vector_load %arg7[%get3A_1358, %get3A_1359] {strides = array<i32>} : memref<4x16xf32, #tpu.memory_space<vmem>>, vector<1x16xf32>,
      %get3A_1361 = vector.shape_cast %get3A_1360 : vector<1x16xf32> to vector<16xf32>
      %select_n3A_1362 = arith.select %eq3A_1298, %gather3A_598, %get3A_1361 : vector<16xi1>, vector<16xf32>
      %swap3A_1363 = arith.constant 3 : i32
      %swap3A_1364 = arith.index_cast %swap3A_1363 : i32 to index
      %swap3A_1365 = arith.constant 0 : index
      %swap3A_1366 = tpu.vector_load %arg7[%swap3A_1364, %swap3A_1365] {strides = array<i32>} : memref<4x16xf32, #tpu.memory_space<vmem>>, vector<1x16xf32>,
      %swap3A_1367 = vector.shape_cast %swap3A_1366 : vector<1x16xf32> to vector<16xf32>
      %swap3A_1368 = vector.shape_cast %select_n3A_1362 : vector<16xf32> to vector<1x16xf32>
      tpu.vector_store %arg7[%swap3A_1364, %swap3A_1365], %swap3A_1368 {strides = array<i32>} : memref<4x16xf32, #tpu.memory_space<vmem>>, vector<1x16xf32>,
      %eq3A_1369 = arith.constant 0 : i32
      %eq3A_1370 = vector.broadcast %eq3A_1369 : i32 to vector<16xi32>
      %eq3A_1371 = arith.cmpi eq, %iota3A, %eq3A_1370 : vector<16xi32>
      %broadcast_in_dim3A_1372 = arith.constant 0.000000e+00 : f32
      %broadcast_in_dim3A_1373 = vector.broadcast %broadcast_in_dim3A_1372 : f32 to vector<16xf32>
      %select_n3A_1374 = arith.select %eq3A_1371, %gather3A_592, %broadcast_in_dim3A_1373 : vector<16xi1>, vector<16xf32>
      %slice3A_1375 = vector.extract_strided_slice %select_n3A_1374 {offsets = [0], sizes = [1], strides = [1]} : vector<16xf32> to vector<1xf32>
      %squeeze3A_1376 = vector.extract %slice3A_1375[0] : f32 from vector<1xf32>
      %convert_element_type3A_1377 = arith.sitofp %mul3A_0 : i32 to f32
      %ge3A_1378 = arith.cmpf oge, %squeeze3A_1376, %convert_element_type3A_1377 : f32
      %add3A_1379 = arith.constant 6.400000e+01 : f32
      %add3A_1380 = arith.addf %convert_element_type3A_1377, %add3A_1379 : f32
      %lt3A = arith.cmpf olt, %squeeze3A_1376, %add3A_1380 : f32
      %and3A_1381 = arith.andi %ge3A_1378, %lt3A : i1
      %max3A_1382 = arith.maximumf %max3A_785, %max3A_969 : f32
      %max3A_1383 = arith.maximumf %max3A_1153, %max3A_1337 : f32
      %max3A_1384 = arith.maximumf %max3A_1382, %max3A_1383 : f32
      %jit3A_1385 = arith.constant 1.000000e+00 : f32
      %select_n3A_1386 = arith.select %and3A_1381, %jit3A_1385, %max3A_1384 : f32
      %broadcast_in_dim3A_1387 = vector.broadcast %select_n3A_1386 : f32 to vector<16xf32>
      %swap3A_1388 = arith.constant 0 : i32
      %swap3A_1389 = arith.index_cast %swap3A_1388 : i32 to index
      %swap3A_1390 = arith.constant 0 : index
      %swap3A_1391 = tpu.vector_load %arg11[%swap3A_1389, %swap3A_1390] {strides = array<i32>} : memref<1x16xf32, #tpu.memory_space<vmem>>, vector<1x16xf32>,
      %swap3A_1392 = vector.shape_cast %swap3A_1391 : vector<1x16xf32> to vector<16xf32>
      %swap3A_1393 = vector.shape_cast %broadcast_in_dim3A_1387 : vector<16xf32> to vector<1x16xf32>
      tpu.vector_store %arg11[%swap3A_1389, %swap3A_1390], %swap3A_1393 {strides = array<i32>} : memref<1x16xf32, #tpu.memory_space<vmem>>, vector<1x16xf32>,
    }
    %scan3A_130 = arith.constant 1000 : i32
    %get3A_131 = arith.constant 0 : i32
    %get3A_132 = arith.index_cast %get3A_131 : i32 to index
    %get3A_133 = arith.constant 0 : index
    %get3A_134 = tpu.vector_load %arg7[%get3A_132, %get3A_133] {strides = array<i32>} : memref<4x16xf32, #tpu.memory_space<vmem>>, vector<1x16xf32>,
    %get3A_135 = vector.shape_cast %get3A_134 : vector<1x16xf32> to vector<16xf32>
    %convert_element_type3A_136 = arith.fptosi %get3A_135 : vector<16xf32> to vector<16xi32>
    %swap3A_137 = arith.constant 0 : i32
    %swap3A_138 = arith.index_cast %swap3A_137 : i32 to index
    %swap3A_139 = arith.constant 0 : index
    %swap3A_140 = tpu.vector_load %arg8[%swap3A_138, %swap3A_139] {strides = array<i32>} : memref<4x16xi32, #tpu.memory_space<vmem>>, vector<1x16xi32>,
    %swap3A_141 = vector.shape_cast %swap3A_140 : vector<1x16xi32> to vector<16xi32>
    %swap3A_142 = vector.shape_cast %convert_element_type3A_136 : vector<16xi32> to vector<1x16xi32>
    tpu.vector_store %arg8[%swap3A_138, %swap3A_139], %swap3A_142 {strides = array<i32>} : memref<4x16xi32, #tpu.memory_space<vmem>>, vector<1x16xi32>,
    %get3A_143 = arith.constant 1 : i32
    %get3A_144 = arith.index_cast %get3A_143 : i32 to index
    %get3A_145 = arith.constant 0 : index
    %get3A_146 = tpu.vector_load %arg7[%get3A_144, %get3A_145] {strides = array<i32>} : memref<4x16xf32, #tpu.memory_space<vmem>>, vector<1x16xf32>,
    %get3A_147 = vector.shape_cast %get3A_146 : vector<1x16xf32> to vector<16xf32>
    %convert_element_type3A_148 = arith.fptosi %get3A_147 : vector<16xf32> to vector<16xi32>
    %swap3A_149 = arith.constant 1 : i32
    %swap3A_150 = arith.index_cast %swap3A_149 : i32 to index
    %swap3A_151 = arith.constant 0 : index
    %swap3A_152 = tpu.vector_load %arg8[%swap3A_150, %swap3A_151] {strides = array<i32>} : memref<4x16xi32, #tpu.memory_space<vmem>>, vector<1x16xi32>,
    %swap3A_153 = vector.shape_cast %swap3A_152 : vector<1x16xi32> to vector<16xi32>
    %swap3A_154 = vector.shape_cast %convert_element_type3A_148 : vector<16xi32> to vector<1x16xi32>
    tpu.vector_store %arg8[%swap3A_150, %swap3A_151], %swap3A_154 {strides = array<i32>} : memref<4x16xi32, #tpu.memory_space<vmem>>, vector<1x16xi32>,
    %get3A_155 = arith.constant 2 : i32
    %get3A_156 = arith.index_cast %get3A_155 : i32 to index
    %get3A_157 = arith.constant 0 : index
    %get3A_158 = tpu.vector_load %arg7[%get3A_156, %get3A_157] {strides = array<i32>} : memref<4x16xf32, #tpu.memory_space<vmem>>, vector<1x16xf32>,
    %get3A_159 = vector.shape_cast %get3A_158 : vector<1x16xf32> to vector<16xf32>
    %convert_element_type3A_160 = arith.fptosi %get3A_159 : vector<16xf32> to vector<16xi32>
    %swap3A_161 = arith.constant 2 : i32
    %swap3A_162 = arith.index_cast %swap3A_161 : i32 to index
    %swap3A_163 = arith.constant 0 : index
    %swap3A_164 = tpu.vector_load %arg8[%swap3A_162, %swap3A_163] {strides = array<i32>} : memref<4x16xi32, #tpu.memory_space<vmem>>, vector<1x16xi32>,
    %swap3A_165 = vector.shape_cast %swap3A_164 : vector<1x16xi32> to vector<16xi32>
    %swap3A_166 = vector.shape_cast %convert_element_type3A_160 : vector<16xi32> to vector<1x16xi32>
    tpu.vector_store %arg8[%swap3A_162, %swap3A_163], %swap3A_166 {strides = array<i32>} : memref<4x16xi32, #tpu.memory_space<vmem>>, vector<1x16xi32>,
    %get3A_167 = arith.constant 3 : i32
    %get3A_168 = arith.index_cast %get3A_167 : i32 to index
    %get3A_169 = arith.constant 0 : index
    %get3A_170 = tpu.vector_load %arg7[%get3A_168, %get3A_169] {strides = array<i32>} : memref<4x16xf32, #tpu.memory_space<vmem>>, vector<1x16xf32>,
    %get3A_171 = vector.shape_cast %get3A_170 : vector<1x16xf32> to vector<16xf32>
    %convert_element_type3A_172 = arith.fptosi %get3A_171 : vector<16xf32> to vector<16xi32>
    %swap3A_173 = arith.constant 3 : i32
    %swap3A_174 = arith.index_cast %swap3A_173 : i32 to index
    %swap3A_175 = arith.constant 0 : index
    %swap3A_176 = tpu.vector_load %arg8[%swap3A_174, %swap3A_175] {strides = array<i32>} : memref<4x16xi32, #tpu.memory_space<vmem>>, vector<1x16xi32>,
    %swap3A_177 = vector.shape_cast %swap3A_176 : vector<1x16xi32> to vector<16xi32>
    %swap3A_178 = vector.shape_cast %convert_element_type3A_172 : vector<16xi32> to vector<1x16xi32>
    tpu.vector_store %arg8[%swap3A_174, %swap3A_175], %swap3A_178 {strides = array<i32>} : memref<4x16xi32, #tpu.memory_space<vmem>>, vector<1x16xi32>,
    "tpu.region"() ({
      %run_scoped3A = tpu.sem_alloc : memref<!tpu.dma_semaphore, #tpu.memory_space<semaphore_mem>>
      %dma_start3A = arith.constant 0 : i32
      %dma_start3A_179 = arith.constant 0 : i32
      %dma_start3A_180 = tpu.memref_slice %arg3[%arg1, %dma_start3A, %dma_start3A_179] : memref<16x4x16xi32, #tpu.memory_space<hbm>> -> memref<1x4x16xi32, #tpu.memory_space<hbm>>
      %dma_start3A_181 = tpu.memref_squeeze %dma_start3A_180 : memref<1x4x16xi32, #tpu.memory_space<hbm>> -> memref<4x16xi32, #tpu.memory_space<hbm>>
      %dma_start3A_182 = arith.constant 0 : i32
      %dma_start3A_183 = arith.constant 0 : i32
      %dma_start3A_184 = tpu.memref_slice %arg3[%arg1, %dma_start3A_182, %dma_start3A_183] : memref<16x4x16xi32, #tpu.memory_space<hbm>> -> memref<1x4x16xi32, #tpu.memory_space<hbm>>
      %dma_start3A_185 = tpu.memref_squeeze %dma_start3A_184 : memref<1x4x16xi32, #tpu.memory_space<hbm>> -> memref<4x16xi32, #tpu.memory_space<hbm>>
      tpu.enqueue_dma source(%arg8 : memref<4x16xi32, #tpu.memory_space<vmem>>) target(%dma_start3A_185 : memref<4x16xi32, #tpu.memory_space<hbm>>) target_semaphore(%run_scoped3A : memref<!tpu.dma_semaphore, #tpu.memory_space<semaphore_mem>>)
      %dma_wait3A = arith.constant 0 : i32
      %dma_wait3A_186 = arith.constant 0 : i32
      %dma_wait3A_187 = tpu.memref_slice %arg3[%arg1, %dma_wait3A, %dma_wait3A_186] : memref<16x4x16xi32, #tpu.memory_space<hbm>> -> memref<1x4x16xi32, #tpu.memory_space<hbm>>
      %dma_wait3A_188 = tpu.memref_squeeze %dma_wait3A_187 : memref<1x4x16xi32, #tpu.memory_space<hbm>> -> memref<4x16xi32, #tpu.memory_space<hbm>>
      %dma_wait3A_189 = arith.constant 0 : i32
      %dma_wait3A_190 = arith.constant 0 : i32
      %dma_wait3A_191 = tpu.memref_slice %arg3[%arg1, %dma_wait3A_189, %dma_wait3A_190] : memref<16x4x16xi32, #tpu.memory_space<hbm>> -> memref<1x4x16xi32, #tpu.memory_space<hbm>>
      %dma_wait3A_192 = tpu.memref_squeeze %dma_wait3A_191 : memref<1x4x16xi32, #tpu.memory_space<hbm>> -> memref<4x16xi32, #tpu.memory_space<hbm>>
      tpu.wait_dma2 semaphore(%run_scoped3A : memref<!tpu.dma_semaphore, #tpu.memory_space<semaphore_mem>>) src(%arg8 : memref<4x16xi32, #tpu.memory_space<vmem>>) dst(%dma_wait3A_192 : memref<4x16xi32, #tpu.memory_space<hbm>>)
      tpu.yield
    }) : () -> ()
    return
  }
}

module attributes {stable_mosaic.version = 14 : i64} {
  func.func @_prep_kernel(%arg0: memref<1000x51xf32, #tpu.memory_space<vmem>>, %arg1: memref<1000x256xf32, #tpu.memory_space<vmem>>, %arg2: memref<51x256xf32, #tpu.memory_space<vmem>>, %arg3: memref<1x51xf32, #tpu.memory_space<vmem>>, %arg4: memref<1000x51xf32, #tpu.memory_space<vmem>>, %arg5: memref<1000x51xf32, #tpu.memory_space<vmem>>, %arg6: memref<1000x51xf32, #tpu.memory_space<vmem>>, %arg7: memref<1000x51xf32, #tpu.memory_space<vmem>>, %arg8: memref<1000x51xf32, #tpu.memory_space<vmem>>, %arg9: memref<16x308x64xf32, #tpu.memory_space<vmem>>) attributes {dimension_semantics = [], scalar_prefetch = 0 : i64, scratch_operands = 0 : i64, tpu.core_type = #tpu.core_type<tc>} {
    %get3A = arith.constant 0 : index
    %get3A_0 = arith.constant 0 : index
    %get3A_1 = vector.load %arg1[%get3A, %get3A_0] : memref<1000x256xf32, #tpu.memory_space<vmem>>, vector<1000x256xf32>
    %get3A_2 = arith.constant 0 : index
    %get3A_3 = arith.constant 0 : index
    %get3A_4 = vector.load %arg2[%get3A_2, %get3A_3] : memref<51x256xf32, #tpu.memory_space<vmem>>, vector<51x256xf32>
    %dot_general3A = arith.constant dense<0.000000e+00> : vector<1000x51xf32>
    %dot_general3A_5 = tpu.matmul %get3A_1, %get3A_4, %dot_general3A {dimension_numbers = #tpu.dot_dimension_numbers<[1], [1], [0], [0], [0, 0, 1, 0], [], []>, transpose_lhs_hint = false} : vector<1000x256xf32>, vector<51x256xf32>, vector<1000x51xf32> -> vector<1000x51xf32>
    %get3A_6 = arith.constant 0 : index
    %get3A_7 = arith.constant 0 : index
    %get3A_8 = vector.load %arg3[%get3A_6, %get3A_7] : memref<1x51xf32, #tpu.memory_space<vmem>>, vector<1x51xf32>
    %add3A = vector.broadcast %get3A_8 : vector<1x51xf32> to vector<1000x51xf32>
    %add3A_9 = arith.addf %dot_general3A_5, %add3A : vector<1000x51xf32>
    %get3A_10 = arith.constant 0 : index
    %get3A_11 = arith.constant 0 : index
    %get3A_12 = vector.load %arg0[%get3A_10, %get3A_11] : memref<1000x51xf32, #tpu.memory_space<vmem>>, vector<1000x51xf32>
    %add3A_13 = arith.addf %add3A_9, %get3A_12 : vector<1000x51xf32>
    %swap3A = arith.constant 0 : index
    %swap3A_14 = arith.constant 0 : index
    %swap3A_15 = vector.load %arg8[%swap3A, %swap3A_14] : memref<1000x51xf32, #tpu.memory_space<vmem>>, vector<1000x51xf32>
    tpu.vector_store %arg8[%swap3A, %swap3A_14], %add3A_13 {strides = array<i32>} : memref<1000x51xf32, #tpu.memory_space<vmem>>, vector<1000x51xf32>,
    %transpose3A = tpu.transpose %add3A_13, [1, 0] : vector<1000x51xf32> -> vector<51x1000xf32>
    %reduce_max3A = arith.constant dense<0xFF800000> : vector<1000xf32>
    %reduce_max3A_16 = vector.multi_reduction <maximumf>, %transpose3A, %reduce_max3A [0] : vector<51x1000xf32> to vector<1000xf32>
    %broadcast_in_dim3A = vector.shape_cast %reduce_max3A_16 : vector<1000xf32> to vector<1x1000xf32>
    %sub3A = vector.broadcast %broadcast_in_dim3A : vector<1x1000xf32> to vector<51x1000xf32>
    %sub3A_17 = arith.subf %transpose3A, %sub3A : vector<51x1000xf32>
    %exp3A = math.exp %sub3A_17 : vector<51x1000xf32>
    %reduce_sum3A = arith.constant dense<0.000000e+00> : vector<1000xf32>
    %reduce_sum3A_18 = vector.multi_reduction <add>, %exp3A, %reduce_sum3A [0] : vector<51x1000xf32> to vector<1000xf32>
    %broadcast_in_dim3A_19 = vector.shape_cast %reduce_sum3A_18 : vector<1000xf32> to vector<1x1000xf32>
    %div3A = vector.broadcast %broadcast_in_dim3A_19 : vector<1x1000xf32> to vector<51x1000xf32>
    %div3A_20 = arith.divf %exp3A, %div3A : vector<51x1000xf32>
    %iota3A = tpu.iota {dimensions = array<i32: 0>} : vector<51x1000xi32>
    %eq3A = arith.constant 0 : i32
    %eq3A_21 = vector.broadcast %eq3A : i32 to vector<51x1000xi32>
    %eq3A_22 = arith.cmpi eq, %iota3A, %eq3A_21 : vector<51x1000xi32>
    %jit3A = arith.constant 0.000000e+00 : f32
    %broadcast_in_dim3A_23 = vector.broadcast %jit3A : f32 to vector<51x1000xf32>
    %select_n3A = arith.select %eq3A_22, %broadcast_in_dim3A_23, %div3A_20 : vector<51x1000xi1>, vector<51x1000xf32>
    %get3A_24 = arith.constant 0 : index
    %get3A_25 = arith.constant 0 : index
    %get3A_26 = vector.load %arg4[%get3A_24, %get3A_25] : memref<1000x51xf32, #tpu.memory_space<vmem>>, vector<1000x51xf32>
    %transpose3A_27 = tpu.transpose %get3A_26, [1, 0] : vector<1000x51xf32> -> vector<51x1000xf32>
    %get3A_28 = arith.constant 0 : index
    %get3A_29 = arith.constant 0 : index
    %get3A_30 = vector.load %arg5[%get3A_28, %get3A_29] : memref<1000x51xf32, #tpu.memory_space<vmem>>, vector<1000x51xf32>
    %transpose3A_31 = tpu.transpose %get3A_30, [1, 0] : vector<1000x51xf32> -> vector<51x1000xf32>
    %get3A_32 = arith.constant 0 : index
    %get3A_33 = arith.constant 0 : index
    %get3A_34 = vector.load %arg6[%get3A_32, %get3A_33] : memref<1000x51xf32, #tpu.memory_space<vmem>>, vector<1000x51xf32>
    %transpose3A_35 = tpu.transpose %get3A_34, [1, 0] : vector<1000x51xf32> -> vector<51x1000xf32>
    %get3A_36 = arith.constant 0 : index
    %get3A_37 = arith.constant 0 : index
    %get3A_38 = vector.load %arg7[%get3A_36, %get3A_37] : memref<1000x51xf32, #tpu.memory_space<vmem>>, vector<1000x51xf32>
    %transpose3A_39 = tpu.transpose %get3A_38, [1, 0] : vector<1000x51xf32> -> vector<51x1000xf32>
    %sub3A_40 = arith.subf %transpose3A_35, %transpose3A_27 : vector<51x1000xf32>
    %add3A_41 = arith.constant 1.000000e+00 : f32
    %add3A_42 = vector.broadcast %add3A_41 : f32 to vector<51x1000xf32>
    %add3A_43 = arith.addf %sub3A_40, %add3A_42 : vector<51x1000xf32>
    %sub3A_44 = arith.subf %transpose3A_39, %transpose3A_31 : vector<51x1000xf32>
    %add3A_45 = arith.constant 1.000000e+00 : f32
    %add3A_46 = vector.broadcast %add3A_45 : f32 to vector<51x1000xf32>
    %add3A_47 = arith.addf %sub3A_44, %add3A_46 : vector<51x1000xf32>
    %mul3A = arith.mulf %add3A_43, %add3A_47 : vector<51x1000xf32>
    %reduce_max3A_48 = arith.constant dense<0xFF800000> : vector<1000xf32>
    %reduce_max3A_49 = vector.multi_reduction <maximumf>, %select_n3A, %reduce_max3A_48 [0] : vector<51x1000xf32> to vector<1000xf32>
    %broadcast_in_dim3A_50 = vector.shape_cast %reduce_max3A_49 : vector<1000xf32> to vector<1x1000xf32>
    %eq3A_51 = vector.broadcast %broadcast_in_dim3A_50 : vector<1x1000xf32> to vector<51x1000xf32>
    %eq3A_52 = arith.cmpf oeq, %select_n3A, %eq3A_51 : vector<51x1000xf32>
    %jit3A_53 = arith.constant 1073741824 : i32
    %broadcast_in_dim3A_54 = vector.broadcast %jit3A_53 : i32 to vector<51x1000xi32>
    %select_n3A_55 = arith.select %eq3A_52, %iota3A, %broadcast_in_dim3A_54 : vector<51x1000xi1>, vector<51x1000xi32>
    %reduce_min3A = arith.constant dense<2147483647> : vector<1000xi32>
    %reduce_min3A_56 = vector.multi_reduction <minsi>, %select_n3A_55, %reduce_min3A [0] : vector<51x1000xi32> to vector<1000xi32>
    %broadcast_in_dim3A_57 = vector.shape_cast %reduce_min3A_56 : vector<1000xi32> to vector<1x1000xi32>
    %convert_element_type3A = arith.sitofp %broadcast_in_dim3A_57 : vector<1x1000xi32> to vector<1x1000xf32>
    %broadcast_in_dim3A_58 = arith.constant -2.000000e+00 : f32
    %broadcast_in_dim3A_59 = vector.broadcast %broadcast_in_dim3A_58 : f32 to vector<51x24xf32>
    %concatenate3A = tpu.concatenate %select_n3A, %broadcast_in_dim3A_59 in 1 : vector<51x1000xf32>, vector<51x24xf32> -> vector<51x1024xf32>
    %broadcast_in_dim3A_60 = arith.constant 1.000000e+00 : f32
    %broadcast_in_dim3A_61 = vector.broadcast %broadcast_in_dim3A_60 : f32 to vector<51x24xf32>
    %concatenate3A_62 = tpu.concatenate %transpose3A_27, %broadcast_in_dim3A_61 in 1 : vector<51x1000xf32>, vector<51x24xf32> -> vector<51x1024xf32>
    %concatenate3A_63 = tpu.concatenate %transpose3A_31, %broadcast_in_dim3A_61 in 1 : vector<51x1000xf32>, vector<51x24xf32> -> vector<51x1024xf32>
    %concatenate3A_64 = tpu.concatenate %transpose3A_35, %broadcast_in_dim3A_61 in 1 : vector<51x1000xf32>, vector<51x24xf32> -> vector<51x1024xf32>
    %concatenate3A_65 = tpu.concatenate %transpose3A_39, %broadcast_in_dim3A_61 in 1 : vector<51x1000xf32>, vector<51x24xf32> -> vector<51x1024xf32>
    %concatenate3A_66 = tpu.concatenate %mul3A, %broadcast_in_dim3A_61 in 1 : vector<51x1000xf32>, vector<51x24xf32> -> vector<51x1024xf32>
    %broadcast_in_dim3A_67 = arith.constant -2.000000e+00 : f32
    %broadcast_in_dim3A_68 = vector.broadcast %broadcast_in_dim3A_67 : f32 to vector<1x24xf32>
    %concatenate3A_69 = tpu.concatenate %broadcast_in_dim3A_50, %broadcast_in_dim3A_68 in 1 : vector<1x1000xf32>, vector<1x24xf32> -> vector<1x1024xf32>
    %broadcast_in_dim3A_70 = arith.constant 0.000000e+00 : f32
    %broadcast_in_dim3A_71 = vector.broadcast %broadcast_in_dim3A_70 : f32 to vector<1x24xf32>
    %concatenate3A_72 = tpu.concatenate %convert_element_type3A, %broadcast_in_dim3A_71 in 1 : vector<1x1000xf32>, vector<1x24xf32> -> vector<1x1024xf32>
    %slice3A = vector.extract_strided_slice %concatenate3A {offsets = [0, 0], sizes = [51, 64], strides = [1, 1]} : vector<51x1024xf32> to vector<51x64xf32>
    %swap3A_73 = arith.constant 0 : index
    %swap3A_74 = arith.constant 0 : index
    %swap3A_75 = arith.constant 0 : index
    %swap3A_76 = vector.load %arg9[%swap3A_73, %swap3A_74, %swap3A_75] : memref<16x308x64xf32, #tpu.memory_space<vmem>>, vector<1x51x64xf32>
    %swap3A_77 = vector.shape_cast %swap3A_76 : vector<1x51x64xf32> to vector<51x64xf32>
    %swap3A_78 = vector.shape_cast %slice3A : vector<51x64xf32> to vector<1x51x64xf32>
    tpu.vector_store %arg9[%swap3A_73, %swap3A_74, %swap3A_75], %swap3A_78 {strides = array<i32>} : memref<16x308x64xf32, #tpu.memory_space<vmem>>, vector<1x51x64xf32>,
    %slice3A_79 = vector.extract_strided_slice %concatenate3A_62 {offsets = [0, 0], sizes = [51, 64], strides = [1, 1]} : vector<51x1024xf32> to vector<51x64xf32>
    %swap3A_80 = arith.constant 0 : index
    %swap3A_81 = arith.constant 51 : index
    %swap3A_82 = arith.constant 0 : index
    %swap3A_83 = vector.load %arg9[%swap3A_80, %swap3A_81, %swap3A_82] : memref<16x308x64xf32, #tpu.memory_space<vmem>>, vector<1x51x64xf32>
    %swap3A_84 = vector.shape_cast %swap3A_83 : vector<1x51x64xf32> to vector<51x64xf32>
    %swap3A_85 = vector.shape_cast %slice3A_79 : vector<51x64xf32> to vector<1x51x64xf32>
    tpu.vector_store %arg9[%swap3A_80, %swap3A_81, %swap3A_82], %swap3A_85 {strides = array<i32>} : memref<16x308x64xf32, #tpu.memory_space<vmem>>, vector<1x51x64xf32>,
    %slice3A_86 = vector.extract_strided_slice %concatenate3A_63 {offsets = [0, 0], sizes = [51, 64], strides = [1, 1]} : vector<51x1024xf32> to vector<51x64xf32>
    %swap3A_87 = arith.constant 0 : index
    %swap3A_88 = arith.constant 102 : index
    %swap3A_89 = arith.constant 0 : index
    %swap3A_90 = vector.load %arg9[%swap3A_87, %swap3A_88, %swap3A_89] : memref<16x308x64xf32, #tpu.memory_space<vmem>>, vector<1x51x64xf32>
    %swap3A_91 = vector.shape_cast %swap3A_90 : vector<1x51x64xf32> to vector<51x64xf32>
    %swap3A_92 = vector.shape_cast %slice3A_86 : vector<51x64xf32> to vector<1x51x64xf32>
    tpu.vector_store %arg9[%swap3A_87, %swap3A_88, %swap3A_89], %swap3A_92 {strides = array<i32>} : memref<16x308x64xf32, #tpu.memory_space<vmem>>, vector<1x51x64xf32>,
    %slice3A_93 = vector.extract_strided_slice %concatenate3A_64 {offsets = [0, 0], sizes = [51, 64], strides = [1, 1]} : vector<51x1024xf32> to vector<51x64xf32>
    %swap3A_94 = arith.constant 0 : index
    %swap3A_95 = arith.constant 153 : index
    %swap3A_96 = arith.constant 0 : index
    %swap3A_97 = vector.load %arg9[%swap3A_94, %swap3A_95, %swap3A_96] : memref<16x308x64xf32, #tpu.memory_space<vmem>>, vector<1x51x64xf32>
    %swap3A_98 = vector.shape_cast %swap3A_97 : vector<1x51x64xf32> to vector<51x64xf32>
    %swap3A_99 = vector.shape_cast %slice3A_93 : vector<51x64xf32> to vector<1x51x64xf32>
    tpu.vector_store %arg9[%swap3A_94, %swap3A_95, %swap3A_96], %swap3A_99 {strides = array<i32>} : memref<16x308x64xf32, #tpu.memory_space<vmem>>, vector<1x51x64xf32>,
    %slice3A_100 = vector.extract_strided_slice %concatenate3A_65 {offsets = [0, 0], sizes = [51, 64], strides = [1, 1]} : vector<51x1024xf32> to vector<51x64xf32>
    %swap3A_101 = arith.constant 0 : index
    %swap3A_102 = arith.constant 204 : index
    %swap3A_103 = arith.constant 0 : index
    %swap3A_104 = vector.load %arg9[%swap3A_101, %swap3A_102, %swap3A_103] : memref<16x308x64xf32, #tpu.memory_space<vmem>>, vector<1x51x64xf32>
    %swap3A_105 = vector.shape_cast %swap3A_104 : vector<1x51x64xf32> to vector<51x64xf32>
    %swap3A_106 = vector.shape_cast %slice3A_100 : vector<51x64xf32> to vector<1x51x64xf32>
    tpu.vector_store %arg9[%swap3A_101, %swap3A_102, %swap3A_103], %swap3A_106 {strides = array<i32>} : memref<16x308x64xf32, #tpu.memory_space<vmem>>, vector<1x51x64xf32>,
    %slice3A_107 = vector.extract_strided_slice %concatenate3A_66 {offsets = [0, 0], sizes = [51, 64], strides = [1, 1]} : vector<51x1024xf32> to vector<51x64xf32>
    %swap3A_108 = arith.constant 0 : index
    %swap3A_109 = arith.constant 255 : index
    %swap3A_110 = arith.constant 0 : index
    %swap3A_111 = vector.load %arg9[%swap3A_108, %swap3A_109, %swap3A_110] : memref<16x308x64xf32, #tpu.memory_space<vmem>>, vector<1x51x64xf32>
    %swap3A_112 = vector.shape_cast %swap3A_111 : vector<1x51x64xf32> to vector<51x64xf32>
    %swap3A_113 = vector.shape_cast %slice3A_107 : vector<51x64xf32> to vector<1x51x64xf32>
    tpu.vector_store %arg9[%swap3A_108, %swap3A_109, %swap3A_110], %swap3A_113 {strides = array<i32>} : memref<16x308x64xf32, #tpu.memory_space<vmem>>, vector<1x51x64xf32>,
    %slice3A_114 = vector.extract_strided_slice %concatenate3A_69 {offsets = [0, 0], sizes = [1, 64], strides = [1, 1]} : vector<1x1024xf32> to vector<1x64xf32>
    %swap3A_115 = arith.constant 0 : index
    %swap3A_116 = arith.constant 306 : index
    %swap3A_117 = arith.constant 0 : index
    %swap3A_118 = vector.load %arg9[%swap3A_115, %swap3A_116, %swap3A_117] : memref<16x308x64xf32, #tpu.memory_space<vmem>>, vector<1x1x64xf32>
    %swap3A_119 = vector.shape_cast %swap3A_118 : vector<1x1x64xf32> to vector<1x64xf32>
    %swap3A_120 = vector.shape_cast %slice3A_114 : vector<1x64xf32> to vector<1x1x64xf32>
    tpu.vector_store %arg9[%swap3A_115, %swap3A_116, %swap3A_117], %swap3A_120 {strides = array<i32>} : memref<16x308x64xf32, #tpu.memory_space<vmem>>, vector<1x1x64xf32>,
    %slice3A_121 = vector.extract_strided_slice %concatenate3A_72 {offsets = [0, 0], sizes = [1, 64], strides = [1, 1]} : vector<1x1024xf32> to vector<1x64xf32>
    %swap3A_122 = arith.constant 0 : index
    %swap3A_123 = arith.constant 307 : index
    %swap3A_124 = arith.constant 0 : index
    %swap3A_125 = vector.load %arg9[%swap3A_122, %swap3A_123, %swap3A_124] : memref<16x308x64xf32, #tpu.memory_space<vmem>>, vector<1x1x64xf32>
    %swap3A_126 = vector.shape_cast %swap3A_125 : vector<1x1x64xf32> to vector<1x64xf32>
    %swap3A_127 = vector.shape_cast %slice3A_121 : vector<1x64xf32> to vector<1x1x64xf32>
    tpu.vector_store %arg9[%swap3A_122, %swap3A_123, %swap3A_124], %swap3A_127 {strides = array<i32>} : memref<16x308x64xf32, #tpu.memory_space<vmem>>, vector<1x1x64xf32>,
    %slice3A_128 = vector.extract_strided_slice %concatenate3A {offsets = [0, 64], sizes = [51, 64], strides = [1, 1]} : vector<51x1024xf32> to vector<51x64xf32>
    %swap3A_129 = arith.constant 1 : index
    %swap3A_130 = arith.constant 0 : index
    %swap3A_131 = arith.constant 0 : index
    %swap3A_132 = vector.load %arg9[%swap3A_129, %swap3A_130, %swap3A_131] : memref<16x308x64xf32, #tpu.memory_space<vmem>>, vector<1x51x64xf32>
    %swap3A_133 = vector.shape_cast %swap3A_132 : vector<1x51x64xf32> to vector<51x64xf32>
    %swap3A_134 = vector.shape_cast %slice3A_128 : vector<51x64xf32> to vector<1x51x64xf32>
    tpu.vector_store %arg9[%swap3A_129, %swap3A_130, %swap3A_131], %swap3A_134 {strides = array<i32>} : memref<16x308x64xf32, #tpu.memory_space<vmem>>, vector<1x51x64xf32>,
    %slice3A_135 = vector.extract_strided_slice %concatenate3A_62 {offsets = [0, 64], sizes = [51, 64], strides = [1, 1]} : vector<51x1024xf32> to vector<51x64xf32>
    %swap3A_136 = arith.constant 1 : index
    %swap3A_137 = arith.constant 51 : index
    %swap3A_138 = arith.constant 0 : index
    %swap3A_139 = vector.load %arg9[%swap3A_136, %swap3A_137, %swap3A_138] : memref<16x308x64xf32, #tpu.memory_space<vmem>>, vector<1x51x64xf32>
    %swap3A_140 = vector.shape_cast %swap3A_139 : vector<1x51x64xf32> to vector<51x64xf32>
    %swap3A_141 = vector.shape_cast %slice3A_135 : vector<51x64xf32> to vector<1x51x64xf32>
    tpu.vector_store %arg9[%swap3A_136, %swap3A_137, %swap3A_138], %swap3A_141 {strides = array<i32>} : memref<16x308x64xf32, #tpu.memory_space<vmem>>, vector<1x51x64xf32>,
    %slice3A_142 = vector.extract_strided_slice %concatenate3A_63 {offsets = [0, 64], sizes = [51, 64], strides = [1, 1]} : vector<51x1024xf32> to vector<51x64xf32>
    %swap3A_143 = arith.constant 1 : index
    %swap3A_144 = arith.constant 102 : index
    %swap3A_145 = arith.constant 0 : index
    %swap3A_146 = vector.load %arg9[%swap3A_143, %swap3A_144, %swap3A_145] : memref<16x308x64xf32, #tpu.memory_space<vmem>>, vector<1x51x64xf32>
    %swap3A_147 = vector.shape_cast %swap3A_146 : vector<1x51x64xf32> to vector<51x64xf32>
    %swap3A_148 = vector.shape_cast %slice3A_142 : vector<51x64xf32> to vector<1x51x64xf32>
    tpu.vector_store %arg9[%swap3A_143, %swap3A_144, %swap3A_145], %swap3A_148 {strides = array<i32>} : memref<16x308x64xf32, #tpu.memory_space<vmem>>, vector<1x51x64xf32>,
    %slice3A_149 = vector.extract_strided_slice %concatenate3A_64 {offsets = [0, 64], sizes = [51, 64], strides = [1, 1]} : vector<51x1024xf32> to vector<51x64xf32>
    %swap3A_150 = arith.constant 1 : index
    %swap3A_151 = arith.constant 153 : index
    %swap3A_152 = arith.constant 0 : index
    %swap3A_153 = vector.load %arg9[%swap3A_150, %swap3A_151, %swap3A_152] : memref<16x308x64xf32, #tpu.memory_space<vmem>>, vector<1x51x64xf32>
    %swap3A_154 = vector.shape_cast %swap3A_153 : vector<1x51x64xf32> to vector<51x64xf32>
    %swap3A_155 = vector.shape_cast %slice3A_149 : vector<51x64xf32> to vector<1x51x64xf32>
    tpu.vector_store %arg9[%swap3A_150, %swap3A_151, %swap3A_152], %swap3A_155 {strides = array<i32>} : memref<16x308x64xf32, #tpu.memory_space<vmem>>, vector<1x51x64xf32>,
    %slice3A_156 = vector.extract_strided_slice %concatenate3A_65 {offsets = [0, 64], sizes = [51, 64], strides = [1, 1]} : vector<51x1024xf32> to vector<51x64xf32>
    %swap3A_157 = arith.constant 1 : index
    %swap3A_158 = arith.constant 204 : index
    %swap3A_159 = arith.constant 0 : index
    %swap3A_160 = vector.load %arg9[%swap3A_157, %swap3A_158, %swap3A_159] : memref<16x308x64xf32, #tpu.memory_space<vmem>>, vector<1x51x64xf32>
    %swap3A_161 = vector.shape_cast %swap3A_160 : vector<1x51x64xf32> to vector<51x64xf32>
    %swap3A_162 = vector.shape_cast %slice3A_156 : vector<51x64xf32> to vector<1x51x64xf32>
    tpu.vector_store %arg9[%swap3A_157, %swap3A_158, %swap3A_159], %swap3A_162 {strides = array<i32>} : memref<16x308x64xf32, #tpu.memory_space<vmem>>, vector<1x51x64xf32>,
    %slice3A_163 = vector.extract_strided_slice %concatenate3A_66 {offsets = [0, 64], sizes = [51, 64], strides = [1, 1]} : vector<51x1024xf32> to vector<51x64xf32>
    %swap3A_164 = arith.constant 1 : index
    %swap3A_165 = arith.constant 255 : index
    %swap3A_166 = arith.constant 0 : index
    %swap3A_167 = vector.load %arg9[%swap3A_164, %swap3A_165, %swap3A_166] : memref<16x308x64xf32, #tpu.memory_space<vmem>>, vector<1x51x64xf32>
    %swap3A_168 = vector.shape_cast %swap3A_167 : vector<1x51x64xf32> to vector<51x64xf32>
    %swap3A_169 = vector.shape_cast %slice3A_163 : vector<51x64xf32> to vector<1x51x64xf32>
    tpu.vector_store %arg9[%swap3A_164, %swap3A_165, %swap3A_166], %swap3A_169 {strides = array<i32>} : memref<16x308x64xf32, #tpu.memory_space<vmem>>, vector<1x51x64xf32>,
    %slice3A_170 = vector.extract_strided_slice %concatenate3A_69 {offsets = [0, 64], sizes = [1, 64], strides = [1, 1]} : vector<1x1024xf32> to vector<1x64xf32>
    %swap3A_171 = arith.constant 1 : index
    %swap3A_172 = arith.constant 306 : index
    %swap3A_173 = arith.constant 0 : index
    %swap3A_174 = vector.load %arg9[%swap3A_171, %swap3A_172, %swap3A_173] : memref<16x308x64xf32, #tpu.memory_space<vmem>>, vector<1x1x64xf32>
    %swap3A_175 = vector.shape_cast %swap3A_174 : vector<1x1x64xf32> to vector<1x64xf32>
    %swap3A_176 = vector.shape_cast %slice3A_170 : vector<1x64xf32> to vector<1x1x64xf32>
    tpu.vector_store %arg9[%swap3A_171, %swap3A_172, %swap3A_173], %swap3A_176 {strides = array<i32>} : memref<16x308x64xf32, #tpu.memory_space<vmem>>, vector<1x1x64xf32>,
    %slice3A_177 = vector.extract_strided_slice %concatenate3A_72 {offsets = [0, 64], sizes = [1, 64], strides = [1, 1]} : vector<1x1024xf32> to vector<1x64xf32>
    %swap3A_178 = arith.constant 1 : index
    %swap3A_179 = arith.constant 307 : index
    %swap3A_180 = arith.constant 0 : index
    %swap3A_181 = vector.load %arg9[%swap3A_178, %swap3A_179, %swap3A_180] : memref<16x308x64xf32, #tpu.memory_space<vmem>>, vector<1x1x64xf32>
    %swap3A_182 = vector.shape_cast %swap3A_181 : vector<1x1x64xf32> to vector<1x64xf32>
    %swap3A_183 = vector.shape_cast %slice3A_177 : vector<1x64xf32> to vector<1x1x64xf32>
    tpu.vector_store %arg9[%swap3A_178, %swap3A_179, %swap3A_180], %swap3A_183 {strides = array<i32>} : memref<16x308x64xf32, #tpu.memory_space<vmem>>, vector<1x1x64xf32>,
    %slice3A_184 = vector.extract_strided_slice %concatenate3A {offsets = [0, 128], sizes = [51, 64], strides = [1, 1]} : vector<51x1024xf32> to vector<51x64xf32>
    %swap3A_185 = arith.constant 2 : index
    %swap3A_186 = arith.constant 0 : index
    %swap3A_187 = arith.constant 0 : index
    %swap3A_188 = vector.load %arg9[%swap3A_185, %swap3A_186, %swap3A_187] : memref<16x308x64xf32, #tpu.memory_space<vmem>>, vector<1x51x64xf32>
    %swap3A_189 = vector.shape_cast %swap3A_188 : vector<1x51x64xf32> to vector<51x64xf32>
    %swap3A_190 = vector.shape_cast %slice3A_184 : vector<51x64xf32> to vector<1x51x64xf32>
    tpu.vector_store %arg9[%swap3A_185, %swap3A_186, %swap3A_187], %swap3A_190 {strides = array<i32>} : memref<16x308x64xf32, #tpu.memory_space<vmem>>, vector<1x51x64xf32>,
    %slice3A_191 = vector.extract_strided_slice %concatenate3A_62 {offsets = [0, 128], sizes = [51, 64], strides = [1, 1]} : vector<51x1024xf32> to vector<51x64xf32>
    %swap3A_192 = arith.constant 2 : index
    %swap3A_193 = arith.constant 51 : index
    %swap3A_194 = arith.constant 0 : index
    %swap3A_195 = vector.load %arg9[%swap3A_192, %swap3A_193, %swap3A_194] : memref<16x308x64xf32, #tpu.memory_space<vmem>>, vector<1x51x64xf32>
    %swap3A_196 = vector.shape_cast %swap3A_195 : vector<1x51x64xf32> to vector<51x64xf32>
    %swap3A_197 = vector.shape_cast %slice3A_191 : vector<51x64xf32> to vector<1x51x64xf32>
    tpu.vector_store %arg9[%swap3A_192, %swap3A_193, %swap3A_194], %swap3A_197 {strides = array<i32>} : memref<16x308x64xf32, #tpu.memory_space<vmem>>, vector<1x51x64xf32>,
    %slice3A_198 = vector.extract_strided_slice %concatenate3A_63 {offsets = [0, 128], sizes = [51, 64], strides = [1, 1]} : vector<51x1024xf32> to vector<51x64xf32>
    %swap3A_199 = arith.constant 2 : index
    %swap3A_200 = arith.constant 102 : index
    %swap3A_201 = arith.constant 0 : index
    %swap3A_202 = vector.load %arg9[%swap3A_199, %swap3A_200, %swap3A_201] : memref<16x308x64xf32, #tpu.memory_space<vmem>>, vector<1x51x64xf32>
    %swap3A_203 = vector.shape_cast %swap3A_202 : vector<1x51x64xf32> to vector<51x64xf32>
    %swap3A_204 = vector.shape_cast %slice3A_198 : vector<51x64xf32> to vector<1x51x64xf32>
    tpu.vector_store %arg9[%swap3A_199, %swap3A_200, %swap3A_201], %swap3A_204 {strides = array<i32>} : memref<16x308x64xf32, #tpu.memory_space<vmem>>, vector<1x51x64xf32>,
    %slice3A_205 = vector.extract_strided_slice %concatenate3A_64 {offsets = [0, 128], sizes = [51, 64], strides = [1, 1]} : vector<51x1024xf32> to vector<51x64xf32>
    %swap3A_206 = arith.constant 2 : index
    %swap3A_207 = arith.constant 153 : index
    %swap3A_208 = arith.constant 0 : index
    %swap3A_209 = vector.load %arg9[%swap3A_206, %swap3A_207, %swap3A_208] : memref<16x308x64xf32, #tpu.memory_space<vmem>>, vector<1x51x64xf32>
    %swap3A_210 = vector.shape_cast %swap3A_209 : vector<1x51x64xf32> to vector<51x64xf32>
    %swap3A_211 = vector.shape_cast %slice3A_205 : vector<51x64xf32> to vector<1x51x64xf32>
    tpu.vector_store %arg9[%swap3A_206, %swap3A_207, %swap3A_208], %swap3A_211 {strides = array<i32>} : memref<16x308x64xf32, #tpu.memory_space<vmem>>, vector<1x51x64xf32>,
    %slice3A_212 = vector.extract_strided_slice %concatenate3A_65 {offsets = [0, 128], sizes = [51, 64], strides = [1, 1]} : vector<51x1024xf32> to vector<51x64xf32>
    %swap3A_213 = arith.constant 2 : index
    %swap3A_214 = arith.constant 204 : index
    %swap3A_215 = arith.constant 0 : index
    %swap3A_216 = vector.load %arg9[%swap3A_213, %swap3A_214, %swap3A_215] : memref<16x308x64xf32, #tpu.memory_space<vmem>>, vector<1x51x64xf32>
    %swap3A_217 = vector.shape_cast %swap3A_216 : vector<1x51x64xf32> to vector<51x64xf32>
    %swap3A_218 = vector.shape_cast %slice3A_212 : vector<51x64xf32> to vector<1x51x64xf32>
    tpu.vector_store %arg9[%swap3A_213, %swap3A_214, %swap3A_215], %swap3A_218 {strides = array<i32>} : memref<16x308x64xf32, #tpu.memory_space<vmem>>, vector<1x51x64xf32>,
    %slice3A_219 = vector.extract_strided_slice %concatenate3A_66 {offsets = [0, 128], sizes = [51, 64], strides = [1, 1]} : vector<51x1024xf32> to vector<51x64xf32>
    %swap3A_220 = arith.constant 2 : index
    %swap3A_221 = arith.constant 255 : index
    %swap3A_222 = arith.constant 0 : index
    %swap3A_223 = vector.load %arg9[%swap3A_220, %swap3A_221, %swap3A_222] : memref<16x308x64xf32, #tpu.memory_space<vmem>>, vector<1x51x64xf32>
    %swap3A_224 = vector.shape_cast %swap3A_223 : vector<1x51x64xf32> to vector<51x64xf32>
    %swap3A_225 = vector.shape_cast %slice3A_219 : vector<51x64xf32> to vector<1x51x64xf32>
    tpu.vector_store %arg9[%swap3A_220, %swap3A_221, %swap3A_222], %swap3A_225 {strides = array<i32>} : memref<16x308x64xf32, #tpu.memory_space<vmem>>, vector<1x51x64xf32>,
    %slice3A_226 = vector.extract_strided_slice %concatenate3A_69 {offsets = [0, 128], sizes = [1, 64], strides = [1, 1]} : vector<1x1024xf32> to vector<1x64xf32>
    %swap3A_227 = arith.constant 2 : index
    %swap3A_228 = arith.constant 306 : index
    %swap3A_229 = arith.constant 0 : index
    %swap3A_230 = vector.load %arg9[%swap3A_227, %swap3A_228, %swap3A_229] : memref<16x308x64xf32, #tpu.memory_space<vmem>>, vector<1x1x64xf32>
    %swap3A_231 = vector.shape_cast %swap3A_230 : vector<1x1x64xf32> to vector<1x64xf32>
    %swap3A_232 = vector.shape_cast %slice3A_226 : vector<1x64xf32> to vector<1x1x64xf32>
    tpu.vector_store %arg9[%swap3A_227, %swap3A_228, %swap3A_229], %swap3A_232 {strides = array<i32>} : memref<16x308x64xf32, #tpu.memory_space<vmem>>, vector<1x1x64xf32>,
    %slice3A_233 = vector.extract_strided_slice %concatenate3A_72 {offsets = [0, 128], sizes = [1, 64], strides = [1, 1]} : vector<1x1024xf32> to vector<1x64xf32>
    %swap3A_234 = arith.constant 2 : index
    %swap3A_235 = arith.constant 307 : index
    %swap3A_236 = arith.constant 0 : index
    %swap3A_237 = vector.load %arg9[%swap3A_234, %swap3A_235, %swap3A_236] : memref<16x308x64xf32, #tpu.memory_space<vmem>>, vector<1x1x64xf32>
    %swap3A_238 = vector.shape_cast %swap3A_237 : vector<1x1x64xf32> to vector<1x64xf32>
    %swap3A_239 = vector.shape_cast %slice3A_233 : vector<1x64xf32> to vector<1x1x64xf32>
    tpu.vector_store %arg9[%swap3A_234, %swap3A_235, %swap3A_236], %swap3A_239 {strides = array<i32>} : memref<16x308x64xf32, #tpu.memory_space<vmem>>, vector<1x1x64xf32>,
    %slice3A_240 = vector.extract_strided_slice %concatenate3A {offsets = [0, 192], sizes = [51, 64], strides = [1, 1]} : vector<51x1024xf32> to vector<51x64xf32>
    %swap3A_241 = arith.constant 3 : index
    %swap3A_242 = arith.constant 0 : index
    %swap3A_243 = arith.constant 0 : index
    %swap3A_244 = vector.load %arg9[%swap3A_241, %swap3A_242, %swap3A_243] : memref<16x308x64xf32, #tpu.memory_space<vmem>>, vector<1x51x64xf32>
    %swap3A_245 = vector.shape_cast %swap3A_244 : vector<1x51x64xf32> to vector<51x64xf32>
    %swap3A_246 = vector.shape_cast %slice3A_240 : vector<51x64xf32> to vector<1x51x64xf32>
    tpu.vector_store %arg9[%swap3A_241, %swap3A_242, %swap3A_243], %swap3A_246 {strides = array<i32>} : memref<16x308x64xf32, #tpu.memory_space<vmem>>, vector<1x51x64xf32>,
    %slice3A_247 = vector.extract_strided_slice %concatenate3A_62 {offsets = [0, 192], sizes = [51, 64], strides = [1, 1]} : vector<51x1024xf32> to vector<51x64xf32>
    %swap3A_248 = arith.constant 3 : index
    %swap3A_249 = arith.constant 51 : index
    %swap3A_250 = arith.constant 0 : index
    %swap3A_251 = vector.load %arg9[%swap3A_248, %swap3A_249, %swap3A_250] : memref<16x308x64xf32, #tpu.memory_space<vmem>>, vector<1x51x64xf32>
    %swap3A_252 = vector.shape_cast %swap3A_251 : vector<1x51x64xf32> to vector<51x64xf32>
    %swap3A_253 = vector.shape_cast %slice3A_247 : vector<51x64xf32> to vector<1x51x64xf32>
    tpu.vector_store %arg9[%swap3A_248, %swap3A_249, %swap3A_250], %swap3A_253 {strides = array<i32>} : memref<16x308x64xf32, #tpu.memory_space<vmem>>, vector<1x51x64xf32>,
    %slice3A_254 = vector.extract_strided_slice %concatenate3A_63 {offsets = [0, 192], sizes = [51, 64], strides = [1, 1]} : vector<51x1024xf32> to vector<51x64xf32>
    %swap3A_255 = arith.constant 3 : index
    %swap3A_256 = arith.constant 102 : index
    %swap3A_257 = arith.constant 0 : index
    %swap3A_258 = vector.load %arg9[%swap3A_255, %swap3A_256, %swap3A_257] : memref<16x308x64xf32, #tpu.memory_space<vmem>>, vector<1x51x64xf32>
    %swap3A_259 = vector.shape_cast %swap3A_258 : vector<1x51x64xf32> to vector<51x64xf32>
    %swap3A_260 = vector.shape_cast %slice3A_254 : vector<51x64xf32> to vector<1x51x64xf32>
    tpu.vector_store %arg9[%swap3A_255, %swap3A_256, %swap3A_257], %swap3A_260 {strides = array<i32>} : memref<16x308x64xf32, #tpu.memory_space<vmem>>, vector<1x51x64xf32>,
    %slice3A_261 = vector.extract_strided_slice %concatenate3A_64 {offsets = [0, 192], sizes = [51, 64], strides = [1, 1]} : vector<51x1024xf32> to vector<51x64xf32>
    %swap3A_262 = arith.constant 3 : index
    %swap3A_263 = arith.constant 153 : index
    %swap3A_264 = arith.constant 0 : index
    %swap3A_265 = vector.load %arg9[%swap3A_262, %swap3A_263, %swap3A_264] : memref<16x308x64xf32, #tpu.memory_space<vmem>>, vector<1x51x64xf32>
    %swap3A_266 = vector.shape_cast %swap3A_265 : vector<1x51x64xf32> to vector<51x64xf32>
    %swap3A_267 = vector.shape_cast %slice3A_261 : vector<51x64xf32> to vector<1x51x64xf32>
    tpu.vector_store %arg9[%swap3A_262, %swap3A_263, %swap3A_264], %swap3A_267 {strides = array<i32>} : memref<16x308x64xf32, #tpu.memory_space<vmem>>, vector<1x51x64xf32>,
    %slice3A_268 = vector.extract_strided_slice %concatenate3A_65 {offsets = [0, 192], sizes = [51, 64], strides = [1, 1]} : vector<51x1024xf32> to vector<51x64xf32>
    %swap3A_269 = arith.constant 3 : index
    %swap3A_270 = arith.constant 204 : index
    %swap3A_271 = arith.constant 0 : index
    %swap3A_272 = vector.load %arg9[%swap3A_269, %swap3A_270, %swap3A_271] : memref<16x308x64xf32, #tpu.memory_space<vmem>>, vector<1x51x64xf32>
    %swap3A_273 = vector.shape_cast %swap3A_272 : vector<1x51x64xf32> to vector<51x64xf32>
    %swap3A_274 = vector.shape_cast %slice3A_268 : vector<51x64xf32> to vector<1x51x64xf32>
    tpu.vector_store %arg9[%swap3A_269, %swap3A_270, %swap3A_271], %swap3A_274 {strides = array<i32>} : memref<16x308x64xf32, #tpu.memory_space<vmem>>, vector<1x51x64xf32>,
    %slice3A_275 = vector.extract_strided_slice %concatenate3A_66 {offsets = [0, 192], sizes = [51, 64], strides = [1, 1]} : vector<51x1024xf32> to vector<51x64xf32>
    %swap3A_276 = arith.constant 3 : index
    %swap3A_277 = arith.constant 255 : index
    %swap3A_278 = arith.constant 0 : index
    %swap3A_279 = vector.load %arg9[%swap3A_276, %swap3A_277, %swap3A_278] : memref<16x308x64xf32, #tpu.memory_space<vmem>>, vector<1x51x64xf32>
    %swap3A_280 = vector.shape_cast %swap3A_279 : vector<1x51x64xf32> to vector<51x64xf32>
    %swap3A_281 = vector.shape_cast %slice3A_275 : vector<51x64xf32> to vector<1x51x64xf32>
    tpu.vector_store %arg9[%swap3A_276, %swap3A_277, %swap3A_278], %swap3A_281 {strides = array<i32>} : memref<16x308x64xf32, #tpu.memory_space<vmem>>, vector<1x51x64xf32>,
    %slice3A_282 = vector.extract_strided_slice %concatenate3A_69 {offsets = [0, 192], sizes = [1, 64], strides = [1, 1]} : vector<1x1024xf32> to vector<1x64xf32>
    %swap3A_283 = arith.constant 3 : index
    %swap3A_284 = arith.constant 306 : index
    %swap3A_285 = arith.constant 0 : index
    %swap3A_286 = vector.load %arg9[%swap3A_283, %swap3A_284, %swap3A_285] : memref<16x308x64xf32, #tpu.memory_space<vmem>>, vector<1x1x64xf32>
    %swap3A_287 = vector.shape_cast %swap3A_286 : vector<1x1x64xf32> to vector<1x64xf32>
    %swap3A_288 = vector.shape_cast %slice3A_282 : vector<1x64xf32> to vector<1x1x64xf32>
    tpu.vector_store %arg9[%swap3A_283, %swap3A_284, %swap3A_285], %swap3A_288 {strides = array<i32>} : memref<16x308x64xf32, #tpu.memory_space<vmem>>, vector<1x1x64xf32>,
    %slice3A_289 = vector.extract_strided_slice %concatenate3A_72 {offsets = [0, 192], sizes = [1, 64], strides = [1, 1]} : vector<1x1024xf32> to vector<1x64xf32>
    %swap3A_290 = arith.constant 3 : index
    %swap3A_291 = arith.constant 307 : index
    %swap3A_292 = arith.constant 0 : index
    %swap3A_293 = vector.load %arg9[%swap3A_290, %swap3A_291, %swap3A_292] : memref<16x308x64xf32, #tpu.memory_space<vmem>>, vector<1x1x64xf32>
    %swap3A_294 = vector.shape_cast %swap3A_293 : vector<1x1x64xf32> to vector<1x64xf32>
    %swap3A_295 = vector.shape_cast %slice3A_289 : vector<1x64xf32> to vector<1x1x64xf32>
    tpu.vector_store %arg9[%swap3A_290, %swap3A_291, %swap3A_292], %swap3A_295 {strides = array<i32>} : memref<16x308x64xf32, #tpu.memory_space<vmem>>, vector<1x1x64xf32>,
    %slice3A_296 = vector.extract_strided_slice %concatenate3A {offsets = [0, 256], sizes = [51, 64], strides = [1, 1]} : vector<51x1024xf32> to vector<51x64xf32>
    %swap3A_297 = arith.constant 4 : index
    %swap3A_298 = arith.constant 0 : index
    %swap3A_299 = arith.constant 0 : index
    %swap3A_300 = vector.load %arg9[%swap3A_297, %swap3A_298, %swap3A_299] : memref<16x308x64xf32, #tpu.memory_space<vmem>>, vector<1x51x64xf32>
    %swap3A_301 = vector.shape_cast %swap3A_300 : vector<1x51x64xf32> to vector<51x64xf32>
    %swap3A_302 = vector.shape_cast %slice3A_296 : vector<51x64xf32> to vector<1x51x64xf32>
    tpu.vector_store %arg9[%swap3A_297, %swap3A_298, %swap3A_299], %swap3A_302 {strides = array<i32>} : memref<16x308x64xf32, #tpu.memory_space<vmem>>, vector<1x51x64xf32>,
    %slice3A_303 = vector.extract_strided_slice %concatenate3A_62 {offsets = [0, 256], sizes = [51, 64], strides = [1, 1]} : vector<51x1024xf32> to vector<51x64xf32>
    %swap3A_304 = arith.constant 4 : index
    %swap3A_305 = arith.constant 51 : index
    %swap3A_306 = arith.constant 0 : index
    %swap3A_307 = vector.load %arg9[%swap3A_304, %swap3A_305, %swap3A_306] : memref<16x308x64xf32, #tpu.memory_space<vmem>>, vector<1x51x64xf32>
    %swap3A_308 = vector.shape_cast %swap3A_307 : vector<1x51x64xf32> to vector<51x64xf32>
    %swap3A_309 = vector.shape_cast %slice3A_303 : vector<51x64xf32> to vector<1x51x64xf32>
    tpu.vector_store %arg9[%swap3A_304, %swap3A_305, %swap3A_306], %swap3A_309 {strides = array<i32>} : memref<16x308x64xf32, #tpu.memory_space<vmem>>, vector<1x51x64xf32>,
    %slice3A_310 = vector.extract_strided_slice %concatenate3A_63 {offsets = [0, 256], sizes = [51, 64], strides = [1, 1]} : vector<51x1024xf32> to vector<51x64xf32>
    %swap3A_311 = arith.constant 4 : index
    %swap3A_312 = arith.constant 102 : index
    %swap3A_313 = arith.constant 0 : index
    %swap3A_314 = vector.load %arg9[%swap3A_311, %swap3A_312, %swap3A_313] : memref<16x308x64xf32, #tpu.memory_space<vmem>>, vector<1x51x64xf32>
    %swap3A_315 = vector.shape_cast %swap3A_314 : vector<1x51x64xf32> to vector<51x64xf32>
    %swap3A_316 = vector.shape_cast %slice3A_310 : vector<51x64xf32> to vector<1x51x64xf32>
    tpu.vector_store %arg9[%swap3A_311, %swap3A_312, %swap3A_313], %swap3A_316 {strides = array<i32>} : memref<16x308x64xf32, #tpu.memory_space<vmem>>, vector<1x51x64xf32>,
    %slice3A_317 = vector.extract_strided_slice %concatenate3A_64 {offsets = [0, 256], sizes = [51, 64], strides = [1, 1]} : vector<51x1024xf32> to vector<51x64xf32>
    %swap3A_318 = arith.constant 4 : index
    %swap3A_319 = arith.constant 153 : index
    %swap3A_320 = arith.constant 0 : index
    %swap3A_321 = vector.load %arg9[%swap3A_318, %swap3A_319, %swap3A_320] : memref<16x308x64xf32, #tpu.memory_space<vmem>>, vector<1x51x64xf32>
    %swap3A_322 = vector.shape_cast %swap3A_321 : vector<1x51x64xf32> to vector<51x64xf32>
    %swap3A_323 = vector.shape_cast %slice3A_317 : vector<51x64xf32> to vector<1x51x64xf32>
    tpu.vector_store %arg9[%swap3A_318, %swap3A_319, %swap3A_320], %swap3A_323 {strides = array<i32>} : memref<16x308x64xf32, #tpu.memory_space<vmem>>, vector<1x51x64xf32>,
    %slice3A_324 = vector.extract_strided_slice %concatenate3A_65 {offsets = [0, 256], sizes = [51, 64], strides = [1, 1]} : vector<51x1024xf32> to vector<51x64xf32>
    %swap3A_325 = arith.constant 4 : index
    %swap3A_326 = arith.constant 204 : index
    %swap3A_327 = arith.constant 0 : index
    %swap3A_328 = vector.load %arg9[%swap3A_325, %swap3A_326, %swap3A_327] : memref<16x308x64xf32, #tpu.memory_space<vmem>>, vector<1x51x64xf32>
    %swap3A_329 = vector.shape_cast %swap3A_328 : vector<1x51x64xf32> to vector<51x64xf32>
    %swap3A_330 = vector.shape_cast %slice3A_324 : vector<51x64xf32> to vector<1x51x64xf32>
    tpu.vector_store %arg9[%swap3A_325, %swap3A_326, %swap3A_327], %swap3A_330 {strides = array<i32>} : memref<16x308x64xf32, #tpu.memory_space<vmem>>, vector<1x51x64xf32>,
    %slice3A_331 = vector.extract_strided_slice %concatenate3A_66 {offsets = [0, 256], sizes = [51, 64], strides = [1, 1]} : vector<51x1024xf32> to vector<51x64xf32>
    %swap3A_332 = arith.constant 4 : index
    %swap3A_333 = arith.constant 255 : index
    %swap3A_334 = arith.constant 0 : index
    %swap3A_335 = vector.load %arg9[%swap3A_332, %swap3A_333, %swap3A_334] : memref<16x308x64xf32, #tpu.memory_space<vmem>>, vector<1x51x64xf32>
    %swap3A_336 = vector.shape_cast %swap3A_335 : vector<1x51x64xf32> to vector<51x64xf32>
    %swap3A_337 = vector.shape_cast %slice3A_331 : vector<51x64xf32> to vector<1x51x64xf32>
    tpu.vector_store %arg9[%swap3A_332, %swap3A_333, %swap3A_334], %swap3A_337 {strides = array<i32>} : memref<16x308x64xf32, #tpu.memory_space<vmem>>, vector<1x51x64xf32>,
    %slice3A_338 = vector.extract_strided_slice %concatenate3A_69 {offsets = [0, 256], sizes = [1, 64], strides = [1, 1]} : vector<1x1024xf32> to vector<1x64xf32>
    %swap3A_339 = arith.constant 4 : index
    %swap3A_340 = arith.constant 306 : index
    %swap3A_341 = arith.constant 0 : index
    %swap3A_342 = vector.load %arg9[%swap3A_339, %swap3A_340, %swap3A_341] : memref<16x308x64xf32, #tpu.memory_space<vmem>>, vector<1x1x64xf32>
    %swap3A_343 = vector.shape_cast %swap3A_342 : vector<1x1x64xf32> to vector<1x64xf32>
    %swap3A_344 = vector.shape_cast %slice3A_338 : vector<1x64xf32> to vector<1x1x64xf32>
    tpu.vector_store %arg9[%swap3A_339, %swap3A_340, %swap3A_341], %swap3A_344 {strides = array<i32>} : memref<16x308x64xf32, #tpu.memory_space<vmem>>, vector<1x1x64xf32>,
    %slice3A_345 = vector.extract_strided_slice %concatenate3A_72 {offsets = [0, 256], sizes = [1, 64], strides = [1, 1]} : vector<1x1024xf32> to vector<1x64xf32>
    %swap3A_346 = arith.constant 4 : index
    %swap3A_347 = arith.constant 307 : index
    %swap3A_348 = arith.constant 0 : index
    %swap3A_349 = vector.load %arg9[%swap3A_346, %swap3A_347, %swap3A_348] : memref<16x308x64xf32, #tpu.memory_space<vmem>>, vector<1x1x64xf32>
    %swap3A_350 = vector.shape_cast %swap3A_349 : vector<1x1x64xf32> to vector<1x64xf32>
    %swap3A_351 = vector.shape_cast %slice3A_345 : vector<1x64xf32> to vector<1x1x64xf32>
    tpu.vector_store %arg9[%swap3A_346, %swap3A_347, %swap3A_348], %swap3A_351 {strides = array<i32>} : memref<16x308x64xf32, #tpu.memory_space<vmem>>, vector<1x1x64xf32>,
    %slice3A_352 = vector.extract_strided_slice %concatenate3A {offsets = [0, 320], sizes = [51, 64], strides = [1, 1]} : vector<51x1024xf32> to vector<51x64xf32>
    %swap3A_353 = arith.constant 5 : index
    %swap3A_354 = arith.constant 0 : index
    %swap3A_355 = arith.constant 0 : index
    %swap3A_356 = vector.load %arg9[%swap3A_353, %swap3A_354, %swap3A_355] : memref<16x308x64xf32, #tpu.memory_space<vmem>>, vector<1x51x64xf32>
    %swap3A_357 = vector.shape_cast %swap3A_356 : vector<1x51x64xf32> to vector<51x64xf32>
    %swap3A_358 = vector.shape_cast %slice3A_352 : vector<51x64xf32> to vector<1x51x64xf32>
    tpu.vector_store %arg9[%swap3A_353, %swap3A_354, %swap3A_355], %swap3A_358 {strides = array<i32>} : memref<16x308x64xf32, #tpu.memory_space<vmem>>, vector<1x51x64xf32>,
    %slice3A_359 = vector.extract_strided_slice %concatenate3A_62 {offsets = [0, 320], sizes = [51, 64], strides = [1, 1]} : vector<51x1024xf32> to vector<51x64xf32>
    %swap3A_360 = arith.constant 5 : index
    %swap3A_361 = arith.constant 51 : index
    %swap3A_362 = arith.constant 0 : index
    %swap3A_363 = vector.load %arg9[%swap3A_360, %swap3A_361, %swap3A_362] : memref<16x308x64xf32, #tpu.memory_space<vmem>>, vector<1x51x64xf32>
    %swap3A_364 = vector.shape_cast %swap3A_363 : vector<1x51x64xf32> to vector<51x64xf32>
    %swap3A_365 = vector.shape_cast %slice3A_359 : vector<51x64xf32> to vector<1x51x64xf32>
    tpu.vector_store %arg9[%swap3A_360, %swap3A_361, %swap3A_362], %swap3A_365 {strides = array<i32>} : memref<16x308x64xf32, #tpu.memory_space<vmem>>, vector<1x51x64xf32>,
    %slice3A_366 = vector.extract_strided_slice %concatenate3A_63 {offsets = [0, 320], sizes = [51, 64], strides = [1, 1]} : vector<51x1024xf32> to vector<51x64xf32>
    %swap3A_367 = arith.constant 5 : index
    %swap3A_368 = arith.constant 102 : index
    %swap3A_369 = arith.constant 0 : index
    %swap3A_370 = vector.load %arg9[%swap3A_367, %swap3A_368, %swap3A_369] : memref<16x308x64xf32, #tpu.memory_space<vmem>>, vector<1x51x64xf32>
    %swap3A_371 = vector.shape_cast %swap3A_370 : vector<1x51x64xf32> to vector<51x64xf32>
    %swap3A_372 = vector.shape_cast %slice3A_366 : vector<51x64xf32> to vector<1x51x64xf32>
    tpu.vector_store %arg9[%swap3A_367, %swap3A_368, %swap3A_369], %swap3A_372 {strides = array<i32>} : memref<16x308x64xf32, #tpu.memory_space<vmem>>, vector<1x51x64xf32>,
    %slice3A_373 = vector.extract_strided_slice %concatenate3A_64 {offsets = [0, 320], sizes = [51, 64], strides = [1, 1]} : vector<51x1024xf32> to vector<51x64xf32>
    %swap3A_374 = arith.constant 5 : index
    %swap3A_375 = arith.constant 153 : index
    %swap3A_376 = arith.constant 0 : index
    %swap3A_377 = vector.load %arg9[%swap3A_374, %swap3A_375, %swap3A_376] : memref<16x308x64xf32, #tpu.memory_space<vmem>>, vector<1x51x64xf32>
    %swap3A_378 = vector.shape_cast %swap3A_377 : vector<1x51x64xf32> to vector<51x64xf32>
    %swap3A_379 = vector.shape_cast %slice3A_373 : vector<51x64xf32> to vector<1x51x64xf32>
    tpu.vector_store %arg9[%swap3A_374, %swap3A_375, %swap3A_376], %swap3A_379 {strides = array<i32>} : memref<16x308x64xf32, #tpu.memory_space<vmem>>, vector<1x51x64xf32>,
    %slice3A_380 = vector.extract_strided_slice %concatenate3A_65 {offsets = [0, 320], sizes = [51, 64], strides = [1, 1]} : vector<51x1024xf32> to vector<51x64xf32>
    %swap3A_381 = arith.constant 5 : index
    %swap3A_382 = arith.constant 204 : index
    %swap3A_383 = arith.constant 0 : index
    %swap3A_384 = vector.load %arg9[%swap3A_381, %swap3A_382, %swap3A_383] : memref<16x308x64xf32, #tpu.memory_space<vmem>>, vector<1x51x64xf32>
    %swap3A_385 = vector.shape_cast %swap3A_384 : vector<1x51x64xf32> to vector<51x64xf32>
    %swap3A_386 = vector.shape_cast %slice3A_380 : vector<51x64xf32> to vector<1x51x64xf32>
    tpu.vector_store %arg9[%swap3A_381, %swap3A_382, %swap3A_383], %swap3A_386 {strides = array<i32>} : memref<16x308x64xf32, #tpu.memory_space<vmem>>, vector<1x51x64xf32>,
    %slice3A_387 = vector.extract_strided_slice %concatenate3A_66 {offsets = [0, 320], sizes = [51, 64], strides = [1, 1]} : vector<51x1024xf32> to vector<51x64xf32>
    %swap3A_388 = arith.constant 5 : index
    %swap3A_389 = arith.constant 255 : index
    %swap3A_390 = arith.constant 0 : index
    %swap3A_391 = vector.load %arg9[%swap3A_388, %swap3A_389, %swap3A_390] : memref<16x308x64xf32, #tpu.memory_space<vmem>>, vector<1x51x64xf32>
    %swap3A_392 = vector.shape_cast %swap3A_391 : vector<1x51x64xf32> to vector<51x64xf32>
    %swap3A_393 = vector.shape_cast %slice3A_387 : vector<51x64xf32> to vector<1x51x64xf32>
    tpu.vector_store %arg9[%swap3A_388, %swap3A_389, %swap3A_390], %swap3A_393 {strides = array<i32>} : memref<16x308x64xf32, #tpu.memory_space<vmem>>, vector<1x51x64xf32>,
    %slice3A_394 = vector.extract_strided_slice %concatenate3A_69 {offsets = [0, 320], sizes = [1, 64], strides = [1, 1]} : vector<1x1024xf32> to vector<1x64xf32>
    %swap3A_395 = arith.constant 5 : index
    %swap3A_396 = arith.constant 306 : index
    %swap3A_397 = arith.constant 0 : index
    %swap3A_398 = vector.load %arg9[%swap3A_395, %swap3A_396, %swap3A_397] : memref<16x308x64xf32, #tpu.memory_space<vmem>>, vector<1x1x64xf32>
    %swap3A_399 = vector.shape_cast %swap3A_398 : vector<1x1x64xf32> to vector<1x64xf32>
    %swap3A_400 = vector.shape_cast %slice3A_394 : vector<1x64xf32> to vector<1x1x64xf32>
    tpu.vector_store %arg9[%swap3A_395, %swap3A_396, %swap3A_397], %swap3A_400 {strides = array<i32>} : memref<16x308x64xf32, #tpu.memory_space<vmem>>, vector<1x1x64xf32>,
    %slice3A_401 = vector.extract_strided_slice %concatenate3A_72 {offsets = [0, 320], sizes = [1, 64], strides = [1, 1]} : vector<1x1024xf32> to vector<1x64xf32>
    %swap3A_402 = arith.constant 5 : index
    %swap3A_403 = arith.constant 307 : index
    %swap3A_404 = arith.constant 0 : index
    %swap3A_405 = vector.load %arg9[%swap3A_402, %swap3A_403, %swap3A_404] : memref<16x308x64xf32, #tpu.memory_space<vmem>>, vector<1x1x64xf32>
    %swap3A_406 = vector.shape_cast %swap3A_405 : vector<1x1x64xf32> to vector<1x64xf32>
    %swap3A_407 = vector.shape_cast %slice3A_401 : vector<1x64xf32> to vector<1x1x64xf32>
    tpu.vector_store %arg9[%swap3A_402, %swap3A_403, %swap3A_404], %swap3A_407 {strides = array<i32>} : memref<16x308x64xf32, #tpu.memory_space<vmem>>, vector<1x1x64xf32>,
    %slice3A_408 = vector.extract_strided_slice %concatenate3A {offsets = [0, 384], sizes = [51, 64], strides = [1, 1]} : vector<51x1024xf32> to vector<51x64xf32>
    %swap3A_409 = arith.constant 6 : index
    %swap3A_410 = arith.constant 0 : index
    %swap3A_411 = arith.constant 0 : index
    %swap3A_412 = vector.load %arg9[%swap3A_409, %swap3A_410, %swap3A_411] : memref<16x308x64xf32, #tpu.memory_space<vmem>>, vector<1x51x64xf32>
    %swap3A_413 = vector.shape_cast %swap3A_412 : vector<1x51x64xf32> to vector<51x64xf32>
    %swap3A_414 = vector.shape_cast %slice3A_408 : vector<51x64xf32> to vector<1x51x64xf32>
    tpu.vector_store %arg9[%swap3A_409, %swap3A_410, %swap3A_411], %swap3A_414 {strides = array<i32>} : memref<16x308x64xf32, #tpu.memory_space<vmem>>, vector<1x51x64xf32>,
    %slice3A_415 = vector.extract_strided_slice %concatenate3A_62 {offsets = [0, 384], sizes = [51, 64], strides = [1, 1]} : vector<51x1024xf32> to vector<51x64xf32>
    %swap3A_416 = arith.constant 6 : index
    %swap3A_417 = arith.constant 51 : index
    %swap3A_418 = arith.constant 0 : index
    %swap3A_419 = vector.load %arg9[%swap3A_416, %swap3A_417, %swap3A_418] : memref<16x308x64xf32, #tpu.memory_space<vmem>>, vector<1x51x64xf32>
    %swap3A_420 = vector.shape_cast %swap3A_419 : vector<1x51x64xf32> to vector<51x64xf32>
    %swap3A_421 = vector.shape_cast %slice3A_415 : vector<51x64xf32> to vector<1x51x64xf32>
    tpu.vector_store %arg9[%swap3A_416, %swap3A_417, %swap3A_418], %swap3A_421 {strides = array<i32>} : memref<16x308x64xf32, #tpu.memory_space<vmem>>, vector<1x51x64xf32>,
    %slice3A_422 = vector.extract_strided_slice %concatenate3A_63 {offsets = [0, 384], sizes = [51, 64], strides = [1, 1]} : vector<51x1024xf32> to vector<51x64xf32>
    %swap3A_423 = arith.constant 6 : index
    %swap3A_424 = arith.constant 102 : index
    %swap3A_425 = arith.constant 0 : index
    %swap3A_426 = vector.load %arg9[%swap3A_423, %swap3A_424, %swap3A_425] : memref<16x308x64xf32, #tpu.memory_space<vmem>>, vector<1x51x64xf32>
    %swap3A_427 = vector.shape_cast %swap3A_426 : vector<1x51x64xf32> to vector<51x64xf32>
    %swap3A_428 = vector.shape_cast %slice3A_422 : vector<51x64xf32> to vector<1x51x64xf32>
    tpu.vector_store %arg9[%swap3A_423, %swap3A_424, %swap3A_425], %swap3A_428 {strides = array<i32>} : memref<16x308x64xf32, #tpu.memory_space<vmem>>, vector<1x51x64xf32>,
    %slice3A_429 = vector.extract_strided_slice %concatenate3A_64 {offsets = [0, 384], sizes = [51, 64], strides = [1, 1]} : vector<51x1024xf32> to vector<51x64xf32>
    %swap3A_430 = arith.constant 6 : index
    %swap3A_431 = arith.constant 153 : index
    %swap3A_432 = arith.constant 0 : index
    %swap3A_433 = vector.load %arg9[%swap3A_430, %swap3A_431, %swap3A_432] : memref<16x308x64xf32, #tpu.memory_space<vmem>>, vector<1x51x64xf32>
    %swap3A_434 = vector.shape_cast %swap3A_433 : vector<1x51x64xf32> to vector<51x64xf32>
    %swap3A_435 = vector.shape_cast %slice3A_429 : vector<51x64xf32> to vector<1x51x64xf32>
    tpu.vector_store %arg9[%swap3A_430, %swap3A_431, %swap3A_432], %swap3A_435 {strides = array<i32>} : memref<16x308x64xf32, #tpu.memory_space<vmem>>, vector<1x51x64xf32>,
    %slice3A_436 = vector.extract_strided_slice %concatenate3A_65 {offsets = [0, 384], sizes = [51, 64], strides = [1, 1]} : vector<51x1024xf32> to vector<51x64xf32>
    %swap3A_437 = arith.constant 6 : index
    %swap3A_438 = arith.constant 204 : index
    %swap3A_439 = arith.constant 0 : index
    %swap3A_440 = vector.load %arg9[%swap3A_437, %swap3A_438, %swap3A_439] : memref<16x308x64xf32, #tpu.memory_space<vmem>>, vector<1x51x64xf32>
    %swap3A_441 = vector.shape_cast %swap3A_440 : vector<1x51x64xf32> to vector<51x64xf32>
    %swap3A_442 = vector.shape_cast %slice3A_436 : vector<51x64xf32> to vector<1x51x64xf32>
    tpu.vector_store %arg9[%swap3A_437, %swap3A_438, %swap3A_439], %swap3A_442 {strides = array<i32>} : memref<16x308x64xf32, #tpu.memory_space<vmem>>, vector<1x51x64xf32>,
    %slice3A_443 = vector.extract_strided_slice %concatenate3A_66 {offsets = [0, 384], sizes = [51, 64], strides = [1, 1]} : vector<51x1024xf32> to vector<51x64xf32>
    %swap3A_444 = arith.constant 6 : index
    %swap3A_445 = arith.constant 255 : index
    %swap3A_446 = arith.constant 0 : index
    %swap3A_447 = vector.load %arg9[%swap3A_444, %swap3A_445, %swap3A_446] : memref<16x308x64xf32, #tpu.memory_space<vmem>>, vector<1x51x64xf32>
    %swap3A_448 = vector.shape_cast %swap3A_447 : vector<1x51x64xf32> to vector<51x64xf32>
    %swap3A_449 = vector.shape_cast %slice3A_443 : vector<51x64xf32> to vector<1x51x64xf32>
    tpu.vector_store %arg9[%swap3A_444, %swap3A_445, %swap3A_446], %swap3A_449 {strides = array<i32>} : memref<16x308x64xf32, #tpu.memory_space<vmem>>, vector<1x51x64xf32>,
    %slice3A_450 = vector.extract_strided_slice %concatenate3A_69 {offsets = [0, 384], sizes = [1, 64], strides = [1, 1]} : vector<1x1024xf32> to vector<1x64xf32>
    %swap3A_451 = arith.constant 6 : index
    %swap3A_452 = arith.constant 306 : index
    %swap3A_453 = arith.constant 0 : index
    %swap3A_454 = vector.load %arg9[%swap3A_451, %swap3A_452, %swap3A_453] : memref<16x308x64xf32, #tpu.memory_space<vmem>>, vector<1x1x64xf32>
    %swap3A_455 = vector.shape_cast %swap3A_454 : vector<1x1x64xf32> to vector<1x64xf32>
    %swap3A_456 = vector.shape_cast %slice3A_450 : vector<1x64xf32> to vector<1x1x64xf32>
    tpu.vector_store %arg9[%swap3A_451, %swap3A_452, %swap3A_453], %swap3A_456 {strides = array<i32>} : memref<16x308x64xf32, #tpu.memory_space<vmem>>, vector<1x1x64xf32>,
    %slice3A_457 = vector.extract_strided_slice %concatenate3A_72 {offsets = [0, 384], sizes = [1, 64], strides = [1, 1]} : vector<1x1024xf32> to vector<1x64xf32>
    %swap3A_458 = arith.constant 6 : index
    %swap3A_459 = arith.constant 307 : index
    %swap3A_460 = arith.constant 0 : index
    %swap3A_461 = vector.load %arg9[%swap3A_458, %swap3A_459, %swap3A_460] : memref<16x308x64xf32, #tpu.memory_space<vmem>>, vector<1x1x64xf32>
    %swap3A_462 = vector.shape_cast %swap3A_461 : vector<1x1x64xf32> to vector<1x64xf32>
    %swap3A_463 = vector.shape_cast %slice3A_457 : vector<1x64xf32> to vector<1x1x64xf32>
    tpu.vector_store %arg9[%swap3A_458, %swap3A_459, %swap3A_460], %swap3A_463 {strides = array<i32>} : memref<16x308x64xf32, #tpu.memory_space<vmem>>, vector<1x1x64xf32>,
    %slice3A_464 = vector.extract_strided_slice %concatenate3A {offsets = [0, 448], sizes = [51, 64], strides = [1, 1]} : vector<51x1024xf32> to vector<51x64xf32>
    %swap3A_465 = arith.constant 7 : index
    %swap3A_466 = arith.constant 0 : index
    %swap3A_467 = arith.constant 0 : index
    %swap3A_468 = vector.load %arg9[%swap3A_465, %swap3A_466, %swap3A_467] : memref<16x308x64xf32, #tpu.memory_space<vmem>>, vector<1x51x64xf32>
    %swap3A_469 = vector.shape_cast %swap3A_468 : vector<1x51x64xf32> to vector<51x64xf32>
    %swap3A_470 = vector.shape_cast %slice3A_464 : vector<51x64xf32> to vector<1x51x64xf32>
    tpu.vector_store %arg9[%swap3A_465, %swap3A_466, %swap3A_467], %swap3A_470 {strides = array<i32>} : memref<16x308x64xf32, #tpu.memory_space<vmem>>, vector<1x51x64xf32>,
    %slice3A_471 = vector.extract_strided_slice %concatenate3A_62 {offsets = [0, 448], sizes = [51, 64], strides = [1, 1]} : vector<51x1024xf32> to vector<51x64xf32>
    %swap3A_472 = arith.constant 7 : index
    %swap3A_473 = arith.constant 51 : index
    %swap3A_474 = arith.constant 0 : index
    %swap3A_475 = vector.load %arg9[%swap3A_472, %swap3A_473, %swap3A_474] : memref<16x308x64xf32, #tpu.memory_space<vmem>>, vector<1x51x64xf32>
    %swap3A_476 = vector.shape_cast %swap3A_475 : vector<1x51x64xf32> to vector<51x64xf32>
    %swap3A_477 = vector.shape_cast %slice3A_471 : vector<51x64xf32> to vector<1x51x64xf32>
    tpu.vector_store %arg9[%swap3A_472, %swap3A_473, %swap3A_474], %swap3A_477 {strides = array<i32>} : memref<16x308x64xf32, #tpu.memory_space<vmem>>, vector<1x51x64xf32>,
    %slice3A_478 = vector.extract_strided_slice %concatenate3A_63 {offsets = [0, 448], sizes = [51, 64], strides = [1, 1]} : vector<51x1024xf32> to vector<51x64xf32>
    %swap3A_479 = arith.constant 7 : index
    %swap3A_480 = arith.constant 102 : index
    %swap3A_481 = arith.constant 0 : index
    %swap3A_482 = vector.load %arg9[%swap3A_479, %swap3A_480, %swap3A_481] : memref<16x308x64xf32, #tpu.memory_space<vmem>>, vector<1x51x64xf32>
    %swap3A_483 = vector.shape_cast %swap3A_482 : vector<1x51x64xf32> to vector<51x64xf32>
    %swap3A_484 = vector.shape_cast %slice3A_478 : vector<51x64xf32> to vector<1x51x64xf32>
    tpu.vector_store %arg9[%swap3A_479, %swap3A_480, %swap3A_481], %swap3A_484 {strides = array<i32>} : memref<16x308x64xf32, #tpu.memory_space<vmem>>, vector<1x51x64xf32>,
    %slice3A_485 = vector.extract_strided_slice %concatenate3A_64 {offsets = [0, 448], sizes = [51, 64], strides = [1, 1]} : vector<51x1024xf32> to vector<51x64xf32>
    %swap3A_486 = arith.constant 7 : index
    %swap3A_487 = arith.constant 153 : index
    %swap3A_488 = arith.constant 0 : index
    %swap3A_489 = vector.load %arg9[%swap3A_486, %swap3A_487, %swap3A_488] : memref<16x308x64xf32, #tpu.memory_space<vmem>>, vector<1x51x64xf32>
    %swap3A_490 = vector.shape_cast %swap3A_489 : vector<1x51x64xf32> to vector<51x64xf32>
    %swap3A_491 = vector.shape_cast %slice3A_485 : vector<51x64xf32> to vector<1x51x64xf32>
    tpu.vector_store %arg9[%swap3A_486, %swap3A_487, %swap3A_488], %swap3A_491 {strides = array<i32>} : memref<16x308x64xf32, #tpu.memory_space<vmem>>, vector<1x51x64xf32>,
    %slice3A_492 = vector.extract_strided_slice %concatenate3A_65 {offsets = [0, 448], sizes = [51, 64], strides = [1, 1]} : vector<51x1024xf32> to vector<51x64xf32>
    %swap3A_493 = arith.constant 7 : index
    %swap3A_494 = arith.constant 204 : index
    %swap3A_495 = arith.constant 0 : index
    %swap3A_496 = vector.load %arg9[%swap3A_493, %swap3A_494, %swap3A_495] : memref<16x308x64xf32, #tpu.memory_space<vmem>>, vector<1x51x64xf32>
    %swap3A_497 = vector.shape_cast %swap3A_496 : vector<1x51x64xf32> to vector<51x64xf32>
    %swap3A_498 = vector.shape_cast %slice3A_492 : vector<51x64xf32> to vector<1x51x64xf32>
    tpu.vector_store %arg9[%swap3A_493, %swap3A_494, %swap3A_495], %swap3A_498 {strides = array<i32>} : memref<16x308x64xf32, #tpu.memory_space<vmem>>, vector<1x51x64xf32>,
    %slice3A_499 = vector.extract_strided_slice %concatenate3A_66 {offsets = [0, 448], sizes = [51, 64], strides = [1, 1]} : vector<51x1024xf32> to vector<51x64xf32>
    %swap3A_500 = arith.constant 7 : index
    %swap3A_501 = arith.constant 255 : index
    %swap3A_502 = arith.constant 0 : index
    %swap3A_503 = vector.load %arg9[%swap3A_500, %swap3A_501, %swap3A_502] : memref<16x308x64xf32, #tpu.memory_space<vmem>>, vector<1x51x64xf32>
    %swap3A_504 = vector.shape_cast %swap3A_503 : vector<1x51x64xf32> to vector<51x64xf32>
    %swap3A_505 = vector.shape_cast %slice3A_499 : vector<51x64xf32> to vector<1x51x64xf32>
    tpu.vector_store %arg9[%swap3A_500, %swap3A_501, %swap3A_502], %swap3A_505 {strides = array<i32>} : memref<16x308x64xf32, #tpu.memory_space<vmem>>, vector<1x51x64xf32>,
    %slice3A_506 = vector.extract_strided_slice %concatenate3A_69 {offsets = [0, 448], sizes = [1, 64], strides = [1, 1]} : vector<1x1024xf32> to vector<1x64xf32>
    %swap3A_507 = arith.constant 7 : index
    %swap3A_508 = arith.constant 306 : index
    %swap3A_509 = arith.constant 0 : index
    %swap3A_510 = vector.load %arg9[%swap3A_507, %swap3A_508, %swap3A_509] : memref<16x308x64xf32, #tpu.memory_space<vmem>>, vector<1x1x64xf32>
    %swap3A_511 = vector.shape_cast %swap3A_510 : vector<1x1x64xf32> to vector<1x64xf32>
    %swap3A_512 = vector.shape_cast %slice3A_506 : vector<1x64xf32> to vector<1x1x64xf32>
    tpu.vector_store %arg9[%swap3A_507, %swap3A_508, %swap3A_509], %swap3A_512 {strides = array<i32>} : memref<16x308x64xf32, #tpu.memory_space<vmem>>, vector<1x1x64xf32>,
    %slice3A_513 = vector.extract_strided_slice %concatenate3A_72 {offsets = [0, 448], sizes = [1, 64], strides = [1, 1]} : vector<1x1024xf32> to vector<1x64xf32>
    %swap3A_514 = arith.constant 7 : index
    %swap3A_515 = arith.constant 307 : index
    %swap3A_516 = arith.constant 0 : index
    %swap3A_517 = vector.load %arg9[%swap3A_514, %swap3A_515, %swap3A_516] : memref<16x308x64xf32, #tpu.memory_space<vmem>>, vector<1x1x64xf32>
    %swap3A_518 = vector.shape_cast %swap3A_517 : vector<1x1x64xf32> to vector<1x64xf32>
    %swap3A_519 = vector.shape_cast %slice3A_513 : vector<1x64xf32> to vector<1x1x64xf32>
    tpu.vector_store %arg9[%swap3A_514, %swap3A_515, %swap3A_516], %swap3A_519 {strides = array<i32>} : memref<16x308x64xf32, #tpu.memory_space<vmem>>, vector<1x1x64xf32>,
    %slice3A_520 = vector.extract_strided_slice %concatenate3A {offsets = [0, 512], sizes = [51, 64], strides = [1, 1]} : vector<51x1024xf32> to vector<51x64xf32>
    %swap3A_521 = arith.constant 8 : index
    %swap3A_522 = arith.constant 0 : index
    %swap3A_523 = arith.constant 0 : index
    %swap3A_524 = vector.load %arg9[%swap3A_521, %swap3A_522, %swap3A_523] : memref<16x308x64xf32, #tpu.memory_space<vmem>>, vector<1x51x64xf32>
    %swap3A_525 = vector.shape_cast %swap3A_524 : vector<1x51x64xf32> to vector<51x64xf32>
    %swap3A_526 = vector.shape_cast %slice3A_520 : vector<51x64xf32> to vector<1x51x64xf32>
    tpu.vector_store %arg9[%swap3A_521, %swap3A_522, %swap3A_523], %swap3A_526 {strides = array<i32>} : memref<16x308x64xf32, #tpu.memory_space<vmem>>, vector<1x51x64xf32>,
    %slice3A_527 = vector.extract_strided_slice %concatenate3A_62 {offsets = [0, 512], sizes = [51, 64], strides = [1, 1]} : vector<51x1024xf32> to vector<51x64xf32>
    %swap3A_528 = arith.constant 8 : index
    %swap3A_529 = arith.constant 51 : index
    %swap3A_530 = arith.constant 0 : index
    %swap3A_531 = vector.load %arg9[%swap3A_528, %swap3A_529, %swap3A_530] : memref<16x308x64xf32, #tpu.memory_space<vmem>>, vector<1x51x64xf32>
    %swap3A_532 = vector.shape_cast %swap3A_531 : vector<1x51x64xf32> to vector<51x64xf32>
    %swap3A_533 = vector.shape_cast %slice3A_527 : vector<51x64xf32> to vector<1x51x64xf32>
    tpu.vector_store %arg9[%swap3A_528, %swap3A_529, %swap3A_530], %swap3A_533 {strides = array<i32>} : memref<16x308x64xf32, #tpu.memory_space<vmem>>, vector<1x51x64xf32>,
    %slice3A_534 = vector.extract_strided_slice %concatenate3A_63 {offsets = [0, 512], sizes = [51, 64], strides = [1, 1]} : vector<51x1024xf32> to vector<51x64xf32>
    %swap3A_535 = arith.constant 8 : index
    %swap3A_536 = arith.constant 102 : index
    %swap3A_537 = arith.constant 0 : index
    %swap3A_538 = vector.load %arg9[%swap3A_535, %swap3A_536, %swap3A_537] : memref<16x308x64xf32, #tpu.memory_space<vmem>>, vector<1x51x64xf32>
    %swap3A_539 = vector.shape_cast %swap3A_538 : vector<1x51x64xf32> to vector<51x64xf32>
    %swap3A_540 = vector.shape_cast %slice3A_534 : vector<51x64xf32> to vector<1x51x64xf32>
    tpu.vector_store %arg9[%swap3A_535, %swap3A_536, %swap3A_537], %swap3A_540 {strides = array<i32>} : memref<16x308x64xf32, #tpu.memory_space<vmem>>, vector<1x51x64xf32>,
    %slice3A_541 = vector.extract_strided_slice %concatenate3A_64 {offsets = [0, 512], sizes = [51, 64], strides = [1, 1]} : vector<51x1024xf32> to vector<51x64xf32>
    %swap3A_542 = arith.constant 8 : index
    %swap3A_543 = arith.constant 153 : index
    %swap3A_544 = arith.constant 0 : index
    %swap3A_545 = vector.load %arg9[%swap3A_542, %swap3A_543, %swap3A_544] : memref<16x308x64xf32, #tpu.memory_space<vmem>>, vector<1x51x64xf32>
    %swap3A_546 = vector.shape_cast %swap3A_545 : vector<1x51x64xf32> to vector<51x64xf32>
    %swap3A_547 = vector.shape_cast %slice3A_541 : vector<51x64xf32> to vector<1x51x64xf32>
    tpu.vector_store %arg9[%swap3A_542, %swap3A_543, %swap3A_544], %swap3A_547 {strides = array<i32>} : memref<16x308x64xf32, #tpu.memory_space<vmem>>, vector<1x51x64xf32>,
    %slice3A_548 = vector.extract_strided_slice %concatenate3A_65 {offsets = [0, 512], sizes = [51, 64], strides = [1, 1]} : vector<51x1024xf32> to vector<51x64xf32>
    %swap3A_549 = arith.constant 8 : index
    %swap3A_550 = arith.constant 204 : index
    %swap3A_551 = arith.constant 0 : index
    %swap3A_552 = vector.load %arg9[%swap3A_549, %swap3A_550, %swap3A_551] : memref<16x308x64xf32, #tpu.memory_space<vmem>>, vector<1x51x64xf32>
    %swap3A_553 = vector.shape_cast %swap3A_552 : vector<1x51x64xf32> to vector<51x64xf32>
    %swap3A_554 = vector.shape_cast %slice3A_548 : vector<51x64xf32> to vector<1x51x64xf32>
    tpu.vector_store %arg9[%swap3A_549, %swap3A_550, %swap3A_551], %swap3A_554 {strides = array<i32>} : memref<16x308x64xf32, #tpu.memory_space<vmem>>, vector<1x51x64xf32>,
    %slice3A_555 = vector.extract_strided_slice %concatenate3A_66 {offsets = [0, 512], sizes = [51, 64], strides = [1, 1]} : vector<51x1024xf32> to vector<51x64xf32>
    %swap3A_556 = arith.constant 8 : index
    %swap3A_557 = arith.constant 255 : index
    %swap3A_558 = arith.constant 0 : index
    %swap3A_559 = vector.load %arg9[%swap3A_556, %swap3A_557, %swap3A_558] : memref<16x308x64xf32, #tpu.memory_space<vmem>>, vector<1x51x64xf32>
    %swap3A_560 = vector.shape_cast %swap3A_559 : vector<1x51x64xf32> to vector<51x64xf32>
    %swap3A_561 = vector.shape_cast %slice3A_555 : vector<51x64xf32> to vector<1x51x64xf32>
    tpu.vector_store %arg9[%swap3A_556, %swap3A_557, %swap3A_558], %swap3A_561 {strides = array<i32>} : memref<16x308x64xf32, #tpu.memory_space<vmem>>, vector<1x51x64xf32>,
    %slice3A_562 = vector.extract_strided_slice %concatenate3A_69 {offsets = [0, 512], sizes = [1, 64], strides = [1, 1]} : vector<1x1024xf32> to vector<1x64xf32>
    %swap3A_563 = arith.constant 8 : index
    %swap3A_564 = arith.constant 306 : index
    %swap3A_565 = arith.constant 0 : index
    %swap3A_566 = vector.load %arg9[%swap3A_563, %swap3A_564, %swap3A_565] : memref<16x308x64xf32, #tpu.memory_space<vmem>>, vector<1x1x64xf32>
    %swap3A_567 = vector.shape_cast %swap3A_566 : vector<1x1x64xf32> to vector<1x64xf32>
    %swap3A_568 = vector.shape_cast %slice3A_562 : vector<1x64xf32> to vector<1x1x64xf32>
    tpu.vector_store %arg9[%swap3A_563, %swap3A_564, %swap3A_565], %swap3A_568 {strides = array<i32>} : memref<16x308x64xf32, #tpu.memory_space<vmem>>, vector<1x1x64xf32>,
    %slice3A_569 = vector.extract_strided_slice %concatenate3A_72 {offsets = [0, 512], sizes = [1, 64], strides = [1, 1]} : vector<1x1024xf32> to vector<1x64xf32>
    %swap3A_570 = arith.constant 8 : index
    %swap3A_571 = arith.constant 307 : index
    %swap3A_572 = arith.constant 0 : index
    %swap3A_573 = vector.load %arg9[%swap3A_570, %swap3A_571, %swap3A_572] : memref<16x308x64xf32, #tpu.memory_space<vmem>>, vector<1x1x64xf32>
    %swap3A_574 = vector.shape_cast %swap3A_573 : vector<1x1x64xf32> to vector<1x64xf32>
    %swap3A_575 = vector.shape_cast %slice3A_569 : vector<1x64xf32> to vector<1x1x64xf32>
    tpu.vector_store %arg9[%swap3A_570, %swap3A_571, %swap3A_572], %swap3A_575 {strides = array<i32>} : memref<16x308x64xf32, #tpu.memory_space<vmem>>, vector<1x1x64xf32>,
    %slice3A_576 = vector.extract_strided_slice %concatenate3A {offsets = [0, 576], sizes = [51, 64], strides = [1, 1]} : vector<51x1024xf32> to vector<51x64xf32>
    %swap3A_577 = arith.constant 9 : index
    %swap3A_578 = arith.constant 0 : index
    %swap3A_579 = arith.constant 0 : index
    %swap3A_580 = vector.load %arg9[%swap3A_577, %swap3A_578, %swap3A_579] : memref<16x308x64xf32, #tpu.memory_space<vmem>>, vector<1x51x64xf32>
    %swap3A_581 = vector.shape_cast %swap3A_580 : vector<1x51x64xf32> to vector<51x64xf32>
    %swap3A_582 = vector.shape_cast %slice3A_576 : vector<51x64xf32> to vector<1x51x64xf32>
    tpu.vector_store %arg9[%swap3A_577, %swap3A_578, %swap3A_579], %swap3A_582 {strides = array<i32>} : memref<16x308x64xf32, #tpu.memory_space<vmem>>, vector<1x51x64xf32>,
    %slice3A_583 = vector.extract_strided_slice %concatenate3A_62 {offsets = [0, 576], sizes = [51, 64], strides = [1, 1]} : vector<51x1024xf32> to vector<51x64xf32>
    %swap3A_584 = arith.constant 9 : index
    %swap3A_585 = arith.constant 51 : index
    %swap3A_586 = arith.constant 0 : index
    %swap3A_587 = vector.load %arg9[%swap3A_584, %swap3A_585, %swap3A_586] : memref<16x308x64xf32, #tpu.memory_space<vmem>>, vector<1x51x64xf32>
    %swap3A_588 = vector.shape_cast %swap3A_587 : vector<1x51x64xf32> to vector<51x64xf32>
    %swap3A_589 = vector.shape_cast %slice3A_583 : vector<51x64xf32> to vector<1x51x64xf32>
    tpu.vector_store %arg9[%swap3A_584, %swap3A_585, %swap3A_586], %swap3A_589 {strides = array<i32>} : memref<16x308x64xf32, #tpu.memory_space<vmem>>, vector<1x51x64xf32>,
    %slice3A_590 = vector.extract_strided_slice %concatenate3A_63 {offsets = [0, 576], sizes = [51, 64], strides = [1, 1]} : vector<51x1024xf32> to vector<51x64xf32>
    %swap3A_591 = arith.constant 9 : index
    %swap3A_592 = arith.constant 102 : index
    %swap3A_593 = arith.constant 0 : index
    %swap3A_594 = vector.load %arg9[%swap3A_591, %swap3A_592, %swap3A_593] : memref<16x308x64xf32, #tpu.memory_space<vmem>>, vector<1x51x64xf32>
    %swap3A_595 = vector.shape_cast %swap3A_594 : vector<1x51x64xf32> to vector<51x64xf32>
    %swap3A_596 = vector.shape_cast %slice3A_590 : vector<51x64xf32> to vector<1x51x64xf32>
    tpu.vector_store %arg9[%swap3A_591, %swap3A_592, %swap3A_593], %swap3A_596 {strides = array<i32>} : memref<16x308x64xf32, #tpu.memory_space<vmem>>, vector<1x51x64xf32>,
    %slice3A_597 = vector.extract_strided_slice %concatenate3A_64 {offsets = [0, 576], sizes = [51, 64], strides = [1, 1]} : vector<51x1024xf32> to vector<51x64xf32>
    %swap3A_598 = arith.constant 9 : index
    %swap3A_599 = arith.constant 153 : index
    %swap3A_600 = arith.constant 0 : index
    %swap3A_601 = vector.load %arg9[%swap3A_598, %swap3A_599, %swap3A_600] : memref<16x308x64xf32, #tpu.memory_space<vmem>>, vector<1x51x64xf32>
    %swap3A_602 = vector.shape_cast %swap3A_601 : vector<1x51x64xf32> to vector<51x64xf32>
    %swap3A_603 = vector.shape_cast %slice3A_597 : vector<51x64xf32> to vector<1x51x64xf32>
    tpu.vector_store %arg9[%swap3A_598, %swap3A_599, %swap3A_600], %swap3A_603 {strides = array<i32>} : memref<16x308x64xf32, #tpu.memory_space<vmem>>, vector<1x51x64xf32>,
    %slice3A_604 = vector.extract_strided_slice %concatenate3A_65 {offsets = [0, 576], sizes = [51, 64], strides = [1, 1]} : vector<51x1024xf32> to vector<51x64xf32>
    %swap3A_605 = arith.constant 9 : index
    %swap3A_606 = arith.constant 204 : index
    %swap3A_607 = arith.constant 0 : index
    %swap3A_608 = vector.load %arg9[%swap3A_605, %swap3A_606, %swap3A_607] : memref<16x308x64xf32, #tpu.memory_space<vmem>>, vector<1x51x64xf32>
    %swap3A_609 = vector.shape_cast %swap3A_608 : vector<1x51x64xf32> to vector<51x64xf32>
    %swap3A_610 = vector.shape_cast %slice3A_604 : vector<51x64xf32> to vector<1x51x64xf32>
    tpu.vector_store %arg9[%swap3A_605, %swap3A_606, %swap3A_607], %swap3A_610 {strides = array<i32>} : memref<16x308x64xf32, #tpu.memory_space<vmem>>, vector<1x51x64xf32>,
    %slice3A_611 = vector.extract_strided_slice %concatenate3A_66 {offsets = [0, 576], sizes = [51, 64], strides = [1, 1]} : vector<51x1024xf32> to vector<51x64xf32>
    %swap3A_612 = arith.constant 9 : index
    %swap3A_613 = arith.constant 255 : index
    %swap3A_614 = arith.constant 0 : index
    %swap3A_615 = vector.load %arg9[%swap3A_612, %swap3A_613, %swap3A_614] : memref<16x308x64xf32, #tpu.memory_space<vmem>>, vector<1x51x64xf32>
    %swap3A_616 = vector.shape_cast %swap3A_615 : vector<1x51x64xf32> to vector<51x64xf32>
    %swap3A_617 = vector.shape_cast %slice3A_611 : vector<51x64xf32> to vector<1x51x64xf32>
    tpu.vector_store %arg9[%swap3A_612, %swap3A_613, %swap3A_614], %swap3A_617 {strides = array<i32>} : memref<16x308x64xf32, #tpu.memory_space<vmem>>, vector<1x51x64xf32>,
    %slice3A_618 = vector.extract_strided_slice %concatenate3A_69 {offsets = [0, 576], sizes = [1, 64], strides = [1, 1]} : vector<1x1024xf32> to vector<1x64xf32>
    %swap3A_619 = arith.constant 9 : index
    %swap3A_620 = arith.constant 306 : index
    %swap3A_621 = arith.constant 0 : index
    %swap3A_622 = vector.load %arg9[%swap3A_619, %swap3A_620, %swap3A_621] : memref<16x308x64xf32, #tpu.memory_space<vmem>>, vector<1x1x64xf32>
    %swap3A_623 = vector.shape_cast %swap3A_622 : vector<1x1x64xf32> to vector<1x64xf32>
    %swap3A_624 = vector.shape_cast %slice3A_618 : vector<1x64xf32> to vector<1x1x64xf32>
    tpu.vector_store %arg9[%swap3A_619, %swap3A_620, %swap3A_621], %swap3A_624 {strides = array<i32>} : memref<16x308x64xf32, #tpu.memory_space<vmem>>, vector<1x1x64xf32>,
    %slice3A_625 = vector.extract_strided_slice %concatenate3A_72 {offsets = [0, 576], sizes = [1, 64], strides = [1, 1]} : vector<1x1024xf32> to vector<1x64xf32>
    %swap3A_626 = arith.constant 9 : index
    %swap3A_627 = arith.constant 307 : index
    %swap3A_628 = arith.constant 0 : index
    %swap3A_629 = vector.load %arg9[%swap3A_626, %swap3A_627, %swap3A_628] : memref<16x308x64xf32, #tpu.memory_space<vmem>>, vector<1x1x64xf32>
    %swap3A_630 = vector.shape_cast %swap3A_629 : vector<1x1x64xf32> to vector<1x64xf32>
    %swap3A_631 = vector.shape_cast %slice3A_625 : vector<1x64xf32> to vector<1x1x64xf32>
    tpu.vector_store %arg9[%swap3A_626, %swap3A_627, %swap3A_628], %swap3A_631 {strides = array<i32>} : memref<16x308x64xf32, #tpu.memory_space<vmem>>, vector<1x1x64xf32>,
    %slice3A_632 = vector.extract_strided_slice %concatenate3A {offsets = [0, 640], sizes = [51, 64], strides = [1, 1]} : vector<51x1024xf32> to vector<51x64xf32>
    %swap3A_633 = arith.constant 10 : index
    %swap3A_634 = arith.constant 0 : index
    %swap3A_635 = arith.constant 0 : index
    %swap3A_636 = vector.load %arg9[%swap3A_633, %swap3A_634, %swap3A_635] : memref<16x308x64xf32, #tpu.memory_space<vmem>>, vector<1x51x64xf32>
    %swap3A_637 = vector.shape_cast %swap3A_636 : vector<1x51x64xf32> to vector<51x64xf32>
    %swap3A_638 = vector.shape_cast %slice3A_632 : vector<51x64xf32> to vector<1x51x64xf32>
    tpu.vector_store %arg9[%swap3A_633, %swap3A_634, %swap3A_635], %swap3A_638 {strides = array<i32>} : memref<16x308x64xf32, #tpu.memory_space<vmem>>, vector<1x51x64xf32>,
    %slice3A_639 = vector.extract_strided_slice %concatenate3A_62 {offsets = [0, 640], sizes = [51, 64], strides = [1, 1]} : vector<51x1024xf32> to vector<51x64xf32>
    %swap3A_640 = arith.constant 10 : index
    %swap3A_641 = arith.constant 51 : index
    %swap3A_642 = arith.constant 0 : index
    %swap3A_643 = vector.load %arg9[%swap3A_640, %swap3A_641, %swap3A_642] : memref<16x308x64xf32, #tpu.memory_space<vmem>>, vector<1x51x64xf32>
    %swap3A_644 = vector.shape_cast %swap3A_643 : vector<1x51x64xf32> to vector<51x64xf32>
    %swap3A_645 = vector.shape_cast %slice3A_639 : vector<51x64xf32> to vector<1x51x64xf32>
    tpu.vector_store %arg9[%swap3A_640, %swap3A_641, %swap3A_642], %swap3A_645 {strides = array<i32>} : memref<16x308x64xf32, #tpu.memory_space<vmem>>, vector<1x51x64xf32>,
    %slice3A_646 = vector.extract_strided_slice %concatenate3A_63 {offsets = [0, 640], sizes = [51, 64], strides = [1, 1]} : vector<51x1024xf32> to vector<51x64xf32>
    %swap3A_647 = arith.constant 10 : index
    %swap3A_648 = arith.constant 102 : index
    %swap3A_649 = arith.constant 0 : index
    %swap3A_650 = vector.load %arg9[%swap3A_647, %swap3A_648, %swap3A_649] : memref<16x308x64xf32, #tpu.memory_space<vmem>>, vector<1x51x64xf32>
    %swap3A_651 = vector.shape_cast %swap3A_650 : vector<1x51x64xf32> to vector<51x64xf32>
    %swap3A_652 = vector.shape_cast %slice3A_646 : vector<51x64xf32> to vector<1x51x64xf32>
    tpu.vector_store %arg9[%swap3A_647, %swap3A_648, %swap3A_649], %swap3A_652 {strides = array<i32>} : memref<16x308x64xf32, #tpu.memory_space<vmem>>, vector<1x51x64xf32>,
    %slice3A_653 = vector.extract_strided_slice %concatenate3A_64 {offsets = [0, 640], sizes = [51, 64], strides = [1, 1]} : vector<51x1024xf32> to vector<51x64xf32>
    %swap3A_654 = arith.constant 10 : index
    %swap3A_655 = arith.constant 153 : index
    %swap3A_656 = arith.constant 0 : index
    %swap3A_657 = vector.load %arg9[%swap3A_654, %swap3A_655, %swap3A_656] : memref<16x308x64xf32, #tpu.memory_space<vmem>>, vector<1x51x64xf32>
    %swap3A_658 = vector.shape_cast %swap3A_657 : vector<1x51x64xf32> to vector<51x64xf32>
    %swap3A_659 = vector.shape_cast %slice3A_653 : vector<51x64xf32> to vector<1x51x64xf32>
    tpu.vector_store %arg9[%swap3A_654, %swap3A_655, %swap3A_656], %swap3A_659 {strides = array<i32>} : memref<16x308x64xf32, #tpu.memory_space<vmem>>, vector<1x51x64xf32>,
    %slice3A_660 = vector.extract_strided_slice %concatenate3A_65 {offsets = [0, 640], sizes = [51, 64], strides = [1, 1]} : vector<51x1024xf32> to vector<51x64xf32>
    %swap3A_661 = arith.constant 10 : index
    %swap3A_662 = arith.constant 204 : index
    %swap3A_663 = arith.constant 0 : index
    %swap3A_664 = vector.load %arg9[%swap3A_661, %swap3A_662, %swap3A_663] : memref<16x308x64xf32, #tpu.memory_space<vmem>>, vector<1x51x64xf32>
    %swap3A_665 = vector.shape_cast %swap3A_664 : vector<1x51x64xf32> to vector<51x64xf32>
    %swap3A_666 = vector.shape_cast %slice3A_660 : vector<51x64xf32> to vector<1x51x64xf32>
    tpu.vector_store %arg9[%swap3A_661, %swap3A_662, %swap3A_663], %swap3A_666 {strides = array<i32>} : memref<16x308x64xf32, #tpu.memory_space<vmem>>, vector<1x51x64xf32>,
    %slice3A_667 = vector.extract_strided_slice %concatenate3A_66 {offsets = [0, 640], sizes = [51, 64], strides = [1, 1]} : vector<51x1024xf32> to vector<51x64xf32>
    %swap3A_668 = arith.constant 10 : index
    %swap3A_669 = arith.constant 255 : index
    %swap3A_670 = arith.constant 0 : index
    %swap3A_671 = vector.load %arg9[%swap3A_668, %swap3A_669, %swap3A_670] : memref<16x308x64xf32, #tpu.memory_space<vmem>>, vector<1x51x64xf32>
    %swap3A_672 = vector.shape_cast %swap3A_671 : vector<1x51x64xf32> to vector<51x64xf32>
    %swap3A_673 = vector.shape_cast %slice3A_667 : vector<51x64xf32> to vector<1x51x64xf32>
    tpu.vector_store %arg9[%swap3A_668, %swap3A_669, %swap3A_670], %swap3A_673 {strides = array<i32>} : memref<16x308x64xf32, #tpu.memory_space<vmem>>, vector<1x51x64xf32>,
    %slice3A_674 = vector.extract_strided_slice %concatenate3A_69 {offsets = [0, 640], sizes = [1, 64], strides = [1, 1]} : vector<1x1024xf32> to vector<1x64xf32>
    %swap3A_675 = arith.constant 10 : index
    %swap3A_676 = arith.constant 306 : index
    %swap3A_677 = arith.constant 0 : index
    %swap3A_678 = vector.load %arg9[%swap3A_675, %swap3A_676, %swap3A_677] : memref<16x308x64xf32, #tpu.memory_space<vmem>>, vector<1x1x64xf32>
    %swap3A_679 = vector.shape_cast %swap3A_678 : vector<1x1x64xf32> to vector<1x64xf32>
    %swap3A_680 = vector.shape_cast %slice3A_674 : vector<1x64xf32> to vector<1x1x64xf32>
    tpu.vector_store %arg9[%swap3A_675, %swap3A_676, %swap3A_677], %swap3A_680 {strides = array<i32>} : memref<16x308x64xf32, #tpu.memory_space<vmem>>, vector<1x1x64xf32>,
    %slice3A_681 = vector.extract_strided_slice %concatenate3A_72 {offsets = [0, 640], sizes = [1, 64], strides = [1, 1]} : vector<1x1024xf32> to vector<1x64xf32>
    %swap3A_682 = arith.constant 10 : index
    %swap3A_683 = arith.constant 307 : index
    %swap3A_684 = arith.constant 0 : index
    %swap3A_685 = vector.load %arg9[%swap3A_682, %swap3A_683, %swap3A_684] : memref<16x308x64xf32, #tpu.memory_space<vmem>>, vector<1x1x64xf32>
    %swap3A_686 = vector.shape_cast %swap3A_685 : vector<1x1x64xf32> to vector<1x64xf32>
    %swap3A_687 = vector.shape_cast %slice3A_681 : vector<1x64xf32> to vector<1x1x64xf32>
    tpu.vector_store %arg9[%swap3A_682, %swap3A_683, %swap3A_684], %swap3A_687 {strides = array<i32>} : memref<16x308x64xf32, #tpu.memory_space<vmem>>, vector<1x1x64xf32>,
    %slice3A_688 = vector.extract_strided_slice %concatenate3A {offsets = [0, 704], sizes = [51, 64], strides = [1, 1]} : vector<51x1024xf32> to vector<51x64xf32>
    %swap3A_689 = arith.constant 11 : index
    %swap3A_690 = arith.constant 0 : index
    %swap3A_691 = arith.constant 0 : index
    %swap3A_692 = vector.load %arg9[%swap3A_689, %swap3A_690, %swap3A_691] : memref<16x308x64xf32, #tpu.memory_space<vmem>>, vector<1x51x64xf32>
    %swap3A_693 = vector.shape_cast %swap3A_692 : vector<1x51x64xf32> to vector<51x64xf32>
    %swap3A_694 = vector.shape_cast %slice3A_688 : vector<51x64xf32> to vector<1x51x64xf32>
    tpu.vector_store %arg9[%swap3A_689, %swap3A_690, %swap3A_691], %swap3A_694 {strides = array<i32>} : memref<16x308x64xf32, #tpu.memory_space<vmem>>, vector<1x51x64xf32>,
    %slice3A_695 = vector.extract_strided_slice %concatenate3A_62 {offsets = [0, 704], sizes = [51, 64], strides = [1, 1]} : vector<51x1024xf32> to vector<51x64xf32>
    %swap3A_696 = arith.constant 11 : index
    %swap3A_697 = arith.constant 51 : index
    %swap3A_698 = arith.constant 0 : index
    %swap3A_699 = vector.load %arg9[%swap3A_696, %swap3A_697, %swap3A_698] : memref<16x308x64xf32, #tpu.memory_space<vmem>>, vector<1x51x64xf32>
    %swap3A_700 = vector.shape_cast %swap3A_699 : vector<1x51x64xf32> to vector<51x64xf32>
    %swap3A_701 = vector.shape_cast %slice3A_695 : vector<51x64xf32> to vector<1x51x64xf32>
    tpu.vector_store %arg9[%swap3A_696, %swap3A_697, %swap3A_698], %swap3A_701 {strides = array<i32>} : memref<16x308x64xf32, #tpu.memory_space<vmem>>, vector<1x51x64xf32>,
    %slice3A_702 = vector.extract_strided_slice %concatenate3A_63 {offsets = [0, 704], sizes = [51, 64], strides = [1, 1]} : vector<51x1024xf32> to vector<51x64xf32>
    %swap3A_703 = arith.constant 11 : index
    %swap3A_704 = arith.constant 102 : index
    %swap3A_705 = arith.constant 0 : index
    %swap3A_706 = vector.load %arg9[%swap3A_703, %swap3A_704, %swap3A_705] : memref<16x308x64xf32, #tpu.memory_space<vmem>>, vector<1x51x64xf32>
    %swap3A_707 = vector.shape_cast %swap3A_706 : vector<1x51x64xf32> to vector<51x64xf32>
    %swap3A_708 = vector.shape_cast %slice3A_702 : vector<51x64xf32> to vector<1x51x64xf32>
    tpu.vector_store %arg9[%swap3A_703, %swap3A_704, %swap3A_705], %swap3A_708 {strides = array<i32>} : memref<16x308x64xf32, #tpu.memory_space<vmem>>, vector<1x51x64xf32>,
    %slice3A_709 = vector.extract_strided_slice %concatenate3A_64 {offsets = [0, 704], sizes = [51, 64], strides = [1, 1]} : vector<51x1024xf32> to vector<51x64xf32>
    %swap3A_710 = arith.constant 11 : index
    %swap3A_711 = arith.constant 153 : index
    %swap3A_712 = arith.constant 0 : index
    %swap3A_713 = vector.load %arg9[%swap3A_710, %swap3A_711, %swap3A_712] : memref<16x308x64xf32, #tpu.memory_space<vmem>>, vector<1x51x64xf32>
    %swap3A_714 = vector.shape_cast %swap3A_713 : vector<1x51x64xf32> to vector<51x64xf32>
    %swap3A_715 = vector.shape_cast %slice3A_709 : vector<51x64xf32> to vector<1x51x64xf32>
    tpu.vector_store %arg9[%swap3A_710, %swap3A_711, %swap3A_712], %swap3A_715 {strides = array<i32>} : memref<16x308x64xf32, #tpu.memory_space<vmem>>, vector<1x51x64xf32>,
    %slice3A_716 = vector.extract_strided_slice %concatenate3A_65 {offsets = [0, 704], sizes = [51, 64], strides = [1, 1]} : vector<51x1024xf32> to vector<51x64xf32>
    %swap3A_717 = arith.constant 11 : index
    %swap3A_718 = arith.constant 204 : index
    %swap3A_719 = arith.constant 0 : index
    %swap3A_720 = vector.load %arg9[%swap3A_717, %swap3A_718, %swap3A_719] : memref<16x308x64xf32, #tpu.memory_space<vmem>>, vector<1x51x64xf32>
    %swap3A_721 = vector.shape_cast %swap3A_720 : vector<1x51x64xf32> to vector<51x64xf32>
    %swap3A_722 = vector.shape_cast %slice3A_716 : vector<51x64xf32> to vector<1x51x64xf32>
    tpu.vector_store %arg9[%swap3A_717, %swap3A_718, %swap3A_719], %swap3A_722 {strides = array<i32>} : memref<16x308x64xf32, #tpu.memory_space<vmem>>, vector<1x51x64xf32>,
    %slice3A_723 = vector.extract_strided_slice %concatenate3A_66 {offsets = [0, 704], sizes = [51, 64], strides = [1, 1]} : vector<51x1024xf32> to vector<51x64xf32>
    %swap3A_724 = arith.constant 11 : index
    %swap3A_725 = arith.constant 255 : index
    %swap3A_726 = arith.constant 0 : index
    %swap3A_727 = vector.load %arg9[%swap3A_724, %swap3A_725, %swap3A_726] : memref<16x308x64xf32, #tpu.memory_space<vmem>>, vector<1x51x64xf32>
    %swap3A_728 = vector.shape_cast %swap3A_727 : vector<1x51x64xf32> to vector<51x64xf32>
    %swap3A_729 = vector.shape_cast %slice3A_723 : vector<51x64xf32> to vector<1x51x64xf32>
    tpu.vector_store %arg9[%swap3A_724, %swap3A_725, %swap3A_726], %swap3A_729 {strides = array<i32>} : memref<16x308x64xf32, #tpu.memory_space<vmem>>, vector<1x51x64xf32>,
    %slice3A_730 = vector.extract_strided_slice %concatenate3A_69 {offsets = [0, 704], sizes = [1, 64], strides = [1, 1]} : vector<1x1024xf32> to vector<1x64xf32>
    %swap3A_731 = arith.constant 11 : index
    %swap3A_732 = arith.constant 306 : index
    %swap3A_733 = arith.constant 0 : index
    %swap3A_734 = vector.load %arg9[%swap3A_731, %swap3A_732, %swap3A_733] : memref<16x308x64xf32, #tpu.memory_space<vmem>>, vector<1x1x64xf32>
    %swap3A_735 = vector.shape_cast %swap3A_734 : vector<1x1x64xf32> to vector<1x64xf32>
    %swap3A_736 = vector.shape_cast %slice3A_730 : vector<1x64xf32> to vector<1x1x64xf32>
    tpu.vector_store %arg9[%swap3A_731, %swap3A_732, %swap3A_733], %swap3A_736 {strides = array<i32>} : memref<16x308x64xf32, #tpu.memory_space<vmem>>, vector<1x1x64xf32>,
    %slice3A_737 = vector.extract_strided_slice %concatenate3A_72 {offsets = [0, 704], sizes = [1, 64], strides = [1, 1]} : vector<1x1024xf32> to vector<1x64xf32>
    %swap3A_738 = arith.constant 11 : index
    %swap3A_739 = arith.constant 307 : index
    %swap3A_740 = arith.constant 0 : index
    %swap3A_741 = vector.load %arg9[%swap3A_738, %swap3A_739, %swap3A_740] : memref<16x308x64xf32, #tpu.memory_space<vmem>>, vector<1x1x64xf32>
    %swap3A_742 = vector.shape_cast %swap3A_741 : vector<1x1x64xf32> to vector<1x64xf32>
    %swap3A_743 = vector.shape_cast %slice3A_737 : vector<1x64xf32> to vector<1x1x64xf32>
    tpu.vector_store %arg9[%swap3A_738, %swap3A_739, %swap3A_740], %swap3A_743 {strides = array<i32>} : memref<16x308x64xf32, #tpu.memory_space<vmem>>, vector<1x1x64xf32>,
    %slice3A_744 = vector.extract_strided_slice %concatenate3A {offsets = [0, 768], sizes = [51, 64], strides = [1, 1]} : vector<51x1024xf32> to vector<51x64xf32>
    %swap3A_745 = arith.constant 12 : index
    %swap3A_746 = arith.constant 0 : index
    %swap3A_747 = arith.constant 0 : index
    %swap3A_748 = vector.load %arg9[%swap3A_745, %swap3A_746, %swap3A_747] : memref<16x308x64xf32, #tpu.memory_space<vmem>>, vector<1x51x64xf32>
    %swap3A_749 = vector.shape_cast %swap3A_748 : vector<1x51x64xf32> to vector<51x64xf32>
    %swap3A_750 = vector.shape_cast %slice3A_744 : vector<51x64xf32> to vector<1x51x64xf32>
    tpu.vector_store %arg9[%swap3A_745, %swap3A_746, %swap3A_747], %swap3A_750 {strides = array<i32>} : memref<16x308x64xf32, #tpu.memory_space<vmem>>, vector<1x51x64xf32>,
    %slice3A_751 = vector.extract_strided_slice %concatenate3A_62 {offsets = [0, 768], sizes = [51, 64], strides = [1, 1]} : vector<51x1024xf32> to vector<51x64xf32>
    %swap3A_752 = arith.constant 12 : index
    %swap3A_753 = arith.constant 51 : index
    %swap3A_754 = arith.constant 0 : index
    %swap3A_755 = vector.load %arg9[%swap3A_752, %swap3A_753, %swap3A_754] : memref<16x308x64xf32, #tpu.memory_space<vmem>>, vector<1x51x64xf32>
    %swap3A_756 = vector.shape_cast %swap3A_755 : vector<1x51x64xf32> to vector<51x64xf32>
    %swap3A_757 = vector.shape_cast %slice3A_751 : vector<51x64xf32> to vector<1x51x64xf32>
    tpu.vector_store %arg9[%swap3A_752, %swap3A_753, %swap3A_754], %swap3A_757 {strides = array<i32>} : memref<16x308x64xf32, #tpu.memory_space<vmem>>, vector<1x51x64xf32>,
    %slice3A_758 = vector.extract_strided_slice %concatenate3A_63 {offsets = [0, 768], sizes = [51, 64], strides = [1, 1]} : vector<51x1024xf32> to vector<51x64xf32>
    %swap3A_759 = arith.constant 12 : index
    %swap3A_760 = arith.constant 102 : index
    %swap3A_761 = arith.constant 0 : index
    %swap3A_762 = vector.load %arg9[%swap3A_759, %swap3A_760, %swap3A_761] : memref<16x308x64xf32, #tpu.memory_space<vmem>>, vector<1x51x64xf32>
    %swap3A_763 = vector.shape_cast %swap3A_762 : vector<1x51x64xf32> to vector<51x64xf32>
    %swap3A_764 = vector.shape_cast %slice3A_758 : vector<51x64xf32> to vector<1x51x64xf32>
    tpu.vector_store %arg9[%swap3A_759, %swap3A_760, %swap3A_761], %swap3A_764 {strides = array<i32>} : memref<16x308x64xf32, #tpu.memory_space<vmem>>, vector<1x51x64xf32>,
    %slice3A_765 = vector.extract_strided_slice %concatenate3A_64 {offsets = [0, 768], sizes = [51, 64], strides = [1, 1]} : vector<51x1024xf32> to vector<51x64xf32>
    %swap3A_766 = arith.constant 12 : index
    %swap3A_767 = arith.constant 153 : index
    %swap3A_768 = arith.constant 0 : index
    %swap3A_769 = vector.load %arg9[%swap3A_766, %swap3A_767, %swap3A_768] : memref<16x308x64xf32, #tpu.memory_space<vmem>>, vector<1x51x64xf32>
    %swap3A_770 = vector.shape_cast %swap3A_769 : vector<1x51x64xf32> to vector<51x64xf32>
    %swap3A_771 = vector.shape_cast %slice3A_765 : vector<51x64xf32> to vector<1x51x64xf32>
    tpu.vector_store %arg9[%swap3A_766, %swap3A_767, %swap3A_768], %swap3A_771 {strides = array<i32>} : memref<16x308x64xf32, #tpu.memory_space<vmem>>, vector<1x51x64xf32>,
    %slice3A_772 = vector.extract_strided_slice %concatenate3A_65 {offsets = [0, 768], sizes = [51, 64], strides = [1, 1]} : vector<51x1024xf32> to vector<51x64xf32>
    %swap3A_773 = arith.constant 12 : index
    %swap3A_774 = arith.constant 204 : index
    %swap3A_775 = arith.constant 0 : index
    %swap3A_776 = vector.load %arg9[%swap3A_773, %swap3A_774, %swap3A_775] : memref<16x308x64xf32, #tpu.memory_space<vmem>>, vector<1x51x64xf32>
    %swap3A_777 = vector.shape_cast %swap3A_776 : vector<1x51x64xf32> to vector<51x64xf32>
    %swap3A_778 = vector.shape_cast %slice3A_772 : vector<51x64xf32> to vector<1x51x64xf32>
    tpu.vector_store %arg9[%swap3A_773, %swap3A_774, %swap3A_775], %swap3A_778 {strides = array<i32>} : memref<16x308x64xf32, #tpu.memory_space<vmem>>, vector<1x51x64xf32>,
    %slice3A_779 = vector.extract_strided_slice %concatenate3A_66 {offsets = [0, 768], sizes = [51, 64], strides = [1, 1]} : vector<51x1024xf32> to vector<51x64xf32>
    %swap3A_780 = arith.constant 12 : index
    %swap3A_781 = arith.constant 255 : index
    %swap3A_782 = arith.constant 0 : index
    %swap3A_783 = vector.load %arg9[%swap3A_780, %swap3A_781, %swap3A_782] : memref<16x308x64xf32, #tpu.memory_space<vmem>>, vector<1x51x64xf32>
    %swap3A_784 = vector.shape_cast %swap3A_783 : vector<1x51x64xf32> to vector<51x64xf32>
    %swap3A_785 = vector.shape_cast %slice3A_779 : vector<51x64xf32> to vector<1x51x64xf32>
    tpu.vector_store %arg9[%swap3A_780, %swap3A_781, %swap3A_782], %swap3A_785 {strides = array<i32>} : memref<16x308x64xf32, #tpu.memory_space<vmem>>, vector<1x51x64xf32>,
    %slice3A_786 = vector.extract_strided_slice %concatenate3A_69 {offsets = [0, 768], sizes = [1, 64], strides = [1, 1]} : vector<1x1024xf32> to vector<1x64xf32>
    %swap3A_787 = arith.constant 12 : index
    %swap3A_788 = arith.constant 306 : index
    %swap3A_789 = arith.constant 0 : index
    %swap3A_790 = vector.load %arg9[%swap3A_787, %swap3A_788, %swap3A_789] : memref<16x308x64xf32, #tpu.memory_space<vmem>>, vector<1x1x64xf32>
    %swap3A_791 = vector.shape_cast %swap3A_790 : vector<1x1x64xf32> to vector<1x64xf32>
    %swap3A_792 = vector.shape_cast %slice3A_786 : vector<1x64xf32> to vector<1x1x64xf32>
    tpu.vector_store %arg9[%swap3A_787, %swap3A_788, %swap3A_789], %swap3A_792 {strides = array<i32>} : memref<16x308x64xf32, #tpu.memory_space<vmem>>, vector<1x1x64xf32>,
    %slice3A_793 = vector.extract_strided_slice %concatenate3A_72 {offsets = [0, 768], sizes = [1, 64], strides = [1, 1]} : vector<1x1024xf32> to vector<1x64xf32>
    %swap3A_794 = arith.constant 12 : index
    %swap3A_795 = arith.constant 307 : index
    %swap3A_796 = arith.constant 0 : index
    %swap3A_797 = vector.load %arg9[%swap3A_794, %swap3A_795, %swap3A_796] : memref<16x308x64xf32, #tpu.memory_space<vmem>>, vector<1x1x64xf32>
    %swap3A_798 = vector.shape_cast %swap3A_797 : vector<1x1x64xf32> to vector<1x64xf32>
    %swap3A_799 = vector.shape_cast %slice3A_793 : vector<1x64xf32> to vector<1x1x64xf32>
    tpu.vector_store %arg9[%swap3A_794, %swap3A_795, %swap3A_796], %swap3A_799 {strides = array<i32>} : memref<16x308x64xf32, #tpu.memory_space<vmem>>, vector<1x1x64xf32>,
    %slice3A_800 = vector.extract_strided_slice %concatenate3A {offsets = [0, 832], sizes = [51, 64], strides = [1, 1]} : vector<51x1024xf32> to vector<51x64xf32>
    %swap3A_801 = arith.constant 13 : index
    %swap3A_802 = arith.constant 0 : index
    %swap3A_803 = arith.constant 0 : index
    %swap3A_804 = vector.load %arg9[%swap3A_801, %swap3A_802, %swap3A_803] : memref<16x308x64xf32, #tpu.memory_space<vmem>>, vector<1x51x64xf32>
    %swap3A_805 = vector.shape_cast %swap3A_804 : vector<1x51x64xf32> to vector<51x64xf32>
    %swap3A_806 = vector.shape_cast %slice3A_800 : vector<51x64xf32> to vector<1x51x64xf32>
    tpu.vector_store %arg9[%swap3A_801, %swap3A_802, %swap3A_803], %swap3A_806 {strides = array<i32>} : memref<16x308x64xf32, #tpu.memory_space<vmem>>, vector<1x51x64xf32>,
    %slice3A_807 = vector.extract_strided_slice %concatenate3A_62 {offsets = [0, 832], sizes = [51, 64], strides = [1, 1]} : vector<51x1024xf32> to vector<51x64xf32>
    %swap3A_808 = arith.constant 13 : index
    %swap3A_809 = arith.constant 51 : index
    %swap3A_810 = arith.constant 0 : index
    %swap3A_811 = vector.load %arg9[%swap3A_808, %swap3A_809, %swap3A_810] : memref<16x308x64xf32, #tpu.memory_space<vmem>>, vector<1x51x64xf32>
    %swap3A_812 = vector.shape_cast %swap3A_811 : vector<1x51x64xf32> to vector<51x64xf32>
    %swap3A_813 = vector.shape_cast %slice3A_807 : vector<51x64xf32> to vector<1x51x64xf32>
    tpu.vector_store %arg9[%swap3A_808, %swap3A_809, %swap3A_810], %swap3A_813 {strides = array<i32>} : memref<16x308x64xf32, #tpu.memory_space<vmem>>, vector<1x51x64xf32>,
    %slice3A_814 = vector.extract_strided_slice %concatenate3A_63 {offsets = [0, 832], sizes = [51, 64], strides = [1, 1]} : vector<51x1024xf32> to vector<51x64xf32>
    %swap3A_815 = arith.constant 13 : index
    %swap3A_816 = arith.constant 102 : index
    %swap3A_817 = arith.constant 0 : index
    %swap3A_818 = vector.load %arg9[%swap3A_815, %swap3A_816, %swap3A_817] : memref<16x308x64xf32, #tpu.memory_space<vmem>>, vector<1x51x64xf32>
    %swap3A_819 = vector.shape_cast %swap3A_818 : vector<1x51x64xf32> to vector<51x64xf32>
    %swap3A_820 = vector.shape_cast %slice3A_814 : vector<51x64xf32> to vector<1x51x64xf32>
    tpu.vector_store %arg9[%swap3A_815, %swap3A_816, %swap3A_817], %swap3A_820 {strides = array<i32>} : memref<16x308x64xf32, #tpu.memory_space<vmem>>, vector<1x51x64xf32>,
    %slice3A_821 = vector.extract_strided_slice %concatenate3A_64 {offsets = [0, 832], sizes = [51, 64], strides = [1, 1]} : vector<51x1024xf32> to vector<51x64xf32>
    %swap3A_822 = arith.constant 13 : index
    %swap3A_823 = arith.constant 153 : index
    %swap3A_824 = arith.constant 0 : index
    %swap3A_825 = vector.load %arg9[%swap3A_822, %swap3A_823, %swap3A_824] : memref<16x308x64xf32, #tpu.memory_space<vmem>>, vector<1x51x64xf32>
    %swap3A_826 = vector.shape_cast %swap3A_825 : vector<1x51x64xf32> to vector<51x64xf32>
    %swap3A_827 = vector.shape_cast %slice3A_821 : vector<51x64xf32> to vector<1x51x64xf32>
    tpu.vector_store %arg9[%swap3A_822, %swap3A_823, %swap3A_824], %swap3A_827 {strides = array<i32>} : memref<16x308x64xf32, #tpu.memory_space<vmem>>, vector<1x51x64xf32>,
    %slice3A_828 = vector.extract_strided_slice %concatenate3A_65 {offsets = [0, 832], sizes = [51, 64], strides = [1, 1]} : vector<51x1024xf32> to vector<51x64xf32>
    %swap3A_829 = arith.constant 13 : index
    %swap3A_830 = arith.constant 204 : index
    %swap3A_831 = arith.constant 0 : index
    %swap3A_832 = vector.load %arg9[%swap3A_829, %swap3A_830, %swap3A_831] : memref<16x308x64xf32, #tpu.memory_space<vmem>>, vector<1x51x64xf32>
    %swap3A_833 = vector.shape_cast %swap3A_832 : vector<1x51x64xf32> to vector<51x64xf32>
    %swap3A_834 = vector.shape_cast %slice3A_828 : vector<51x64xf32> to vector<1x51x64xf32>
    tpu.vector_store %arg9[%swap3A_829, %swap3A_830, %swap3A_831], %swap3A_834 {strides = array<i32>} : memref<16x308x64xf32, #tpu.memory_space<vmem>>, vector<1x51x64xf32>,
    %slice3A_835 = vector.extract_strided_slice %concatenate3A_66 {offsets = [0, 832], sizes = [51, 64], strides = [1, 1]} : vector<51x1024xf32> to vector<51x64xf32>
    %swap3A_836 = arith.constant 13 : index
    %swap3A_837 = arith.constant 255 : index
    %swap3A_838 = arith.constant 0 : index
    %swap3A_839 = vector.load %arg9[%swap3A_836, %swap3A_837, %swap3A_838] : memref<16x308x64xf32, #tpu.memory_space<vmem>>, vector<1x51x64xf32>
    %swap3A_840 = vector.shape_cast %swap3A_839 : vector<1x51x64xf32> to vector<51x64xf32>
    %swap3A_841 = vector.shape_cast %slice3A_835 : vector<51x64xf32> to vector<1x51x64xf32>
    tpu.vector_store %arg9[%swap3A_836, %swap3A_837, %swap3A_838], %swap3A_841 {strides = array<i32>} : memref<16x308x64xf32, #tpu.memory_space<vmem>>, vector<1x51x64xf32>,
    %slice3A_842 = vector.extract_strided_slice %concatenate3A_69 {offsets = [0, 832], sizes = [1, 64], strides = [1, 1]} : vector<1x1024xf32> to vector<1x64xf32>
    %swap3A_843 = arith.constant 13 : index
    %swap3A_844 = arith.constant 306 : index
    %swap3A_845 = arith.constant 0 : index
    %swap3A_846 = vector.load %arg9[%swap3A_843, %swap3A_844, %swap3A_845] : memref<16x308x64xf32, #tpu.memory_space<vmem>>, vector<1x1x64xf32>
    %swap3A_847 = vector.shape_cast %swap3A_846 : vector<1x1x64xf32> to vector<1x64xf32>
    %swap3A_848 = vector.shape_cast %slice3A_842 : vector<1x64xf32> to vector<1x1x64xf32>
    tpu.vector_store %arg9[%swap3A_843, %swap3A_844, %swap3A_845], %swap3A_848 {strides = array<i32>} : memref<16x308x64xf32, #tpu.memory_space<vmem>>, vector<1x1x64xf32>,
    %slice3A_849 = vector.extract_strided_slice %concatenate3A_72 {offsets = [0, 832], sizes = [1, 64], strides = [1, 1]} : vector<1x1024xf32> to vector<1x64xf32>
    %swap3A_850 = arith.constant 13 : index
    %swap3A_851 = arith.constant 307 : index
    %swap3A_852 = arith.constant 0 : index
    %swap3A_853 = vector.load %arg9[%swap3A_850, %swap3A_851, %swap3A_852] : memref<16x308x64xf32, #tpu.memory_space<vmem>>, vector<1x1x64xf32>
    %swap3A_854 = vector.shape_cast %swap3A_853 : vector<1x1x64xf32> to vector<1x64xf32>
    %swap3A_855 = vector.shape_cast %slice3A_849 : vector<1x64xf32> to vector<1x1x64xf32>
    tpu.vector_store %arg9[%swap3A_850, %swap3A_851, %swap3A_852], %swap3A_855 {strides = array<i32>} : memref<16x308x64xf32, #tpu.memory_space<vmem>>, vector<1x1x64xf32>,
    %slice3A_856 = vector.extract_strided_slice %concatenate3A {offsets = [0, 896], sizes = [51, 64], strides = [1, 1]} : vector<51x1024xf32> to vector<51x64xf32>
    %swap3A_857 = arith.constant 14 : index
    %swap3A_858 = arith.constant 0 : index
    %swap3A_859 = arith.constant 0 : index
    %swap3A_860 = vector.load %arg9[%swap3A_857, %swap3A_858, %swap3A_859] : memref<16x308x64xf32, #tpu.memory_space<vmem>>, vector<1x51x64xf32>
    %swap3A_861 = vector.shape_cast %swap3A_860 : vector<1x51x64xf32> to vector<51x64xf32>
    %swap3A_862 = vector.shape_cast %slice3A_856 : vector<51x64xf32> to vector<1x51x64xf32>
    tpu.vector_store %arg9[%swap3A_857, %swap3A_858, %swap3A_859], %swap3A_862 {strides = array<i32>} : memref<16x308x64xf32, #tpu.memory_space<vmem>>, vector<1x51x64xf32>,
    %slice3A_863 = vector.extract_strided_slice %concatenate3A_62 {offsets = [0, 896], sizes = [51, 64], strides = [1, 1]} : vector<51x1024xf32> to vector<51x64xf32>
    %swap3A_864 = arith.constant 14 : index
    %swap3A_865 = arith.constant 51 : index
    %swap3A_866 = arith.constant 0 : index
    %swap3A_867 = vector.load %arg9[%swap3A_864, %swap3A_865, %swap3A_866] : memref<16x308x64xf32, #tpu.memory_space<vmem>>, vector<1x51x64xf32>
    %swap3A_868 = vector.shape_cast %swap3A_867 : vector<1x51x64xf32> to vector<51x64xf32>
    %swap3A_869 = vector.shape_cast %slice3A_863 : vector<51x64xf32> to vector<1x51x64xf32>
    tpu.vector_store %arg9[%swap3A_864, %swap3A_865, %swap3A_866], %swap3A_869 {strides = array<i32>} : memref<16x308x64xf32, #tpu.memory_space<vmem>>, vector<1x51x64xf32>,
    %slice3A_870 = vector.extract_strided_slice %concatenate3A_63 {offsets = [0, 896], sizes = [51, 64], strides = [1, 1]} : vector<51x1024xf32> to vector<51x64xf32>
    %swap3A_871 = arith.constant 14 : index
    %swap3A_872 = arith.constant 102 : index
    %swap3A_873 = arith.constant 0 : index
    %swap3A_874 = vector.load %arg9[%swap3A_871, %swap3A_872, %swap3A_873] : memref<16x308x64xf32, #tpu.memory_space<vmem>>, vector<1x51x64xf32>
    %swap3A_875 = vector.shape_cast %swap3A_874 : vector<1x51x64xf32> to vector<51x64xf32>
    %swap3A_876 = vector.shape_cast %slice3A_870 : vector<51x64xf32> to vector<1x51x64xf32>
    tpu.vector_store %arg9[%swap3A_871, %swap3A_872, %swap3A_873], %swap3A_876 {strides = array<i32>} : memref<16x308x64xf32, #tpu.memory_space<vmem>>, vector<1x51x64xf32>,
    %slice3A_877 = vector.extract_strided_slice %concatenate3A_64 {offsets = [0, 896], sizes = [51, 64], strides = [1, 1]} : vector<51x1024xf32> to vector<51x64xf32>
    %swap3A_878 = arith.constant 14 : index
    %swap3A_879 = arith.constant 153 : index
    %swap3A_880 = arith.constant 0 : index
    %swap3A_881 = vector.load %arg9[%swap3A_878, %swap3A_879, %swap3A_880] : memref<16x308x64xf32, #tpu.memory_space<vmem>>, vector<1x51x64xf32>
    %swap3A_882 = vector.shape_cast %swap3A_881 : vector<1x51x64xf32> to vector<51x64xf32>
    %swap3A_883 = vector.shape_cast %slice3A_877 : vector<51x64xf32> to vector<1x51x64xf32>
    tpu.vector_store %arg9[%swap3A_878, %swap3A_879, %swap3A_880], %swap3A_883 {strides = array<i32>} : memref<16x308x64xf32, #tpu.memory_space<vmem>>, vector<1x51x64xf32>,
    %slice3A_884 = vector.extract_strided_slice %concatenate3A_65 {offsets = [0, 896], sizes = [51, 64], strides = [1, 1]} : vector<51x1024xf32> to vector<51x64xf32>
    %swap3A_885 = arith.constant 14 : index
    %swap3A_886 = arith.constant 204 : index
    %swap3A_887 = arith.constant 0 : index
    %swap3A_888 = vector.load %arg9[%swap3A_885, %swap3A_886, %swap3A_887] : memref<16x308x64xf32, #tpu.memory_space<vmem>>, vector<1x51x64xf32>
    %swap3A_889 = vector.shape_cast %swap3A_888 : vector<1x51x64xf32> to vector<51x64xf32>
    %swap3A_890 = vector.shape_cast %slice3A_884 : vector<51x64xf32> to vector<1x51x64xf32>
    tpu.vector_store %arg9[%swap3A_885, %swap3A_886, %swap3A_887], %swap3A_890 {strides = array<i32>} : memref<16x308x64xf32, #tpu.memory_space<vmem>>, vector<1x51x64xf32>,
    %slice3A_891 = vector.extract_strided_slice %concatenate3A_66 {offsets = [0, 896], sizes = [51, 64], strides = [1, 1]} : vector<51x1024xf32> to vector<51x64xf32>
    %swap3A_892 = arith.constant 14 : index
    %swap3A_893 = arith.constant 255 : index
    %swap3A_894 = arith.constant 0 : index
    %swap3A_895 = vector.load %arg9[%swap3A_892, %swap3A_893, %swap3A_894] : memref<16x308x64xf32, #tpu.memory_space<vmem>>, vector<1x51x64xf32>
    %swap3A_896 = vector.shape_cast %swap3A_895 : vector<1x51x64xf32> to vector<51x64xf32>
    %swap3A_897 = vector.shape_cast %slice3A_891 : vector<51x64xf32> to vector<1x51x64xf32>
    tpu.vector_store %arg9[%swap3A_892, %swap3A_893, %swap3A_894], %swap3A_897 {strides = array<i32>} : memref<16x308x64xf32, #tpu.memory_space<vmem>>, vector<1x51x64xf32>,
    %slice3A_898 = vector.extract_strided_slice %concatenate3A_69 {offsets = [0, 896], sizes = [1, 64], strides = [1, 1]} : vector<1x1024xf32> to vector<1x64xf32>
    %swap3A_899 = arith.constant 14 : index
    %swap3A_900 = arith.constant 306 : index
    %swap3A_901 = arith.constant 0 : index
    %swap3A_902 = vector.load %arg9[%swap3A_899, %swap3A_900, %swap3A_901] : memref<16x308x64xf32, #tpu.memory_space<vmem>>, vector<1x1x64xf32>
    %swap3A_903 = vector.shape_cast %swap3A_902 : vector<1x1x64xf32> to vector<1x64xf32>
    %swap3A_904 = vector.shape_cast %slice3A_898 : vector<1x64xf32> to vector<1x1x64xf32>
    tpu.vector_store %arg9[%swap3A_899, %swap3A_900, %swap3A_901], %swap3A_904 {strides = array<i32>} : memref<16x308x64xf32, #tpu.memory_space<vmem>>, vector<1x1x64xf32>,
    %slice3A_905 = vector.extract_strided_slice %concatenate3A_72 {offsets = [0, 896], sizes = [1, 64], strides = [1, 1]} : vector<1x1024xf32> to vector<1x64xf32>
    %swap3A_906 = arith.constant 14 : index
    %swap3A_907 = arith.constant 307 : index
    %swap3A_908 = arith.constant 0 : index
    %swap3A_909 = vector.load %arg9[%swap3A_906, %swap3A_907, %swap3A_908] : memref<16x308x64xf32, #tpu.memory_space<vmem>>, vector<1x1x64xf32>
    %swap3A_910 = vector.shape_cast %swap3A_909 : vector<1x1x64xf32> to vector<1x64xf32>
    %swap3A_911 = vector.shape_cast %slice3A_905 : vector<1x64xf32> to vector<1x1x64xf32>
    tpu.vector_store %arg9[%swap3A_906, %swap3A_907, %swap3A_908], %swap3A_911 {strides = array<i32>} : memref<16x308x64xf32, #tpu.memory_space<vmem>>, vector<1x1x64xf32>,
    %slice3A_912 = vector.extract_strided_slice %concatenate3A {offsets = [0, 960], sizes = [51, 64], strides = [1, 1]} : vector<51x1024xf32> to vector<51x64xf32>
    %swap3A_913 = arith.constant 15 : index
    %swap3A_914 = arith.constant 0 : index
    %swap3A_915 = arith.constant 0 : index
    %swap3A_916 = vector.load %arg9[%swap3A_913, %swap3A_914, %swap3A_915] : memref<16x308x64xf32, #tpu.memory_space<vmem>>, vector<1x51x64xf32>
    %swap3A_917 = vector.shape_cast %swap3A_916 : vector<1x51x64xf32> to vector<51x64xf32>
    %swap3A_918 = vector.shape_cast %slice3A_912 : vector<51x64xf32> to vector<1x51x64xf32>
    tpu.vector_store %arg9[%swap3A_913, %swap3A_914, %swap3A_915], %swap3A_918 {strides = array<i32>} : memref<16x308x64xf32, #tpu.memory_space<vmem>>, vector<1x51x64xf32>,
    %slice3A_919 = vector.extract_strided_slice %concatenate3A_62 {offsets = [0, 960], sizes = [51, 64], strides = [1, 1]} : vector<51x1024xf32> to vector<51x64xf32>
    %swap3A_920 = arith.constant 15 : index
    %swap3A_921 = arith.constant 51 : index
    %swap3A_922 = arith.constant 0 : index
    %swap3A_923 = vector.load %arg9[%swap3A_920, %swap3A_921, %swap3A_922] : memref<16x308x64xf32, #tpu.memory_space<vmem>>, vector<1x51x64xf32>
    %swap3A_924 = vector.shape_cast %swap3A_923 : vector<1x51x64xf32> to vector<51x64xf32>
    %swap3A_925 = vector.shape_cast %slice3A_919 : vector<51x64xf32> to vector<1x51x64xf32>
    tpu.vector_store %arg9[%swap3A_920, %swap3A_921, %swap3A_922], %swap3A_925 {strides = array<i32>} : memref<16x308x64xf32, #tpu.memory_space<vmem>>, vector<1x51x64xf32>,
    %slice3A_926 = vector.extract_strided_slice %concatenate3A_63 {offsets = [0, 960], sizes = [51, 64], strides = [1, 1]} : vector<51x1024xf32> to vector<51x64xf32>
    %swap3A_927 = arith.constant 15 : index
    %swap3A_928 = arith.constant 102 : index
    %swap3A_929 = arith.constant 0 : index
    %swap3A_930 = vector.load %arg9[%swap3A_927, %swap3A_928, %swap3A_929] : memref<16x308x64xf32, #tpu.memory_space<vmem>>, vector<1x51x64xf32>
    %swap3A_931 = vector.shape_cast %swap3A_930 : vector<1x51x64xf32> to vector<51x64xf32>
    %swap3A_932 = vector.shape_cast %slice3A_926 : vector<51x64xf32> to vector<1x51x64xf32>
    tpu.vector_store %arg9[%swap3A_927, %swap3A_928, %swap3A_929], %swap3A_932 {strides = array<i32>} : memref<16x308x64xf32, #tpu.memory_space<vmem>>, vector<1x51x64xf32>,
    %slice3A_933 = vector.extract_strided_slice %concatenate3A_64 {offsets = [0, 960], sizes = [51, 64], strides = [1, 1]} : vector<51x1024xf32> to vector<51x64xf32>
    %swap3A_934 = arith.constant 15 : index
    %swap3A_935 = arith.constant 153 : index
    %swap3A_936 = arith.constant 0 : index
    %swap3A_937 = vector.load %arg9[%swap3A_934, %swap3A_935, %swap3A_936] : memref<16x308x64xf32, #tpu.memory_space<vmem>>, vector<1x51x64xf32>
    %swap3A_938 = vector.shape_cast %swap3A_937 : vector<1x51x64xf32> to vector<51x64xf32>
    %swap3A_939 = vector.shape_cast %slice3A_933 : vector<51x64xf32> to vector<1x51x64xf32>
    tpu.vector_store %arg9[%swap3A_934, %swap3A_935, %swap3A_936], %swap3A_939 {strides = array<i32>} : memref<16x308x64xf32, #tpu.memory_space<vmem>>, vector<1x51x64xf32>,
    %slice3A_940 = vector.extract_strided_slice %concatenate3A_65 {offsets = [0, 960], sizes = [51, 64], strides = [1, 1]} : vector<51x1024xf32> to vector<51x64xf32>
    %swap3A_941 = arith.constant 15 : index
    %swap3A_942 = arith.constant 204 : index
    %swap3A_943 = arith.constant 0 : index
    %swap3A_944 = vector.load %arg9[%swap3A_941, %swap3A_942, %swap3A_943] : memref<16x308x64xf32, #tpu.memory_space<vmem>>, vector<1x51x64xf32>
    %swap3A_945 = vector.shape_cast %swap3A_944 : vector<1x51x64xf32> to vector<51x64xf32>
    %swap3A_946 = vector.shape_cast %slice3A_940 : vector<51x64xf32> to vector<1x51x64xf32>
    tpu.vector_store %arg9[%swap3A_941, %swap3A_942, %swap3A_943], %swap3A_946 {strides = array<i32>} : memref<16x308x64xf32, #tpu.memory_space<vmem>>, vector<1x51x64xf32>,
    %slice3A_947 = vector.extract_strided_slice %concatenate3A_66 {offsets = [0, 960], sizes = [51, 64], strides = [1, 1]} : vector<51x1024xf32> to vector<51x64xf32>
    %swap3A_948 = arith.constant 15 : index
    %swap3A_949 = arith.constant 255 : index
    %swap3A_950 = arith.constant 0 : index
    %swap3A_951 = vector.load %arg9[%swap3A_948, %swap3A_949, %swap3A_950] : memref<16x308x64xf32, #tpu.memory_space<vmem>>, vector<1x51x64xf32>
    %swap3A_952 = vector.shape_cast %swap3A_951 : vector<1x51x64xf32> to vector<51x64xf32>
    %swap3A_953 = vector.shape_cast %slice3A_947 : vector<51x64xf32> to vector<1x51x64xf32>
    tpu.vector_store %arg9[%swap3A_948, %swap3A_949, %swap3A_950], %swap3A_953 {strides = array<i32>} : memref<16x308x64xf32, #tpu.memory_space<vmem>>, vector<1x51x64xf32>,
    %slice3A_954 = vector.extract_strided_slice %concatenate3A_69 {offsets = [0, 960], sizes = [1, 64], strides = [1, 1]} : vector<1x1024xf32> to vector<1x64xf32>
    %swap3A_955 = arith.constant 15 : index
    %swap3A_956 = arith.constant 306 : index
    %swap3A_957 = arith.constant 0 : index
    %swap3A_958 = vector.load %arg9[%swap3A_955, %swap3A_956, %swap3A_957] : memref<16x308x64xf32, #tpu.memory_space<vmem>>, vector<1x1x64xf32>
    %swap3A_959 = vector.shape_cast %swap3A_958 : vector<1x1x64xf32> to vector<1x64xf32>
    %swap3A_960 = vector.shape_cast %slice3A_954 : vector<1x64xf32> to vector<1x1x64xf32>
    tpu.vector_store %arg9[%swap3A_955, %swap3A_956, %swap3A_957], %swap3A_960 {strides = array<i32>} : memref<16x308x64xf32, #tpu.memory_space<vmem>>, vector<1x1x64xf32>,
    %slice3A_961 = vector.extract_strided_slice %concatenate3A_72 {offsets = [0, 960], sizes = [1, 64], strides = [1, 1]} : vector<1x1024xf32> to vector<1x64xf32>
    %swap3A_962 = arith.constant 15 : index
    %swap3A_963 = arith.constant 307 : index
    %swap3A_964 = arith.constant 0 : index
    %swap3A_965 = vector.load %arg9[%swap3A_962, %swap3A_963, %swap3A_964] : memref<16x308x64xf32, #tpu.memory_space<vmem>>, vector<1x1x64xf32>
    %swap3A_966 = vector.shape_cast %swap3A_965 : vector<1x1x64xf32> to vector<1x64xf32>
    %swap3A_967 = vector.shape_cast %slice3A_961 : vector<1x64xf32> to vector<1x1x64xf32>
    tpu.vector_store %arg9[%swap3A_962, %swap3A_963, %swap3A_964], %swap3A_967 {strides = array<i32>} : memref<16x308x64xf32, #tpu.memory_space<vmem>>, vector<1x1x64xf32>,
    return
  }
}

</mosaic_0001>

<sc_bundles>
// kernel: kernel.4.cloned.1.call-start
scs
__scs_entry_jumppad:
0x0: {  	(pc) =	sbr.rel $0x88, $3  }
0x1: {  	(tag) =	ssettag $0x0;
	lr =	simm.s32 $0x1  }
0x2: {  	[smem:$0x3F9C] =	sst lr;
	_ =	strace $0xD0000000  }
0x3: {  	_ = 	snop  }
0x4: {  	_ = 	snop  }
0x5: {  	_ = 	snop  }
0x6: {  	_ = 	snop  }
0x7: {  	_ = 	snop  }
__scs_overlays_trampoline_lowered:
0x8: {  	[smem:$0x3FAB] =	sst s0  }
0x9: {  	[smem:$0x3FAC] =	sst s1  }
0xa: {  	[smem:$0x3FAD] =	sst s2  }
0xb: {  	[smem:$0x3FAE] =	sst s3  }
0xc: {  	[smem:$0x3FAF] =	sst s4  }
0xd: {  	[smem:$0x3FB0] =	sst s5  }
0xe: {  	[smem:$0x3FB1] =	sst s6  }
0xf: {  	[smem:$0x3FB2] =	sst s7  }
0x10: {  	[smem:$0x3FB3] =	sst s8  }
0x11: {  	[smem:$0x3FB4] =	sst s9;
	s0 =	simm.s32 @!p0 $0x0  }
0x12: {  	s1 =	sld [smem:$0x3F9A];
	s0 =	simm.s32 @p0 $0x1  }
0x13: {  	[smem:$0x3FB5] =	sst s0;
	s0 =	simm.s32 @!p1 $0x0  }
0x14: {  	s2 =	sld [smem:$0x3F99];
	s0 =	simm.s32 @p1 $0x1  }
0x15: {  	[smem:$0x3FB6] =	sst s0;
	s0 =	simm.s32 @!p2 $0x0  }
0x16: {  	s3 =	sld [smem:$0x3FDB];
	s0 =	simm.s32 @p2 $0x1  }
0x17: {  	s4 =	simm.s32 $0x1BF5;
	[smem:$0x3FB8] =	sst s0  }
0x18: {  	s0 =	sld [smem:$0x3F9B];
	_ =	swait.ge [sflag:s4], $0x0  }
0x19: {  	s7 =	sld [smem:$0x3F9C]  }
0x1a: {  	s8 =	sadd.s32 $0xFFFFE003, lr  }
0x1b: {  	s9 =	sadd.s32 $0xFFFFFEF7, lr;
	s5 =	simm.s32 $0xFFFFFFFF;
	p2 =	slt.u32 s8, $0xFFFFF086  }
0x1c: {  	p1 =	slt.u32 s9, $0xF7A;
	s5 =	simm.s32 @!p2 $0x0  }
0x1d: {  	s5 =	simm.s32 @p1 $0x1;
	p0 =	seq.s32 s7, s2  }
0x1e: {  	s7 =	smul.u32 @!p0 $0xF7A, s2;
	p2 =	seq.s32 @!p0 s5, $0x0  }
0x1f: {  	s9 =	smul.u32 $0xF7A, s1;
	s8 =	simm.s32 @!p0 $0x1BF5;
	p2 =	por !p2, p0  }
0x20: {  	[sflag:s8] =	ssyncset.s32 @!p0 $0xFFFFF086;
	s6 =	sadd.s32 @!p0 s3, s7;
	s7 =	simm.s32 @!p0 $0x108  }
0x21: {  	s3 =	sadd.s32 s3, s9;
	s6 =	sadd.s32 @!p0 $0x88, s6;
	s7 =	simm.s32 @p2 $0x1082  }
0x22: {  	[simem:s7], [sflag:s8] =	dma.local @!p0 [hbm:s6], $0xF7A  }
0x23: {  	s9 =	sor.u32 $0xD0000000, s2;
	s6 =	simm.s32 $0x108;
	_ =	swait.ge @!p0 [sflag:s8], $0x0  }
0x24: {  	s3 =	sadd.s32 $0x88, s3;
	s6 =	simm.s32 @!p1 $0x1082;
	[sflag:s4] =	ssyncset.s32 $0xFFFFF086  }
0x25: {  	[simem:s6], [sflag:s4] =	dma.local [hbm:s3], $0xF7A  }
0x26: {  	[smem:$0x3F9C] =	sst s1;
	(tag) =	ssettag s2;
	_ =	strace s9  }
0x27: {  	s1 =	sld [smem:$0x3FAC]  }
0x28: {  	s2 =	sld [smem:$0x3FAD]  }
0x29: {  	s4 =	sld [smem:$0x3FAF]  }
0x2a: {  	p0 =	seq.s32 s5, $0x0;
	s5 =	sld [smem:$0x3FB0]  }
0x2b: {  	s6 =	sld [smem:$0x3FB1]  }
0x2c: {  	s7 =	sld [smem:$0x3FB2]  }
0x2d: {  	s3 =	simm.s32 $0x108;
	s8 =	sld [smem:$0x3FB3]  }
0x2e: {  	s3 =	simm.s32 @!p0 $0x1082;
	s9 =	sld [smem:$0x3FB4]  }
0x2f: {  	lr =	sadd.s32 s0, s3;
	s0 =	sld [smem:$0x3FAB]  }
0x30: {  	s3 =	sld [smem:$0x3FAE]  }
0x31: {  	[smem:$0x3FB7] =	sst s10  }
0x32: {  	s10 =	sld [smem:$0x3FB5];
	_ =	sdelay $0x3  }
0x33: {  	p0 =	seq.s32 s10, $0x1;
	s10 =	sld [smem:$0x3FB7];
	_ =	sdelay $0x3  }
0x34: {  	[smem:$0x3FB7] =	sst s10  }
0x35: {  	s10 =	sld [smem:$0x3FB6];
	_ =	sdelay $0x3  }
0x36: {  	p1 =	seq.s32 s10, $0x1;
	s10 =	sld [smem:$0x3FB7];
	_ =	sdelay $0x3  }
0x37: {  	[smem:$0x3FB7] =	sst s10  }
0x38: {  	s10 =	sld [smem:$0x3FB8]  }
0x39: {  	_ = 	snop;
	(pc) =	sbr.ind lr, $3  }
0x3a: {  	_ = 	snop  }
0x3b: {  	_ = 	snop  }
0x3c: {  	p2 =	seq.s32 s10, $0x1;
	s10 =	sld [smem:$0x3FB7]  }
0x3d: {  	_ =	shalt  }
0x3e: {  	_ =	shalt  }
0x3f: {  	_ =	shalt  }
0x40: {  	_ =	shalt  }
0x41: {  	_ =	shalt  }
0x42: {  	_ =	shalt  }
0x43: {  	_ =	shalt  }
0x44: {  	_ =	shalt  }
0x45: {  	_ =	shalt  }
0x46: {  	_ =	shalt  }
0x47: {  	_ =	shalt  }
0x48: {  	_ =	shalt  }
0x49: {  	_ =	shalt  }
0x4a: {  	_ =	shalt  }
0x4b: {  	_ =	shalt  }
0x4c: {  	_ =	shalt  }
0x4d: {  	_ =	shalt  }
0x4e: {  	_ =	shalt  }
0x4f: {  	_ =	shalt  }
0x50: {  	_ =	shalt  }
0x51: {  	_ =	shalt  }
0x52: {  	_ =	shalt  }
0x53: {  	_ =	shalt  }
0x54: {  	_ =	shalt  }
0x55: {  	_ =	shalt  }
0x56: {  	_ =	shalt  }
0x57: {  	_ =	shalt  }
0x58: {  	_ =	shalt  }
0x59: {  	_ =	shalt  }
0x5a: {  	_ =	shalt  }
0x5b: {  	_ =	shalt  }
0x5c: {  	_ =	shalt  }
0x5d: {  	_ =	shalt  }
0x5e: {  	_ =	shalt  }
0x5f: {  	_ =	shalt  }
0x60: {  	_ =	shalt  }
0x61: {  	_ =	shalt  }
0x62: {  	_ =	shalt  }
0x63: {  	_ =	shalt  }
0x64: {  	_ =	shalt  }
0x65: {  	_ =	shalt  }
0x66: {  	_ =	shalt  }
0x67: {  	_ =	shalt  }
0x68: {  	_ =	shalt  }
0x69: {  	_ =	shalt  }
0x6a: {  	_ =	shalt  }
0x6b: {  	_ =	shalt  }
0x6c: {  	_ =	shalt  }
0x6d: {  	_ =	shalt  }
0x6e: {  	_ =	shalt  }
0x6f: {  	_ =	shalt  }
0x70: {  	_ =	shalt  }
0x71: {  	_ =	shalt  }
0x72: {  	_ =	shalt  }
0x73: {  	_ =	shalt  }
0x74: {  	_ =	shalt  }
0x75: {  	_ =	shalt  }
0x76: {  	_ =	shalt  }
0x77: {  	_ =	shalt  }
0x78: {  	_ =	shalt  }
0x79: {  	_ =	shalt  }
0x7a: {  	_ =	shalt  }
0x7b: {  	_ =	shalt  }
0x7c: {  	_ =	shalt  }
0x7d: {  	_ =	shalt  }
0x7e: {  	_ =	shalt  }
0x7f: {  	_ =	shalt  }
0x80: {  	_ =	shalt  }
0x81: {  	_ =	shalt  }
0x82: {  	_ =	shalt  }
0x83: {  	_ =	shalt  }
0x84: {  	_ =	shalt  }
0x85: {  	_ =	shalt  }
0x86: {  	_ =	shalt  }
0x87: {  	_ =	shalt  }
.Lfunc_end0:
.L_simem_size_0:
called_computation_lowered:
.L_overlay_start_0:
0x88: {  	s0 =	sld [smem:$0x3FD9]  }
0x89: {  	s1 =	sld [smem:$0x3FFE];
	_ =	sdelay $0x3  }
0x8a: {  	s0 =	sadd.s32 s1, s0  }
0x8b: {  	[smem:$0x3FC3] =	sst s0  }
0x8c: {  	_ = 	snop  }
0x8d: {  	s0 =	sld [smem:$0x3FD0];
	_ =	sdelay $0x2  }
0x8e: {  	s13 =	simm.s32 $0xA;
	s2 =	simm.s32 $0x10  }
0x8f: {  	[smem:s2], [sflag:s13] =	dma.local [hbm:s0], $0x1  }
0x90: {  	_ =	swait.eq [sflag:s13], $0x1  }
0x91: {  	[sflag:s13] =	ssyncset.done $0x0  }
0x92: {  	[sflag:s13] =	ssyncadd.s32 $0xFFFFFFFF  }
0x93: {  	s14 =	sld [smem:$0x11];
	(tm) =	ssettm $0x1  }
0x94: {  	s15 =	sld [smem:$0x3FFB];
	_ =	sdelay $0x3  }
0x95: {  	_ =	strace s15  }
0x96: {  	s1 =	sld [smem:$0x3FFC];
	_ =	sdelay $0x3  }
0x97: {  	_ =	strace s1  }
0x98: {  	s1 =	sld [smem:$0x3FFD];
	_ =	sdelay $0x3  }
0x99: {  	_ =	strace s1  }
0x9a: {  	_ =	strace $0x8FFFFFFF  }
0x9b: {  	s16 =	sld [smem:$0x3FDB];
	_ =	sdelay $0x1  }
0x9c: {  	s17 =	simm.s32 $_scs_section_size  }
0x9d: {  	s3 =	simm.s32 $_size__tile_overlayer_lowered;
	s4 =	simm.s32 $_tile_overlayer_lowered  }
0x9e: {  	s20 =	simm.s32 $0x1BFF;
	s19 =	sshll.u32 s4, $0x1;
	s1 =	sadd.s32 s17, s16  }
0x9f: {  	s5 =	simm.s32 $0x0;
	s18 =	sshll.u32 s3, $0x1;
	s3 =	sadd.s32 s19, s1  }
0xa0: {  	[timem:s5], [sflag:s20] =	dma.local [hbm:s3], s18  }
0xa1: {  	_ =	swait.ge [sflag:s20], s18  }
0xa2: {  	s2 =	ssub.s32 $0x0, s18;
	[sflag:s20] =	ssyncset.done $0x0  }
0xa3: {  	[sflag:s20] =	ssyncadd.s32 s2;
	_ =	sdelay $0x1  }
0xa4: {  	s21 =	simm.s32 $0x1B8B  }
0xa5: {  	_ =	swait.ge [sflag:s21], $0x1  }
0xa6: {  	[sflag:s21] =	ssyncset.done $0x0  }
0xa7: {  	s23 =	simm.s32 $0x1B8E;
	s22 =	sld [smem:$0x3FFE];
	[sflag:s21] =	ssyncadd.s32 $0xFFFFFFFF  }
0xa8: {  	s24 =	simm.s32 $execute0_lowered;
	[smem:$0x3FD2] =	sst s23  }
0xa9: {  	s3 =	sshll.u32 s24, $0x1;
	_ =	strace $0x80000046;
	[dreg:$0x1] =	wrdreg $0xFFFFFFFF  }
0xaa: {  	s25 =	simm.s32 $_size_execute0_lowered;
	s1 =	sadd.s32 s1, s3;
	[dreg:$0x0] =	wrdreg $0x0  }
0xab: {  	s3 =	sshll.u32 s25, $0x1;
	[dreg:$0x2] =	wrdreg s1  }
0xac: {  	[dreg:$0x3] =	wrdreg s3  }
0xad: {  	[dreg:$0x4] =	wrdreg $0xC0  }
0xae: {  	_ =	task [dreg:s5], $0x5FFFF  }
0xaf: {  	[dreg:$0x1] =	wrdreg $0xFFFFFFFF  }
0xb0: {  	[dreg:$0x0] =	wrdreg $0x60  }
0xb1: {  	[dreg:$0x2] =	wrdreg s22  }
0xb2: {  	[dreg:$0x3] =	wrdreg s14  }
0xb3: {  	[dreg:$0x4] =	wrdreg $0x4EA00  }
0xb4: {  	[dreg:$0x5] =	wrdreg $0x9  }
0xb5: {  	_ =	task.clear_ibuf [dreg:s5], $0x6FFFF;
	_ =	strace $0x90000046  }
0xb6: {  	s26 =	simm.s32 $0x9;
	_ =	strace $0x80000048  }
0xb7: {  	_ =	swait.ge [sflag:s26], $0x1  }
0xb8: {  	[sflag:s26] =	ssyncadd.s32 $0xFFFFFFFF  }
0xb9: {  	_ =	strace $0x90000048  }
0xba: {  	_ =	sfence  }
0xbb: {  	s28 =	sld [smem:$0x0];
	_ =	sdelay $0x1  }
0xbc: {  	s29 =	srdreg.scid  }
0xbd: {  	s30 =	sshll.u32 s29, $0xD;
	s31 =	sshrl.u32 s29, $0x2  }
0xbe: {  	s2 =	sand.u32 $0x4000, s30;
	s1 =	sand.u32 $0x1, s29;
	s0 =	sadd.s32 s31, s28  }
0xbf: {  	s1 =	sor.u32 s2, s1;
	s0 =	sshll.u32 s0, $0x11  }
0xc0: {  	s0 =	sor.u32 s0, s1  }
0xc1: {  	s0 =	sadd.s32 $0x8F2B, s0  }
0xc2: {  	[sflag:s0] =	ssyncadd.remote.s32 $0x1  }
0xc3: {  	_ =	sfence.sel $0xFFFF  }
0xc4: {  	[dreg:$0x0] =	wrdreg $0xFFFFFFFF;
	(pc) =	sbr.abs _section_cstart, $3  }
0xc5: {  	[dreg:$0x1] =	wrdreg $0xFFFFFFFF  }
0xc6: {  	_ =	task.clear_ibuf [dreg:s5], $0x2FFFF;
	_ =	strace $0x9FFFFFFF  }
0xc7: {  	(tm) =	ssettm $0x7FFFFFFF  }
tec
execute0_lowered:
.L_overlay_start_1:
0x0: {  	(tag) =	ssettag $0x1  }
0x1: {  	v0 =	vimm.f32 $1.500000000e+01;
	vm14 =	vcmask $0x300  }
0x2: {  	vm13 =	vcmask $0x704;
	vm12 =	vcmask $0xB08;
	vm11 =	vcmask $0xF0C  }
0x3: {  	vm10 =	vcmask $0x1310;
	vm9 =	vcmask $0x1714;
	vm8 =	vcmask $0x1B18  }
0x4: {  	vm7 =	vcmask $0x1F1C;
	vm6 =	vcmask $0x2320;
	vm5 =	vcmask $0x2724  }
0x5: {  	vm4 =	vcmask $0x2B28;
	vm3 =	vcmask $0x2F2C;
	vm2 =	vcmask $0x3330  }
0x6: {  	vm1 =	vcmask $0x3734;
	vm0 =	vcmask $0x3B38;
	v0 =	vsel vm14, $0x0, v0  }
0x7: {  	v5 =	vimm.s32 $0x76543210;
	v6 =	vimm.s32 $0xFEDCBA98;
	v0 =	vsel vm13, $0x3F800000, v0  }
0x8: {  	v7 =	vimm.s32 $0xBA98FEDC;
	v8 =	vimm.s32 $0x32107654;
	v0 =	vsel vm12, $0x40000000, v0  }
0x9: {  	v9 =	vimm.s32 $0xDCFE98BA;
	v10 =	vimm.s32 $0x54761032;
	v0 =	vsel vm11, $0x40400000, v0  }
0xa: {  	v11 =	vimm.s32 $0xEFCDAB89;
	v12 =	vimm.s32 $0x67452301;
	v0 =	vsel vm10, $0x40800000, v0  }
0xb: {  	v21 =	vimm.f32 $1.000000000e+00;
	vm15 =	vmmov $0x7;
	v0 =	vsel vm9, $0x40A00000, v0  }
0xc: {  	v5 =	vunpack.c.l.s4.s8 v5;
	v6 =	vunpack.c.l.s4.s8 v6;
	v0 =	vsel vm8, $0x40C00000, v0  }
0xd: {  	v7 =	vunpack.c.l.s4.s8 v7;
	v8 =	vunpack.c.l.s4.s8 v8;
	v0 =	vsel vm7, $0x40E00000, v0  }
0xe: {  	v9 =	vunpack.c.l.s4.s8 v9;
	v10 =	vunpack.c.l.s4.s8 v10;
	v0 =	vsel vm6, $0x41000000, v0  }
0xf: {  	v11 =	vunpack.c.l.s4.s8 v11;
	v12 =	vunpack.c.l.s4.s8 v12;
	v0 =	vsel vm5, $0x41100000, v0  }
0x10: {  	s0 =	stileid.u32;
	v6 =	vunpack.c.0.s8.s32 v6;
	v7 =	vunpack.c.0.s8.s32 v7;
	v0 =	vsel vm4, $0x41200000, v0  }
0x11: {  	s1 =	sshll.u32 s0, $0x6;
	v8 =	vunpack.c.0.s8.s32 v8;
	v9 =	vunpack.c.0.s8.s32 v9;
	v0 =	vsel vm3, $0x41300000, v0  }
0x12: {  	s7 =	rddreg [dreg:$0x0];
	s6 =	simm.s32 $0x0;
	s4 =	sor.u32 $0x20, s1;
	v10 =	vunpack.c.0.s8.s32 v10;
	v13 =	vunpack.c.0.s8.s32 v5;
	v0 =	vsel vm2, $0x41400000, v0  }
0x13: {  	s8 =	smul.u32 $0x9A0, s0;
	s5 =	sor.u32 $0x30, s1;
	s4 =	scvt.s32.f32 s4;
	v11 =	vunpack.c.0.s8.s32 v11;
	v12 =	vunpack.c.0.s8.s32 v12;
	v0 =	vsel vm1, $0x41500000, v0  }
0x14: {  	[smem:$0x7FF] =	sst s6;
	s3 =	sor.u32 $0x10, s1;
	s5 =	scvt.s32.f32 s5;
	v14 =	vand.u32 $0xF, v6;
	v5 =	vcombine.low v8, v7;
	v0 =	vsel vm0, $0x41600000, v0  }
0x15: {  	s3 =	scvt.s32.f32 s3;
	v6 =	vcombine.low v10, v9;
	v7 =	vimm.f32 $0.0e+00;
	v3 =	vadd.f32 s4, v0;
	s4 =	rddreg [dreg:$0x1]  }
0x16: {  	s7 =	sadd.s32 s8, s7;
	v11 =	vcombine.low v12, v11;
	v12 =	vimm.f32 $3.100000000e+01;
	v4 =	vadd.f32 s5, v0;
	s5 =	rddreg [dreg:$0x2]  }
0x17: {  	s7 =	sadd.s32 $0xE00, s7;
	v8 =	vcombine.low v14, v13;
	v13 =	vimm.f32 $4.700000000e+01;
	v2 =	vadd.f32 s3, v0;
	s3 =	rddreg [dreg:$0x3];
	_ =	strace $0x80000047  }
0x18: {  	v14 =	vimm.f32 $6.300000000e+01;
	v12 =	vsel vm14, $0x41800000, v12;
	v9 =	vand.u32 $0xF, v5;
	[tilespmem:s6], [sflag:$0x1] =	stream.linear.gather [hbm4b:s7+s6], $0x4D00, $0x38;
	[tilespmem:$0x4EB0] =	vst v63  }
0x19: {  	v10 =	vand.u32 $0xF, v6;
	v13 =	vsel vm14, $0x42000000, v13;
	v14 =	vsel vm14, $0x42400000, v14;
	s7 =	simm.s32 $0x1  }
0x1a: {  	v12 =	vsel vm13, $0x41880000, v12;
	vm14 =	vmmov $0x3;
	v13 =	vsel vm13, $0x42040000, v13;
	_ =	swait.ge [sflag:s7], $0x4D00  }
0x1b: {  	v14 =	vsel vm13, $0x42440000, v14;
	v12 =	vsel vm12, $0x41900000, v12;
	vm13 =	vmmov $0x1;
	[sflag:s7] =	ssyncset.done $0x0  }
0x1c: {  	v13 =	vsel vm12, $0x42080000, v13;
	v14 =	vsel vm12, $0x42480000, v14;
	v12 =	vsel vm11, $0x41980000, v12;
	[sflag:s7] =	ssyncadd.s32 $0xFFFFB300  }
0x1d: {  	vm12 =	vmmov $0xfff;
	v13 =	vsel vm11, $0x420C0000, v13;
	v14 =	vsel vm11, $0x424C0000, v14;
	v15 =	vld [tilespmem:$0x4C80];
	[tilespmem:$0x4D80] =	vst v7  }
0x1e: {  	v12 =	vsel vm10, $0x41A00000, v12;
	vm11 =	vmmov $0x7ff;
	v13 =	vsel vm10, $0x42100000, v13;
	v16 =	vld [tilespmem:$0x4CC0];
	[tilespmem:$0x4D90] =	vst v7  }
0x1f: {  	v14 =	vsel vm10, $0x42500000, v14;
	v12 =	vsel vm9, $0x41A80000, v12;
	vm10 =	vmmov $0x3ff;
	v17 =	vld [tilespmem:$0x4C90];
	[tilespmem:$0x4DA0] =	vst v7  }
0x20: {  	v13 =	vsel vm9, $0x42140000, v13;
	v14 =	vsel vm9, $0x42540000, v14;
	v12 =	vsel vm8, $0x41B00000, v12;
	v18 =	vld [tilespmem:$0x4CD0];
	[tilespmem:$0x4DB0] =	vst v7  }
0x21: {  	vm9 =	vmmov $0x1ff;
	v13 =	vsel vm8, $0x42180000, v13;
	v14 =	vsel vm8, $0x42580000, v14;
	v20 =	vld [tilespmem:$0x4CB0];
	[tilespmem:$0x4E90] =	vst v21  }
0x22: {  	v12 =	vsel vm7, $0x41B80000, v12;
	vm8 =	vmmov $0xff;
	v13 =	vsel vm7, $0x421C0000, v13;
	v19 =	vld [tilespmem:$0x4CA0];
	[tilespmem:$0x4D00] =	vst v15  }
0x23: {  	s2 =	scvt.s32.f32 s1;
	v14 =	vsel vm7, $0x425C0000, v14;
	v12 =	vsel vm6, $0x41C00000, v12;
	vm7 =	vmmov $0x7f;
	[tilespmem:$0x4D40] =	vst v16  }
0x24: {  	v13 =	vsel vm6, $0x42200000, v13;
	v14 =	vsel vm6, $0x42600000, v14;
	v12 =	vsel vm5, $0x41C80000, v12;
	v22 =	vld [tilespmem:$0x4CF0];
	[tilespmem:$0x4D10] =	vst v17  }
0x25: {  	vm6 =	vmmov $0x3f;
	v1 =	vadd.f32 s2, v0;
	v13 =	vsel vm5, $0x42240000, v13;
	[tilespmem:$0x4D50] =	vst v18  }
0x26: {  	v14 =	vsel vm5, $0x42640000, v14;
	v12 =	vsel vm4, $0x41D00000, v12;
	[tilespmem:$0x4D30] =	vst v20;
	v20 =	vimm.s32 $0x0  }
0x27: {  	vm5 =	vmmov $0x1f;
	v13 =	vsel vm4, $0x42280000, v13;
	[tilespmem:$0x4D20] =	vst v19;
	v20 =	vsel vm14, $0xFFFFFFFF, v20  }
0x28: {  	v14 =	vsel vm4, $0x42680000, v14;
	v12 =	vsel vm3, $0x41D80000, v12;
	[tilespmem:$0x1FF20] =	vst v20;
	v20 =	vimm.s32 $0x0  }
0x29: {  	vm4 =	vmmov $0xf;
	v15 =	vimm.s32 $0x0;
	[tilespmem:$0x4D70] =	vst v22;
	v20 =	vsel vm15, $0xFFFFFFFF, v20  }
0x2a: {  	v13 =	vsel vm3, $0x422C0000, v13;
	v15 =	vsel vm13, $0xFFFFFFFF, v15;
	[tilespmem:$0x1FF30] =	vst v20;
	v20 =	vimm.s32 $0x0  }
0x2b: {  	v14 =	vsel vm3, $0x426C0000, v14;
	v22 =	vimm.s32 $0x0;
	[tilespmem:$0x1FF10] =	vst v15;
	v20 =	vsel vm4, $0xFFFFFFFF, v20  }
0x2c: {  	v12 =	vsel vm2, $0x41E00000, v12;
	v16 =	vld [tilespmem:$0x4CE0];
	v22 =	vsel vm11, $0xFFFFFFFF, v22;
	[tilespmem:$0x1FF40] =	vst v20;
	v20 =	vimm.s32 $0x0  }
0x2d: {  	v13 =	vsel vm2, $0x42300000, v13;
	[tilespmem:$0x1FFB0] =	vst v22;
	v22 =	vimm.s32 $0x0;
	v20 =	vsel vm5, $0xFFFFFFFF, v20  }
0x2e: {  	v14 =	vsel vm2, $0x42700000, v14;
	v22 =	vsel vm12, $0xFFFFFFFF, v22;
	[tilespmem:$0x1FF50] =	vst v20;
	v20 =	vimm.s32 $0x0  }
0x2f: {  	v12 =	vsel vm1, $0x41E80000, v12;
	v13 =	vsel vm1, $0x42340000, v13;
	[tilespmem:$0x1FFC0] =	vst v22;
	v20 =	vsel vm6, $0xFFFFFFFF, v20  }
0x30: {  	v14 =	vsel vm1, $0x42740000, v14;
	v12 =	vsel vm0, $0x41F00000, v12;
	[tilespmem:$0x1FF60] =	vst v20;
	v20 =	vimm.s32 $0x0  }
0x31: {  	vm13 =	vmmov $0x1fff;
	v22 =	vimm.s32 $0x0;
	[tilespmem:$0x4D60] =	vst v16;
	v20 =	vsel vm7, $0xFFFFFFFF, v20  }
0x32: {  	v13 =	vsel vm0, $0x42380000, v13;
	v22 =	vsel vm13, $0xFFFFFFFF, v22;
	[tilespmem:$0x1FF70] =	vst v20;
	v20 =	vimm.s32 $0x0  }
0x33: {  	vm14 =	vmmov $0x3fff;
	[tilespmem:$0x1FFD0] =	vst v22;
	v22 =	vimm.s32 $0x0;
	v20 =	vsel vm8, $0xFFFFFFFF, v20  }
.Ltmp0:
0x34: {  	v14 =	vsel vm0, $0x42780000, v14;
	v22 =	vsel vm14, $0xFFFFFFFF, v22;
	[tilespmem:$0x1FF80] =	vst v20;
	v20 =	vimm.s32 $0x0;
	(pc) =	sbr.rel .LBB2_1-.Ltmp0, $4  }
0x35: {  	vm15 =	vmmov $0x7fff;
	[tilespmem:$0x1FFE0] =	vst v22;
	v22 =	vimm.s32 $0x0;
	v20 =	vsel vm9, $0xFFFFFFFF, v20  }
0x36: {  	s12 =	simm.s32 $0x4E00;
	v17 =	vimm.s32 $0x8;
	v22 =	vsel vm15, $0xFFFFFFFF, v22;
	[tilespmem:$0x1FF90] =	vst v20;
	v20 =	vimm.s32 $0x0  }
0x37: {  	s13 =	simm.s32 $0x4E10;
	s11 =	sadd.s32 $0x40, s1;
	s8 =	sshll.u32 s0, $0x3;
	v18 =	vimm.s32 $0x1;
	v19 =	vimm.s32 $0x9;
	[tilespmem:$0x1FFF0] =	vst v22;
	v20 =	vsel vm10, $0xFFFFFFFF, v20  }
0x38: {  	s11 =	scvt.s32.f32 s11;
	s9 =	sand.u32 $0x70, s8;
	s10 =	sand.u32 $0x8, s8;
	v15 =	vlaneseq.u32;
	v16 =	vimm.s32 $0x0;
	[tilespmem:$0x1FFA0] =	vst v20;
	v20 =	vand.u32 $0xF, v11  }
.LBB2_11:
0x39: {  	(v2sf) =	vpush v22, $0x0;
	_ =	sdelay $0xd  }
0x3a: {  	s14 =	smax.f32 s14, s16  }
0x3b: {  	v23 =	vld [tilespmem:$0x4D30];
	s15 =	smax.f32 s17, s15;
	s18 =	spop (v2sf)  }
0x3c: {  	v24 =	vld [tilespmem:$0x4DB0];
	s14 =	smax.f32 s14, s15;
	p0 =	slt.f32 s18, s11  }
0x3d: {  	s6 =	sadd.s32 $0x80, s6;
	s15 =	smov.u32 s14  }
0x3e: {  	s15 =	simm.s32 @p0 $0x3F800000;
	p0 =	sne.s32 s6, $0x1F400  }
.Ltmp1:
0x3f: {  	vm0 =	veq.f32 v4, v22;
	p1 =	sge.f32 s18, s2;
	(pc) =	sbr.rel @!p0 .LBB2_12-.Ltmp1, $4  }
0x40: {  	v22 =	vsel vm0, $0xBF800000, v23  }
0x41: {  	v21 =	vsel vm0, v21, v24;
	[tilespmem:$0x4D30] =	vst v22;
	s14 =	smov.u32 @p1 s15  }
0x42: {  	[tilespmem:$0x4DB0] =	vst v21;
	v21 =	vmov s14  }
0x43: {  	[tilespmem:$0x4E90] =	vst v21  }
.LBB2_1:
0x44: {  	(v2sf) =	vpush v21, $0x0;
	_ =	sdelay $0xe  }
0x45: {  	s14 =	spop (v2sf)  }
0x46: {  	p0 =	sgt.f32 s14, $5.000000000e-01  }
.Ltmp2:
0x47: {  	_ = 	snop;
	(pc) =	sbr.rel @!p0 .LBB2_3-.Ltmp2, $1  }
0x48: {  	_ =	sdelay $0x3  }
0x49: {  	v21 =	vld [tilespmem:$0x4D00]  }
0x4a: {  	v22 =	vld [tilespmem:$0x4D10]  }
0x4b: {  	v23 =	vld [tilespmem:$0x4D20]  }
0x4c: {  	v24 =	vld [tilespmem:$0x4D30];
	_ =	sdelay $0x4  }
0x4d: {  	v25 =	vmax.f32 v21, v22;
	v26 =	vmax.f32 v23, v24  }
0x4e: {  	v25 =	vmax.f32 v25, v26  }
0x4f: {  	v26 =	vperm.xlane v25, v8;
	_ =	sdelay $0x1  }
0x50: {  	v25 =	vmax.f32 v25, v26  }
0x51: {  	v26 =	vperm.xlane v25, v9;
	_ =	sdelay $0x1  }
0x52: {  	v25 =	vmax.f32 v25, v26  }
0x53: {  	v26 =	vperm.xlane v25, v10;
	_ =	sdelay $0x1  }
0x54: {  	v25 =	vmax.f32 v25, v26  }
0x55: {  	v26 =	vperm.xlane v25, v11;
	_ =	sdelay $0x1  }
0x56: {  	v25 =	vmax.f32 v25, v26  }
0x57: {  	vm0 =	veq.f32 v21, v25;
	vm1 =	veq.f32 v22, v25  }
0x58: {  	vm6 =	veq.f32 v23, v25;
	v21 =	vnsel vm0, $0x44800000, v0;
	v22 =	vnsel vm1, $0x44800000, v12  }
0x59: {  	vm7 =	veq.f32 v24, v25;
	v21 =	vmin.f32 v21, v22;
	v22 =	vnsel vm6, $0x44800000, v13  }
0x5a: {  	v21 =	vmin.f32 v21, v22;
	v22 =	vnsel vm7, $0x44800000, v14  }
0x5b: {  	v21 =	vmin.f32 v21, v22  }
0x5c: {  	v22 =	vperm.xlane v21, v8;
	_ =	sdelay $0x1  }
0x5d: {  	v21 =	vmin.f32 v21, v22  }
0x5e: {  	v22 =	vperm.xlane v21, v9;
	_ =	sdelay $0x1  }
0x5f: {  	v21 =	vmin.f32 v21, v22  }
0x60: {  	v22 =	vperm.xlane v21, v10;
	_ =	sdelay $0x1  }
0x61: {  	v21 =	vmin.f32 v21, v22  }
0x62: {  	(v2sf) =	vpush v21, $0x0  }
0x63: {  	(v2sf) =	vpush v21, $0x1;
	_ =	sdelay $0xd  }
0x64: {  	s14 =	spop (v2sf)  }
0x65: {  	s15 =	spop (v2sf)  }
0x66: {  	s14 =	smin.f32 s14, s15  }
0x67: {  	s14 =	scvt.f32.s32 s14;
	_ =	sdelay $0x1  }
0x68: {  	s29 =	sand.u32 $0xFFFFFFF0, s14  }
0x69: {  	v21 =	vld [tilespmem:s29+$0x4D40];
	_ =	sdelay $0x2  }
0x6a: {  	s30 =	sand.u32 $0xF, s14  }
0x6b: {  	v22 =	vmov s30  }
0x6c: {  	v21 =	vperm.xlane v21, v22;
	_ =	sdelay $0x1  }
0x6d: {  	(v2sf) =	vpush v21, $0x0;
	_ =	sdelay $0xe  }
0x6e: {  	s31 =	spop (v2sf)  }
0x6f: {  	s15 =	scvt.f32.s32 s31  }
0x70: {  	s16 =	sshll.u32 s14, $0x2  }
0x71: {  	s16 =	sshra.s32 s16, $0x2;
	s15 =	sshll.u32 s15, $0x8  }
0x72: {  	v29 =	vld [tilespmem:$0x1FF10];
	s16 =	sand.u32 $0xFFFFFFF0, s16;
	s15 =	sshra.s32 s15, $0x2  }
0x73: {  	s15 =	sadd.s32 s16, s15  }
0x74: {  	v23 =	vld [tilespmem:s15+$0xCC0]  }
0x75: {  	v61 =	vld [tilespmem:s15+$0x1980]  }
0x76: {  	s14 =	sadd.s32 s14, s1;
	v62 =	vld [tilespmem:s15+$0x2640]  }
0x77: {  	vm8 =	vnez.u8 v29;
	s14 =	scvt.s32.f32 s14;
	v27 =	vld [tilespmem:s15+$0x3300]  }
0x78: {  	vm9 =	veq.s32 v15, $0x1;
	v25 =	vnsel vm8, $0x0, v25;
	v28 =	vld [tilespmem:s15+$0x3FC0]  }
0x79: {  	vm10 =	vcmask $0x720;
	v25 =	vsel vm9, s14, v25;
	v23 =	vperm.xlane v23, v22  }
0x7a: {  	vm11 =	vcmask $0xB20;
	v21 =	vsel vm10, v25, v21;
	v24 =	vperm.xlane v61, v22  }
0x7b: {  	vm12 =	vcmask $0xF20;
	v63 =	vperm.xlane v62, v22;
	v21 =	vsel vm11, v21, v23  }
0x7c: {  	vm13 =	vcmask $0x1320;
	v23 =	vperm.xlane v27, v22;
	v21 =	vsel vm12, v21, v24  }
0x7d: {  	vm14 =	vcmask $0x1720;
	v22 =	vperm.xlane v28, v22;
	v21 =	vsel vm13, v21, v63  }
0x7e: {  	vm15 =	vcmask $0x1B20;
	v21 =	vsel vm14, v21, v23  }
0x7f: {  	v21 =	vsel vm15, v21, v22  }
0x80: {  	[tilespmem:$0x4E00] =	vst v21  }
.LBB2_3:
0x81: {  	s14 =	sand.u32 $0x80, s6  }
0x82: {  	s14 =	sadd.s32 s14, s5  }
0x83: {  	s15 =	sadd.s32 s9, s14  }
0x84: {  	s15 =	sadd.s32 s10, s15  }
0x85: {  	[spmem:s15] =	stream.linear.scatter [tilespmem:s12], [sflag:$0x1], $0x8, $0x38;
	[tilespmem:$0x4EB0] =	vst v63  }
0x86: {  	_ =	swait.ge [sflag:s7], $0x8  }
0x87: {  	[sflag:s7] =	ssyncset.done $0x0  }
0x88: {  	[sflag:s7] =	ssyncadd.s32 $0xFFFFFFF8  }
0x89: {  	[bflag:$0x0] =	sbarrier.arrive $0xFFFF  }
0x8a: {  	[tilespmem:s13], [sflag:$0x1] =	stream.linear.gather [spmem:s14], $0x80, $0x38;
	[tilespmem:$0x4EB0] =	vst v63  }
0x8b: {  	_ =	swait.ge [sflag:s7], $0x80  }
0x8c: {  	v28 =	vld [tilespmem:$0x1FF10]  }
0x8d: {  	v29 =	vld [tilespmem:$0x1FF20]  }
0x8e: {  	v30 =	vld [tilespmem:$0x1FF40]  }
0x8f: {  	v31 =	vld [tilespmem:$0x1FF60]  }
0x90: {  	v32 =	vld [tilespmem:$0x1FF80]  }
0x91: {  	v56 =	vld [tilespmem:$0x1FF90]  }
0x92: {  	v57 =	vld [tilespmem:$0x1FFA0]  }
0x93: {  	v33 =	vld [tilespmem:$0x1FFB0]  }
0x94: {  	[sflag:s7] =	ssyncset.done $0x0;
	v59 =	vld [tilespmem:$0x1FFC0]  }
0x95: {  	v34 =	vld [tilespmem:$0x1FFD0];
	[sflag:s7] =	ssyncadd.s32 $0xFFFFFF80  }
0x96: {  	v21 =	vld [tilespmem:$0x4E10]  }
0x97: {  	v22 =	vld [tilespmem:$0x4E20]  }
0x98: {  	v23 =	vld [tilespmem:$0x4E30]  }
0x99: {  	vm1 =	vnez.u8 v29;
	v29 =	vld [tilespmem:$0x1FF30]  }
0x9a: {  	v26 =	vld [tilespmem:$0x4E40];
	vm0 =	vnez.u8 v28  }
0x9b: {  	vm3 =	vnez.u8 v30;
	v30 =	vld [tilespmem:$0x1FF50];
	v24 =	vperm.xlane v21, v16;
	v25 =	vperm.xlane v21, v17  }
0x9c: {  	v28 =	vld [tilespmem:$0x4E50];
	vm5 =	vnez.u8 v31;
	vm7 =	vnez.u8 v32;
	v27 =	vperm.xlane v22, v16  }
0x9d: {  	v31 =	vld [tilespmem:$0x1FF70];
	vm8 =	vnez.u8 v56;
	v24 =	vsel vm0, v24, v25;
	v25 =	vperm.xlane v22, v17  }
0x9e: {  	v61 =	vld [tilespmem:$0x1FFE0];
	v24 =	vsel vm1, v24, v27;
	v27 =	vperm.xlane v23, v16;
	vm2 =	vnez.u8 v29  }
0x9f: {  	vm9 =	vnez.u8 v57;
	v29 =	vld [tilespmem:$0x4E60];
	v24 =	vsel vm2, v24, v25;
	v25 =	vperm.xlane v23, v17  }
0xa0: {  	v62 =	vld [tilespmem:$0x1FFF0];
	vm4 =	vnez.u8 v30;
	v24 =	vsel vm3, v24, v27;
	v27 =	vperm.xlane v26, v16  }
0xa1: {  	vm10 =	vnez.u8 v33;
	v30 =	vld [tilespmem:$0x4E70];
	v24 =	vsel vm4, v24, v25;
	v25 =	vperm.xlane v26, v17  }
0xa2: {  	vm6 =	vnez.u8 v31;
	v24 =	vsel vm5, v24, v27;
	v27 =	vperm.xlane v28, v16  }
0xa3: {  	vm11 =	vnez.u8 v59;
	v31 =	vld [tilespmem:$0x4E80];
	v24 =	vsel vm6, v24, v25;
	v25 =	vperm.xlane v28, v17  }
0xa4: {  	vm12 =	vnez.u8 v34;
	v24 =	vsel vm7, v24, v27;
	v27 =	vperm.xlane v29, v16  }
0xa5: {  	vm14 =	vnez.u8 v61;
	v24 =	vsel vm8, v24, v25;
	v25 =	vperm.xlane v29, v17  }
0xa6: {  	vm15 =	vnez.u8 v62;
	v24 =	vsel vm9, v24, v27;
	v27 =	vperm.xlane v30, v16  }
0xa7: {  	v58 =	vperm.xlane v21, v18;
	v24 =	vsel vm10, v24, v25;
	v25 =	vperm.xlane v30, v17  }
0xa8: {  	v21 =	vperm.xlane v21, v19;
	v24 =	vsel vm11, v24, v27;
	v27 =	vperm.xlane v31, v16  }
0xa9: {  	v60 =	vperm.xlane v22, v18;
	v24 =	vsel vm12, v24, v25;
	v25 =	vperm.xlane v31, v17  }
0xaa: {  	v21 =	vsel vm0, v58, v21;
	v22 =	vperm.xlane v22, v19;
	v24 =	vsel vm14, v24, v27  }
0xab: {  	v21 =	vsel vm1, v21, v60;
	v27 =	vperm.xlane v23, v18;
	v24 =	vsel vm15, v24, v25  }
0xac: {  	v21 =	vsel vm2, v21, v22;
	v22 =	vperm.xlane v23, v19;
	v23 =	vperm.xlane v24, v8  }
0xad: {  	v25 =	vperm.xlane v26, v18;
	v21 =	vsel vm3, v21, v27  }
0xae: {  	v21 =	vsel vm4, v21, v22;
	v22 =	vperm.xlane v26, v19;
	v23 =	vmax.f32 v24, v23  }
0xaf: {  	v21 =	vsel vm5, v21, v25;
	v25 =	vperm.xlane v28, v18;
	v26 =	vperm.xlane v23, v9  }
0xb0: {  	v21 =	vsel vm6, v21, v22;
	v22 =	vperm.xlane v28, v19  }
0xb1: {  	v21 =	vsel vm7, v21, v25;
	v25 =	vperm.xlane v29, v18;
	v23 =	vmax.f32 v23, v26  }
0xb2: {  	v21 =	vsel vm8, v21, v22;
	v22 =	vperm.xlane v29, v19;
	v26 =	vperm.xlane v23, v10  }
0xb3: {  	v21 =	vsel vm9, v21, v25;
	v25 =	vperm.xlane v30, v18  }
0xb4: {  	v21 =	vsel vm10, v21, v22;
	v22 =	vperm.xlane v30, v19;
	v23 =	vmax.f32 v23, v26  }
0xb5: {  	v21 =	vsel vm11, v21, v25;
	v25 =	vperm.xlane v31, v18;
	v26 =	vperm.xlane v23, v20  }
0xb6: {  	v21 =	vsel vm12, v21, v22;
	v22 =	vperm.xlane v31, v19  }
0xb7: {  	v21 =	vsel vm14, v21, v25;
	v23 =	vmax.f32 v23, v26  }
0xb8: {  	v21 =	vsel vm15, v21, v22;
	vm9 =	veq.f32 v24, v23  }
0xb9: {  	v22 =	vnsel vm9, $0x4E6E6B28, v21  }
0xba: {  	v23 =	vperm.xlane v22, v8;
	_ =	sdelay $0x1  }
0xbb: {  	v22 =	vmin.f32 v22, v23  }
0xbc: {  	v23 =	vperm.xlane v22, v9;
	_ =	sdelay $0x1  }
0xbd: {  	v22 =	vmin.f32 v22, v23  }
0xbe: {  	v23 =	vperm.xlane v22, v10;
	_ =	sdelay $0x1  }
0xbf: {  	v22 =	vmin.f32 v22, v23  }
0xc0: {  	v23 =	vperm.xlane v22, v20;
	_ =	sdelay $0x1  }
0xc1: {  	v22 =	vmin.f32 v22, v23  }
0xc2: {  	vm1 =	veq.f32 v21, v22  }
0xc3: {  	vm0 =	vmand vm9, vm1  }
0xc4: {  	v21 =	vnsel vm0, $0x42800000, v0  }
0xc5: {  	v22 =	vperm.xlane v21, v8;
	_ =	sdelay $0x1  }
0xc6: {  	v21 =	vmin.f32 v21, v22  }
0xc7: {  	v22 =	vperm.xlane v21, v9;
	_ =	sdelay $0x1  }
0xc8: {  	v21 =	vmin.f32 v21, v22  }
0xc9: {  	v22 =	vperm.xlane v21, v10;
	_ =	sdelay $0x1  }
0xca: {  	v21 =	vmin.f32 v21, v22  }
0xcb: {  	(v2sf) =	vpush v21, $0x0  }
0xcc: {  	(v2sf) =	vpush v21, $0x1;
	_ =	sdelay $0xd  }
0xcd: {  	s26 =	spop (v2sf)  }
0xce: {  	s28 =	spop (v2sf)  }
0xcf: {  	s14 =	smin.f32 s26, s28  }
0xd0: {  	s14 =	scvt.f32.s32 s14;
	_ =	sdelay $0x1  }
0xd1: {  	s14 =	sshll.u32 s14, $0x3  }
0xd2: {  	s29 =	sand.u32 $0xFFFFFFF0, s14  }
0xd3: {  	v22 =	vld [tilespmem:s29+$0x4E10];
	_ =	sdelay $0x1  }
0xd4: {  	s14 =	sand.u32 $0x8, s14  }
0xd5: {  	v30 =	vmov s14  }
0xd6: {  	v21 =	vor.u32 $0x2, v30  }
0xd7: {  	v21 =	vperm.xlane v22, v21;
	_ =	sdelay $0x1  }
0xd8: {  	(v2sf) =	vpush v21, $0x0;
	_ =	sdelay $0xe  }
0xd9: {  	s30 =	spop (v2sf)  }
0xda: {  	s14 =	scvt.f32.s32 s30;
	_ =	sdelay $0x1  }
0xdb: {  	s14 =	sshll.u32 s14, $0x8  }
0xdc: {  	s15 =	sshra.s32 s14, $0x2  }
0xdd: {  	v27 =	vld [tilespmem:s15+$0xCC0]  }
0xde: {  	v28 =	vld [tilespmem:s15+$0x1980]  }
0xdf: {  	v29 =	vld [tilespmem:s15+$0x2640]  }
0xe0: {  	v31 =	vld [tilespmem:s15+$0x3300]  }
0xe1: {  	v23 =	vor.u32 $0x3, v30;
	v24 =	vor.u32 $0x5, v30;
	v26 =	vor.u32 $0x4, v30  }
0xe2: {  	v63 =	vor.u32 $0x6, v30;
	v23 =	vperm.xlane v22, v23;
	v25 =	vperm.xlane v22, v24  }
0xe3: {  	v24 =	vperm.xlane v22, v26;
	v26 =	vperm.xlane v22, v63  }
0xe4: {  	v29 =	vmin.f32 v25, v29  }
0xe5: {  	v27 =	vmax.f32 v23, v27;
	v31 =	vmin.f32 v26, v31;
	v28 =	vmax.f32 v24, v28  }
0xe6: {  	v27 =	vsub.f32 v29, v27;
	v28 =	vsub.f32 v31, v28;
	_ =	sdelay $0x1  }
0xe7: {  	v27 =	vadd.f32 $1.000000000e+00, v27;
	v28 =	vadd.f32 $1.000000000e+00, v28;
	_ =	sdelay $0x1  }
0xe8: {  	v29 =	vld [tilespmem:s15+$0x3FC0];
	v27 =	vmax.f32 v27, $0.0e+00;
	v28 =	vmax.f32 v28, $0.0e+00  }
0xe9: {  	v28 =	vmul.f32 v28, v27;
	_ =	sdelay $0x1  }
0xea: {  	v31 =	vsub.f32 $0.0e+00, v28  }
0xeb: {  	v27 =	vor.u32 $0x7, v30  }
0xec: {  	v27 =	vperm.xlane v22, v27;
	v29 =	vadd.f32 v31, v29;
	_ =	sdelay $0x1  }
0xed: {  	v29 =	vadd.f32 v29, v27;
	_ =	sdelay $0x1  }
0xee: {  	(erf) = vrcp.f32 v29;
	_ =	sdelay $0x7  }
0xef: {  	v29 =	vld [tilespmem:s15+$0x0]  }
0xf0: {  	v31 =	vpop (erf)  }
0xf1: {  	v28 =	vmul.f32 v31, v28;
	_ =	sdelay $0x1  }
0xf2: {  	vm10 =	vge.f32 v28, $5.000000000e-01  }
0xf3: {  	v28 =	vsel vm10, $0x0, v29  }
0xf4: {  	[tilespmem:s15+$0x0] =	vst v28  }
0xf5: {  	v28 =	vld [tilespmem:$0x4D40]  }
0xf6: {  	v29 =	vld [tilespmem:$0x4D00]  }
0xf7: {  	v30 =	vor.u32 $0x1, v30  }
0xf8: {  	v22 =	vperm.xlane v22, v30;
	_ =	sdelay $0x1  }
0xf9: {  	vm13 =	vlt.f32 v1, v22  }
0xfa: {  	vm14 =	vgt.f32 v1, v22;
	vm11 =	veq.f32 v28, v21;
	vm12 =	vgt.f32 v29, $-5.000000000e-01  }
0xfb: {  	vm15 =	vmor vm14, vm13;
	vm1 =	vmand vm12, vm11  }
0xfc: {  	vm1 =	vmand vm15, vm1  }
0xfd: {  	v30 =	vimm.s32 $0x0;
	vm0 =	vmand vm1, vm10  }
0xfe: {  	v30 =	vsel vm0, $0xFFFFFFFF, v30  }
0xff: {  	[tilespmem:$0x1FF00] =	vst v30;
	v30 =	vsel vm0, $0x3F800000, v7  }
0x100: {  	v31 =	vperm.xlane v30, v8;
	_ =	sdelay $0x1  }
0x101: {  	v30 =	vmax.f32 v30, v31  }
0x102: {  	v31 =	vperm.xlane v30, v9;
	_ =	sdelay $0x1  }
0x103: {  	v30 =	vmax.f32 v30, v31  }
0x104: {  	v31 =	vperm.xlane v30, v10;
	_ =	sdelay $0x1  }
0x105: {  	v30 =	vmax.f32 v30, v31  }
0x106: {  	(v2sf) =	vpush v30, $0x0  }
0x107: {  	(v2sf) =	vpush v30, $0x1;
	_ =	sdelay $0xd  }
0x108: {  	s31 =	spop (v2sf)  }
0x109: {  	s16 =	spop (v2sf)  }
0x10a: {  	s14 =	smax.f32 s31, s16  }
0x10b: {  	p0 =	sgt.f32 s14, $5.000000000e-01  }
.Ltmp3:
0x10c: {  	_ = 	snop;
	(pc) =	sbr.rel @!p0 .LBB2_5-.Ltmp3, $1  }
0x10d: {  	_ =	sdelay $0x3  }
0x10e: {  	v30 =	vld [tilespmem:$0x0]  }
0x10f: {  	v31 =	vld [tilespmem:$0x40];
	_ =	sdelay $0x1  }
0x110: {  	v32 =	vld [tilespmem:$0x80];
	_ =	sdelay $0x1  }
0x111: {  	v33 =	vld [tilespmem:$0xC0]  }
0x112: {  	vm1 =	vgt.f32 v31, v30  }
0x113: {  	v43 =	vld [tilespmem:$0x100];
	v30 =	vsel vm1, v31, v30  }
0x114: {  	vm2 =	vgt.f32 v32, v30  }
0x115: {  	v44 =	vld [tilespmem:$0x140];
	v30 =	vsel vm2, v32, v30  }
0x116: {  	vm3 =	vgt.f32 v33, v30  }
0x117: {  	v45 =	vld [tilespmem:$0x180];
	v30 =	vsel vm3, v33, v30  }
0x118: {  	vm4 =	vgt.f32 v43, v30  }
0x119: {  	v46 =	vld [tilespmem:$0x1C0];
	v30 =	vsel vm4, v43, v30  }
0x11a: {  	vm5 =	vgt.f32 v44, v30  }
0x11b: {  	v47 =	vld [tilespmem:$0x200];
	v30 =	vsel vm5, v44, v30  }
0x11c: {  	vm6 =	vgt.f32 v45, v30  }
0x11d: {  	v48 =	vld [tilespmem:$0x240];
	v30 =	vsel vm6, v45, v30  }
0x11e: {  	vm7 =	vgt.f32 v46, v30  }
0x11f: {  	v34 =	vimm.s32 $0x0;
	v49 =	vld [tilespmem:$0x280];
	v30 =	vsel vm7, v46, v30  }
0x120: {  	v34 =	vsel vm7, $0xFFFFFFFF, v34;
	vm7 =	vgt.f32 v47, v30  }
0x121: {  	v50 =	vimm.s32 $0x0;
	v51 =	vld [tilespmem:$0x2C0];
	v30 =	vsel vm7, v47, v30  }
0x122: {  	[tilespmem:$0x1FE20] =	vst v34;
	v34 =	vsel vm7, $0xFFFFFFFF, v50;
	vm7 =	vgt.f32 v48, v30  }
0x123: {  	v52 =	vimm.s32 $0x0;
	v53 =	vld [tilespmem:$0x300];
	v30 =	vsel vm7, v48, v30  }
0x124: {  	[tilespmem:$0x1FE30] =	vst v34;
	v34 =	vsel vm7, $0xFFFFFFFF, v52;
	vm7 =	vgt.f32 v49, v30  }
0x125: {  	v54 =	vimm.s32 $0x0;
	v55 =	vld [tilespmem:$0x340];
	v30 =	vsel vm7, v49, v30  }
0x126: {  	[tilespmem:$0x1FE40] =	vst v34;
	v34 =	vsel vm7, $0xFFFFFFFF, v54;
	vm7 =	vgt.f32 v51, v30  }
0x127: {  	v56 =	vimm.s32 $0x0;
	v57 =	vld [tilespmem:$0x380];
	v30 =	vsel vm7, v51, v30  }
0x128: {  	[tilespmem:$0x1FE50] =	vst v34;
	v34 =	vsel vm7, $0xFFFFFFFF, v56;
	vm7 =	vgt.f32 v53, v30  }
0x129: {  	v58 =	vimm.s32 $0x0;
	v59 =	vld [tilespmem:$0x3C0];
	v30 =	vsel vm7, v53, v30  }
0x12a: {  	[tilespmem:$0x1FE60] =	vst v34;
	v34 =	vsel vm7, $0xFFFFFFFF, v58;
	vm7 =	vgt.f32 v55, v30  }
0x12b: {  	v60 =	vimm.s32 $0x0;
	v61 =	vld [tilespmem:$0x400];
	v30 =	vsel vm7, v55, v30  }
0x12c: {  	[tilespmem:$0x1FE70] =	vst v34;
	v34 =	vsel vm7, $0xFFFFFFFF, v60;
	vm7 =	vgt.f32 v57, v30  }
0x12d: {  	v62 =	vimm.s32 $0x0;
	v63 =	vld [tilespmem:$0x440];
	v30 =	vsel vm7, v57, v30  }
0x12e: {  	[tilespmem:$0x1FE80] =	vst v34;
	v34 =	vsel vm7, $0xFFFFFFFF, v62;
	vm7 =	vgt.f32 v59, v30  }
0x12f: {  	v36 =	vimm.s32 $0x0;
	v37 =	vld [tilespmem:$0x480];
	v30 =	vsel vm7, v59, v30  }
0x130: {  	[tilespmem:$0x1FE90] =	vst v34;
	v34 =	vsel vm7, $0xFFFFFFFF, v36;
	vm7 =	vgt.f32 v61, v30  }
0x131: {  	v38 =	vimm.s32 $0x0;
	v39 =	vld [tilespmem:$0x4C0];
	v30 =	vsel vm7, v61, v30  }
0x132: {  	[tilespmem:$0x1FEA0] =	vst v34;
	v34 =	vsel vm7, $0xFFFFFFFF, v38;
	vm7 =	vgt.f32 v63, v30  }
0x133: {  	v41 =	vld [tilespmem:$0x500];
	v30 =	vsel vm7, v63, v30  }
0x134: {  	v40 =	vimm.s32 $0x0;
	vm0 =	vgt.f32 v37, v30  }
0x135: {  	v42 =	vimm.s32 $0x0;
	v43 =	vld [tilespmem:$0x540];
	[tilespmem:$0x1FEB0] =	vst v34;
	v34 =	vsel vm7, $0xFFFFFFFF, v40;
	v30 =	vsel vm0, v37, v30  }
0x136: {  	[tilespmem:$0x1FEC0] =	vst v34;
	v34 =	vsel vm0, $0xFFFFFFFF, v42;
	vm0 =	vgt.f32 v39, v30  }
0x137: {  	v44 =	vimm.s32 $0x0;
	v45 =	vld [tilespmem:$0x580];
	v30 =	vsel vm0, v39, v30  }
0x138: {  	v47 =	vld [tilespmem:$0x5C0];
	[tilespmem:$0x1FED0] =	vst v34;
	v34 =	vsel vm0, $0xFFFFFFFF, v44;
	vm0 =	vgt.f32 v41, v30  }
0x139: {  	v50 =	vld [tilespmem:$0x680];
	v30 =	vsel vm0, v41, v30  }
0x13a: {  	v35 =	vld [tilespmem:$0x1FE20];
	vm14 =	vgt.f32 v43, v30  }
0x13b: {  	v48 =	vld [tilespmem:$0x600];
	v30 =	vsel vm14, v43, v30  }
0x13c: {  	v52 =	vld [tilespmem:$0x700];
	vm13 =	vgt.f32 v45, v30  }
0x13d: {  	v49 =	vld [tilespmem:$0x640];
	v30 =	vsel vm13, v45, v30  }
0x13e: {  	v54 =	vld [tilespmem:$0x740];
	vm12 =	vgt.f32 v47, v30  }
0x13f: {  	v51 =	vld [tilespmem:$0x6C0];
	v30 =	vsel vm12, v47, v30  }
0x140: {  	v56 =	vld [tilespmem:$0x7C0];
	vm11 =	vgt.f32 v48, v30  }
0x141: {  	v58 =	vld [tilespmem:$0x1FE30];
	v30 =	vsel vm11, v48, v30  }
0x142: {  	v55 =	vld [tilespmem:$0x780];
	vm10 =	vgt.f32 v49, v30  }
0x143: {  	v60 =	vld [tilespmem:$0x840];
	v30 =	vsel vm10, v49, v30  }
0x144: {  	v46 =	vimm.s32 $0x0;
	v57 =	vld [tilespmem:$0x800];
	vm9 =	vgt.f32 v50, v30  }
0x145: {  	v53 =	vsel vm1, $0x3F800000, v7;
	v62 =	vld [tilespmem:$0x1FE60];
	[tilespmem:$0x1FEE0] =	vst v34;
	v34 =	vsel vm0, $0xFFFFFFFF, v46;
	v30 =	vsel vm9, v50, v30  }
0x146: {  	v59 =	vld [tilespmem:$0x1FE40];
	[tilespmem:$0x1FEF0] =	vst v34;
	v34 =	vsel vm2, $0x40000000, v53;
	vm8 =	vgt.f32 v51, v30  }
0x147: {  	v36 =	vld [tilespmem:$0x1FE70];
	v34 =	vsel vm3, $0x40400000, v34;
	v30 =	vsel vm8, v51, v30  }
0x148: {  	v61 =	vld [tilespmem:$0x1FE50];
	v34 =	vsel vm4, $0x40800000, v34;
	vm7 =	vgt.f32 v52, v30  }
0x149: {  	v38 =	vld [tilespmem:$0x8C0];
	v34 =	vsel vm5, $0x40A00000, v34;
	v30 =	vsel vm7, v52, v30  }
0x14a: {  	v63 =	vld [tilespmem:$0x880];
	vm4 =	vnez.u8 v35;
	v34 =	vsel vm6, $0x40C00000, v34;
	vm6 =	vgt.f32 v54, v30  }
0x14b: {  	v37 =	vld [tilespmem:$0x1FE80];
	vm5 =	vnez.u8 v58;
	v34 =	vsel vm4, $0x40E00000, v34;
	v30 =	vsel vm6, v54, v30  }
0x14c: {  	vm15 =	vnez.u8 v59;
	v39 =	vld [tilespmem:$0x1FE90];
	v34 =	vsel vm5, $0x41000000, v34;
	vm5 =	vgt.f32 v55, v30  }
0x14d: {  	v40 =	vld [tilespmem:$0x1FEA0];
	vm4 =	vnez.u8 v61;
	v34 =	vsel vm15, $0x41100000, v34;
	v30 =	vsel vm5, v55, v30  }
0x14e: {  	v42 =	vld [tilespmem:$0x1FEB0];
	vm15 =	vnez.u8 v62;
	v34 =	vsel vm4, $0x41200000, v34;
	vm4 =	vgt.f32 v56, v30  }
0x14f: {  	v43 =	vld [tilespmem:$0x1FEC0];
	v34 =	vsel vm15, $0x41300000, v34;
	vm15 =	vnez.u8 v36;
	v30 =	vsel vm4, v56, v30  }
0x150: {  	v45 =	vld [tilespmem:$0x1FED0];
	v34 =	vsel vm15, $0x41400000, v34;
	vm15 =	vnez.u8 v37;
	vm3 =	vgt.f32 v57, v30  }
0x151: {  	v46 =	vld [tilespmem:$0x1FEE0];
	v34 =	vsel vm15, $0x41500000, v34;
	vm15 =	vnez.u8 v39;
	v30 =	vsel vm3, v57, v30  }
0x152: {  	v48 =	vld [tilespmem:$0x1FEF0];
	v34 =	vsel vm15, $0x41600000, v34;
	vm15 =	vnez.u8 v40;
	vm2 =	vgt.f32 v60, v30  }
0x153: {  	v41 =	vld [tilespmem:$0x900];
	v34 =	vsel vm15, $0x41700000, v34;
	vm15 =	vnez.u8 v42;
	v30 =	vsel vm2, v60, v30  }
0x154: {  	v34 =	vsel vm15, $0x41800000, v34;
	vm15 =	vnez.u8 v43;
	vm1 =	vgt.f32 v63, v30  }
0x155: {  	v44 =	vld [tilespmem:$0x940];
	v34 =	vsel vm15, $0x41880000, v34;
	vm15 =	vnez.u8 v45;
	v30 =	vsel vm1, v63, v30  }
0x156: {  	v34 =	vsel vm15, $0x41900000, v34;
	vm15 =	vnez.u8 v46;
	vm0 =	vgt.f32 v38, v30  }
0x157: {  	v47 =	vld [tilespmem:$0x980];
	v34 =	vsel vm15, $0x41980000, v34;
	vm15 =	vnez.u8 v48;
	v30 =	vsel vm0, v38, v30  }
0x158: {  	v34 =	vsel vm15, $0x41A00000, v34;
	vm15 =	vgt.f32 v41, v30  }
0x159: {  	v49 =	vld [tilespmem:$0x9C0];
	v34 =	vsel vm14, $0x41A80000, v34;
	v30 =	vsel vm15, v41, v30  }
0x15a: {  	v34 =	vsel vm13, $0x41B00000, v34;
	vm13 =	vgt.f32 v44, v30  }
0x15b: {  	v50 =	vld [tilespmem:$0xA00];
	v34 =	vsel vm12, $0x41B80000, v34;
	v30 =	vsel vm13, v44, v30  }
0x15c: {  	v34 =	vsel vm11, $0x41C00000, v34;
	vm11 =	vgt.f32 v47, v30  }
0x15d: {  	v51 =	vld [tilespmem:$0xA40];
	v34 =	vsel vm10, $0x41C80000, v34;
	v30 =	vsel vm11, v47, v30  }
0x15e: {  	v34 =	vsel vm9, $0x41D00000, v34;
	vm9 =	vgt.f32 v49, v30  }
0x15f: {  	v52 =	vld [tilespmem:$0xA80];
	v34 =	vsel vm8, $0x41D80000, v34;
	v30 =	vsel vm9, v49, v30  }
0x160: {  	v34 =	vsel vm7, $0x41E00000, v34;
	vm10 =	vgt.f32 v50, v30  }
0x161: {  	v53 =	vld [tilespmem:$0xAC0];
	v34 =	vsel vm6, $0x41E80000, v34;
	v30 =	vsel vm10, v50, v30  }
0x162: {  	v34 =	vsel vm5, $0x41F00000, v34;
	vm5 =	vgt.f32 v51, v30  }
0x163: {  	v54 =	vld [tilespmem:$0xB00];
	v34 =	vsel vm4, $0x41F80000, v34;
	v30 =	vsel vm5, v51, v30  }
0x164: {  	v34 =	vsel vm3, $0x42000000, v34;
	vm12 =	vgt.f32 v52, v30  }
0x165: {  	v55 =	vld [tilespmem:$0xB40];
	v34 =	vsel vm2, $0x42040000, v34;
	v30 =	vsel vm12, v52, v30  }
0x166: {  	v34 =	vsel vm1, $0x42080000, v34;
	vm14 =	vgt.f32 v53, v30  }
0x167: {  	v56 =	vld [tilespmem:$0xB80];
	v34 =	vsel vm0, $0x420C0000, v34;
	v30 =	vsel vm14, v53, v30  }
0x168: {  	v34 =	vsel vm15, $0x42100000, v34;
	vm15 =	vgt.f32 v54, v30  }
0x169: {  	v57 =	vld [tilespmem:$0xBC0];
	v34 =	vsel vm13, $0x42140000, v34;
	v30 =	vsel vm15, v54, v30  }
0x16a: {  	v34 =	vsel vm11, $0x42180000, v34;
	vm8 =	vgt.f32 v55, v30  }
0x16b: {  	v58 =	vld [tilespmem:$0xC00];
	v34 =	vsel vm9, $0x421C0000, v34;
	v30 =	vsel vm8, v55, v30  }
0x16c: {  	v34 =	vsel vm10, $0x42200000, v34;
	vm10 =	vgt.f32 v56, v30  }
0x16d: {  	v59 =	vld [tilespmem:$0xC40];
	v34 =	vsel vm5, $0x42240000, v34;
	v30 =	vsel vm10, v56, v30  }
0x16e: {  	v34 =	vsel vm12, $0x42280000, v34;
	vm11 =	vgt.f32 v57, v30  }
0x16f: {  	v60 =	vld [tilespmem:$0xC80];
	v34 =	vsel vm14, $0x422C0000, v34;
	v30 =	vsel vm11, v57, v30  }
0x170: {  	v63 =	vld [tilespmem:$0x1FF00];
	v34 =	vsel vm15, $0x42300000, v34;
	vm12 =	vgt.f32 v58, v30  }
0x171: {  	v34 =	vsel vm8, $0x42340000, v34;
	v30 =	vsel vm12, v58, v30  }
0x172: {  	v61 =	vsel vm10, $0x42380000, v34;
	vm13 =	vgt.f32 v59, v30  }
0x173: {  	v33 =	vsel vm11, $0x423C0000, v61;
	v30 =	vsel vm13, v59, v30  }
0x174: {  	v62 =	vsel vm12, $0x42400000, v33;
	vm14 =	vgt.f32 v60, v30  }
0x175: {  	vm15 =	vnez.u8 v63;
	v31 =	vsel vm13, $0x42440000, v62;
	v30 =	vsel vm14, v60, v30  }
0x176: {  	v31 =	vsel vm14, $0x42480000, v31;
	v29 =	vsel vm15, v30, v29  }
0x177: {  	v28 =	vsel vm15, v31, v28;
	[tilespmem:$0x4D00] =	vst v29  }
0x178: {  	[tilespmem:$0x4D40] =	vst v28  }
.LBB2_5:
0x179: {  	v28 =	vld [tilespmem:$0x4D00]  }
0x17a: {  	v29 =	vld [tilespmem:$0x4D80];
	_ =	sdelay $0x2  }
0x17b: {  	vm0 =	veq.f32 v1, v22  }
0x17c: {  	v28 =	vsel vm0, $0xBF800000, v28  }
0x17d: {  	[tilespmem:$0x4D00] =	vst v28;
	v28 =	vsel vm0, v21, v29  }
0x17e: {  	[tilespmem:$0x4D80] =	vst v28  }
0x17f: {  	v28 =	vld [tilespmem:s15+$0xCD0]  }
0x180: {  	v29 =	vld [tilespmem:s15+$0x1990]  }
0x181: {  	v30 =	vld [tilespmem:s15+$0x2650]  }
0x182: {  	v31 =	vld [tilespmem:s15+$0x3310];
	_ =	sdelay $0x3  }
0x183: {  	v30 =	vmin.f32 v25, v30  }
0x184: {  	v28 =	vmax.f32 v23, v28;
	v31 =	vmin.f32 v26, v31;
	v29 =	vmax.f32 v24, v29  }
0x185: {  	v28 =	vsub.f32 v30, v28;
	v29 =	vsub.f32 v31, v29;
	_ =	sdelay $0x1  }
0x186: {  	v28 =	vadd.f32 $1.000000000e+00, v28;
	v29 =	vadd.f32 $1.000000000e+00, v29;
	_ =	sdelay $0x1  }
0x187: {  	v30 =	vld [tilespmem:s15+$0x3FD0];
	v28 =	vmax.f32 v28, $0.0e+00;
	v29 =	vmax.f32 v29, $0.0e+00  }
0x188: {  	v28 =	vmul.f32 v29, v28;
	_ =	sdelay $0x1  }
0x189: {  	v29 =	vsub.f32 $0.0e+00, v28;
	_ =	sdelay $0x1  }
0x18a: {  	v29 =	vadd.f32 v29, v30;
	_ =	sdelay $0x1  }
0x18b: {  	v29 =	vadd.f32 v29, v27;
	_ =	sdelay $0x1  }
0x18c: {  	(erf) = vrcp.f32 v29;
	_ =	sdelay $0x7  }
0x18d: {  	v29 =	vld [tilespmem:s15+$0x10]  }
0x18e: {  	v30 =	vpop (erf)  }
0x18f: {  	v28 =	vmul.f32 v30, v28;
	_ =	sdelay $0x1  }
0x190: {  	vm14 =	vge.f32 v28, $5.000000000e-01  }
0x191: {  	v28 =	vsel vm14, $0x0, v29  }
0x192: {  	[tilespmem:s15+$0x10] =	vst v28  }
0x193: {  	v28 =	vld [tilespmem:$0x4D50]  }
0x194: {  	v29 =	vld [tilespmem:$0x4D10];
	_ =	sdelay $0x3  }
0x195: {  	vm3 =	vlt.f32 v2, v22  }
0x196: {  	vm4 =	vgt.f32 v2, v22;
	vm1 =	veq.f32 v28, v21;
	vm2 =	vgt.f32 v29, $-5.000000000e-01  }
0x197: {  	vm15 =	vmor vm4, vm3;
	vm1 =	vmand vm2, vm1  }
0x198: {  	vm1 =	vmand vm15, vm1  }
0x199: {  	v30 =	vimm.s32 $0x0;
	vm0 =	vmand vm1, vm14  }
0x19a: {  	v30 =	vsel vm0, $0xFFFFFFFF, v30  }
0x19b: {  	[tilespmem:$0x1FE10] =	vst v30;
	v30 =	vsel vm0, $0x3F800000, v7  }
0x19c: {  	v31 =	vperm.xlane v30, v8;
	_ =	sdelay $0x1  }
0x19d: {  	v30 =	vmax.f32 v30, v31  }
0x19e: {  	v31 =	vperm.xlane v30, v5;
	_ =	sdelay $0x1  }
0x19f: {  	v30 =	vmax.f32 v30, v31  }
0x1a0: {  	v31 =	vperm.xlane v30, v6;
	_ =	sdelay $0x1  }
0x1a1: {  	v30 =	vmax.f32 v30, v31  }
0x1a2: {  	(v2sf) =	vpush v30, $0x0  }
0x1a3: {  	(v2sf) =	vpush v30, $0x1;
	_ =	sdelay $0xd  }
0x1a4: {  	s16 =	spop (v2sf)  }
0x1a5: {  	s17 =	spop (v2sf)  }
0x1a6: {  	s16 =	smax.f32 s16, s17  }
0x1a7: {  	p0 =	sgt.f32 s16, $5.000000000e-01  }
.Ltmp4:
0x1a8: {  	_ = 	snop;
	(pc) =	sbr.rel @!p0 .LBB2_7-.Ltmp4, $1  }
0x1a9: {  	_ =	sdelay $0x3  }
0x1aa: {  	v30 =	vld [tilespmem:$0x10]  }
0x1ab: {  	v31 =	vld [tilespmem:$0x50];
	_ =	sdelay $0x1  }
0x1ac: {  	v32 =	vld [tilespmem:$0x90];
	_ =	sdelay $0x1  }
0x1ad: {  	v33 =	vld [tilespmem:$0xD0]  }
0x1ae: {  	vm1 =	vgt.f32 v31, v30  }
0x1af: {  	v43 =	vld [tilespmem:$0x110];
	v30 =	vsel vm1, v31, v30  }
0x1b0: {  	vm2 =	vgt.f32 v32, v30  }
0x1b1: {  	v44 =	vld [tilespmem:$0x150];
	v30 =	vsel vm2, v32, v30  }
0x1b2: {  	vm3 =	vgt.f32 v33, v30  }
0x1b3: {  	v45 =	vld [tilespmem:$0x190];
	v30 =	vsel vm3, v33, v30  }
0x1b4: {  	vm4 =	vgt.f32 v43, v30  }
0x1b5: {  	v46 =	vld [tilespmem:$0x1D0];
	v30 =	vsel vm4, v43, v30  }
0x1b6: {  	vm5 =	vgt.f32 v44, v30  }
0x1b7: {  	v47 =	vld [tilespmem:$0x210];
	v30 =	vsel vm5, v44, v30  }
0x1b8: {  	vm6 =	vgt.f32 v45, v30  }
0x1b9: {  	v48 =	vld [tilespmem:$0x250];
	v30 =	vsel vm6, v45, v30  }
0x1ba: {  	vm7 =	vgt.f32 v46, v30  }
0x1bb: {  	v34 =	vimm.s32 $0x0;
	v49 =	vld [tilespmem:$0x290];
	v30 =	vsel vm7, v46, v30  }
0x1bc: {  	v34 =	vsel vm7, $0xFFFFFFFF, v34;
	vm7 =	vgt.f32 v47, v30  }
0x1bd: {  	v50 =	vimm.s32 $0x0;
	v51 =	vld [tilespmem:$0x2D0];
	v30 =	vsel vm7, v47, v30  }
0x1be: {  	[tilespmem:$0x1FD30] =	vst v34;
	v34 =	vsel vm7, $0xFFFFFFFF, v50;
	vm7 =	vgt.f32 v48, v30  }
0x1bf: {  	v52 =	vimm.s32 $0x0;
	v53 =	vld [tilespmem:$0x310];
	v30 =	vsel vm7, v48, v30  }
0x1c0: {  	[tilespmem:$0x1FD40] =	vst v34;
	v34 =	vsel vm7, $0xFFFFFFFF, v52;
	vm7 =	vgt.f32 v49, v30  }
0x1c1: {  	v54 =	vimm.s32 $0x0;
	v55 =	vld [tilespmem:$0x350];
	v30 =	vsel vm7, v49, v30  }
0x1c2: {  	[tilespmem:$0x1FD50] =	vst v34;
	v34 =	vsel vm7, $0xFFFFFFFF, v54;
	vm7 =	vgt.f32 v51, v30  }
0x1c3: {  	v56 =	vimm.s32 $0x0;
	v57 =	vld [tilespmem:$0x390];
	v30 =	vsel vm7, v51, v30  }
0x1c4: {  	[tilespmem:$0x1FD60] =	vst v34;
	v34 =	vsel vm7, $0xFFFFFFFF, v56;
	vm7 =	vgt.f32 v53, v30  }
0x1c5: {  	v58 =	vimm.s32 $0x0;
	v59 =	vld [tilespmem:$0x3D0];
	v30 =	vsel vm7, v53, v30  }
0x1c6: {  	[tilespmem:$0x1FD70] =	vst v34;
	v34 =	vsel vm7, $0xFFFFFFFF, v58;
	vm7 =	vgt.f32 v55, v30  }
0x1c7: {  	v60 =	vimm.s32 $0x0;
	v61 =	vld [tilespmem:$0x410];
	v30 =	vsel vm7, v55, v30  }
0x1c8: {  	[tilespmem:$0x1FD80] =	vst v34;
	v34 =	vsel vm7, $0xFFFFFFFF, v60;
	vm7 =	vgt.f32 v57, v30  }
0x1c9: {  	v62 =	vimm.s32 $0x0;
	v63 =	vld [tilespmem:$0x450];
	v30 =	vsel vm7, v57, v30  }
0x1ca: {  	[tilespmem:$0x1FD90] =	vst v34;
	v34 =	vsel vm7, $0xFFFFFFFF, v62;
	vm7 =	vgt.f32 v59, v30  }
0x1cb: {  	v36 =	vimm.s32 $0x0;
	v37 =	vld [tilespmem:$0x490];
	v30 =	vsel vm7, v59, v30  }
0x1cc: {  	[tilespmem:$0x1FDA0] =	vst v34;
	v34 =	vsel vm7, $0xFFFFFFFF, v36;
	vm7 =	vgt.f32 v61, v30  }
0x1cd: {  	v38 =	vimm.s32 $0x0;
	v39 =	vld [tilespmem:$0x4D0];
	v30 =	vsel vm7, v61, v30  }
0x1ce: {  	[tilespmem:$0x1FDB0] =	vst v34;
	v34 =	vsel vm7, $0xFFFFFFFF, v38;
	vm7 =	vgt.f32 v63, v30  }
0x1cf: {  	v41 =	vld [tilespmem:$0x510];
	v30 =	vsel vm7, v63, v30  }
0x1d0: {  	v40 =	vimm.s32 $0x0;
	vm0 =	vgt.f32 v37, v30  }
0x1d1: {  	v42 =	vimm.s32 $0x0;
	v43 =	vld [tilespmem:$0x550];
	[tilespmem:$0x1FDC0] =	vst v34;
	v34 =	vsel vm7, $0xFFFFFFFF, v40;
	v30 =	vsel vm0, v37, v30  }
0x1d2: {  	[tilespmem:$0x1FDD0] =	vst v34;
	v34 =	vsel vm0, $0xFFFFFFFF, v42;
	vm0 =	vgt.f32 v39, v30  }
0x1d3: {  	v44 =	vimm.s32 $0x0;
	v45 =	vld [tilespmem:$0x590];
	v30 =	vsel vm0, v39, v30  }
0x1d4: {  	v47 =	vld [tilespmem:$0x5D0];
	[tilespmem:$0x1FDE0] =	vst v34;
	v34 =	vsel vm0, $0xFFFFFFFF, v44;
	vm0 =	vgt.f32 v41, v30  }
0x1d5: {  	v50 =	vld [tilespmem:$0x690];
	v30 =	vsel vm0, v41, v30  }
0x1d6: {  	v35 =	vld [tilespmem:$0x1FD30];
	vm14 =	vgt.f32 v43, v30  }
0x1d7: {  	v48 =	vld [tilespmem:$0x610];
	v30 =	vsel vm14, v43, v30  }
0x1d8: {  	v52 =	vld [tilespmem:$0x710];
	vm13 =	vgt.f32 v45, v30  }
0x1d9: {  	v49 =	vld [tilespmem:$0x650];
	v30 =	vsel vm13, v45, v30  }
0x1da: {  	v54 =	vld [tilespmem:$0x750];
	vm12 =	vgt.f32 v47, v30  }
0x1db: {  	v51 =	vld [tilespmem:$0x6D0];
	v30 =	vsel vm12, v47, v30  }
0x1dc: {  	v56 =	vld [tilespmem:$0x7D0];
	vm11 =	vgt.f32 v48, v30  }
0x1dd: {  	v58 =	vld [tilespmem:$0x1FD40];
	v30 =	vsel vm11, v48, v30  }
0x1de: {  	v55 =	vld [tilespmem:$0x790];
	vm10 =	vgt.f32 v49, v30  }
0x1df: {  	v60 =	vld [tilespmem:$0x850];
	v30 =	vsel vm10, v49, v30  }
0x1e0: {  	v46 =	vimm.s32 $0x0;
	v57 =	vld [tilespmem:$0x810];
	vm9 =	vgt.f32 v50, v30  }
0x1e1: {  	v53 =	vsel vm1, $0x3F800000, v7;
	v62 =	vld [tilespmem:$0x1FD70];
	[tilespmem:$0x1FDF0] =	vst v34;
	v34 =	vsel vm0, $0xFFFFFFFF, v46;
	v30 =	vsel vm9, v50, v30  }
0x1e2: {  	v59 =	vld [tilespmem:$0x1FD50];
	[tilespmem:$0x1FE00] =	vst v34;
	v34 =	vsel vm2, $0x40000000, v53;
	vm8 =	vgt.f32 v51, v30  }
0x1e3: {  	v36 =	vld [tilespmem:$0x1FD80];
	v34 =	vsel vm3, $0x40400000, v34;
	v30 =	vsel vm8, v51, v30  }
0x1e4: {  	v61 =	vld [tilespmem:$0x1FD60];
	v34 =	vsel vm4, $0x40800000, v34;
	vm7 =	vgt.f32 v52, v30  }
0x1e5: {  	v38 =	vld [tilespmem:$0x8D0];
	v34 =	vsel vm5, $0x40A00000, v34;
	v30 =	vsel vm7, v52, v30  }
0x1e6: {  	v63 =	vld [tilespmem:$0x890];
	vm4 =	vnez.u8 v35;
	v34 =	vsel vm6, $0x40C00000, v34;
	vm6 =	vgt.f32 v54, v30  }
0x1e7: {  	v37 =	vld [tilespmem:$0x1FD90];
	vm5 =	vnez.u8 v58;
	v34 =	vsel vm4, $0x40E00000, v34;
	v30 =	vsel vm6, v54, v30  }
0x1e8: {  	vm15 =	vnez.u8 v59;
	v39 =	vld [tilespmem:$0x1FDA0];
	v34 =	vsel vm5, $0x41000000, v34;
	vm5 =	vgt.f32 v55, v30  }
0x1e9: {  	v40 =	vld [tilespmem:$0x1FDB0];
	vm4 =	vnez.u8 v61;
	v34 =	vsel vm15, $0x41100000, v34;
	v30 =	vsel vm5, v55, v30  }
0x1ea: {  	v42 =	vld [tilespmem:$0x1FDC0];
	vm15 =	vnez.u8 v62;
	v34 =	vsel vm4, $0x41200000, v34;
	vm4 =	vgt.f32 v56, v30  }
0x1eb: {  	v43 =	vld [tilespmem:$0x1FDD0];
	v34 =	vsel vm15, $0x41300000, v34;
	vm15 =	vnez.u8 v36;
	v30 =	vsel vm4, v56, v30  }
0x1ec: {  	v45 =	vld [tilespmem:$0x1FDE0];
	v34 =	vsel vm15, $0x41400000, v34;
	vm15 =	vnez.u8 v37;
	vm3 =	vgt.f32 v57, v30  }
0x1ed: {  	v46 =	vld [tilespmem:$0x1FDF0];
	v34 =	vsel vm15, $0x41500000, v34;
	vm15 =	vnez.u8 v39;
	v30 =	vsel vm3, v57, v30  }
0x1ee: {  	v48 =	vld [tilespmem:$0x1FE00];
	v34 =	vsel vm15, $0x41600000, v34;
	vm15 =	vnez.u8 v40;
	vm2 =	vgt.f32 v60, v30  }
0x1ef: {  	v41 =	vld [tilespmem:$0x910];
	v34 =	vsel vm15, $0x41700000, v34;
	vm15 =	vnez.u8 v42;
	v30 =	vsel vm2, v60, v30  }
0x1f0: {  	v34 =	vsel vm15, $0x41800000, v34;
	vm15 =	vnez.u8 v43;
	vm1 =	vgt.f32 v63, v30  }
0x1f1: {  	v44 =	vld [tilespmem:$0x950];
	v34 =	vsel vm15, $0x41880000, v34;
	vm15 =	vnez.u8 v45;
	v30 =	vsel vm1, v63, v30  }
0x1f2: {  	v34 =	vsel vm15, $0x41900000, v34;
	vm15 =	vnez.u8 v46;
	vm0 =	vgt.f32 v38, v30  }
0x1f3: {  	v47 =	vld [tilespmem:$0x990];
	v34 =	vsel vm15, $0x41980000, v34;
	vm15 =	vnez.u8 v48;
	v30 =	vsel vm0, v38, v30  }
0x1f4: {  	v34 =	vsel vm15, $0x41A00000, v34;
	vm15 =	vgt.f32 v41, v30  }
0x1f5: {  	v49 =	vld [tilespmem:$0x9D0];
	v34 =	vsel vm14, $0x41A80000, v34;
	v30 =	vsel vm15, v41, v30  }
0x1f6: {  	v34 =	vsel vm13, $0x41B00000, v34;
	vm13 =	vgt.f32 v44, v30  }
0x1f7: {  	v50 =	vld [tilespmem:$0xA10];
	v34 =	vsel vm12, $0x41B80000, v34;
	v30 =	vsel vm13, v44, v30  }
0x1f8: {  	v34 =	vsel vm11, $0x41C00000, v34;
	vm11 =	vgt.f32 v47, v30  }
0x1f9: {  	v51 =	vld [tilespmem:$0xA50];
	v34 =	vsel vm10, $0x41C80000, v34;
	v30 =	vsel vm11, v47, v30  }
0x1fa: {  	v34 =	vsel vm9, $0x41D00000, v34;
	vm9 =	vgt.f32 v49, v30  }
0x1fb: {  	v52 =	vld [tilespmem:$0xA90];
	v34 =	vsel vm8, $0x41D80000, v34;
	v30 =	vsel vm9, v49, v30  }
0x1fc: {  	v34 =	vsel vm7, $0x41E00000, v34;
	vm10 =	vgt.f32 v50, v30  }
0x1fd: {  	v53 =	vld [tilespmem:$0xAD0];
	v34 =	vsel vm6, $0x41E80000, v34;
	v30 =	vsel vm10, v50, v30  }
0x1fe: {  	v34 =	vsel vm5, $0x41F00000, v34;
	vm5 =	vgt.f32 v51, v30  }
0x1ff: {  	v54 =	vld [tilespmem:$0xB10];
	v34 =	vsel vm4, $0x41F80000, v34;
	v30 =	vsel vm5, v51, v30  }
0x200: {  	v34 =	vsel vm3, $0x42000000, v34;
	vm12 =	vgt.f32 v52, v30  }
0x201: {  	v55 =	vld [tilespmem:$0xB50];
	v34 =	vsel vm2, $0x42040000, v34;
	v30 =	vsel vm12, v52, v30  }
0x202: {  	v34 =	vsel vm1, $0x42080000, v34;
	vm14 =	vgt.f32 v53, v30  }
0x203: {  	v56 =	vld [tilespmem:$0xB90];
	v34 =	vsel vm0, $0x420C0000, v34;
	v30 =	vsel vm14, v53, v30  }
0x204: {  	v34 =	vsel vm15, $0x42100000, v34;
	vm15 =	vgt.f32 v54, v30  }
0x205: {  	v57 =	vld [tilespmem:$0xBD0];
	v34 =	vsel vm13, $0x42140000, v34;
	v30 =	vsel vm15, v54, v30  }
0x206: {  	v34 =	vsel vm11, $0x42180000, v34;
	vm8 =	vgt.f32 v55, v30  }
0x207: {  	v58 =	vld [tilespmem:$0xC10];
	v34 =	vsel vm9, $0x421C0000, v34;
	v30 =	vsel vm8, v55, v30  }
0x208: {  	v34 =	vsel vm10, $0x42200000, v34;
	vm10 =	vgt.f32 v56, v30  }
0x209: {  	v59 =	vld [tilespmem:$0xC50];
	v34 =	vsel vm5, $0x42240000, v34;
	v30 =	vsel vm10, v56, v30  }
0x20a: {  	v34 =	vsel vm12, $0x42280000, v34;
	vm11 =	vgt.f32 v57, v30  }
0x20b: {  	v60 =	vld [tilespmem:$0xC90];
	v34 =	vsel vm14, $0x422C0000, v34;
	v30 =	vsel vm11, v57, v30  }
0x20c: {  	v63 =	vld [tilespmem:$0x1FE10];
	v34 =	vsel vm15, $0x42300000, v34;
	vm12 =	vgt.f32 v58, v30  }
0x20d: {  	v34 =	vsel vm8, $0x42340000, v34;
	v30 =	vsel vm12, v58, v30  }
0x20e: {  	v61 =	vsel vm10, $0x42380000, v34;
	vm13 =	vgt.f32 v59, v30  }
0x20f: {  	v33 =	vsel vm11, $0x423C0000, v61;
	v30 =	vsel vm13, v59, v30  }
0x210: {  	v62 =	vsel vm12, $0x42400000, v33;
	vm14 =	vgt.f32 v60, v30  }
0x211: {  	vm15 =	vnez.u8 v63;
	v31 =	vsel vm13, $0x42440000, v62;
	v30 =	vsel vm14, v60, v30  }
0x212: {  	v31 =	vsel vm14, $0x42480000, v31;
	v29 =	vsel vm15, v30, v29  }
0x213: {  	v28 =	vsel vm15, v31, v28;
	[tilespmem:$0x4D10] =	vst v29  }
0x214: {  	[tilespmem:$0x4D50] =	vst v28  }
.LBB2_7:
0x215: {  	v28 =	vld [tilespmem:$0x4D10]  }
0x216: {  	v29 =	vld [tilespmem:$0x4D90];
	_ =	sdelay $0x2  }
0x217: {  	vm0 =	veq.f32 v2, v22  }
0x218: {  	v28 =	vsel vm0, $0xBF800000, v28  }
0x219: {  	[tilespmem:$0x4D10] =	vst v28;
	v28 =	vsel vm0, v21, v29  }
0x21a: {  	[tilespmem:$0x4D90] =	vst v28  }
0x21b: {  	v28 =	vld [tilespmem:s15+$0xCE0]  }
0x21c: {  	v29 =	vld [tilespmem:s15+$0x19A0]  }
0x21d: {  	v30 =	vld [tilespmem:s15+$0x2660]  }
0x21e: {  	v31 =	vld [tilespmem:s15+$0x3320];
	_ =	sdelay $0x3  }
0x21f: {  	v30 =	vmin.f32 v25, v30  }
0x220: {  	v28 =	vmax.f32 v23, v28;
	v31 =	vmin.f32 v26, v31;
	v29 =	vmax.f32 v24, v29  }
0x221: {  	v28 =	vsub.f32 v30, v28;
	v29 =	vsub.f32 v31, v29;
	_ =	sdelay $0x1  }
0x222: {  	v28 =	vadd.f32 $1.000000000e+00, v28;
	v29 =	vadd.f32 $1.000000000e+00, v29;
	_ =	sdelay $0x1  }
0x223: {  	v30 =	vld [tilespmem:s15+$0x3FE0];
	v28 =	vmax.f32 v28, $0.0e+00;
	v29 =	vmax.f32 v29, $0.0e+00  }
0x224: {  	v28 =	vmul.f32 v29, v28;
	_ =	sdelay $0x1  }
0x225: {  	v29 =	vsub.f32 $0.0e+00, v28;
	_ =	sdelay $0x1  }
0x226: {  	v29 =	vadd.f32 v29, v30;
	_ =	sdelay $0x1  }
0x227: {  	v29 =	vadd.f32 v29, v27;
	_ =	sdelay $0x1  }
0x228: {  	(erf) = vrcp.f32 v29;
	_ =	sdelay $0x7  }
0x229: {  	v29 =	vld [tilespmem:s15+$0x20]  }
0x22a: {  	v30 =	vpop (erf)  }
0x22b: {  	v28 =	vmul.f32 v30, v28;
	_ =	sdelay $0x1  }
0x22c: {  	vm14 =	vge.f32 v28, $5.000000000e-01  }
0x22d: {  	v28 =	vsel vm14, $0x0, v29  }
0x22e: {  	[tilespmem:s15+$0x20] =	vst v28  }
0x22f: {  	v28 =	vld [tilespmem:$0x4D60]  }
0x230: {  	v29 =	vld [tilespmem:$0x4D20];
	_ =	sdelay $0x3  }
0x231: {  	vm3 =	vlt.f32 v3, v22  }
0x232: {  	vm4 =	vgt.f32 v3, v22;
	vm1 =	veq.f32 v28, v21;
	vm2 =	vgt.f32 v29, $-5.000000000e-01  }
0x233: {  	vm15 =	vmor vm4, vm3;
	vm1 =	vmand vm2, vm1  }
0x234: {  	vm1 =	vmand vm15, vm1  }
0x235: {  	v30 =	vimm.s32 $0x0;
	vm0 =	vmand vm1, vm14  }
0x236: {  	v30 =	vsel vm0, $0xFFFFFFFF, v30  }
0x237: {  	[tilespmem:$0x1FD20] =	vst v30;
	v30 =	vsel vm0, $0x3F800000, v7  }
0x238: {  	v31 =	vperm.xlane v30, v8;
	_ =	sdelay $0x1  }
0x239: {  	v30 =	vmax.f32 v30, v31  }
0x23a: {  	v31 =	vperm.xlane v30, v5;
	_ =	sdelay $0x1  }
0x23b: {  	v30 =	vmax.f32 v30, v31  }
0x23c: {  	v31 =	vperm.xlane v30, v6;
	_ =	sdelay $0x1  }
0x23d: {  	v30 =	vmax.f32 v30, v31  }
0x23e: {  	(v2sf) =	vpush v30, $0x0  }
0x23f: {  	(v2sf) =	vpush v30, $0x1;
	_ =	sdelay $0xd  }
0x240: {  	s17 =	spop (v2sf)  }
0x241: {  	s18 =	spop (v2sf)  }
0x242: {  	s17 =	smax.f32 s17, s18  }
0x243: {  	p0 =	sgt.f32 s17, $5.000000000e-01  }
.Ltmp5:
0x244: {  	_ = 	snop;
	(pc) =	sbr.rel @!p0 .LBB2_9-.Ltmp5, $1  }
0x245: {  	_ =	sdelay $0x3  }
0x246: {  	v30 =	vld [tilespmem:$0x20]  }
0x247: {  	v31 =	vld [tilespmem:$0x60];
	_ =	sdelay $0x1  }
0x248: {  	v32 =	vld [tilespmem:$0xA0];
	_ =	sdelay $0x1  }
0x249: {  	v33 =	vld [tilespmem:$0xE0]  }
0x24a: {  	vm1 =	vgt.f32 v31, v30  }
0x24b: {  	v43 =	vld [tilespmem:$0x120];
	v30 =	vsel vm1, v31, v30  }
0x24c: {  	vm2 =	vgt.f32 v32, v30  }
0x24d: {  	v44 =	vld [tilespmem:$0x160];
	v30 =	vsel vm2, v32, v30  }
0x24e: {  	vm3 =	vgt.f32 v33, v30  }
0x24f: {  	v45 =	vld [tilespmem:$0x1A0];
	v30 =	vsel vm3, v33, v30  }
0x250: {  	vm4 =	vgt.f32 v43, v30  }
0x251: {  	v46 =	vld [tilespmem:$0x1E0];
	v30 =	vsel vm4, v43, v30  }
0x252: {  	vm5 =	vgt.f32 v44, v30  }
0x253: {  	v47 =	vld [tilespmem:$0x220];
	v30 =	vsel vm5, v44, v30  }
0x254: {  	vm6 =	vgt.f32 v45, v30  }
0x255: {  	v48 =	vld [tilespmem:$0x260];
	v30 =	vsel vm6, v45, v30  }
0x256: {  	vm7 =	vgt.f32 v46, v30  }
0x257: {  	v34 =	vimm.s32 $0x0;
	v49 =	vld [tilespmem:$0x2A0];
	v30 =	vsel vm7, v46, v30  }
0x258: {  	v34 =	vsel vm7, $0xFFFFFFFF, v34;
	vm7 =	vgt.f32 v47, v30  }
0x259: {  	v50 =	vimm.s32 $0x0;
	v51 =	vld [tilespmem:$0x2E0];
	v30 =	vsel vm7, v47, v30  }
0x25a: {  	[tilespmem:$0x1FC40] =	vst v34;
	v34 =	vsel vm7, $0xFFFFFFFF, v50;
	vm7 =	vgt.f32 v48, v30  }
0x25b: {  	v52 =	vimm.s32 $0x0;
	v53 =	vld [tilespmem:$0x320];
	v30 =	vsel vm7, v48, v30  }
0x25c: {  	[tilespmem:$0x1FC50] =	vst v34;
	v34 =	vsel vm7, $0xFFFFFFFF, v52;
	vm7 =	vgt.f32 v49, v30  }
0x25d: {  	v54 =	vimm.s32 $0x0;
	v55 =	vld [tilespmem:$0x360];
	v30 =	vsel vm7, v49, v30  }
0x25e: {  	[tilespmem:$0x1FC60] =	vst v34;
	v34 =	vsel vm7, $0xFFFFFFFF, v54;
	vm7 =	vgt.f32 v51, v30  }
0x25f: {  	v56 =	vimm.s32 $0x0;
	v57 =	vld [tilespmem:$0x3A0];
	v30 =	vsel vm7, v51, v30  }
0x260: {  	[tilespmem:$0x1FC70] =	vst v34;
	v34 =	vsel vm7, $0xFFFFFFFF, v56;
	vm7 =	vgt.f32 v53, v30  }
0x261: {  	v58 =	vimm.s32 $0x0;
	v59 =	vld [tilespmem:$0x3E0];
	v30 =	vsel vm7, v53, v30  }
0x262: {  	[tilespmem:$0x1FC80] =	vst v34;
	v34 =	vsel vm7, $0xFFFFFFFF, v58;
	vm7 =	vgt.f32 v55, v30  }
0x263: {  	v60 =	vimm.s32 $0x0;
	v61 =	vld [tilespmem:$0x420];
	v30 =	vsel vm7, v55, v30  }
0x264: {  	[tilespmem:$0x1FC90] =	vst v34;
	v34 =	vsel vm7, $0xFFFFFFFF, v60;
	vm7 =	vgt.f32 v57, v30  }
0x265: {  	v62 =	vimm.s32 $0x0;
	v63 =	vld [tilespmem:$0x460];
	v30 =	vsel vm7, v57, v30  }
0x266: {  	[tilespmem:$0x1FCA0] =	vst v34;
	v34 =	vsel vm7, $0xFFFFFFFF, v62;
	vm7 =	vgt.f32 v59, v30  }
0x267: {  	v36 =	vimm.s32 $0x0;
	v37 =	vld [tilespmem:$0x4A0];
	v30 =	vsel vm7, v59, v30  }
0x268: {  	[tilespmem:$0x1FCB0] =	vst v34;
	v34 =	vsel vm7, $0xFFFFFFFF, v36;
	vm7 =	vgt.f32 v61, v30  }
0x269: {  	v38 =	vimm.s32 $0x0;
	v39 =	vld [tilespmem:$0x4E0];
	v30 =	vsel vm7, v61, v30  }
0x26a: {  	[tilespmem:$0x1FCC0] =	vst v34;
	v34 =	vsel vm7, $0xFFFFFFFF, v38;
	vm7 =	vgt.f32 v63, v30  }
0x26b: {  	v41 =	vld [tilespmem:$0x520];
	v30 =	vsel vm7, v63, v30  }
0x26c: {  	v40 =	vimm.s32 $0x0;
	vm0 =	vgt.f32 v37, v30  }
0x26d: {  	v42 =	vimm.s32 $0x0;
	v43 =	vld [tilespmem:$0x560];
	[tilespmem:$0x1FCD0] =	vst v34;
	v34 =	vsel vm7, $0xFFFFFFFF, v40;
	v30 =	vsel vm0, v37, v30  }
0x26e: {  	[tilespmem:$0x1FCE0] =	vst v34;
	v34 =	vsel vm0, $0xFFFFFFFF, v42;
	vm0 =	vgt.f32 v39, v30  }
0x26f: {  	v44 =	vimm.s32 $0x0;
	v45 =	vld [tilespmem:$0x5A0];
	v30 =	vsel vm0, v39, v30  }
0x270: {  	v47 =	vld [tilespmem:$0x5E0];
	[tilespmem:$0x1FCF0] =	vst v34;
	v34 =	vsel vm0, $0xFFFFFFFF, v44;
	vm0 =	vgt.f32 v41, v30  }
0x271: {  	v50 =	vld [tilespmem:$0x6A0];
	v30 =	vsel vm0, v41, v30  }
0x272: {  	v35 =	vld [tilespmem:$0x1FC40];
	vm14 =	vgt.f32 v43, v30  }
0x273: {  	v48 =	vld [tilespmem:$0x620];
	v30 =	vsel vm14, v43, v30  }
0x274: {  	v52 =	vld [tilespmem:$0x720];
	vm13 =	vgt.f32 v45, v30  }
0x275: {  	v49 =	vld [tilespmem:$0x660];
	v30 =	vsel vm13, v45, v30  }
0x276: {  	v54 =	vld [tilespmem:$0x760];
	vm12 =	vgt.f32 v47, v30  }
0x277: {  	v51 =	vld [tilespmem:$0x6E0];
	v30 =	vsel vm12, v47, v30  }
0x278: {  	v56 =	vld [tilespmem:$0x7E0];
	vm11 =	vgt.f32 v48, v30  }
0x279: {  	v58 =	vld [tilespmem:$0x1FC50];
	v30 =	vsel vm11, v48, v30  }
0x27a: {  	v55 =	vld [tilespmem:$0x7A0];
	vm10 =	vgt.f32 v49, v30  }
0x27b: {  	v60 =	vld [tilespmem:$0x860];
	v30 =	vsel vm10, v49, v30  }
0x27c: {  	v46 =	vimm.s32 $0x0;
	v57 =	vld [tilespmem:$0x820];
	vm9 =	vgt.f32 v50, v30  }
0x27d: {  	v53 =	vsel vm1, $0x3F800000, v7;
	v62 =	vld [tilespmem:$0x1FC80];
	[tilespmem:$0x1FD00] =	vst v34;
	v34 =	vsel vm0, $0xFFFFFFFF, v46;
	v30 =	vsel vm9, v50, v30  }
0x27e: {  	v59 =	vld [tilespmem:$0x1FC60];
	[tilespmem:$0x1FD10] =	vst v34;
	v34 =	vsel vm2, $0x40000000, v53;
	vm8 =	vgt.f32 v51, v30  }
0x27f: {  	v36 =	vld [tilespmem:$0x1FC90];
	v34 =	vsel vm3, $0x40400000, v34;
	v30 =	vsel vm8, v51, v30  }
0x280: {  	v61 =	vld [tilespmem:$0x1FC70];
	v34 =	vsel vm4, $0x40800000, v34;
	vm7 =	vgt.f32 v52, v30  }
0x281: {  	v38 =	vld [tilespmem:$0x8E0];
	v34 =	vsel vm5, $0x40A00000, v34;
	v30 =	vsel vm7, v52, v30  }
0x282: {  	v63 =	vld [tilespmem:$0x8A0];
	vm4 =	vnez.u8 v35;
	v34 =	vsel vm6, $0x40C00000, v34;
	vm6 =	vgt.f32 v54, v30  }
0x283: {  	v37 =	vld [tilespmem:$0x1FCA0];
	vm5 =	vnez.u8 v58;
	v34 =	vsel vm4, $0x40E00000, v34;
	v30 =	vsel vm6, v54, v30  }
0x284: {  	vm15 =	vnez.u8 v59;
	v39 =	vld [tilespmem:$0x1FCB0];
	v34 =	vsel vm5, $0x41000000, v34;
	vm5 =	vgt.f32 v55, v30  }
0x285: {  	v40 =	vld [tilespmem:$0x1FCC0];
	vm4 =	vnez.u8 v61;
	v34 =	vsel vm15, $0x41100000, v34;
	v30 =	vsel vm5, v55, v30  }
0x286: {  	v42 =	vld [tilespmem:$0x1FCD0];
	vm15 =	vnez.u8 v62;
	v34 =	vsel vm4, $0x41200000, v34;
	vm4 =	vgt.f32 v56, v30  }
0x287: {  	v43 =	vld [tilespmem:$0x1FCE0];
	v34 =	vsel vm15, $0x41300000, v34;
	vm15 =	vnez.u8 v36;
	v30 =	vsel vm4, v56, v30  }
0x288: {  	v45 =	vld [tilespmem:$0x1FCF0];
	v34 =	vsel vm15, $0x41400000, v34;
	vm15 =	vnez.u8 v37;
	vm3 =	vgt.f32 v57, v30  }
0x289: {  	v46 =	vld [tilespmem:$0x1FD00];
	v34 =	vsel vm15, $0x41500000, v34;
	vm15 =	vnez.u8 v39;
	v30 =	vsel vm3, v57, v30  }
0x28a: {  	v48 =	vld [tilespmem:$0x1FD10];
	v34 =	vsel vm15, $0x41600000, v34;
	vm15 =	vnez.u8 v40;
	vm2 =	vgt.f32 v60, v30  }
0x28b: {  	v41 =	vld [tilespmem:$0x920];
	v34 =	vsel vm15, $0x41700000, v34;
	vm15 =	vnez.u8 v42;
	v30 =	vsel vm2, v60, v30  }
0x28c: {  	v34 =	vsel vm15, $0x41800000, v34;
	vm15 =	vnez.u8 v43;
	vm1 =	vgt.f32 v63, v30  }
0x28d: {  	v44 =	vld [tilespmem:$0x960];
	v34 =	vsel vm15, $0x41880000, v34;
	vm15 =	vnez.u8 v45;
	v30 =	vsel vm1, v63, v30  }
0x28e: {  	v34 =	vsel vm15, $0x41900000, v34;
	vm15 =	vnez.u8 v46;
	vm0 =	vgt.f32 v38, v30  }
0x28f: {  	v47 =	vld [tilespmem:$0x9A0];
	v34 =	vsel vm15, $0x41980000, v34;
	vm15 =	vnez.u8 v48;
	v30 =	vsel vm0, v38, v30  }
0x290: {  	v34 =	vsel vm15, $0x41A00000, v34;
	vm15 =	vgt.f32 v41, v30  }
0x291: {  	v49 =	vld [tilespmem:$0x9E0];
	v34 =	vsel vm14, $0x41A80000, v34;
	v30 =	vsel vm15, v41, v30  }
0x292: {  	v34 =	vsel vm13, $0x41B00000, v34;
	vm13 =	vgt.f32 v44, v30  }
0x293: {  	v50 =	vld [tilespmem:$0xA20];
	v34 =	vsel vm12, $0x41B80000, v34;
	v30 =	vsel vm13, v44, v30  }
0x294: {  	v34 =	vsel vm11, $0x41C00000, v34;
	vm11 =	vgt.f32 v47, v30  }
0x295: {  	v51 =	vld [tilespmem:$0xA60];
	v34 =	vsel vm10, $0x41C80000, v34;
	v30 =	vsel vm11, v47, v30  }
0x296: {  	v34 =	vsel vm9, $0x41D00000, v34;
	vm9 =	vgt.f32 v49, v30  }
0x297: {  	v52 =	vld [tilespmem:$0xAA0];
	v34 =	vsel vm8, $0x41D80000, v34;
	v30 =	vsel vm9, v49, v30  }
0x298: {  	v34 =	vsel vm7, $0x41E00000, v34;
	vm10 =	vgt.f32 v50, v30  }
0x299: {  	v53 =	vld [tilespmem:$0xAE0];
	v34 =	vsel vm6, $0x41E80000, v34;
	v30 =	vsel vm10, v50, v30  }
0x29a: {  	v34 =	vsel vm5, $0x41F00000, v34;
	vm5 =	vgt.f32 v51, v30  }
0x29b: {  	v54 =	vld [tilespmem:$0xB20];
	v34 =	vsel vm4, $0x41F80000, v34;
	v30 =	vsel vm5, v51, v30  }
0x29c: {  	v34 =	vsel vm3, $0x42000000, v34;
	vm12 =	vgt.f32 v52, v30  }
0x29d: {  	v55 =	vld [tilespmem:$0xB60];
	v34 =	vsel vm2, $0x42040000, v34;
	v30 =	vsel vm12, v52, v30  }
0x29e: {  	v34 =	vsel vm1, $0x42080000, v34;
	vm14 =	vgt.f32 v53, v30  }
0x29f: {  	v56 =	vld [tilespmem:$0xBA0];
	v34 =	vsel vm0, $0x420C0000, v34;
	v30 =	vsel vm14, v53, v30  }
0x2a0: {  	v34 =	vsel vm15, $0x42100000, v34;
	vm15 =	vgt.f32 v54, v30  }
0x2a1: {  	v57 =	vld [tilespmem:$0xBE0];
	v34 =	vsel vm13, $0x42140000, v34;
	v30 =	vsel vm15, v54, v30  }
0x2a2: {  	v34 =	vsel vm11, $0x42180000, v34;
	vm8 =	vgt.f32 v55, v30  }
0x2a3: {  	v58 =	vld [tilespmem:$0xC20];
	v34 =	vsel vm9, $0x421C0000, v34;
	v30 =	vsel vm8, v55, v30  }
0x2a4: {  	v34 =	vsel vm10, $0x42200000, v34;
	vm10 =	vgt.f32 v56, v30  }
0x2a5: {  	v59 =	vld [tilespmem:$0xC60];
	v34 =	vsel vm5, $0x42240000, v34;
	v30 =	vsel vm10, v56, v30  }
0x2a6: {  	v34 =	vsel vm12, $0x42280000, v34;
	vm11 =	vgt.f32 v57, v30  }
0x2a7: {  	v60 =	vld [tilespmem:$0xCA0];
	v34 =	vsel vm14, $0x422C0000, v34;
	v30 =	vsel vm11, v57, v30  }
0x2a8: {  	v63 =	vld [tilespmem:$0x1FD20];
	v34 =	vsel vm15, $0x42300000, v34;
	vm12 =	vgt.f32 v58, v30  }
0x2a9: {  	v34 =	vsel vm8, $0x42340000, v34;
	v30 =	vsel vm12, v58, v30  }
0x2aa: {  	v61 =	vsel vm10, $0x42380000, v34;
	vm13 =	vgt.f32 v59, v30  }
0x2ab: {  	v33 =	vsel vm11, $0x423C0000, v61;
	v30 =	vsel vm13, v59, v30  }
0x2ac: {  	v62 =	vsel vm12, $0x42400000, v33;
	vm14 =	vgt.f32 v60, v30  }
0x2ad: {  	vm15 =	vnez.u8 v63;
	v31 =	vsel vm13, $0x42440000, v62;
	v30 =	vsel vm14, v60, v30  }
0x2ae: {  	v31 =	vsel vm14, $0x42480000, v31;
	v29 =	vsel vm15, v30, v29  }
0x2af: {  	v28 =	vsel vm15, v31, v28;
	[tilespmem:$0x4D20] =	vst v29  }
0x2b0: {  	[tilespmem:$0x4D60] =	vst v28  }
.LBB2_9:
0x2b1: {  	v28 =	vld [tilespmem:$0x4D20]  }
0x2b2: {  	v29 =	vld [tilespmem:$0x4DA0];
	_ =	sdelay $0x2  }
0x2b3: {  	vm0 =	veq.f32 v3, v22  }
0x2b4: {  	v28 =	vsel vm0, $0xBF800000, v28  }
0x2b5: {  	v62 =	vsel vm0, v21, v29;
	[tilespmem:$0x4D20] =	vst v28  }
0x2b6: {  	[tilespmem:$0x4DA0] =	vst v62  }
0x2b7: {  	v28 =	vld [tilespmem:s15+$0xCF0]  }
0x2b8: {  	v63 =	vld [tilespmem:s15+$0x19B0]  }
0x2b9: {  	v30 =	vld [tilespmem:s15+$0x2670]  }
0x2ba: {  	v31 =	vld [tilespmem:s15+$0x3330];
	_ =	sdelay $0x3  }
0x2bb: {  	v25 =	vmin.f32 v25, v30  }
0x2bc: {  	v23 =	vmax.f32 v23, v28;
	v26 =	vmin.f32 v26, v31;
	v24 =	vmax.f32 v24, v63  }
0x2bd: {  	v23 =	vsub.f32 v25, v23;
	v24 =	vsub.f32 v26, v24;
	_ =	sdelay $0x1  }
0x2be: {  	v23 =	vadd.f32 $1.000000000e+00, v23;
	v24 =	vadd.f32 $1.000000000e+00, v24;
	_ =	sdelay $0x1  }
0x2bf: {  	v25 =	vld [tilespmem:s15+$0x3FF0];
	v23 =	vmax.f32 v23, $0.0e+00;
	v24 =	vmax.f32 v24, $0.0e+00  }
0x2c0: {  	v23 =	vmul.f32 v24, v23;
	_ =	sdelay $0x1  }
0x2c1: {  	v24 =	vsub.f32 $0.0e+00, v23;
	_ =	sdelay $0x1  }
0x2c2: {  	v24 =	vadd.f32 v24, v25;
	_ =	sdelay $0x1  }
0x2c3: {  	v24 =	vadd.f32 v24, v27;
	_ =	sdelay $0x1  }
0x2c4: {  	(erf) = vrcp.f32 v24;
	_ =	sdelay $0x7  }
0x2c5: {  	v24 =	vld [tilespmem:s15+$0x30]  }
0x2c6: {  	v25 =	vpop (erf)  }
0x2c7: {  	v23 =	vmul.f32 v25, v23;
	_ =	sdelay $0x1  }
0x2c8: {  	vm14 =	vge.f32 v23, $5.000000000e-01  }
0x2c9: {  	v23 =	vsel vm14, $0x0, v24  }
0x2ca: {  	[tilespmem:s15+$0x30] =	vst v23  }
0x2cb: {  	v23 =	vld [tilespmem:$0x4D70]  }
0x2cc: {  	v24 =	vld [tilespmem:$0x4D30];
	_ =	sdelay $0x3  }
0x2cd: {  	vm3 =	vlt.f32 v4, v22  }
0x2ce: {  	vm4 =	vgt.f32 v4, v22;
	vm1 =	veq.f32 v23, v21;
	vm2 =	vgt.f32 v24, $-5.000000000e-01  }
0x2cf: {  	vm15 =	vmor vm4, vm3;
	vm1 =	vmand vm2, vm1  }
0x2d0: {  	vm1 =	vmand vm15, vm1  }
0x2d1: {  	v25 =	vimm.s32 $0x0;
	vm0 =	vmand vm1, vm14  }
0x2d2: {  	v25 =	vsel vm0, $0xFFFFFFFF, v25  }
0x2d3: {  	[tilespmem:$0x1FC30] =	vst v25;
	v25 =	vsel vm0, $0x3F800000, v7  }
0x2d4: {  	v26 =	vperm.xlane v25, v8;
	_ =	sdelay $0x1  }
0x2d5: {  	v25 =	vmax.f32 v25, v26  }
0x2d6: {  	v26 =	vperm.xlane v25, v5;
	_ =	sdelay $0x1  }
0x2d7: {  	v25 =	vmax.f32 v25, v26  }
0x2d8: {  	v26 =	vperm.xlane v25, v6;
	_ =	sdelay $0x1  }
0x2d9: {  	v25 =	vmax.f32 v25, v26  }
0x2da: {  	(v2sf) =	vpush v25, $0x0  }
0x2db: {  	(v2sf) =	vpush v25, $0x1;
	_ =	sdelay $0xd  }
0x2dc: {  	s31 =	spop (v2sf)  }
0x2dd: {  	s18 =	spop (v2sf)  }
0x2de: {  	s15 =	smax.f32 s31, s18  }
0x2df: {  	p0 =	sgt.f32 s15, $5.000000000e-01  }
.Ltmp6:
0x2e0: {  	_ = 	snop;
	(pc) =	sbr.rel @!p0 .LBB2_11-.Ltmp6, $1  }
0x2e1: {  	_ =	sdelay $0x3  }
0x2e2: {  	v25 =	vld [tilespmem:$0x30]  }
0x2e3: {  	v26 =	vld [tilespmem:$0x70];
	_ =	sdelay $0x1  }
0x2e4: {  	v27 =	vld [tilespmem:$0xB0];
	_ =	sdelay $0x1  }
0x2e5: {  	v28 =	vld [tilespmem:$0xF0]  }
0x2e6: {  	vm1 =	vgt.f32 v26, v25  }
0x2e7: {  	v50 =	vld [tilespmem:$0x130];
	v25 =	vsel vm1, v26, v25  }
0x2e8: {  	vm2 =	vgt.f32 v27, v25  }
0x2e9: {  	v51 =	vld [tilespmem:$0x170];
	v25 =	vsel vm2, v27, v25  }
0x2ea: {  	vm3 =	vgt.f32 v28, v25  }
0x2eb: {  	v52 =	vld [tilespmem:$0x1B0];
	v25 =	vsel vm3, v28, v25  }
0x2ec: {  	vm4 =	vgt.f32 v50, v25  }
0x2ed: {  	v53 =	vld [tilespmem:$0x1F0];
	v25 =	vsel vm4, v50, v25  }
0x2ee: {  	vm5 =	vgt.f32 v51, v25  }
0x2ef: {  	v54 =	vld [tilespmem:$0x230];
	v25 =	vsel vm5, v51, v25  }
0x2f0: {  	vm6 =	vgt.f32 v52, v25  }
0x2f1: {  	v55 =	vld [tilespmem:$0x270];
	v25 =	vsel vm6, v52, v25  }
0x2f2: {  	vm7 =	vgt.f32 v53, v25  }
0x2f3: {  	v29 =	vimm.s32 $0x0;
	v56 =	vld [tilespmem:$0x2B0];
	v25 =	vsel vm7, v53, v25  }
0x2f4: {  	v29 =	vsel vm7, $0xFFFFFFFF, v29;
	vm7 =	vgt.f32 v54, v25  }
0x2f5: {  	v57 =	vimm.s32 $0x0;
	v58 =	vld [tilespmem:$0x2F0];
	v25 =	vsel vm7, v54, v25  }
0x2f6: {  	[tilespmem:$0x1FB50] =	vst v29;
	v29 =	vsel vm7, $0xFFFFFFFF, v57;
	vm7 =	vgt.f32 v55, v25  }
0x2f7: {  	v59 =	vimm.s32 $0x0;
	v60 =	vld [tilespmem:$0x330];
	v25 =	vsel vm7, v55, v25  }
0x2f8: {  	[tilespmem:$0x1FB60] =	vst v29;
	v29 =	vsel vm7, $0xFFFFFFFF, v59;
	vm7 =	vgt.f32 v56, v25  }
0x2f9: {  	v61 =	vimm.s32 $0x0;
	v62 =	vld [tilespmem:$0x370];
	v25 =	vsel vm7, v56, v25  }
0x2fa: {  	[tilespmem:$0x1FB70] =	vst v29;
	v29 =	vsel vm7, $0xFFFFFFFF, v61;
	vm7 =	vgt.f32 v58, v25  }
0x2fb: {  	v63 =	vimm.s32 $0x0;
	v32 =	vld [tilespmem:$0x3B0];
	v25 =	vsel vm7, v58, v25  }
0x2fc: {  	[tilespmem:$0x1FB80] =	vst v29;
	v29 =	vsel vm7, $0xFFFFFFFF, v63;
	vm7 =	vgt.f32 v60, v25  }
0x2fd: {  	v33 =	vimm.s32 $0x0;
	v34 =	vld [tilespmem:$0x3F0];
	v25 =	vsel vm7, v60, v25  }
0x2fe: {  	[tilespmem:$0x1FB90] =	vst v29;
	v29 =	vsel vm7, $0xFFFFFFFF, v33;
	vm7 =	vgt.f32 v62, v25  }
0x2ff: {  	v35 =	vimm.s32 $0x0;
	v36 =	vld [tilespmem:$0x430];
	v25 =	vsel vm7, v62, v25  }
0x300: {  	[tilespmem:$0x1FBA0] =	vst v29;
	v29 =	vsel vm7, $0xFFFFFFFF, v35;
	vm7 =	vgt.f32 v32, v25  }
0x301: {  	v37 =	vimm.s32 $0x0;
	v38 =	vld [tilespmem:$0x470];
	v25 =	vsel vm7, v32, v25  }
0x302: {  	[tilespmem:$0x1FBB0] =	vst v29;
	v29 =	vsel vm7, $0xFFFFFFFF, v37;
	vm7 =	vgt.f32 v34, v25  }
0x303: {  	v39 =	vimm.s32 $0x0;
	v40 =	vld [tilespmem:$0x4B0];
	v25 =	vsel vm7, v34, v25  }
0x304: {  	[tilespmem:$0x1FBC0] =	vst v29;
	v29 =	vsel vm7, $0xFFFFFFFF, v39;
	vm7 =	vgt.f32 v36, v25  }
0x305: {  	v41 =	vimm.s32 $0x0;
	v42 =	vld [tilespmem:$0x4F0];
	v25 =	vsel vm7, v36, v25  }
0x306: {  	[tilespmem:$0x1FBD0] =	vst v29;
	v29 =	vsel vm7, $0xFFFFFFFF, v41;
	vm7 =	vgt.f32 v38, v25  }
0x307: {  	v44 =	vld [tilespmem:$0x530];
	v25 =	vsel vm7, v38, v25  }
0x308: {  	v43 =	vimm.s32 $0x0;
	vm0 =	vgt.f32 v40, v25  }
0x309: {  	v45 =	vimm.s32 $0x0;
	v46 =	vld [tilespmem:$0x570];
	[tilespmem:$0x1FBE0] =	vst v29;
	v29 =	vsel vm7, $0xFFFFFFFF, v43;
	v25 =	vsel vm0, v40, v25  }
0x30a: {  	[tilespmem:$0x1FBF0] =	vst v29;
	v29 =	vsel vm0, $0xFFFFFFFF, v45;
	vm0 =	vgt.f32 v42, v25  }
0x30b: {  	v47 =	vimm.s32 $0x0;
	v48 =	vld [tilespmem:$0x5B0];
	v25 =	vsel vm0, v42, v25  }
0x30c: {  	v50 =	vld [tilespmem:$0x5F0];
	[tilespmem:$0x1FC00] =	vst v29;
	v29 =	vsel vm0, $0xFFFFFFFF, v47;
	vm0 =	vgt.f32 v44, v25  }
0x30d: {  	v51 =	vld [tilespmem:$0x630];
	v25 =	vsel vm0, v44, v25  }
0x30e: {  	v52 =	vld [tilespmem:$0x670];
	vm14 =	vgt.f32 v46, v25  }
0x30f: {  	v53 =	vld [tilespmem:$0x6B0];
	v25 =	vsel vm14, v46, v25  }
0x310: {  	v54 =	vld [tilespmem:$0x6F0];
	vm13 =	vgt.f32 v48, v25  }
0x311: {  	v57 =	vld [tilespmem:$0x770];
	v25 =	vsel vm13, v48, v25  }
0x312: {  	v30 =	vld [tilespmem:$0x1FB50];
	vm12 =	vgt.f32 v50, v25  }
0x313: {  	v55 =	vld [tilespmem:$0x730];
	v25 =	vsel vm12, v50, v25  }
0x314: {  	v59 =	vld [tilespmem:$0x7F0];
	vm11 =	vgt.f32 v51, v25  }
0x315: {  	v61 =	vld [tilespmem:$0x1FB60];
	v25 =	vsel vm11, v51, v25  }
0x316: {  	v58 =	vld [tilespmem:$0x7B0];
	vm10 =	vgt.f32 v52, v25  }
0x317: {  	v63 =	vld [tilespmem:$0x870];
	v25 =	vsel vm10, v52, v25  }
0x318: {  	v49 =	vimm.s32 $0x0;
	v60 =	vld [tilespmem:$0x830];
	vm9 =	vgt.f32 v53, v25  }
0x319: {  	v56 =	vsel vm1, $0x3F800000, v7;
	v33 =	vld [tilespmem:$0x1FB80];
	[tilespmem:$0x1FC10] =	vst v29;
	v29 =	vsel vm0, $0xFFFFFFFF, v49;
	v25 =	vsel vm9, v53, v25  }
0x31a: {  	v62 =	vld [tilespmem:$0x1FB70];
	[tilespmem:$0x1FC20] =	vst v29;
	v29 =	vsel vm2, $0x40000000, v56;
	vm8 =	vgt.f32 v54, v25  }
0x31b: {  	v35 =	vld [tilespmem:$0x8B0];
	v29 =	vsel vm3, $0x40400000, v29;
	v25 =	vsel vm8, v54, v25  }
0x31c: {  	v37 =	vld [tilespmem:$0x1FBB0];
	v29 =	vsel vm4, $0x40800000, v29;
	vm7 =	vgt.f32 v55, v25  }
0x31d: {  	v34 =	vld [tilespmem:$0x1FB90];
	v29 =	vsel vm5, $0x40A00000, v29;
	v25 =	vsel vm7, v55, v25  }
0x31e: {  	v36 =	vld [tilespmem:$0x1FBA0];
	vm4 =	vnez.u8 v30;
	v29 =	vsel vm6, $0x40C00000, v29;
	vm6 =	vgt.f32 v57, v25  }
0x31f: {  	v39 =	vld [tilespmem:$0x1FBC0];
	vm5 =	vnez.u8 v61;
	v29 =	vsel vm4, $0x40E00000, v29;
	v25 =	vsel vm6, v57, v25  }
0x320: {  	vm15 =	vnez.u8 v62;
	v38 =	vld [tilespmem:$0x8F0];
	v29 =	vsel vm5, $0x41000000, v29;
	vm5 =	vgt.f32 v58, v25  }
0x321: {  	v40 =	vld [tilespmem:$0x1FBD0];
	vm4 =	vnez.u8 v33;
	v29 =	vsel vm15, $0x41100000, v29;
	v25 =	vsel vm5, v58, v25  }
0x322: {  	v42 =	vld [tilespmem:$0x1FBE0];
	vm15 =	vnez.u8 v34;
	v29 =	vsel vm4, $0x41200000, v29;
	vm4 =	vgt.f32 v59, v25  }
0x323: {  	v43 =	vld [tilespmem:$0x1FBF0];
	v29 =	vsel vm15, $0x41300000, v29;
	vm15 =	vnez.u8 v36;
	v25 =	vsel vm4, v59, v25  }
0x324: {  	v45 =	vld [tilespmem:$0x1FC00];
	v29 =	vsel vm15, $0x41400000, v29;
	vm15 =	vnez.u8 v37;
	vm3 =	vgt.f32 v60, v25  }
0x325: {  	v46 =	vld [tilespmem:$0x1FC10];
	v29 =	vsel vm15, $0x41500000, v29;
	vm15 =	vnez.u8 v39;
	v25 =	vsel vm3, v60, v25  }
0x326: {  	v48 =	vld [tilespmem:$0x1FC20];
	v29 =	vsel vm15, $0x41600000, v29;
	vm15 =	vnez.u8 v40;
	vm2 =	vgt.f32 v63, v25  }
0x327: {  	v41 =	vld [tilespmem:$0x930];
	v29 =	vsel vm15, $0x41700000, v29;
	vm15 =	vnez.u8 v42;
	v25 =	vsel vm2, v63, v25  }
0x328: {  	v29 =	vsel vm15, $0x41800000, v29;
	vm15 =	vnez.u8 v43;
	vm1 =	vgt.f32 v35, v25  }
0x329: {  	v44 =	vld [tilespmem:$0x970];
	v29 =	vsel vm15, $0x41880000, v29;
	vm15 =	vnez.u8 v45;
	v25 =	vsel vm1, v35, v25  }
0x32a: {  	v29 =	vsel vm15, $0x41900000, v29;
	vm15 =	vnez.u8 v46;
	vm0 =	vgt.f32 v38, v25  }
0x32b: {  	v47 =	vld [tilespmem:$0x9B0];
	v29 =	vsel vm15, $0x41980000, v29;
	vm15 =	vnez.u8 v48;
	v25 =	vsel vm0, v38, v25  }
0x32c: {  	v29 =	vsel vm15, $0x41A00000, v29;
	vm15 =	vgt.f32 v41, v25  }
0x32d: {  	v49 =	vld [tilespmem:$0x9F0];
	v29 =	vsel vm14, $0x41A80000, v29;
	v25 =	vsel vm15, v41, v25  }
0x32e: {  	v29 =	vsel vm13, $0x41B00000, v29;
	vm13 =	vgt.f32 v44, v25  }
0x32f: {  	v50 =	vld [tilespmem:$0xA30];
	v29 =	vsel vm12, $0x41B80000, v29;
	v25 =	vsel vm13, v44, v25  }
0x330: {  	v29 =	vsel vm11, $0x41C00000, v29;
	vm11 =	vgt.f32 v47, v25  }
0x331: {  	v51 =	vld [tilespmem:$0xA70];
	v29 =	vsel vm10, $0x41C80000, v29;
	v25 =	vsel vm11, v47, v25  }
0x332: {  	v29 =	vsel vm9, $0x41D00000, v29;
	vm9 =	vgt.f32 v49, v25  }
0x333: {  	v52 =	vld [tilespmem:$0xAB0];
	v29 =	vsel vm8, $0x41D80000, v29;
	v25 =	vsel vm9, v49, v25  }
0x334: {  	v29 =	vsel vm7, $0x41E00000, v29;
	vm10 =	vgt.f32 v50, v25  }
0x335: {  	v53 =	vld [tilespmem:$0xAF0];
	v29 =	vsel vm6, $0x41E80000, v29;
	v25 =	vsel vm10, v50, v25  }
0x336: {  	v29 =	vsel vm5, $0x41F00000, v29;
	vm5 =	vgt.f32 v51, v25  }
0x337: {  	v54 =	vld [tilespmem:$0xB30];
	v29 =	vsel vm4, $0x41F80000, v29;
	v25 =	vsel vm5, v51, v25  }
0x338: {  	v29 =	vsel vm3, $0x42000000, v29;
	vm12 =	vgt.f32 v52, v25  }
0x339: {  	v55 =	vld [tilespmem:$0xB70];
	v29 =	vsel vm2, $0x42040000, v29;
	v25 =	vsel vm12, v52, v25  }
0x33a: {  	v29 =	vsel vm1, $0x42080000, v29;
	vm14 =	vgt.f32 v53, v25  }
0x33b: {  	v56 =	vld [tilespmem:$0xBB0];
	v29 =	vsel vm0, $0x420C0000, v29;
	v25 =	vsel vm14, v53, v25  }
0x33c: {  	v29 =	vsel vm15, $0x42100000, v29;
	vm15 =	vgt.f32 v54, v25  }
0x33d: {  	v57 =	vld [tilespmem:$0xBF0];
	v29 =	vsel vm13, $0x42140000, v29;
	v25 =	vsel vm15, v54, v25  }
0x33e: {  	v29 =	vsel vm11, $0x42180000, v29;
	vm8 =	vgt.f32 v55, v25  }
0x33f: {  	v58 =	vld [tilespmem:$0xC30];
	v29 =	vsel vm9, $0x421C0000, v29;
	v25 =	vsel vm8, v55, v25  }
0x340: {  	v29 =	vsel vm10, $0x42200000, v29;
	vm10 =	vgt.f32 v56, v25  }
0x341: {  	v59 =	vld [tilespmem:$0xC70];
	v29 =	vsel vm5, $0x42240000, v29;
	v25 =	vsel vm10, v56, v25  }
0x342: {  	v29 =	vsel vm12, $0x42280000, v29;
	vm11 =	vgt.f32 v57, v25  }
0x343: {  	v60 =	vld [tilespmem:$0xCB0];
	v29 =	vsel vm14, $0x422C0000, v29;
	v25 =	vsel vm11, v57, v25  }
0x344: {  	v63 =	vld [tilespmem:$0x1FC30];
	v29 =	vsel vm15, $0x42300000, v29;
	vm12 =	vgt.f32 v58, v25  }
0x345: {  	v29 =	vsel vm8, $0x42340000, v29;
	v25 =	vsel vm12, v58, v25  }
0x346: {  	v61 =	vsel vm10, $0x42380000, v29;
	vm13 =	vgt.f32 v59, v25  }
0x347: {  	v28 =	vsel vm11, $0x423C0000, v61;
	v25 =	vsel vm13, v59, v25  }
.Ltmp7:
0x348: {  	v62 =	vsel vm12, $0x42400000, v28;
	vm14 =	vgt.f32 v60, v25;
	(pc) =	sbr.rel .LBB2_11-.Ltmp7, $4  }
0x349: {  	vm15 =	vnez.u8 v63;
	v26 =	vsel vm13, $0x42440000, v62;
	v25 =	vsel vm14, v60, v25  }
0x34a: {  	v26 =	vsel vm14, $0x42480000, v26;
	v24 =	vsel vm15, v25, v24  }
0x34b: {  	v23 =	vsel vm15, v26, v23;
	[tilespmem:$0x4D30] =	vst v24  }
0x34c: {  	[tilespmem:$0x4D70] =	vst v23  }
.LBB2_12:
0x34d: {  	v0 =	vld [tilespmem:$0x4D80]  }
0x34e: {  	v1 =	vld [tilespmem:$0x4D90]  }
0x34f: {  	v2 =	vld [tilespmem:$0x4DA0]  }
0x350: {  	v3 =	vld [tilespmem:$0x4DB0];
	_ =	sdelay $0x1  }
0x351: {  	v0 =	vtrunc.f32 v0  }
0x352: {  	v1 =	vtrunc.f32 v1;
	v0 =	vcvt.f32.s32 v0  }
0x353: {  	v2 =	vtrunc.f32 v2;
	v1 =	vcvt.f32.s32 v1  }
0x354: {  	v62 =	vtrunc.f32 v3;
	v61 =	vcvt.f32.s32 v2;
	[tilespmem:$0x4DC0] =	vst v0  }
0x355: {  	v63 =	vcvt.f32.s32 v62;
	[tilespmem:$0x4DD0] =	vst v1  }
0x356: {  	s1 =	sadd.s32 s4, s8;
	[tilespmem:$0x4DE0] =	vst v61  }
0x357: {  	s2 =	simm.s32 $0x0;
	s30 =	simm.s32 $0x4DC0;
	s31 =	simm.s32 $0x1;
	[tilespmem:$0x4DF0] =	vst v63  }
0x358: {  	[hbm4b:s1+s2] =	stream.linear.scatter [tilespmem:s30], [sflag:$0x1], $0x40, $0x38;
	[tilespmem:$0x4EB0] =	vst v63  }
0x359: {  	_ =	swait.ge [sflag:s31], $0x40  }
0x35a: {  	[sflag:s31] =	ssyncset.done $0x0  }
0x35b: {  	[sflag:s31] =	ssyncadd.s32 $0xFFFFFFC0  }
0x35c: {  	_ =	sfence.sel $0x180000  }
0x35d: {  	[bflag:$0x0] =	sbarrier.arrive $0xFFFF  }
0x35e: {  	p0 =	sne.s32 s0, $0x0;
	_ =	strace $0x90000047  }
0x35f: {  	s0 =	sadd.s32 @!p0 $0x100000, s3;
	[bflag:$0x2] =	sbarrier.arrive $0xFFFF  }
0x360: {  	[sflag:s0] =	ssyncadd.tile.s32 @!p0 $0x1;
	_ =	shalt  }
.Lfunc_end2:
_tile_overlayer_lowered:
.L_overlay_start_2:
0x361: {  	(tag) =	ssettag $0x2  }
0x362: {  	s0 =	rddreg [dreg:$0x0];
	s2 =	stileid.u32  }
0x363: {  	s1 =	rddreg [dreg:$0x1];
	p0 =	sne.s32 s2, $0x0  }
0x364: {  	s3 =	rddreg [dreg:$0x2];
	[bflag:$0x3] =	sbarrier.arrive $0xFFFF;
	s2 =	simm.s32 @!p0 $0x1C01  }
0x365: {  	[timem:s3], [sflag:s2] =	dma.local @!p0 [hbm:s0], s1  }
0x366: {  	s0 =	simm.s32 @!p0 $0x1  }
0x367: {  	_ =	swait.ge @!p0 [sflag:s0], s1  }
0x368: {  	s1 =	ssub.s32 @!p0 $0x0, s1;
	[sflag:s0] =	ssyncset.done @!p0 $0x0  }
0x369: {  	[sflag:s0] =	ssyncadd.s32 @!p0 s1  }
0x36a: {  	[bflag:$0x3] =	sbarrier.arrive $0xFFFF  }
0x36b: {  	_ =	shalt  }

</sc_bundles>
